<compile_context>
chip_gen: v7x
topology: tpu7x:2x2x1
jax: 0.10.2.dev20260603
libtpu: 0.0.44.dev20260713+nightly
codegen_flags: <defaults>
</compile_context>

<pallas_src>
import functools

import jax
import jax.numpy as jnp
from jax import lax
from jax.experimental import pallas as pl
from jax.experimental.pallas import tpu as pltpu
from jax.experimental.pallas import tpu_sc as plsc

N = 10000
NP = 10240
E = 160000
CHUNK = 128
EP = 163840
NCHUNK = EP // CHUNK
NC, NS = 2, 16
RPT = NP // NS
DEGW = 128

_f32 = jnp.float32
_i32 = jnp.int32

_MESH = plsc.VectorSubcoreMesh(core_axis_name="c", subcore_axis_name="s")



@functools.partial(
    pl.kernel,
    out_type=jax.ShapeDtypeStruct((NC * NP, DEGW), _f32),
    mesh=_MESH,
    scratch_types=[
        pltpu.VMEM((NCHUNK // (NC * NS), CHUNK), _i32),
        pltpu.VMEM((CHUNK, DEGW), _f32),
        pltpu.VMEM((CHUNK, DEGW), _f32),
        pltpu.VMEM_SHARED((NP, DEGW), _f32),
        pltpu.SemaphoreType.DMA,
    ],
)
def _deg_kernel(dst_hbm, deg2_hbm, dstv, onesv, zerov, table, sem):
    c = lax.axis_index("c")
    s = lax.axis_index("s")
    w = s * NC + c
    npc = NCHUNK // (NC * NS)
    grp = 20
    pltpu.sync_copy(dst_hbm.at[pl.ds(w * npc, npc)], dstv)

    one16 = jnp.ones((16,), _f32)
    zero16 = jnp.zeros((16,), _f32)

    def fill(r, carry):
        for k in range(DEGW // 16):
            onesv[r, pl.ds(k * 16, 16)] = one16
            zerov[r, pl.ds(k * 16, 16)] = zero16
        return carry

    lax.fori_loop(0, CHUNK, fill, 0)
    for j in range(RPT // CHUNK):
        pltpu.sync_copy(zerov, table.at[pl.ds(s * RPT + j * CHUNK, CHUNK)])
    plsc.subcore_barrier()

    def body(j, carry):
        for b in range(grp):
            pltpu.async_copy(onesv, table.at[dstv.at[j * grp + b]], sem, add=True)
        for b in range(grp):
            pltpu.make_async_copy(onesv, table.at[dstv.at[j * grp + b]], sem).wait()
        return carry

    lax.fori_loop(0, npc // grp, body, 0)
    plsc.subcore_barrier()
    pltpu.sync_copy(table.at[pl.ds(s * RPT, RPT)],
                    deg2_hbm.at[pl.ds(c * NP + s * RPT, RPT)])



@functools.partial(
    pl.kernel,
    out_type=jax.ShapeDtypeStruct((NC * NP, 128), _f32),
    mesh=_MESH,
    scratch_types=[
        pltpu.VMEM((NCHUNK // NS // 2, CHUNK), _i32),
        pltpu.VMEM((NCHUNK // NS // 2, CHUNK), _i32),
        pltpu.VMEM((CHUNK, 128), _f32),
        pltpu.VMEM((CHUNK, 128), _f32),
        pltpu.VMEM_SHARED((NP, 128), _f32),
        pltpu.SemaphoreType.DMA,
        pltpu.SemaphoreType.DMA,
        pltpu.SemaphoreType.DMA,
        pltpu.SemaphoreType.DMA,
    ],
)
def _prop_kernel(g2_hbm, src_hbm, dst_hbm, acc2_hbm,
                 srcv, dstv, rows0, rows1, acc, semg0, semg1, sems0, sems1):
    c = lax.axis_index("c")
    s = lax.axis_index("s")
    npt = NCHUNK // NS
    nb = npt // 2
    g_half = g2_hbm.at[pl.ds(c * NP, NP)]

    zero16 = jnp.zeros((16,), _f32)

    def zfill(r, carry):
        for k in range(8):
            rows0[r, pl.ds(k * 16, 16)] = zero16
        return carry

    lax.fori_loop(0, CHUNK, zfill, 0)
    for j in range(RPT // CHUNK):
        pltpu.sync_copy(rows0, acc.at[pl.ds(s * RPT + j * CHUNK, CHUNK)])
    plsc.subcore_barrier()

    def gath(k, rows_x, semg_x):
        pltpu.async_copy(g_half.at[srcv.at[k]], rows_x, semg_x)

    def gath_wait(k, rows_x, semg_x):
        pltpu.make_async_copy(g_half.at[srcv.at[k]], rows_x, semg_x).wait()

    def scat(k, rows_x, sems_x):
        pltpu.async_copy(rows_x, acc.at[dstv.at[k]], sems_x, add=True)

    def scat_wait(k, rows_x, sems_x):
        pltpu.make_async_copy(rows_x, acc.at[dstv.at[k]], sems_x).wait()

    def step(k, rows_a, semg_a, sems_a, rows_b, semg_b, sems_b):
        @pl.when(k > 0)
        def _():
            scat_wait(k - 1, rows_b, sems_b)
        @pl.when(k + 1 < nb)
        def _():
            gath(k + 1, rows_b, semg_b)
        gath_wait(k, rows_a, semg_a)
        scat(k, rows_a, sems_a)

    def body(j, carry):
        step(2 * j, rows0, semg0, sems0, rows1, semg1, sems1)
        step(2 * j + 1, rows1, semg1, sems1, rows0, semg0, sems0)
        return carry

    for m in range(2):
        pltpu.sync_copy(src_hbm.at[pl.ds(s * npt + m * nb, nb)], srcv)
        pltpu.sync_copy(dst_hbm.at[pl.ds(s * npt + m * nb, nb)], dstv)
        gath(0, rows0, semg0)
        lax.fori_loop(0, nb // 2, body, 0)
        scat_wait(nb - 1, rows1, sems1)

    plsc.subcore_barrier()
    pltpu.sync_copy(acc.at[pl.ds(s * RPT, RPT)],
                    acc2_hbm.at[pl.ds(c * NP + s * RPT, RPT)])



@functools.partial(
    pl.kernel,
    out_type=jax.ShapeDtypeStruct((NC * NP, 128), _f32),
    mesh=_MESH,
    scratch_types=[
        pltpu.VMEM((NCHUNK // (NC * NS), CHUNK), _i32),
        pltpu.VMEM((NCHUNK // (NC * NS), CHUNK), _i32),
        pltpu.VMEM((CHUNK, 128), _f32),
        pltpu.VMEM((CHUNK, 128), _f32),
        pltpu.VMEM_SHARED((NP, 128), _f32),
        pltpu.SemaphoreType.DMA,
        pltpu.SemaphoreType.DMA,
        pltpu.SemaphoreType.DMA,
        pltpu.SemaphoreType.DMA,
    ],
)
def _prop3_kernel(g_hbm, src_hbm, dst_hbm, acc2_hbm,
                  srcv, dstv, rows0, rows1, acc, semg0, semg1, sems0, sems1):
    c = lax.axis_index("c")
    s = lax.axis_index("s")
    npc = NCHUNK // (NC * NS)
    base = c * (NCHUNK // NC) + s * npc
    pltpu.sync_copy(src_hbm.at[pl.ds(base, npc)], srcv)
    pltpu.sync_copy(dst_hbm.at[pl.ds(base, npc)], dstv)
    zero16 = jnp.zeros((16,), _f32)

    def zfill(r, carry):
        for k in range(8):
            rows0[r, pl.ds(k * 16, 16)] = zero16
        return carry

    lax.fori_loop(0, CHUNK, zfill, 0)
    for j in range(RPT // CHUNK):
        pltpu.sync_copy(rows0, acc.at[pl.ds(s * RPT + j * CHUNK, CHUNK)])
    plsc.subcore_barrier()

    def gath(k, rows_x, semg_x):
        pltpu.async_copy(g_hbm.at[srcv.at[k]], rows_x, semg_x)

    def gath_wait(k, rows_x, semg_x):
        pltpu.make_async_copy(g_hbm.at[srcv.at[k]], rows_x, semg_x).wait()

    def scat(k, rows_x, sems_x):
        pltpu.async_copy(rows_x, acc.at[dstv.at[k]], sems_x, add=True)

    def scat_wait(k, rows_x, sems_x):
        pltpu.make_async_copy(rows_x, acc.at[dstv.at[k]], sems_x).wait()

    def step(k, rows_a, semg_a, sems_a, rows_b, semg_b, sems_b):
        @pl.when(k > 0)
        def _():
            scat_wait(k - 1, rows_b, sems_b)
        @pl.when(k + 1 < npc)
        def _():
            gath(k + 1, rows_b, semg_b)
        gath_wait(k, rows_a, semg_a)
        scat(k, rows_a, sems_a)

    def body(j, carry):
        step(2 * j, rows0, semg0, sems0, rows1, semg1, sems1)
        step(2 * j + 1, rows1, semg1, sems1, rows0, semg0, sems0)
        return carry

    gath(0, rows0, semg0)
    lax.fori_loop(0, npc // 2, body, 0)
    scat_wait(npc - 1, rows1, sems1)
    plsc.subcore_barrier()
    pltpu.sync_copy(acc.at[pl.ds(s * RPT, RPT)],
                    acc2_hbm.at[pl.ds(c * NP + s * RPT, RPT)])



_BLK = 5120
_GRID = NP // _BLK

_PREC = lax.Precision.DEFAULT


def _dot(a, b):
    return lax.dot_general(a, b, (((1,), (0,)), ((), ())),
                           preferred_element_type=_f32, precision=_PREC)


def _t0_body(x_ref, w1_ref, dega_ref, degb_ref, disb_ref, g_ref):
    deg = dega_ref[:, 0:1] + degb_ref[:, 0:1] + 1.0
    dis = lax.rsqrt(deg)
    disb_ref[...] = jnp.broadcast_to(dis, (_BLK, 128))
    u = (x_ref[...] * dis).astype(jnp.bfloat16)
    g = _dot(u, w1_ref[...])
    g_ref[0] = g[:, :128]
    g_ref[1] = g[:, 128:]


def _t1_body(acc_ref, gin_ref, disb_ref, b_ref, w_ref, g_ref):
    d = disb_ref[...]
    b = b_ref[...]
    zl = jnp.maximum(d * (acc_ref[0] + gin_ref[0]) + b[:, :128], 0.0)
    zr = jnp.maximum(d * (acc_ref[1] + gin_ref[1]) + b[:, 128:], 0.0)
    u = jnp.concatenate([d * zl, d * zr], axis=1).astype(jnp.bfloat16)
    g = _dot(u, w_ref[...])
    g_ref[0] = g[:, :128]
    g_ref[1] = g[:, 128:]


def _t2_body(acc_ref, gin_ref, disb_ref, b_ref, w_ref, g3_ref):
    d = disb_ref[...]
    b = b_ref[...]
    zl = jnp.maximum(d * (acc_ref[0] + gin_ref[0]) + b[:, :128], 0.0)
    zr = jnp.maximum(d * (acc_ref[1] + gin_ref[1]) + b[:, 128:], 0.0)
    u = jnp.concatenate([d * zl, d * zr], axis=1).astype(jnp.bfloat16)
    g3_ref[...] = _dot(u, w_ref[...])


def _t3_body(acc_ref, g3_ref, disb_ref, b_ref, out_ref):
    out_ref[...] = (disb_ref[...] * (acc_ref[0] + acc_ref[1] + g3_ref[...])
                    + b_ref[...])


def _row_spec(width):
    return pl.BlockSpec((_BLK, width), lambda i: (i, 0))


def _halves_spec():
    return pl.BlockSpec((2, _BLK, 128), lambda i: (0, i, 0))


def _full_spec(shape):
    return pl.BlockSpec(shape, lambda i: (0,) * len(shape))


def _t0_call(x, W1, deg2):
    return pl.pallas_call(
        _t0_body,
        grid=(_GRID,),
        in_specs=[_row_spec(256), _full_spec((256, 256)),
                  pl.BlockSpec((_BLK, DEGW), lambda i: (i, 0)),
                  pl.BlockSpec((_BLK, DEGW), lambda i: (i + NP // _BLK, 0))],
        out_specs=[_row_spec(128), _halves_spec()],
        out_shape=[jax.ShapeDtypeStruct((NP, 128), _f32),
                   jax.ShapeDtypeStruct((2, NP, 128), _f32)],
    )(x, W1, deg2, deg2)


def _t1_call(acc2, gin, disb, b, W):
    return pl.pallas_call(
        _t1_body,
        grid=(_GRID,),
        in_specs=[_halves_spec(), _halves_spec(), _row_spec(128),
                  _full_spec((1, 256)), _full_spec((256, 256))],
        out_specs=[_halves_spec()],
        out_shape=[jax.ShapeDtypeStruct((2, NP, 128), _f32)],
    )(acc2, gin, disb, b, W)[0]


def _t2_call(acc2, gin, disb, b, W):
    return pl.pallas_call(
        _t2_body,
        grid=(_GRID,),
        in_specs=[_halves_spec(), _halves_spec(), _row_spec(128),
                  _full_spec((1, 256)), _full_spec((256, 128))],
        out_specs=[_row_spec(128)],
        out_shape=[jax.ShapeDtypeStruct((NP, 128), _f32)],
    )(acc2, gin, disb, b, W)[0]


def _t3_call(acc2, g3, disb, b):
    return pl.pallas_call(
        _t3_body,
        grid=(_GRID,),
        in_specs=[_halves_spec(), _row_spec(128), _row_spec(128),
                  _full_spec((1, 128))],
        out_specs=[_row_spec(128)],
        out_shape=[jax.ShapeDtypeStruct((N, 128), _f32)],
    )(acc2, g3, disb, b)[0]



def kernel(x, edge_index, W1, b1, W2, b2, W3, b3):
    src = edge_index[0].astype(_i32)
    dst = edge_index[1].astype(_i32)
    pad = EP - E
    api = jnp.arange(pad, dtype=_i32)
    src_p = jnp.concatenate([src, api % N])
    dst_p = jnp.concatenate([dst, N + api % (NP - N)])
    src2 = src_p.reshape(NCHUNK, CHUNK)
    dst2 = dst_p.reshape(NCHUNK, CHUNK)

    deg2 = _deg_kernel(dst2)

    disb, g1 = _t0_call(x, W1.astype(jnp.bfloat16), deg2)
    a1 = _prop_kernel(g1.reshape(2 * NP, 128), src2, dst2)
    g2 = _t1_call(a1.reshape(2, NP, 128), g1, disb, b1.reshape(1, 256), W2.astype(jnp.bfloat16))
    a2 = _prop_kernel(g2.reshape(2 * NP, 128), src2, dst2)
    g3 = _t2_call(a2.reshape(2, NP, 128), g2, disb, b2.reshape(1, 256), W3.astype(jnp.bfloat16))
    a3 = _prop3_kernel(g3, src2, dst2)
    return _t3_call(a3.reshape(2, NP, 128), g3, disb, b3.reshape(1, 128))

# --- scband reference (transcript-rebuilt; emitter-appended) ---
"""Pipeline reference for scband-gcn-54065048322051 (READ-ONLY COPY).

The authoritative reference and input builder live on the scoring server;
editing this copy changes nothing except your own understanding.
"""

import jax, jax.numpy as jnp
import numpy as np

N = 10000
E = 160000
D_IN = 256
D1 = 256
D2 = 256
D3 = 128


def gcn_conv(x, edge_index, W, b):
    # Faithful GCNConv: x' = D^{-1/2} (A + I) D^{-1/2} X W + b
    n = x.shape[0]
    loop = jnp.arange(n, dtype=edge_index.dtype)
    src = jnp.concatenate([edge_index[0], loop])
    dst = jnp.concatenate([edge_index[1], loop])
    ones = jnp.ones(src.shape[0], dtype=x.dtype)
    deg = jnp.zeros((n,), dtype=x.dtype).at[dst].add(ones)
    deg_inv_sqrt = jnp.where(deg > 0, deg ** -0.5, 0.0)
    norm = deg_inv_sqrt[src] * deg_inv_sqrt[dst]
    h = x @ W
    msgs = h[src] * norm[:, None]
    out = jnp.zeros((n, W.shape[1]), dtype=x.dtype).at[dst].add(msgs)
    return out + b


def setup_inputs(seed: int = 0):
    key = jax.random.key(seed)
    ks = jax.random.split(key, 8)
    x = jax.random.normal(ks[0], (N, D_IN), dtype=jnp.float32)
    edge_index = jax.random.randint(ks[1], (2, E), 0, N, dtype=jnp.int64)
    W1 = jax.random.normal(ks[2], (D_IN, D1), dtype=jnp.float32) * (1.0 / np.sqrt(D_IN))
    b1 = jnp.zeros((D1,), dtype=jnp.float32)
    W2 = jax.random.normal(ks[3], (D1, D2), dtype=jnp.float32) * (1.0 / np.sqrt(D1))
    b2 = jnp.zeros((D2,), dtype=jnp.float32)
    W3 = jax.random.normal(ks[4], (D2, D3), dtype=jnp.float32) * (1.0 / np.sqrt(D2))
    b3 = jnp.zeros((D3,), dtype=jnp.float32)
    return {"x": x, "edge_index": edge_index, "W1": W1, "b1": b1, "W2": W2, "b2": b2, "W3": W3, "b3": b3}


def reference(x, edge_index, W1, b1, W2, b2, W3, b3):
    h = jax.nn.relu(gcn_conv(x, edge_index, W1, b1))
    h = jax.nn.relu(gcn_conv(h, edge_index, W2, b2))
    out = gcn_conv(h, edge_index, W3, b3)
    return out

if __name__ == "__main__":
    import jax
    _d = setup_inputs()
    print(jax.jit(kernel)(*tuple(_d.values())))

</pallas_src>

<mosaic_0001>
#map = affine_map<(d0, d1) -> (0, 0)>
module attributes {stable_mosaic.version = 14 : i64} {
  func.func @_deg_kernel(%arg0: i32, %arg1: i32, %arg2: memref<1280x128xi32, #tpu.memory_space<hbm>>, %arg3: memref<20480x128xf32, #tpu.memory_space<hbm>>, %arg4: memref<40x128xi32, #tpu.memory_space<vmem>>, %arg5: memref<128x128xf32, #tpu.memory_space<vmem>>, %arg6: memref<128x128xf32, #tpu.memory_space<vmem>>, %arg7: memref<10240x128xf32, #tpu.memory_space<vmem_shared>>, %arg8: memref<!tpu.dma_semaphore, #tpu.memory_space<semaphore_mem>>) attributes {dimension_semantics = [#tpu.dimension_semantics<core_parallel>, #tpu.dimension_semantics<subcore_parallel>], iteration_bounds = array<i64: 2, 16>, scalar_prefetch = 0 : i64, scratch_operands = 5 : i64, tpu.core_type = #tpu.core_type<sc_vector_subcore>, window_params = [{transform_indices = #map}, {transform_indices = #map}]} {
    %mul3A = arith.constant 2 : i32
    %mul3A_0 = arith.muli %arg1, %mul3A : i32
    %add3A = arith.addi %mul3A_0, %arg0 : i32
    %mul3A_1 = arith.constant 40 : i32
    %mul3A_2 = arith.muli %add3A, %mul3A_1 : i32
    "tpu.region"() ({
      %run_scoped3A = tpu.sem_alloc : memref<!tpu.dma_semaphore, #tpu.memory_space<semaphore_mem>>
      %dma_start3A = arith.constant 0 : i32
      %dma_start3A_45 = tpu.memref_slice %arg2[%mul3A_2, %dma_start3A] : memref<1280x128xi32, #tpu.memory_space<hbm>> -> memref<40x128xi32, #tpu.memory_space<hbm>>
      %dma_start3A_46 = arith.constant 0 : i32
      %dma_start3A_47 = tpu.memref_slice %arg2[%mul3A_2, %dma_start3A_46] : memref<1280x128xi32, #tpu.memory_space<hbm>> -> memref<40x128xi32, #tpu.memory_space<hbm>>
      tpu.enqueue_dma source(%dma_start3A_47 : memref<40x128xi32, #tpu.memory_space<hbm>>) target(%arg4 : memref<40x128xi32, #tpu.memory_space<vmem>>) target_semaphore(%run_scoped3A : memref<!tpu.dma_semaphore, #tpu.memory_space<semaphore_mem>>)
      %dma_wait3A = arith.constant 0 : i32
      %dma_wait3A_48 = tpu.memref_slice %arg2[%mul3A_2, %dma_wait3A] : memref<1280x128xi32, #tpu.memory_space<hbm>> -> memref<40x128xi32, #tpu.memory_space<hbm>>
      %dma_wait3A_49 = arith.constant 0 : i32
      %dma_wait3A_50 = tpu.memref_slice %arg2[%mul3A_2, %dma_wait3A_49] : memref<1280x128xi32, #tpu.memory_space<hbm>> -> memref<40x128xi32, #tpu.memory_space<hbm>>
      tpu.wait_dma2 semaphore(%run_scoped3A : memref<!tpu.dma_semaphore, #tpu.memory_space<semaphore_mem>>) src(%dma_wait3A_50 : memref<40x128xi32, #tpu.memory_space<hbm>>) dst(%arg4 : memref<40x128xi32, #tpu.memory_space<vmem>>)
      tpu.yield
    }) : () -> ()
    %broadcast_in_dim3A = arith.constant 1.000000e+00 : f32
    %broadcast_in_dim3A_3 = vector.broadcast %broadcast_in_dim3A : f32 to vector<16xf32>
    %broadcast_in_dim3A_4 = arith.constant 0.000000e+00 : f32
    %broadcast_in_dim3A_5 = vector.broadcast %broadcast_in_dim3A_4 : f32 to vector<16xf32>
    %scan3A = arith.constant 0 : i32
    %scan3A_6 = arith.constant 0 : i32
    %scan3A_7 = arith.constant 128 : i32
    %scan3A_8 = arith.addi %scan3A_6, %scan3A_7 : i32
    %scan3A_9 = arith.constant 1 : i32
    scf.for %scan3A_45 = %scan3A_6 to %scan3A_8 step %scan3A_9  : i32 {
      %swap3A = arith.index_cast %scan3A_45 : i32 to index
      %swap3A_46 = arith.constant 0 : index
      %swap3A_47 = tpu.vector_load %arg5[%swap3A, %swap3A_46] {strides = array<i32>} : memref<128x128xf32, #tpu.memory_space<vmem>>, vector<1x16xf32>,
      %swap3A_48 = vector.shape_cast %swap3A_47 : vector<1x16xf32> to vector<16xf32>
      %swap3A_49 = vector.shape_cast %broadcast_in_dim3A_3 : vector<16xf32> to vector<1x16xf32>
      tpu.vector_store %arg5[%swap3A, %swap3A_46], %swap3A_49 {strides = array<i32>} : memref<128x128xf32, #tpu.memory_space<vmem>>, vector<1x16xf32>,
      %swap3A_50 = arith.index_cast %scan3A_45 : i32 to index
      %swap3A_51 = arith.constant 0 : index
      %swap3A_52 = tpu.vector_load %arg6[%swap3A_50, %swap3A_51] {strides = array<i32>} : memref<128x128xf32, #tpu.memory_space<vmem>>, vector<1x16xf32>,
      %swap3A_53 = vector.shape_cast %swap3A_52 : vector<1x16xf32> to vector<16xf32>
      %swap3A_54 = vector.shape_cast %broadcast_in_dim3A_5 : vector<16xf32> to vector<1x16xf32>
      tpu.vector_store %arg6[%swap3A_50, %swap3A_51], %swap3A_54 {strides = array<i32>} : memref<128x128xf32, #tpu.memory_space<vmem>>, vector<1x16xf32>,
      %swap3A_55 = arith.index_cast %scan3A_45 : i32 to index
      %swap3A_56 = arith.constant 16 : index
      %swap3A_57 = tpu.vector_load %arg5[%swap3A_55, %swap3A_56] {strides = array<i32>} : memref<128x128xf32, #tpu.memory_space<vmem>>, vector<1x16xf32>,
      %swap3A_58 = vector.shape_cast %swap3A_57 : vector<1x16xf32> to vector<16xf32>
      %swap3A_59 = vector.shape_cast %broadcast_in_dim3A_3 : vector<16xf32> to vector<1x16xf32>
      tpu.vector_store %arg5[%swap3A_55, %swap3A_56], %swap3A_59 {strides = array<i32>} : memref<128x128xf32, #tpu.memory_space<vmem>>, vector<1x16xf32>,
      %swap3A_60 = arith.index_cast %scan3A_45 : i32 to index
      %swap3A_61 = arith.constant 16 : index
      %swap3A_62 = tpu.vector_load %arg6[%swap3A_60, %swap3A_61] {strides = array<i32>} : memref<128x128xf32, #tpu.memory_space<vmem>>, vector<1x16xf32>,
      %swap3A_63 = vector.shape_cast %swap3A_62 : vector<1x16xf32> to vector<16xf32>
      %swap3A_64 = vector.shape_cast %broadcast_in_dim3A_5 : vector<16xf32> to vector<1x16xf32>
      tpu.vector_store %arg6[%swap3A_60, %swap3A_61], %swap3A_64 {strides = array<i32>} : memref<128x128xf32, #tpu.memory_space<vmem>>, vector<1x16xf32>,
      %swap3A_65 = arith.index_cast %scan3A_45 : i32 to index
      %swap3A_66 = arith.constant 32 : index
      %swap3A_67 = tpu.vector_load %arg5[%swap3A_65, %swap3A_66] {strides = array<i32>} : memref<128x128xf32, #tpu.memory_space<vmem>>, vector<1x16xf32>,
      %swap3A_68 = vector.shape_cast %swap3A_67 : vector<1x16xf32> to vector<16xf32>
      %swap3A_69 = vector.shape_cast %broadcast_in_dim3A_3 : vector<16xf32> to vector<1x16xf32>
      tpu.vector_store %arg5[%swap3A_65, %swap3A_66], %swap3A_69 {strides = array<i32>} : memref<128x128xf32, #tpu.memory_space<vmem>>, vector<1x16xf32>,
      %swap3A_70 = arith.index_cast %scan3A_45 : i32 to index
      %swap3A_71 = arith.constant 32 : index
      %swap3A_72 = tpu.vector_load %arg6[%swap3A_70, %swap3A_71] {strides = array<i32>} : memref<128x128xf32, #tpu.memory_space<vmem>>, vector<1x16xf32>,
      %swap3A_73 = vector.shape_cast %swap3A_72 : vector<1x16xf32> to vector<16xf32>
      %swap3A_74 = vector.shape_cast %broadcast_in_dim3A_5 : vector<16xf32> to vector<1x16xf32>
      tpu.vector_store %arg6[%swap3A_70, %swap3A_71], %swap3A_74 {strides = array<i32>} : memref<128x128xf32, #tpu.memory_space<vmem>>, vector<1x16xf32>,
      %swap3A_75 = arith.index_cast %scan3A_45 : i32 to index
      %swap3A_76 = arith.constant 48 : index
      %swap3A_77 = tpu.vector_load %arg5[%swap3A_75, %swap3A_76] {strides = array<i32>} : memref<128x128xf32, #tpu.memory_space<vmem>>, vector<1x16xf32>,
      %swap3A_78 = vector.shape_cast %swap3A_77 : vector<1x16xf32> to vector<16xf32>
      %swap3A_79 = vector.shape_cast %broadcast_in_dim3A_3 : vector<16xf32> to vector<1x16xf32>
      tpu.vector_store %arg5[%swap3A_75, %swap3A_76], %swap3A_79 {strides = array<i32>} : memref<128x128xf32, #tpu.memory_space<vmem>>, vector<1x16xf32>,
      %swap3A_80 = arith.index_cast %scan3A_45 : i32 to index
      %swap3A_81 = arith.constant 48 : index
      %swap3A_82 = tpu.vector_load %arg6[%swap3A_80, %swap3A_81] {strides = array<i32>} : memref<128x128xf32, #tpu.memory_space<vmem>>, vector<1x16xf32>,
      %swap3A_83 = vector.shape_cast %swap3A_82 : vector<1x16xf32> to vector<16xf32>
      %swap3A_84 = vector.shape_cast %broadcast_in_dim3A_5 : vector<16xf32> to vector<1x16xf32>
      tpu.vector_store %arg6[%swap3A_80, %swap3A_81], %swap3A_84 {strides = array<i32>} : memref<128x128xf32, #tpu.memory_space<vmem>>, vector<1x16xf32>,
      %swap3A_85 = arith.index_cast %scan3A_45 : i32 to index
      %swap3A_86 = arith.constant 64 : index
      %swap3A_87 = tpu.vector_load %arg5[%swap3A_85, %swap3A_86] {strides = array<i32>} : memref<128x128xf32, #tpu.memory_space<vmem>>, vector<1x16xf32>,
      %swap3A_88 = vector.shape_cast %swap3A_87 : vector<1x16xf32> to vector<16xf32>
      %swap3A_89 = vector.shape_cast %broadcast_in_dim3A_3 : vector<16xf32> to vector<1x16xf32>
      tpu.vector_store %arg5[%swap3A_85, %swap3A_86], %swap3A_89 {strides = array<i32>} : memref<128x128xf32, #tpu.memory_space<vmem>>, vector<1x16xf32>,
      %swap3A_90 = arith.index_cast %scan3A_45 : i32 to index
      %swap3A_91 = arith.constant 64 : index
      %swap3A_92 = tpu.vector_load %arg6[%swap3A_90, %swap3A_91] {strides = array<i32>} : memref<128x128xf32, #tpu.memory_space<vmem>>, vector<1x16xf32>,
      %swap3A_93 = vector.shape_cast %swap3A_92 : vector<1x16xf32> to vector<16xf32>
      %swap3A_94 = vector.shape_cast %broadcast_in_dim3A_5 : vector<16xf32> to vector<1x16xf32>
      tpu.vector_store %arg6[%swap3A_90, %swap3A_91], %swap3A_94 {strides = array<i32>} : memref<128x128xf32, #tpu.memory_space<vmem>>, vector<1x16xf32>,
      %swap3A_95 = arith.index_cast %scan3A_45 : i32 to index
      %swap3A_96 = arith.constant 80 : index
      %swap3A_97 = tpu.vector_load %arg5[%swap3A_95, %swap3A_96] {strides = array<i32>} : memref<128x128xf32, #tpu.memory_space<vmem>>, vector<1x16xf32>,
      %swap3A_98 = vector.shape_cast %swap3A_97 : vector<1x16xf32> to vector<16xf32>
      %swap3A_99 = vector.shape_cast %broadcast_in_dim3A_3 : vector<16xf32> to vector<1x16xf32>
      tpu.vector_store %arg5[%swap3A_95, %swap3A_96], %swap3A_99 {strides = array<i32>} : memref<128x128xf32, #tpu.memory_space<vmem>>, vector<1x16xf32>,
      %swap3A_100 = arith.index_cast %scan3A_45 : i32 to index
      %swap3A_101 = arith.constant 80 : index
      %swap3A_102 = tpu.vector_load %arg6[%swap3A_100, %swap3A_101] {strides = array<i32>} : memref<128x128xf32, #tpu.memory_space<vmem>>, vector<1x16xf32>,
      %swap3A_103 = vector.shape_cast %swap3A_102 : vector<1x16xf32> to vector<16xf32>
      %swap3A_104 = vector.shape_cast %broadcast_in_dim3A_5 : vector<16xf32> to vector<1x16xf32>
      tpu.vector_store %arg6[%swap3A_100, %swap3A_101], %swap3A_104 {strides = array<i32>} : memref<128x128xf32, #tpu.memory_space<vmem>>, vector<1x16xf32>,
      %swap3A_105 = arith.index_cast %scan3A_45 : i32 to index
      %swap3A_106 = arith.constant 96 : index
      %swap3A_107 = tpu.vector_load %arg5[%swap3A_105, %swap3A_106] {strides = array<i32>} : memref<128x128xf32, #tpu.memory_space<vmem>>, vector<1x16xf32>,
      %swap3A_108 = vector.shape_cast %swap3A_107 : vector<1x16xf32> to vector<16xf32>
      %swap3A_109 = vector.shape_cast %broadcast_in_dim3A_3 : vector<16xf32> to vector<1x16xf32>
      tpu.vector_store %arg5[%swap3A_105, %swap3A_106], %swap3A_109 {strides = array<i32>} : memref<128x128xf32, #tpu.memory_space<vmem>>, vector<1x16xf32>,
      %swap3A_110 = arith.index_cast %scan3A_45 : i32 to index
      %swap3A_111 = arith.constant 96 : index
      %swap3A_112 = tpu.vector_load %arg6[%swap3A_110, %swap3A_111] {strides = array<i32>} : memref<128x128xf32, #tpu.memory_space<vmem>>, vector<1x16xf32>,
      %swap3A_113 = vector.shape_cast %swap3A_112 : vector<1x16xf32> to vector<16xf32>
      %swap3A_114 = vector.shape_cast %broadcast_in_dim3A_5 : vector<16xf32> to vector<1x16xf32>
      tpu.vector_store %arg6[%swap3A_110, %swap3A_111], %swap3A_114 {strides = array<i32>} : memref<128x128xf32, #tpu.memory_space<vmem>>, vector<1x16xf32>,
      %swap3A_115 = arith.index_cast %scan3A_45 : i32 to index
      %swap3A_116 = arith.constant 112 : index
      %swap3A_117 = tpu.vector_load %arg5[%swap3A_115, %swap3A_116] {strides = array<i32>} : memref<128x128xf32, #tpu.memory_space<vmem>>, vector<1x16xf32>,
      %swap3A_118 = vector.shape_cast %swap3A_117 : vector<1x16xf32> to vector<16xf32>
      %swap3A_119 = vector.shape_cast %broadcast_in_dim3A_3 : vector<16xf32> to vector<1x16xf32>
      tpu.vector_store %arg5[%swap3A_115, %swap3A_116], %swap3A_119 {strides = array<i32>} : memref<128x128xf32, #tpu.memory_space<vmem>>, vector<1x16xf32>,
      %swap3A_120 = arith.index_cast %scan3A_45 : i32 to index
      %swap3A_121 = arith.constant 112 : index
      %swap3A_122 = tpu.vector_load %arg6[%swap3A_120, %swap3A_121] {strides = array<i32>} : memref<128x128xf32, #tpu.memory_space<vmem>>, vector<1x16xf32>,
      %swap3A_123 = vector.shape_cast %swap3A_122 : vector<1x16xf32> to vector<16xf32>
      %swap3A_124 = vector.shape_cast %broadcast_in_dim3A_5 : vector<16xf32> to vector<1x16xf32>
      tpu.vector_store %arg6[%swap3A_120, %swap3A_121], %swap3A_124 {strides = array<i32>} : memref<128x128xf32, #tpu.memory_space<vmem>>, vector<1x16xf32>,
    }
    %scan3A_10 = arith.constant 128 : i32
    %mul3A_11 = arith.constant 640 : i32
    %mul3A_12 = arith.muli %arg1, %mul3A_11 : i32
    %add3A_13 = arith.constant 0 : i32
    %add3A_14 = arith.addi %mul3A_12, %add3A_13 : i32
    "tpu.region"() ({
      %run_scoped3A = tpu.sem_alloc : memref<!tpu.dma_semaphore, #tpu.memory_space<semaphore_mem>>
      %dma_start3A = arith.constant 0 : i32
      %dma_start3A_45 = tpu.memref_slice %arg7[%add3A_14, %dma_start3A] : memref<10240x128xf32, #tpu.memory_space<vmem_shared>> -> memref<128x128xf32, #tpu.memory_space<vmem_shared>>
      %dma_start3A_46 = arith.constant 0 : i32
      %dma_start3A_47 = tpu.memref_slice %arg7[%add3A_14, %dma_start3A_46] : memref<10240x128xf32, #tpu.memory_space<vmem_shared>> -> memref<128x128xf32, #tpu.memory_space<vmem_shared>>
      tpu.enqueue_dma source(%arg6 : memref<128x128xf32, #tpu.memory_space<vmem>>) target(%dma_start3A_47 : memref<128x128xf32, #tpu.memory_space<vmem_shared>>) target_semaphore(%run_scoped3A : memref<!tpu.dma_semaphore, #tpu.memory_space<semaphore_mem>>)
      %dma_wait3A = arith.constant 0 : i32
      %dma_wait3A_48 = tpu.memref_slice %arg7[%add3A_14, %dma_wait3A] : memref<10240x128xf32, #tpu.memory_space<vmem_shared>> -> memref<128x128xf32, #tpu.memory_space<vmem_shared>>
      %dma_wait3A_49 = arith.constant 0 : i32
      %dma_wait3A_50 = tpu.memref_slice %arg7[%add3A_14, %dma_wait3A_49] : memref<10240x128xf32, #tpu.memory_space<vmem_shared>> -> memref<128x128xf32, #tpu.memory_space<vmem_shared>>
      tpu.wait_dma2 semaphore(%run_scoped3A : memref<!tpu.dma_semaphore, #tpu.memory_space<semaphore_mem>>) src(%arg6 : memref<128x128xf32, #tpu.memory_space<vmem>>) dst(%dma_wait3A_50 : memref<128x128xf32, #tpu.memory_space<vmem_shared>>)
      tpu.yield
    }) : () -> ()
    %mul3A_15 = arith.constant 640 : i32
    %mul3A_16 = arith.muli %arg1, %mul3A_15 : i32
    %add3A_17 = arith.constant 128 : i32
    %add3A_18 = arith.addi %mul3A_16, %add3A_17 : i32
    "tpu.region"() ({
      %run_scoped3A = tpu.sem_alloc : memref<!tpu.dma_semaphore, #tpu.memory_space<semaphore_mem>>
      %dma_start3A = arith.constant 0 : i32
      %dma_start3A_45 = tpu.memref_slice %arg7[%add3A_18, %dma_start3A] : memref<10240x128xf32, #tpu.memory_space<vmem_shared>> -> memref<128x128xf32, #tpu.memory_space<vmem_shared>>
      %dma_start3A_46 = arith.constant 0 : i32
      %dma_start3A_47 = tpu.memref_slice %arg7[%add3A_18, %dma_start3A_46] : memref<10240x128xf32, #tpu.memory_space<vmem_shared>> -> memref<128x128xf32, #tpu.memory_space<vmem_shared>>
      tpu.enqueue_dma source(%arg6 : memref<128x128xf32, #tpu.memory_space<vmem>>) target(%dma_start3A_47 : memref<128x128xf32, #tpu.memory_space<vmem_shared>>) target_semaphore(%run_scoped3A : memref<!tpu.dma_semaphore, #tpu.memory_space<semaphore_mem>>)
      %dma_wait3A = arith.constant 0 : i32
      %dma_wait3A_48 = tpu.memref_slice %arg7[%add3A_18, %dma_wait3A] : memref<10240x128xf32, #tpu.memory_space<vmem_shared>> -> memref<128x128xf32, #tpu.memory_space<vmem_shared>>
      %dma_wait3A_49 = arith.constant 0 : i32
      %dma_wait3A_50 = tpu.memref_slice %arg7[%add3A_18, %dma_wait3A_49] : memref<10240x128xf32, #tpu.memory_space<vmem_shared>> -> memref<128x128xf32, #tpu.memory_space<vmem_shared>>
      tpu.wait_dma2 semaphore(%run_scoped3A : memref<!tpu.dma_semaphore, #tpu.memory_space<semaphore_mem>>) src(%arg6 : memref<128x128xf32, #tpu.memory_space<vmem>>) dst(%dma_wait3A_50 : memref<128x128xf32, #tpu.memory_space<vmem_shared>>)
      tpu.yield
    }) : () -> ()
    %mul3A_19 = arith.constant 640 : i32
    %mul3A_20 = arith.muli %arg1, %mul3A_19 : i32
    %add3A_21 = arith.constant 256 : i32
    %add3A_22 = arith.addi %mul3A_20, %add3A_21 : i32
    "tpu.region"() ({
      %run_scoped3A = tpu.sem_alloc : memref<!tpu.dma_semaphore, #tpu.memory_space<semaphore_mem>>
      %dma_start3A = arith.constant 0 : i32
      %dma_start3A_45 = tpu.memref_slice %arg7[%add3A_22, %dma_start3A] : memref<10240x128xf32, #tpu.memory_space<vmem_shared>> -> memref<128x128xf32, #tpu.memory_space<vmem_shared>>
      %dma_start3A_46 = arith.constant 0 : i32
      %dma_start3A_47 = tpu.memref_slice %arg7[%add3A_22, %dma_start3A_46] : memref<10240x128xf32, #tpu.memory_space<vmem_shared>> -> memref<128x128xf32, #tpu.memory_space<vmem_shared>>
      tpu.enqueue_dma source(%arg6 : memref<128x128xf32, #tpu.memory_space<vmem>>) target(%dma_start3A_47 : memref<128x128xf32, #tpu.memory_space<vmem_shared>>) target_semaphore(%run_scoped3A : memref<!tpu.dma_semaphore, #tpu.memory_space<semaphore_mem>>)
      %dma_wait3A = arith.constant 0 : i32
      %dma_wait3A_48 = tpu.memref_slice %arg7[%add3A_22, %dma_wait3A] : memref<10240x128xf32, #tpu.memory_space<vmem_shared>> -> memref<128x128xf32, #tpu.memory_space<vmem_shared>>
      %dma_wait3A_49 = arith.constant 0 : i32
      %dma_wait3A_50 = tpu.memref_slice %arg7[%add3A_22, %dma_wait3A_49] : memref<10240x128xf32, #tpu.memory_space<vmem_shared>> -> memref<128x128xf32, #tpu.memory_space<vmem_shared>>
      tpu.wait_dma2 semaphore(%run_scoped3A : memref<!tpu.dma_semaphore, #tpu.memory_space<semaphore_mem>>) src(%arg6 : memref<128x128xf32, #tpu.memory_space<vmem>>) dst(%dma_wait3A_50 : memref<128x128xf32, #tpu.memory_space<vmem_shared>>)
      tpu.yield
    }) : () -> ()
    %mul3A_23 = arith.constant 640 : i32
    %mul3A_24 = arith.muli %arg1, %mul3A_23 : i32
    %add3A_25 = arith.constant 384 : i32
    %add3A_26 = arith.addi %mul3A_24, %add3A_25 : i32
    "tpu.region"() ({
      %run_scoped3A = tpu.sem_alloc : memref<!tpu.dma_semaphore, #tpu.memory_space<semaphore_mem>>
      %dma_start3A = arith.constant 0 : i32
      %dma_start3A_45 = tpu.memref_slice %arg7[%add3A_26, %dma_start3A] : memref<10240x128xf32, #tpu.memory_space<vmem_shared>> -> memref<128x128xf32, #tpu.memory_space<vmem_shared>>
      %dma_start3A_46 = arith.constant 0 : i32
      %dma_start3A_47 = tpu.memref_slice %arg7[%add3A_26, %dma_start3A_46] : memref<10240x128xf32, #tpu.memory_space<vmem_shared>> -> memref<128x128xf32, #tpu.memory_space<vmem_shared>>
      tpu.enqueue_dma source(%arg6 : memref<128x128xf32, #tpu.memory_space<vmem>>) target(%dma_start3A_47 : memref<128x128xf32, #tpu.memory_space<vmem_shared>>) target_semaphore(%run_scoped3A : memref<!tpu.dma_semaphore, #tpu.memory_space<semaphore_mem>>)
      %dma_wait3A = arith.constant 0 : i32
      %dma_wait3A_48 = tpu.memref_slice %arg7[%add3A_26, %dma_wait3A] : memref<10240x128xf32, #tpu.memory_space<vmem_shared>> -> memref<128x128xf32, #tpu.memory_space<vmem_shared>>
      %dma_wait3A_49 = arith.constant 0 : i32
      %dma_wait3A_50 = tpu.memref_slice %arg7[%add3A_26, %dma_wait3A_49] : memref<10240x128xf32, #tpu.memory_space<vmem_shared>> -> memref<128x128xf32, #tpu.memory_space<vmem_shared>>
      tpu.wait_dma2 semaphore(%run_scoped3A : memref<!tpu.dma_semaphore, #tpu.memory_space<semaphore_mem>>) src(%arg6 : memref<128x128xf32, #tpu.memory_space<vmem>>) dst(%dma_wait3A_50 : memref<128x128xf32, #tpu.memory_space<vmem_shared>>)
      tpu.yield
    }) : () -> ()
    %mul3A_27 = arith.constant 640 : i32
    %mul3A_28 = arith.muli %arg1, %mul3A_27 : i32
    %add3A_29 = arith.constant 512 : i32
    %add3A_30 = arith.addi %mul3A_28, %add3A_29 : i32
    "tpu.region"() ({
      %run_scoped3A = tpu.sem_alloc : memref<!tpu.dma_semaphore, #tpu.memory_space<semaphore_mem>>
      %dma_start3A = arith.constant 0 : i32
      %dma_start3A_45 = tpu.memref_slice %arg7[%add3A_30, %dma_start3A] : memref<10240x128xf32, #tpu.memory_space<vmem_shared>> -> memref<128x128xf32, #tpu.memory_space<vmem_shared>>
      %dma_start3A_46 = arith.constant 0 : i32
      %dma_start3A_47 = tpu.memref_slice %arg7[%add3A_30, %dma_start3A_46] : memref<10240x128xf32, #tpu.memory_space<vmem_shared>> -> memref<128x128xf32, #tpu.memory_space<vmem_shared>>
      tpu.enqueue_dma source(%arg6 : memref<128x128xf32, #tpu.memory_space<vmem>>) target(%dma_start3A_47 : memref<128x128xf32, #tpu.memory_space<vmem_shared>>) target_semaphore(%run_scoped3A : memref<!tpu.dma_semaphore, #tpu.memory_space<semaphore_mem>>)
      %dma_wait3A = arith.constant 0 : i32
      %dma_wait3A_48 = tpu.memref_slice %arg7[%add3A_30, %dma_wait3A] : memref<10240x128xf32, #tpu.memory_space<vmem_shared>> -> memref<128x128xf32, #tpu.memory_space<vmem_shared>>
      %dma_wait3A_49 = arith.constant 0 : i32
      %dma_wait3A_50 = tpu.memref_slice %arg7[%add3A_30, %dma_wait3A_49] : memref<10240x128xf32, #tpu.memory_space<vmem_shared>> -> memref<128x128xf32, #tpu.memory_space<vmem_shared>>
      tpu.wait_dma2 semaphore(%run_scoped3A : memref<!tpu.dma_semaphore, #tpu.memory_space<semaphore_mem>>) src(%arg6 : memref<128x128xf32, #tpu.memory_space<vmem>>) dst(%dma_wait3A_50 : memref<128x128xf32, #tpu.memory_space<vmem_shared>>)
      tpu.yield
    }) : () -> ()
    %barrier3A = arith.constant 0 : index
    tpu.barrier barrier_id(%barrier3A)
    %scan3A_31 = arith.constant 0 : i32
    %scan3A_32 = arith.constant 0 : i32
    %scan3A_33 = arith.constant 2 : i32
    %scan3A_34 = arith.addi %scan3A_32, %scan3A_33 : i32
    %scan3A_35 = arith.constant 1 : i32
    scf.for %scan3A_45 = %scan3A_32 to %scan3A_34 step %scan3A_35  : i32 {
      %mul3A_46 = arith.constant 20 : i32
      %mul3A_47 = arith.muli %scan3A_45, %mul3A_46 : i32
      %add3A_48 = arith.constant 0 : i32
      %add3A_49 = arith.addi %mul3A_47, %add3A_48 : i32
      %dma_start3A = arith.constant 0 : i32
      %dma_start3A_50 = tpu.memref_slice %arg4[%add3A_49, %dma_start3A] : memref<40x128xi32, #tpu.memory_space<vmem>> -> memref<1x128xi32, #tpu.memory_space<vmem>>
      %dma_start3A_51 = tpu.memref_squeeze %dma_start3A_50 : memref<1x128xi32, #tpu.memory_space<vmem>> -> memref<128xi32, #tpu.memory_space<vmem>>
      %dma_start3A_52 = arith.constant 0 : i32
      %dma_start3A_53 = arith.constant 0 : i32
      %dma_start3A_54 = tpu.memref_slice %arg7[%dma_start3A_52, %dma_start3A_53] : memref<10240x128xf32, #tpu.memory_space<vmem_shared>> -> memref<10240x128xf32, #tpu.memory_space<vmem_shared>>
      tpu.enqueue_indirect_dma source(%arg5 : memref<128x128xf32, #tpu.memory_space<vmem>>) target(%dma_start3A_54 : memref<10240x128xf32, #tpu.memory_space<vmem_shared>>) offsets(%dma_start3A_51 : memref<128xi32, #tpu.memory_space<vmem>>) semaphore(%arg8 : memref<!tpu.dma_semaphore, #tpu.memory_space<semaphore_mem>>) {add = true}
      %mul3A_55 = arith.constant 20 : i32
      %mul3A_56 = arith.muli %scan3A_45, %mul3A_55 : i32
      %add3A_57 = arith.constant 1 : i32
      %add3A_58 = arith.addi %mul3A_56, %add3A_57 : i32
      %dma_start3A_59 = arith.constant 0 : i32
      %dma_start3A_60 = tpu.memref_slice %arg4[%add3A_58, %dma_start3A_59] : memref<40x128xi32, #tpu.memory_space<vmem>> -> memref<1x128xi32, #tpu.memory_space<vmem>>
      %dma_start3A_61 = tpu.memref_squeeze %dma_start3A_60 : memref<1x128xi32, #tpu.memory_space<vmem>> -> memref<128xi32, #tpu.memory_space<vmem>>
      %dma_start3A_62 = arith.constant 0 : i32
      %dma_start3A_63 = arith.constant 0 : i32
      %dma_start3A_64 = tpu.memref_slice %arg7[%dma_start3A_62, %dma_start3A_63] : memref<10240x128xf32, #tpu.memory_space<vmem_shared>> -> memref<10240x128xf32, #tpu.memory_space<vmem_shared>>
      tpu.enqueue_indirect_dma source(%arg5 : memref<128x128xf32, #tpu.memory_space<vmem>>) target(%dma_start3A_64 : memref<10240x128xf32, #tpu.memory_space<vmem_shared>>) offsets(%dma_start3A_61 : memref<128xi32, #tpu.memory_space<vmem>>) semaphore(%arg8 : memref<!tpu.dma_semaphore, #tpu.memory_space<semaphore_mem>>) {add = true}
      %mul3A_65 = arith.constant 20 : i32
      %mul3A_66 = arith.muli %scan3A_45, %mul3A_65 : i32
      %add3A_67 = arith.constant 2 : i32
      %add3A_68 = arith.addi %mul3A_66, %add3A_67 : i32
      %dma_start3A_69 = arith.constant 0 : i32
      %dma_start3A_70 = tpu.memref_slice %arg4[%add3A_68, %dma_start3A_69] : memref<40x128xi32, #tpu.memory_space<vmem>> -> memref<1x128xi32, #tpu.memory_space<vmem>>
      %dma_start3A_71 = tpu.memref_squeeze %dma_start3A_70 : memref<1x128xi32, #tpu.memory_space<vmem>> -> memref<128xi32, #tpu.memory_space<vmem>>
      %dma_start3A_72 = arith.constant 0 : i32
      %dma_start3A_73 = arith.constant 0 : i32
      %dma_start3A_74 = tpu.memref_slice %arg7[%dma_start3A_72, %dma_start3A_73] : memref<10240x128xf32, #tpu.memory_space<vmem_shared>> -> memref<10240x128xf32, #tpu.memory_space<vmem_shared>>
      tpu.enqueue_indirect_dma source(%arg5 : memref<128x128xf32, #tpu.memory_space<vmem>>) target(%dma_start3A_74 : memref<10240x128xf32, #tpu.memory_space<vmem_shared>>) offsets(%dma_start3A_71 : memref<128xi32, #tpu.memory_space<vmem>>) semaphore(%arg8 : memref<!tpu.dma_semaphore, #tpu.memory_space<semaphore_mem>>) {add = true}
      %mul3A_75 = arith.constant 20 : i32
      %mul3A_76 = arith.muli %scan3A_45, %mul3A_75 : i32
      %add3A_77 = arith.constant 3 : i32
      %add3A_78 = arith.addi %mul3A_76, %add3A_77 : i32
      %dma_start3A_79 = arith.constant 0 : i32
      %dma_start3A_80 = tpu.memref_slice %arg4[%add3A_78, %dma_start3A_79] : memref<40x128xi32, #tpu.memory_space<vmem>> -> memref<1x128xi32, #tpu.memory_space<vmem>>
      %dma_start3A_81 = tpu.memref_squeeze %dma_start3A_80 : memref<1x128xi32, #tpu.memory_space<vmem>> -> memref<128xi32, #tpu.memory_space<vmem>>
      %dma_start3A_82 = arith.constant 0 : i32
      %dma_start3A_83 = arith.constant 0 : i32
      %dma_start3A_84 = tpu.memref_slice %arg7[%dma_start3A_82, %dma_start3A_83] : memref<10240x128xf32, #tpu.memory_space<vmem_shared>> -> memref<10240x128xf32, #tpu.memory_space<vmem_shared>>
      tpu.enqueue_indirect_dma source(%arg5 : memref<128x128xf32, #tpu.memory_space<vmem>>) target(%dma_start3A_84 : memref<10240x128xf32, #tpu.memory_space<vmem_shared>>) offsets(%dma_start3A_81 : memref<128xi32, #tpu.memory_space<vmem>>) semaphore(%arg8 : memref<!tpu.dma_semaphore, #tpu.memory_space<semaphore_mem>>) {add = true}
      %mul3A_85 = arith.constant 20 : i32
      %mul3A_86 = arith.muli %scan3A_45, %mul3A_85 : i32
      %add3A_87 = arith.constant 4 : i32
      %add3A_88 = arith.addi %mul3A_86, %add3A_87 : i32
      %dma_start3A_89 = arith.constant 0 : i32
      %dma_start3A_90 = tpu.memref_slice %arg4[%add3A_88, %dma_start3A_89] : memref<40x128xi32, #tpu.memory_space<vmem>> -> memref<1x128xi32, #tpu.memory_space<vmem>>
      %dma_start3A_91 = tpu.memref_squeeze %dma_start3A_90 : memref<1x128xi32, #tpu.memory_space<vmem>> -> memref<128xi32, #tpu.memory_space<vmem>>
      %dma_start3A_92 = arith.constant 0 : i32
      %dma_start3A_93 = arith.constant 0 : i32
      %dma_start3A_94 = tpu.memref_slice %arg7[%dma_start3A_92, %dma_start3A_93] : memref<10240x128xf32, #tpu.memory_space<vmem_shared>> -> memref<10240x128xf32, #tpu.memory_space<vmem_shared>>
      tpu.enqueue_indirect_dma source(%arg5 : memref<128x128xf32, #tpu.memory_space<vmem>>) target(%dma_start3A_94 : memref<10240x128xf32, #tpu.memory_space<vmem_shared>>) offsets(%dma_start3A_91 : memref<128xi32, #tpu.memory_space<vmem>>) semaphore(%arg8 : memref<!tpu.dma_semaphore, #tpu.memory_space<semaphore_mem>>) {add = true}
      %mul3A_95 = arith.constant 20 : i32
      %mul3A_96 = arith.muli %scan3A_45, %mul3A_95 : i32
      %add3A_97 = arith.constant 5 : i32
      %add3A_98 = arith.addi %mul3A_96, %add3A_97 : i32
      %dma_start3A_99 = arith.constant 0 : i32
      %dma_start3A_100 = tpu.memref_slice %arg4[%add3A_98, %dma_start3A_99] : memref<40x128xi32, #tpu.memory_space<vmem>> -> memref<1x128xi32, #tpu.memory_space<vmem>>
      %dma_start3A_101 = tpu.memref_squeeze %dma_start3A_100 : memref<1x128xi32, #tpu.memory_space<vmem>> -> memref<128xi32, #tpu.memory_space<vmem>>
      %dma_start3A_102 = arith.constant 0 : i32
      %dma_start3A_103 = arith.constant 0 : i32
      %dma_start3A_104 = tpu.memref_slice %arg7[%dma_start3A_102, %dma_start3A_103] : memref<10240x128xf32, #tpu.memory_space<vmem_shared>> -> memref<10240x128xf32, #tpu.memory_space<vmem_shared>>
      tpu.enqueue_indirect_dma source(%arg5 : memref<128x128xf32, #tpu.memory_space<vmem>>) target(%dma_start3A_104 : memref<10240x128xf32, #tpu.memory_space<vmem_shared>>) offsets(%dma_start3A_101 : memref<128xi32, #tpu.memory_space<vmem>>) semaphore(%arg8 : memref<!tpu.dma_semaphore, #tpu.memory_space<semaphore_mem>>) {add = true}
      %mul3A_105 = arith.constant 20 : i32
      %mul3A_106 = arith.muli %scan3A_45, %mul3A_105 : i32
      %add3A_107 = arith.constant 6 : i32
      %add3A_108 = arith.addi %mul3A_106, %add3A_107 : i32
      %dma_start3A_109 = arith.constant 0 : i32
      %dma_start3A_110 = tpu.memref_slice %arg4[%add3A_108, %dma_start3A_109] : memref<40x128xi32, #tpu.memory_space<vmem>> -> memref<1x128xi32, #tpu.memory_space<vmem>>
      %dma_start3A_111 = tpu.memref_squeeze %dma_start3A_110 : memref<1x128xi32, #tpu.memory_space<vmem>> -> memref<128xi32, #tpu.memory_space<vmem>>
      %dma_start3A_112 = arith.constant 0 : i32
      %dma_start3A_113 = arith.constant 0 : i32
      %dma_start3A_114 = tpu.memref_slice %arg7[%dma_start3A_112, %dma_start3A_113] : memref<10240x128xf32, #tpu.memory_space<vmem_shared>> -> memref<10240x128xf32, #tpu.memory_space<vmem_shared>>
      tpu.enqueue_indirect_dma source(%arg5 : memref<128x128xf32, #tpu.memory_space<vmem>>) target(%dma_start3A_114 : memref<10240x128xf32, #tpu.memory_space<vmem_shared>>) offsets(%dma_start3A_111 : memref<128xi32, #tpu.memory_space<vmem>>) semaphore(%arg8 : memref<!tpu.dma_semaphore, #tpu.memory_space<semaphore_mem>>) {add = true}
      %mul3A_115 = arith.constant 20 : i32
      %mul3A_116 = arith.muli %scan3A_45, %mul3A_115 : i32
      %add3A_117 = arith.constant 7 : i32
      %add3A_118 = arith.addi %mul3A_116, %add3A_117 : i32
      %dma_start3A_119 = arith.constant 0 : i32
      %dma_start3A_120 = tpu.memref_slice %arg4[%add3A_118, %dma_start3A_119] : memref<40x128xi32, #tpu.memory_space<vmem>> -> memref<1x128xi32, #tpu.memory_space<vmem>>
      %dma_start3A_121 = tpu.memref_squeeze %dma_start3A_120 : memref<1x128xi32, #tpu.memory_space<vmem>> -> memref<128xi32, #tpu.memory_space<vmem>>
      %dma_start3A_122 = arith.constant 0 : i32
      %dma_start3A_123 = arith.constant 0 : i32
      %dma_start3A_124 = tpu.memref_slice %arg7[%dma_start3A_122, %dma_start3A_123] : memref<10240x128xf32, #tpu.memory_space<vmem_shared>> -> memref<10240x128xf32, #tpu.memory_space<vmem_shared>>
      tpu.enqueue_indirect_dma source(%arg5 : memref<128x128xf32, #tpu.memory_space<vmem>>) target(%dma_start3A_124 : memref<10240x128xf32, #tpu.memory_space<vmem_shared>>) offsets(%dma_start3A_121 : memref<128xi32, #tpu.memory_space<vmem>>) semaphore(%arg8 : memref<!tpu.dma_semaphore, #tpu.memory_space<semaphore_mem>>) {add = true}
      %mul3A_125 = arith.constant 20 : i32
      %mul3A_126 = arith.muli %scan3A_45, %mul3A_125 : i32
      %add3A_127 = arith.constant 8 : i32
      %add3A_128 = arith.addi %mul3A_126, %add3A_127 : i32
      %dma_start3A_129 = arith.constant 0 : i32
      %dma_start3A_130 = tpu.memref_slice %arg4[%add3A_128, %dma_start3A_129] : memref<40x128xi32, #tpu.memory_space<vmem>> -> memref<1x128xi32, #tpu.memory_space<vmem>>
      %dma_start3A_131 = tpu.memref_squeeze %dma_start3A_130 : memref<1x128xi32, #tpu.memory_space<vmem>> -> memref<128xi32, #tpu.memory_space<vmem>>
      %dma_start3A_132 = arith.constant 0 : i32
      %dma_start3A_133 = arith.constant 0 : i32
      %dma_start3A_134 = tpu.memref_slice %arg7[%dma_start3A_132, %dma_start3A_133] : memref<10240x128xf32, #tpu.memory_space<vmem_shared>> -> memref<10240x128xf32, #tpu.memory_space<vmem_shared>>
      tpu.enqueue_indirect_dma source(%arg5 : memref<128x128xf32, #tpu.memory_space<vmem>>) target(%dma_start3A_134 : memref<10240x128xf32, #tpu.memory_space<vmem_shared>>) offsets(%dma_start3A_131 : memref<128xi32, #tpu.memory_space<vmem>>) semaphore(%arg8 : memref<!tpu.dma_semaphore, #tpu.memory_space<semaphore_mem>>) {add = true}
      %mul3A_135 = arith.constant 20 : i32
      %mul3A_136 = arith.muli %scan3A_45, %mul3A_135 : i32
      %add3A_137 = arith.constant 9 : i32
      %add3A_138 = arith.addi %mul3A_136, %add3A_137 : i32
      %dma_start3A_139 = arith.constant 0 : i32
      %dma_start3A_140 = tpu.memref_slice %arg4[%add3A_138, %dma_start3A_139] : memref<40x128xi32, #tpu.memory_space<vmem>> -> memref<1x128xi32, #tpu.memory_space<vmem>>
      %dma_start3A_141 = tpu.memref_squeeze %dma_start3A_140 : memref<1x128xi32, #tpu.memory_space<vmem>> -> memref<128xi32, #tpu.memory_space<vmem>>
      %dma_start3A_142 = arith.constant 0 : i32
      %dma_start3A_143 = arith.constant 0 : i32
      %dma_start3A_144 = tpu.memref_slice %arg7[%dma_start3A_142, %dma_start3A_143] : memref<10240x128xf32, #tpu.memory_space<vmem_shared>> -> memref<10240x128xf32, #tpu.memory_space<vmem_shared>>
      tpu.enqueue_indirect_dma source(%arg5 : memref<128x128xf32, #tpu.memory_space<vmem>>) target(%dma_start3A_144 : memref<10240x128xf32, #tpu.memory_space<vmem_shared>>) offsets(%dma_start3A_141 : memref<128xi32, #tpu.memory_space<vmem>>) semaphore(%arg8 : memref<!tpu.dma_semaphore, #tpu.memory_space<semaphore_mem>>) {add = true}
      %mul3A_145 = arith.constant 20 : i32
      %mul3A_146 = arith.muli %scan3A_45, %mul3A_145 : i32
      %add3A_147 = arith.constant 10 : i32
      %add3A_148 = arith.addi %mul3A_146, %add3A_147 : i32
      %dma_start3A_149 = arith.constant 0 : i32
      %dma_start3A_150 = tpu.memref_slice %arg4[%add3A_148, %dma_start3A_149] : memref<40x128xi32, #tpu.memory_space<vmem>> -> memref<1x128xi32, #tpu.memory_space<vmem>>
      %dma_start3A_151 = tpu.memref_squeeze %dma_start3A_150 : memref<1x128xi32, #tpu.memory_space<vmem>> -> memref<128xi32, #tpu.memory_space<vmem>>
      %dma_start3A_152 = arith.constant 0 : i32
      %dma_start3A_153 = arith.constant 0 : i32
      %dma_start3A_154 = tpu.memref_slice %arg7[%dma_start3A_152, %dma_start3A_153] : memref<10240x128xf32, #tpu.memory_space<vmem_shared>> -> memref<10240x128xf32, #tpu.memory_space<vmem_shared>>
      tpu.enqueue_indirect_dma source(%arg5 : memref<128x128xf32, #tpu.memory_space<vmem>>) target(%dma_start3A_154 : memref<10240x128xf32, #tpu.memory_space<vmem_shared>>) offsets(%dma_start3A_151 : memref<128xi32, #tpu.memory_space<vmem>>) semaphore(%arg8 : memref<!tpu.dma_semaphore, #tpu.memory_space<semaphore_mem>>) {add = true}
      %mul3A_155 = arith.constant 20 : i32
      %mul3A_156 = arith.muli %scan3A_45, %mul3A_155 : i32
      %add3A_157 = arith.constant 11 : i32
      %add3A_158 = arith.addi %mul3A_156, %add3A_157 : i32
      %dma_start3A_159 = arith.constant 0 : i32
      %dma_start3A_160 = tpu.memref_slice %arg4[%add3A_158, %dma_start3A_159] : memref<40x128xi32, #tpu.memory_space<vmem>> -> memref<1x128xi32, #tpu.memory_space<vmem>>
      %dma_start3A_161 = tpu.memref_squeeze %dma_start3A_160 : memref<1x128xi32, #tpu.memory_space<vmem>> -> memref<128xi32, #tpu.memory_space<vmem>>
      %dma_start3A_162 = arith.constant 0 : i32
      %dma_start3A_163 = arith.constant 0 : i32
      %dma_start3A_164 = tpu.memref_slice %arg7[%dma_start3A_162, %dma_start3A_163] : memref<10240x128xf32, #tpu.memory_space<vmem_shared>> -> memref<10240x128xf32, #tpu.memory_space<vmem_shared>>
      tpu.enqueue_indirect_dma source(%arg5 : memref<128x128xf32, #tpu.memory_space<vmem>>) target(%dma_start3A_164 : memref<10240x128xf32, #tpu.memory_space<vmem_shared>>) offsets(%dma_start3A_161 : memref<128xi32, #tpu.memory_space<vmem>>) semaphore(%arg8 : memref<!tpu.dma_semaphore, #tpu.memory_space<semaphore_mem>>) {add = true}
      %mul3A_165 = arith.constant 20 : i32
      %mul3A_166 = arith.muli %scan3A_45, %mul3A_165 : i32
      %add3A_167 = arith.constant 12 : i32
      %add3A_168 = arith.addi %mul3A_166, %add3A_167 : i32
      %dma_start3A_169 = arith.constant 0 : i32
      %dma_start3A_170 = tpu.memref_slice %arg4[%add3A_168, %dma_start3A_169] : memref<40x128xi32, #tpu.memory_space<vmem>> -> memref<1x128xi32, #tpu.memory_space<vmem>>
      %dma_start3A_171 = tpu.memref_squeeze %dma_start3A_170 : memref<1x128xi32, #tpu.memory_space<vmem>> -> memref<128xi32, #tpu.memory_space<vmem>>
      %dma_start3A_172 = arith.constant 0 : i32
      %dma_start3A_173 = arith.constant 0 : i32
      %dma_start3A_174 = tpu.memref_slice %arg7[%dma_start3A_172, %dma_start3A_173] : memref<10240x128xf32, #tpu.memory_space<vmem_shared>> -> memref<10240x128xf32, #tpu.memory_space<vmem_shared>>
      tpu.enqueue_indirect_dma source(%arg5 : memref<128x128xf32, #tpu.memory_space<vmem>>) target(%dma_start3A_174 : memref<10240x128xf32, #tpu.memory_space<vmem_shared>>) offsets(%dma_start3A_171 : memref<128xi32, #tpu.memory_space<vmem>>) semaphore(%arg8 : memref<!tpu.dma_semaphore, #tpu.memory_space<semaphore_mem>>) {add = true}
      %mul3A_175 = arith.constant 20 : i32
      %mul3A_176 = arith.muli %scan3A_45, %mul3A_175 : i32
      %add3A_177 = arith.constant 13 : i32
      %add3A_178 = arith.addi %mul3A_176, %add3A_177 : i32
      %dma_start3A_179 = arith.constant 0 : i32
      %dma_start3A_180 = tpu.memref_slice %arg4[%add3A_178, %dma_start3A_179] : memref<40x128xi32, #tpu.memory_space<vmem>> -> memref<1x128xi32, #tpu.memory_space<vmem>>
      %dma_start3A_181 = tpu.memref_squeeze %dma_start3A_180 : memref<1x128xi32, #tpu.memory_space<vmem>> -> memref<128xi32, #tpu.memory_space<vmem>>
      %dma_start3A_182 = arith.constant 0 : i32
      %dma_start3A_183 = arith.constant 0 : i32
      %dma_start3A_184 = tpu.memref_slice %arg7[%dma_start3A_182, %dma_start3A_183] : memref<10240x128xf32, #tpu.memory_space<vmem_shared>> -> memref<10240x128xf32, #tpu.memory_space<vmem_shared>>
      tpu.enqueue_indirect_dma source(%arg5 : memref<128x128xf32, #tpu.memory_space<vmem>>) target(%dma_start3A_184 : memref<10240x128xf32, #tpu.memory_space<vmem_shared>>) offsets(%dma_start3A_181 : memref<128xi32, #tpu.memory_space<vmem>>) semaphore(%arg8 : memref<!tpu.dma_semaphore, #tpu.memory_space<semaphore_mem>>) {add = true}
      %mul3A_185 = arith.constant 20 : i32
      %mul3A_186 = arith.muli %scan3A_45, %mul3A_185 : i32
      %add3A_187 = arith.constant 14 : i32
      %add3A_188 = arith.addi %mul3A_186, %add3A_187 : i32
      %dma_start3A_189 = arith.constant 0 : i32
      %dma_start3A_190 = tpu.memref_slice %arg4[%add3A_188, %dma_start3A_189] : memref<40x128xi32, #tpu.memory_space<vmem>> -> memref<1x128xi32, #tpu.memory_space<vmem>>
      %dma_start3A_191 = tpu.memref_squeeze %dma_start3A_190 : memref<1x128xi32, #tpu.memory_space<vmem>> -> memref<128xi32, #tpu.memory_space<vmem>>
      %dma_start3A_192 = arith.constant 0 : i32
      %dma_start3A_193 = arith.constant 0 : i32
      %dma_start3A_194 = tpu.memref_slice %arg7[%dma_start3A_192, %dma_start3A_193] : memref<10240x128xf32, #tpu.memory_space<vmem_shared>> -> memref<10240x128xf32, #tpu.memory_space<vmem_shared>>
      tpu.enqueue_indirect_dma source(%arg5 : memref<128x128xf32, #tpu.memory_space<vmem>>) target(%dma_start3A_194 : memref<10240x128xf32, #tpu.memory_space<vmem_shared>>) offsets(%dma_start3A_191 : memref<128xi32, #tpu.memory_space<vmem>>) semaphore(%arg8 : memref<!tpu.dma_semaphore, #tpu.memory_space<semaphore_mem>>) {add = true}
      %mul3A_195 = arith.constant 20 : i32
      %mul3A_196 = arith.muli %scan3A_45, %mul3A_195 : i32
      %add3A_197 = arith.constant 15 : i32
      %add3A_198 = arith.addi %mul3A_196, %add3A_197 : i32
      %dma_start3A_199 = arith.constant 0 : i32
      %dma_start3A_200 = tpu.memref_slice %arg4[%add3A_198, %dma_start3A_199] : memref<40x128xi32, #tpu.memory_space<vmem>> -> memref<1x128xi32, #tpu.memory_space<vmem>>
      %dma_start3A_201 = tpu.memref_squeeze %dma_start3A_200 : memref<1x128xi32, #tpu.memory_space<vmem>> -> memref<128xi32, #tpu.memory_space<vmem>>
      %dma_start3A_202 = arith.constant 0 : i32
      %dma_start3A_203 = arith.constant 0 : i32
      %dma_start3A_204 = tpu.memref_slice %arg7[%dma_start3A_202, %dma_start3A_203] : memref<10240x128xf32, #tpu.memory_space<vmem_shared>> -> memref<10240x128xf32, #tpu.memory_space<vmem_shared>>
      tpu.enqueue_indirect_dma source(%arg5 : memref<128x128xf32, #tpu.memory_space<vmem>>) target(%dma_start3A_204 : memref<10240x128xf32, #tpu.memory_space<vmem_shared>>) offsets(%dma_start3A_201 : memref<128xi32, #tpu.memory_space<vmem>>) semaphore(%arg8 : memref<!tpu.dma_semaphore, #tpu.memory_space<semaphore_mem>>) {add = true}
      %mul3A_205 = arith.constant 20 : i32
      %mul3A_206 = arith.muli %scan3A_45, %mul3A_205 : i32
      %add3A_207 = arith.constant 16 : i32
      %add3A_208 = arith.addi %mul3A_206, %add3A_207 : i32
      %dma_start3A_209 = arith.constant 0 : i32
      %dma_start3A_210 = tpu.memref_slice %arg4[%add3A_208, %dma_start3A_209] : memref<40x128xi32, #tpu.memory_space<vmem>> -> memref<1x128xi32, #tpu.memory_space<vmem>>
      %dma_start3A_211 = tpu.memref_squeeze %dma_start3A_210 : memref<1x128xi32, #tpu.memory_space<vmem>> -> memref<128xi32, #tpu.memory_space<vmem>>
      %dma_start3A_212 = arith.constant 0 : i32
      %dma_start3A_213 = arith.constant 0 : i32
      %dma_start3A_214 = tpu.memref_slice %arg7[%dma_start3A_212, %dma_start3A_213] : memref<10240x128xf32, #tpu.memory_space<vmem_shared>> -> memref<10240x128xf32, #tpu.memory_space<vmem_shared>>
      tpu.enqueue_indirect_dma source(%arg5 : memref<128x128xf32, #tpu.memory_space<vmem>>) target(%dma_start3A_214 : memref<10240x128xf32, #tpu.memory_space<vmem_shared>>) offsets(%dma_start3A_211 : memref<128xi32, #tpu.memory_space<vmem>>) semaphore(%arg8 : memref<!tpu.dma_semaphore, #tpu.memory_space<semaphore_mem>>) {add = true}
      %mul3A_215 = arith.constant 20 : i32
      %mul3A_216 = arith.muli %scan3A_45, %mul3A_215 : i32
      %add3A_217 = arith.constant 17 : i32
      %add3A_218 = arith.addi %mul3A_216, %add3A_217 : i32
      %dma_start3A_219 = arith.constant 0 : i32
      %dma_start3A_220 = tpu.memref_slice %arg4[%add3A_218, %dma_start3A_219] : memref<40x128xi32, #tpu.memory_space<vmem>> -> memref<1x128xi32, #tpu.memory_space<vmem>>
      %dma_start3A_221 = tpu.memref_squeeze %dma_start3A_220 : memref<1x128xi32, #tpu.memory_space<vmem>> -> memref<128xi32, #tpu.memory_space<vmem>>
      %dma_start3A_222 = arith.constant 0 : i32
      %dma_start3A_223 = arith.constant 0 : i32
      %dma_start3A_224 = tpu.memref_slice %arg7[%dma_start3A_222, %dma_start3A_223] : memref<10240x128xf32, #tpu.memory_space<vmem_shared>> -> memref<10240x128xf32, #tpu.memory_space<vmem_shared>>
      tpu.enqueue_indirect_dma source(%arg5 : memref<128x128xf32, #tpu.memory_space<vmem>>) target(%dma_start3A_224 : memref<10240x128xf32, #tpu.memory_space<vmem_shared>>) offsets(%dma_start3A_221 : memref<128xi32, #tpu.memory_space<vmem>>) semaphore(%arg8 : memref<!tpu.dma_semaphore, #tpu.memory_space<semaphore_mem>>) {add = true}
      %mul3A_225 = arith.constant 20 : i32
      %mul3A_226 = arith.muli %scan3A_45, %mul3A_225 : i32
      %add3A_227 = arith.constant 18 : i32
      %add3A_228 = arith.addi %mul3A_226, %add3A_227 : i32
      %dma_start3A_229 = arith.constant 0 : i32
      %dma_start3A_230 = tpu.memref_slice %arg4[%add3A_228, %dma_start3A_229] : memref<40x128xi32, #tpu.memory_space<vmem>> -> memref<1x128xi32, #tpu.memory_space<vmem>>
      %dma_start3A_231 = tpu.memref_squeeze %dma_start3A_230 : memref<1x128xi32, #tpu.memory_space<vmem>> -> memref<128xi32, #tpu.memory_space<vmem>>
      %dma_start3A_232 = arith.constant 0 : i32
      %dma_start3A_233 = arith.constant 0 : i32
      %dma_start3A_234 = tpu.memref_slice %arg7[%dma_start3A_232, %dma_start3A_233] : memref<10240x128xf32, #tpu.memory_space<vmem_shared>> -> memref<10240x128xf32, #tpu.memory_space<vmem_shared>>
      tpu.enqueue_indirect_dma source(%arg5 : memref<128x128xf32, #tpu.memory_space<vmem>>) target(%dma_start3A_234 : memref<10240x128xf32, #tpu.memory_space<vmem_shared>>) offsets(%dma_start3A_231 : memref<128xi32, #tpu.memory_space<vmem>>) semaphore(%arg8 : memref<!tpu.dma_semaphore, #tpu.memory_space<semaphore_mem>>) {add = true}
      %mul3A_235 = arith.constant 20 : i32
      %mul3A_236 = arith.muli %scan3A_45, %mul3A_235 : i32
      %add3A_237 = arith.constant 19 : i32
      %add3A_238 = arith.addi %mul3A_236, %add3A_237 : i32
      %dma_start3A_239 = arith.constant 0 : i32
      %dma_start3A_240 = tpu.memref_slice %arg4[%add3A_238, %dma_start3A_239] : memref<40x128xi32, #tpu.memory_space<vmem>> -> memref<1x128xi32, #tpu.memory_space<vmem>>
      %dma_start3A_241 = tpu.memref_squeeze %dma_start3A_240 : memref<1x128xi32, #tpu.memory_space<vmem>> -> memref<128xi32, #tpu.memory_space<vmem>>
      %dma_start3A_242 = arith.constant 0 : i32
      %dma_start3A_243 = arith.constant 0 : i32
      %dma_start3A_244 = tpu.memref_slice %arg7[%dma_start3A_242, %dma_start3A_243] : memref<10240x128xf32, #tpu.memory_space<vmem_shared>> -> memref<10240x128xf32, #tpu.memory_space<vmem_shared>>
      tpu.enqueue_indirect_dma source(%arg5 : memref<128x128xf32, #tpu.memory_space<vmem>>) target(%dma_start3A_244 : memref<10240x128xf32, #tpu.memory_space<vmem_shared>>) offsets(%dma_start3A_241 : memref<128xi32, #tpu.memory_space<vmem>>) semaphore(%arg8 : memref<!tpu.dma_semaphore, #tpu.memory_space<semaphore_mem>>) {add = true}
      %mul3A_245 = arith.constant 20 : i32
      %mul3A_246 = arith.muli %scan3A_45, %mul3A_245 : i32
      %add3A_247 = arith.constant 0 : i32
      %add3A_248 = arith.addi %mul3A_246, %add3A_247 : i32
      %dma_wait3A = arith.constant 0 : i32
      %dma_wait3A_249 = tpu.memref_slice %arg4[%add3A_248, %dma_wait3A] : memref<40x128xi32, #tpu.memory_space<vmem>> -> memref<1x128xi32, #tpu.memory_space<vmem>>
      %dma_wait3A_250 = tpu.memref_squeeze %dma_wait3A_249 : memref<1x128xi32, #tpu.memory_space<vmem>> -> memref<128xi32, #tpu.memory_space<vmem>>
      %dma_wait3A_251 = arith.constant 0 : i32
      %dma_wait3A_252 = arith.constant 0 : i32
      %dma_wait3A_253 = tpu.memref_slice %arg7[%dma_wait3A_251, %dma_wait3A_252] : memref<10240x128xf32, #tpu.memory_space<vmem_shared>> -> memref<10240x128xf32, #tpu.memory_space<vmem_shared>>
      tpu.wait_indirect_dma semaphore(%arg8 : memref<!tpu.dma_semaphore, #tpu.memory_space<semaphore_mem>>) src(%arg5 : memref<128x128xf32, #tpu.memory_space<vmem>>) dst(%dma_wait3A_253 : memref<10240x128xf32, #tpu.memory_space<vmem_shared>>)
      %mul3A_254 = arith.constant 20 : i32
      %mul3A_255 = arith.muli %scan3A_45, %mul3A_254 : i32
      %add3A_256 = arith.constant 1 : i32
      %add3A_257 = arith.addi %mul3A_255, %add3A_256 : i32
      %dma_wait3A_258 = arith.constant 0 : i32
      %dma_wait3A_259 = tpu.memref_slice %arg4[%add3A_257, %dma_wait3A_258] : memref<40x128xi32, #tpu.memory_space<vmem>> -> memref<1x128xi32, #tpu.memory_space<vmem>>
      %dma_wait3A_260 = tpu.memref_squeeze %dma_wait3A_259 : memref<1x128xi32, #tpu.memory_space<vmem>> -> memref<128xi32, #tpu.memory_space<vmem>>
      %dma_wait3A_261 = arith.constant 0 : i32
      %dma_wait3A_262 = arith.constant 0 : i32
      %dma_wait3A_263 = tpu.memref_slice %arg7[%dma_wait3A_261, %dma_wait3A_262] : memref<10240x128xf32, #tpu.memory_space<vmem_shared>> -> memref<10240x128xf32, #tpu.memory_space<vmem_shared>>
      tpu.wait_indirect_dma semaphore(%arg8 : memref<!tpu.dma_semaphore, #tpu.memory_space<semaphore_mem>>) src(%arg5 : memref<128x128xf32, #tpu.memory_space<vmem>>) dst(%dma_wait3A_263 : memref<10240x128xf32, #tpu.memory_space<vmem_shared>>)
      %mul3A_264 = arith.constant 20 : i32
      %mul3A_265 = arith.muli %scan3A_45, %mul3A_264 : i32
      %add3A_266 = arith.constant 2 : i32
      %add3A_267 = arith.addi %mul3A_265, %add3A_266 : i32
      %dma_wait3A_268 = arith.constant 0 : i32
      %dma_wait3A_269 = tpu.memref_slice %arg4[%add3A_267, %dma_wait3A_268] : memref<40x128xi32, #tpu.memory_space<vmem>> -> memref<1x128xi32, #tpu.memory_space<vmem>>
      %dma_wait3A_270 = tpu.memref_squeeze %dma_wait3A_269 : memref<1x128xi32, #tpu.memory_space<vmem>> -> memref<128xi32, #tpu.memory_space<vmem>>
      %dma_wait3A_271 = arith.constant 0 : i32
      %dma_wait3A_272 = arith.constant 0 : i32
      %dma_wait3A_273 = tpu.memref_slice %arg7[%dma_wait3A_271, %dma_wait3A_272] : memref<10240x128xf32, #tpu.memory_space<vmem_shared>> -> memref<10240x128xf32, #tpu.memory_space<vmem_shared>>
      tpu.wait_indirect_dma semaphore(%arg8 : memref<!tpu.dma_semaphore, #tpu.memory_space<semaphore_mem>>) src(%arg5 : memref<128x128xf32, #tpu.memory_space<vmem>>) dst(%dma_wait3A_273 : memref<10240x128xf32, #tpu.memory_space<vmem_shared>>)
      %mul3A_274 = arith.constant 20 : i32
      %mul3A_275 = arith.muli %scan3A_45, %mul3A_274 : i32
      %add3A_276 = arith.constant 3 : i32
      %add3A_277 = arith.addi %mul3A_275, %add3A_276 : i32
      %dma_wait3A_278 = arith.constant 0 : i32
      %dma_wait3A_279 = tpu.memref_slice %arg4[%add3A_277, %dma_wait3A_278] : memref<40x128xi32, #tpu.memory_space<vmem>> -> memref<1x128xi32, #tpu.memory_space<vmem>>
      %dma_wait3A_280 = tpu.memref_squeeze %dma_wait3A_279 : memref<1x128xi32, #tpu.memory_space<vmem>> -> memref<128xi32, #tpu.memory_space<vmem>>
      %dma_wait3A_281 = arith.constant 0 : i32
      %dma_wait3A_282 = arith.constant 0 : i32
      %dma_wait3A_283 = tpu.memref_slice %arg7[%dma_wait3A_281, %dma_wait3A_282] : memref<10240x128xf32, #tpu.memory_space<vmem_shared>> -> memref<10240x128xf32, #tpu.memory_space<vmem_shared>>
      tpu.wait_indirect_dma semaphore(%arg8 : memref<!tpu.dma_semaphore, #tpu.memory_space<semaphore_mem>>) src(%arg5 : memref<128x128xf32, #tpu.memory_space<vmem>>) dst(%dma_wait3A_283 : memref<10240x128xf32, #tpu.memory_space<vmem_shared>>)
      %mul3A_284 = arith.constant 20 : i32
      %mul3A_285 = arith.muli %scan3A_45, %mul3A_284 : i32
      %add3A_286 = arith.constant 4 : i32
      %add3A_287 = arith.addi %mul3A_285, %add3A_286 : i32
      %dma_wait3A_288 = arith.constant 0 : i32
      %dma_wait3A_289 = tpu.memref_slice %arg4[%add3A_287, %dma_wait3A_288] : memref<40x128xi32, #tpu.memory_space<vmem>> -> memref<1x128xi32, #tpu.memory_space<vmem>>
      %dma_wait3A_290 = tpu.memref_squeeze %dma_wait3A_289 : memref<1x128xi32, #tpu.memory_space<vmem>> -> memref<128xi32, #tpu.memory_space<vmem>>
      %dma_wait3A_291 = arith.constant 0 : i32
      %dma_wait3A_292 = arith.constant 0 : i32
      %dma_wait3A_293 = tpu.memref_slice %arg7[%dma_wait3A_291, %dma_wait3A_292] : memref<10240x128xf32, #tpu.memory_space<vmem_shared>> -> memref<10240x128xf32, #tpu.memory_space<vmem_shared>>
      tpu.wait_indirect_dma semaphore(%arg8 : memref<!tpu.dma_semaphore, #tpu.memory_space<semaphore_mem>>) src(%arg5 : memref<128x128xf32, #tpu.memory_space<vmem>>) dst(%dma_wait3A_293 : memref<10240x128xf32, #tpu.memory_space<vmem_shared>>)
      %mul3A_294 = arith.constant 20 : i32
      %mul3A_295 = arith.muli %scan3A_45, %mul3A_294 : i32
      %add3A_296 = arith.constant 5 : i32
      %add3A_297 = arith.addi %mul3A_295, %add3A_296 : i32
      %dma_wait3A_298 = arith.constant 0 : i32
      %dma_wait3A_299 = tpu.memref_slice %arg4[%add3A_297, %dma_wait3A_298] : memref<40x128xi32, #tpu.memory_space<vmem>> -> memref<1x128xi32, #tpu.memory_space<vmem>>
      %dma_wait3A_300 = tpu.memref_squeeze %dma_wait3A_299 : memref<1x128xi32, #tpu.memory_space<vmem>> -> memref<128xi32, #tpu.memory_space<vmem>>
      %dma_wait3A_301 = arith.constant 0 : i32
      %dma_wait3A_302 = arith.constant 0 : i32
      %dma_wait3A_303 = tpu.memref_slice %arg7[%dma_wait3A_301, %dma_wait3A_302] : memref<10240x128xf32, #tpu.memory_space<vmem_shared>> -> memref<10240x128xf32, #tpu.memory_space<vmem_shared>>
      tpu.wait_indirect_dma semaphore(%arg8 : memref<!tpu.dma_semaphore, #tpu.memory_space<semaphore_mem>>) src(%arg5 : memref<128x128xf32, #tpu.memory_space<vmem>>) dst(%dma_wait3A_303 : memref<10240x128xf32, #tpu.memory_space<vmem_shared>>)
      %mul3A_304 = arith.constant 20 : i32
      %mul3A_305 = arith.muli %scan3A_45, %mul3A_304 : i32
      %add3A_306 = arith.constant 6 : i32
      %add3A_307 = arith.addi %mul3A_305, %add3A_306 : i32
      %dma_wait3A_308 = arith.constant 0 : i32
      %dma_wait3A_309 = tpu.memref_slice %arg4[%add3A_307, %dma_wait3A_308] : memref<40x128xi32, #tpu.memory_space<vmem>> -> memref<1x128xi32, #tpu.memory_space<vmem>>
      %dma_wait3A_310 = tpu.memref_squeeze %dma_wait3A_309 : memref<1x128xi32, #tpu.memory_space<vmem>> -> memref<128xi32, #tpu.memory_space<vmem>>
      %dma_wait3A_311 = arith.constant 0 : i32
      %dma_wait3A_312 = arith.constant 0 : i32
      %dma_wait3A_313 = tpu.memref_slice %arg7[%dma_wait3A_311, %dma_wait3A_312] : memref<10240x128xf32, #tpu.memory_space<vmem_shared>> -> memref<10240x128xf32, #tpu.memory_space<vmem_shared>>
      tpu.wait_indirect_dma semaphore(%arg8 : memref<!tpu.dma_semaphore, #tpu.memory_space<semaphore_mem>>) src(%arg5 : memref<128x128xf32, #tpu.memory_space<vmem>>) dst(%dma_wait3A_313 : memref<10240x128xf32, #tpu.memory_space<vmem_shared>>)
      %mul3A_314 = arith.constant 20 : i32
      %mul3A_315 = arith.muli %scan3A_45, %mul3A_314 : i32
      %add3A_316 = arith.constant 7 : i32
      %add3A_317 = arith.addi %mul3A_315, %add3A_316 : i32
      %dma_wait3A_318 = arith.constant 0 : i32
      %dma_wait3A_319 = tpu.memref_slice %arg4[%add3A_317, %dma_wait3A_318] : memref<40x128xi32, #tpu.memory_space<vmem>> -> memref<1x128xi32, #tpu.memory_space<vmem>>
      %dma_wait3A_320 = tpu.memref_squeeze %dma_wait3A_319 : memref<1x128xi32, #tpu.memory_space<vmem>> -> memref<128xi32, #tpu.memory_space<vmem>>
      %dma_wait3A_321 = arith.constant 0 : i32
      %dma_wait3A_322 = arith.constant 0 : i32
      %dma_wait3A_323 = tpu.memref_slice %arg7[%dma_wait3A_321, %dma_wait3A_322] : memref<10240x128xf32, #tpu.memory_space<vmem_shared>> -> memref<10240x128xf32, #tpu.memory_space<vmem_shared>>
      tpu.wait_indirect_dma semaphore(%arg8 : memref<!tpu.dma_semaphore, #tpu.memory_space<semaphore_mem>>) src(%arg5 : memref<128x128xf32, #tpu.memory_space<vmem>>) dst(%dma_wait3A_323 : memref<10240x128xf32, #tpu.memory_space<vmem_shared>>)
      %mul3A_324 = arith.constant 20 : i32
      %mul3A_325 = arith.muli %scan3A_45, %mul3A_324 : i32
      %add3A_326 = arith.constant 8 : i32
      %add3A_327 = arith.addi %mul3A_325, %add3A_326 : i32
      %dma_wait3A_328 = arith.constant 0 : i32
      %dma_wait3A_329 = tpu.memref_slice %arg4[%add3A_327, %dma_wait3A_328] : memref<40x128xi32, #tpu.memory_space<vmem>> -> memref<1x128xi32, #tpu.memory_space<vmem>>
      %dma_wait3A_330 = tpu.memref_squeeze %dma_wait3A_329 : memref<1x128xi32, #tpu.memory_space<vmem>> -> memref<128xi32, #tpu.memory_space<vmem>>
      %dma_wait3A_331 = arith.constant 0 : i32
      %dma_wait3A_332 = arith.constant 0 : i32
      %dma_wait3A_333 = tpu.memref_slice %arg7[%dma_wait3A_331, %dma_wait3A_332] : memref<10240x128xf32, #tpu.memory_space<vmem_shared>> -> memref<10240x128xf32, #tpu.memory_space<vmem_shared>>
      tpu.wait_indirect_dma semaphore(%arg8 : memref<!tpu.dma_semaphore, #tpu.memory_space<semaphore_mem>>) src(%arg5 : memref<128x128xf32, #tpu.memory_space<vmem>>) dst(%dma_wait3A_333 : memref<10240x128xf32, #tpu.memory_space<vmem_shared>>)
      %mul3A_334 = arith.constant 20 : i32
      %mul3A_335 = arith.muli %scan3A_45, %mul3A_334 : i32
      %add3A_336 = arith.constant 9 : i32
      %add3A_337 = arith.addi %mul3A_335, %add3A_336 : i32
      %dma_wait3A_338 = arith.constant 0 : i32
      %dma_wait3A_339 = tpu.memref_slice %arg4[%add3A_337, %dma_wait3A_338] : memref<40x128xi32, #tpu.memory_space<vmem>> -> memref<1x128xi32, #tpu.memory_space<vmem>>
      %dma_wait3A_340 = tpu.memref_squeeze %dma_wait3A_339 : memref<1x128xi32, #tpu.memory_space<vmem>> -> memref<128xi32, #tpu.memory_space<vmem>>
      %dma_wait3A_341 = arith.constant 0 : i32
      %dma_wait3A_342 = arith.constant 0 : i32
      %dma_wait3A_343 = tpu.memref_slice %arg7[%dma_wait3A_341, %dma_wait3A_342] : memref<10240x128xf32, #tpu.memory_space<vmem_shared>> -> memref<10240x128xf32, #tpu.memory_space<vmem_shared>>
      tpu.wait_indirect_dma semaphore(%arg8 : memref<!tpu.dma_semaphore, #tpu.memory_space<semaphore_mem>>) src(%arg5 : memref<128x128xf32, #tpu.memory_space<vmem>>) dst(%dma_wait3A_343 : memref<10240x128xf32, #tpu.memory_space<vmem_shared>>)
      %mul3A_344 = arith.constant 20 : i32
      %mul3A_345 = arith.muli %scan3A_45, %mul3A_344 : i32
      %add3A_346 = arith.constant 10 : i32
      %add3A_347 = arith.addi %mul3A_345, %add3A_346 : i32
      %dma_wait3A_348 = arith.constant 0 : i32
      %dma_wait3A_349 = tpu.memref_slice %arg4[%add3A_347, %dma_wait3A_348] : memref<40x128xi32, #tpu.memory_space<vmem>> -> memref<1x128xi32, #tpu.memory_space<vmem>>
      %dma_wait3A_350 = tpu.memref_squeeze %dma_wait3A_349 : memref<1x128xi32, #tpu.memory_space<vmem>> -> memref<128xi32, #tpu.memory_space<vmem>>
      %dma_wait3A_351 = arith.constant 0 : i32
      %dma_wait3A_352 = arith.constant 0 : i32
      %dma_wait3A_353 = tpu.memref_slice %arg7[%dma_wait3A_351, %dma_wait3A_352] : memref<10240x128xf32, #tpu.memory_space<vmem_shared>> -> memref<10240x128xf32, #tpu.memory_space<vmem_shared>>
      tpu.wait_indirect_dma semaphore(%arg8 : memref<!tpu.dma_semaphore, #tpu.memory_space<semaphore_mem>>) src(%arg5 : memref<128x128xf32, #tpu.memory_space<vmem>>) dst(%dma_wait3A_353 : memref<10240x128xf32, #tpu.memory_space<vmem_shared>>)
      %mul3A_354 = arith.constant 20 : i32
      %mul3A_355 = arith.muli %scan3A_45, %mul3A_354 : i32
      %add3A_356 = arith.constant 11 : i32
      %add3A_357 = arith.addi %mul3A_355, %add3A_356 : i32
      %dma_wait3A_358 = arith.constant 0 : i32
      %dma_wait3A_359 = tpu.memref_slice %arg4[%add3A_357, %dma_wait3A_358] : memref<40x128xi32, #tpu.memory_space<vmem>> -> memref<1x128xi32, #tpu.memory_space<vmem>>
      %dma_wait3A_360 = tpu.memref_squeeze %dma_wait3A_359 : memref<1x128xi32, #tpu.memory_space<vmem>> -> memref<128xi32, #tpu.memory_space<vmem>>
      %dma_wait3A_361 = arith.constant 0 : i32
      %dma_wait3A_362 = arith.constant 0 : i32
      %dma_wait3A_363 = tpu.memref_slice %arg7[%dma_wait3A_361, %dma_wait3A_362] : memref<10240x128xf32, #tpu.memory_space<vmem_shared>> -> memref<10240x128xf32, #tpu.memory_space<vmem_shared>>
      tpu.wait_indirect_dma semaphore(%arg8 : memref<!tpu.dma_semaphore, #tpu.memory_space<semaphore_mem>>) src(%arg5 : memref<128x128xf32, #tpu.memory_space<vmem>>) dst(%dma_wait3A_363 : memref<10240x128xf32, #tpu.memory_space<vmem_shared>>)
      %mul3A_364 = arith.constant 20 : i32
      %mul3A_365 = arith.muli %scan3A_45, %mul3A_364 : i32
      %add3A_366 = arith.constant 12 : i32
      %add3A_367 = arith.addi %mul3A_365, %add3A_366 : i32
      %dma_wait3A_368 = arith.constant 0 : i32
      %dma_wait3A_369 = tpu.memref_slice %arg4[%add3A_367, %dma_wait3A_368] : memref<40x128xi32, #tpu.memory_space<vmem>> -> memref<1x128xi32, #tpu.memory_space<vmem>>
      %dma_wait3A_370 = tpu.memref_squeeze %dma_wait3A_369 : memref<1x128xi32, #tpu.memory_space<vmem>> -> memref<128xi32, #tpu.memory_space<vmem>>
      %dma_wait3A_371 = arith.constant 0 : i32
      %dma_wait3A_372 = arith.constant 0 : i32
      %dma_wait3A_373 = tpu.memref_slice %arg7[%dma_wait3A_371, %dma_wait3A_372] : memref<10240x128xf32, #tpu.memory_space<vmem_shared>> -> memref<10240x128xf32, #tpu.memory_space<vmem_shared>>
      tpu.wait_indirect_dma semaphore(%arg8 : memref<!tpu.dma_semaphore, #tpu.memory_space<semaphore_mem>>) src(%arg5 : memref<128x128xf32, #tpu.memory_space<vmem>>) dst(%dma_wait3A_373 : memref<10240x128xf32, #tpu.memory_space<vmem_shared>>)
      %mul3A_374 = arith.constant 20 : i32
      %mul3A_375 = arith.muli %scan3A_45, %mul3A_374 : i32
      %add3A_376 = arith.constant 13 : i32
      %add3A_377 = arith.addi %mul3A_375, %add3A_376 : i32
      %dma_wait3A_378 = arith.constant 0 : i32
      %dma_wait3A_379 = tpu.memref_slice %arg4[%add3A_377, %dma_wait3A_378] : memref<40x128xi32, #tpu.memory_space<vmem>> -> memref<1x128xi32, #tpu.memory_space<vmem>>
      %dma_wait3A_380 = tpu.memref_squeeze %dma_wait3A_379 : memref<1x128xi32, #tpu.memory_space<vmem>> -> memref<128xi32, #tpu.memory_space<vmem>>
      %dma_wait3A_381 = arith.constant 0 : i32
      %dma_wait3A_382 = arith.constant 0 : i32
      %dma_wait3A_383 = tpu.memref_slice %arg7[%dma_wait3A_381, %dma_wait3A_382] : memref<10240x128xf32, #tpu.memory_space<vmem_shared>> -> memref<10240x128xf32, #tpu.memory_space<vmem_shared>>
      tpu.wait_indirect_dma semaphore(%arg8 : memref<!tpu.dma_semaphore, #tpu.memory_space<semaphore_mem>>) src(%arg5 : memref<128x128xf32, #tpu.memory_space<vmem>>) dst(%dma_wait3A_383 : memref<10240x128xf32, #tpu.memory_space<vmem_shared>>)
      %mul3A_384 = arith.constant 20 : i32
      %mul3A_385 = arith.muli %scan3A_45, %mul3A_384 : i32
      %add3A_386 = arith.constant 14 : i32
      %add3A_387 = arith.addi %mul3A_385, %add3A_386 : i32
      %dma_wait3A_388 = arith.constant 0 : i32
      %dma_wait3A_389 = tpu.memref_slice %arg4[%add3A_387, %dma_wait3A_388] : memref<40x128xi32, #tpu.memory_space<vmem>> -> memref<1x128xi32, #tpu.memory_space<vmem>>
      %dma_wait3A_390 = tpu.memref_squeeze %dma_wait3A_389 : memref<1x128xi32, #tpu.memory_space<vmem>> -> memref<128xi32, #tpu.memory_space<vmem>>
      %dma_wait3A_391 = arith.constant 0 : i32
      %dma_wait3A_392 = arith.constant 0 : i32
      %dma_wait3A_393 = tpu.memref_slice %arg7[%dma_wait3A_391, %dma_wait3A_392] : memref<10240x128xf32, #tpu.memory_space<vmem_shared>> -> memref<10240x128xf32, #tpu.memory_space<vmem_shared>>
      tpu.wait_indirect_dma semaphore(%arg8 : memref<!tpu.dma_semaphore, #tpu.memory_space<semaphore_mem>>) src(%arg5 : memref<128x128xf32, #tpu.memory_space<vmem>>) dst(%dma_wait3A_393 : memref<10240x128xf32, #tpu.memory_space<vmem_shared>>)
      %mul3A_394 = arith.constant 20 : i32
      %mul3A_395 = arith.muli %scan3A_45, %mul3A_394 : i32
      %add3A_396 = arith.constant 15 : i32
      %add3A_397 = arith.addi %mul3A_395, %add3A_396 : i32
      %dma_wait3A_398 = arith.constant 0 : i32
      %dma_wait3A_399 = tpu.memref_slice %arg4[%add3A_397, %dma_wait3A_398] : memref<40x128xi32, #tpu.memory_space<vmem>> -> memref<1x128xi32, #tpu.memory_space<vmem>>
      %dma_wait3A_400 = tpu.memref_squeeze %dma_wait3A_399 : memref<1x128xi32, #tpu.memory_space<vmem>> -> memref<128xi32, #tpu.memory_space<vmem>>
      %dma_wait3A_401 = arith.constant 0 : i32
      %dma_wait3A_402 = arith.constant 0 : i32
      %dma_wait3A_403 = tpu.memref_slice %arg7[%dma_wait3A_401, %dma_wait3A_402] : memref<10240x128xf32, #tpu.memory_space<vmem_shared>> -> memref<10240x128xf32, #tpu.memory_space<vmem_shared>>
      tpu.wait_indirect_dma semaphore(%arg8 : memref<!tpu.dma_semaphore, #tpu.memory_space<semaphore_mem>>) src(%arg5 : memref<128x128xf32, #tpu.memory_space<vmem>>) dst(%dma_wait3A_403 : memref<10240x128xf32, #tpu.memory_space<vmem_shared>>)
      %mul3A_404 = arith.constant 20 : i32
      %mul3A_405 = arith.muli %scan3A_45, %mul3A_404 : i32
      %add3A_406 = arith.constant 16 : i32
      %add3A_407 = arith.addi %mul3A_405, %add3A_406 : i32
      %dma_wait3A_408 = arith.constant 0 : i32
      %dma_wait3A_409 = tpu.memref_slice %arg4[%add3A_407, %dma_wait3A_408] : memref<40x128xi32, #tpu.memory_space<vmem>> -> memref<1x128xi32, #tpu.memory_space<vmem>>
      %dma_wait3A_410 = tpu.memref_squeeze %dma_wait3A_409 : memref<1x128xi32, #tpu.memory_space<vmem>> -> memref<128xi32, #tpu.memory_space<vmem>>
      %dma_wait3A_411 = arith.constant 0 : i32
      %dma_wait3A_412 = arith.constant 0 : i32
      %dma_wait3A_413 = tpu.memref_slice %arg7[%dma_wait3A_411, %dma_wait3A_412] : memref<10240x128xf32, #tpu.memory_space<vmem_shared>> -> memref<10240x128xf32, #tpu.memory_space<vmem_shared>>
      tpu.wait_indirect_dma semaphore(%arg8 : memref<!tpu.dma_semaphore, #tpu.memory_space<semaphore_mem>>) src(%arg5 : memref<128x128xf32, #tpu.memory_space<vmem>>) dst(%dma_wait3A_413 : memref<10240x128xf32, #tpu.memory_space<vmem_shared>>)
      %mul3A_414 = arith.constant 20 : i32
      %mul3A_415 = arith.muli %scan3A_45, %mul3A_414 : i32
      %add3A_416 = arith.constant 17 : i32
      %add3A_417 = arith.addi %mul3A_415, %add3A_416 : i32
      %dma_wait3A_418 = arith.constant 0 : i32
      %dma_wait3A_419 = tpu.memref_slice %arg4[%add3A_417, %dma_wait3A_418] : memref<40x128xi32, #tpu.memory_space<vmem>> -> memref<1x128xi32, #tpu.memory_space<vmem>>
      %dma_wait3A_420 = tpu.memref_squeeze %dma_wait3A_419 : memref<1x128xi32, #tpu.memory_space<vmem>> -> memref<128xi32, #tpu.memory_space<vmem>>
      %dma_wait3A_421 = arith.constant 0 : i32
      %dma_wait3A_422 = arith.constant 0 : i32
      %dma_wait3A_423 = tpu.memref_slice %arg7[%dma_wait3A_421, %dma_wait3A_422] : memref<10240x128xf32, #tpu.memory_space<vmem_shared>> -> memref<10240x128xf32, #tpu.memory_space<vmem_shared>>
      tpu.wait_indirect_dma semaphore(%arg8 : memref<!tpu.dma_semaphore, #tpu.memory_space<semaphore_mem>>) src(%arg5 : memref<128x128xf32, #tpu.memory_space<vmem>>) dst(%dma_wait3A_423 : memref<10240x128xf32, #tpu.memory_space<vmem_shared>>)
      %mul3A_424 = arith.constant 20 : i32
      %mul3A_425 = arith.muli %scan3A_45, %mul3A_424 : i32
      %add3A_426 = arith.constant 18 : i32
      %add3A_427 = arith.addi %mul3A_425, %add3A_426 : i32
      %dma_wait3A_428 = arith.constant 0 : i32
      %dma_wait3A_429 = tpu.memref_slice %arg4[%add3A_427, %dma_wait3A_428] : memref<40x128xi32, #tpu.memory_space<vmem>> -> memref<1x128xi32, #tpu.memory_space<vmem>>
      %dma_wait3A_430 = tpu.memref_squeeze %dma_wait3A_429 : memref<1x128xi32, #tpu.memory_space<vmem>> -> memref<128xi32, #tpu.memory_space<vmem>>
      %dma_wait3A_431 = arith.constant 0 : i32
      %dma_wait3A_432 = arith.constant 0 : i32
      %dma_wait3A_433 = tpu.memref_slice %arg7[%dma_wait3A_431, %dma_wait3A_432] : memref<10240x128xf32, #tpu.memory_space<vmem_shared>> -> memref<10240x128xf32, #tpu.memory_space<vmem_shared>>
      tpu.wait_indirect_dma semaphore(%arg8 : memref<!tpu.dma_semaphore, #tpu.memory_space<semaphore_mem>>) src(%arg5 : memref<128x128xf32, #tpu.memory_space<vmem>>) dst(%dma_wait3A_433 : memref<10240x128xf32, #tpu.memory_space<vmem_shared>>)
      %mul3A_434 = arith.constant 20 : i32
      %mul3A_435 = arith.muli %scan3A_45, %mul3A_434 : i32
      %add3A_436 = arith.constant 19 : i32
      %add3A_437 = arith.addi %mul3A_435, %add3A_436 : i32
      %dma_wait3A_438 = arith.constant 0 : i32
      %dma_wait3A_439 = tpu.memref_slice %arg4[%add3A_437, %dma_wait3A_438] : memref<40x128xi32, #tpu.memory_space<vmem>> -> memref<1x128xi32, #tpu.memory_space<vmem>>
      %dma_wait3A_440 = tpu.memref_squeeze %dma_wait3A_439 : memref<1x128xi32, #tpu.memory_space<vmem>> -> memref<128xi32, #tpu.memory_space<vmem>>
      %dma_wait3A_441 = arith.constant 0 : i32
      %dma_wait3A_442 = arith.constant 0 : i32
      %dma_wait3A_443 = tpu.memref_slice %arg7[%dma_wait3A_441, %dma_wait3A_442] : memref<10240x128xf32, #tpu.memory_space<vmem_shared>> -> memref<10240x128xf32, #tpu.memory_space<vmem_shared>>
      tpu.wait_indirect_dma semaphore(%arg8 : memref<!tpu.dma_semaphore, #tpu.memory_space<semaphore_mem>>) src(%arg5 : memref<128x128xf32, #tpu.memory_space<vmem>>) dst(%dma_wait3A_443 : memref<10240x128xf32, #tpu.memory_space<vmem_shared>>)
    }
    %scan3A_36 = arith.constant 2 : i32
    %barrier3A_37 = arith.constant 0 : index
    tpu.barrier barrier_id(%barrier3A_37)
    %mul3A_38 = arith.constant 640 : i32
    %mul3A_39 = arith.muli %arg1, %mul3A_38 : i32
    %mul3A_40 = arith.constant 10240 : i32
    %mul3A_41 = arith.muli %arg0, %mul3A_40 : i32
    %mul3A_42 = arith.constant 640 : i32
    %mul3A_43 = arith.muli %arg1, %mul3A_42 : i32
    %add3A_44 = arith.addi %mul3A_41, %mul3A_43 : i32
    "tpu.region"() ({
      %run_scoped3A = tpu.sem_alloc : memref<!tpu.dma_semaphore, #tpu.memory_space<semaphore_mem>>
      %dma_start3A = arith.constant 0 : i32
      %dma_start3A_45 = tpu.memref_slice %arg3[%add3A_44, %dma_start3A] : memref<20480x128xf32, #tpu.memory_space<hbm>> -> memref<640x128xf32, #tpu.memory_space<hbm>>
      %dma_start3A_46 = arith.constant 0 : i32
      %dma_start3A_47 = tpu.memref_slice %arg7[%mul3A_39, %dma_start3A_46] : memref<10240x128xf32, #tpu.memory_space<vmem_shared>> -> memref<640x128xf32, #tpu.memory_space<vmem_shared>>
      tpu.enqueue_dma source(%dma_start3A_47 : memref<640x128xf32, #tpu.memory_space<vmem_shared>>) target(%dma_start3A_45 : memref<640x128xf32, #tpu.memory_space<hbm>>) target_semaphore(%run_scoped3A : memref<!tpu.dma_semaphore, #tpu.memory_space<semaphore_mem>>)
      %dma_wait3A = arith.constant 0 : i32
      %dma_wait3A_48 = tpu.memref_slice %arg3[%add3A_44, %dma_wait3A] : memref<20480x128xf32, #tpu.memory_space<hbm>> -> memref<640x128xf32, #tpu.memory_space<hbm>>
      %dma_wait3A_49 = arith.constant 0 : i32
      %dma_wait3A_50 = tpu.memref_slice %arg7[%mul3A_39, %dma_wait3A_49] : memref<10240x128xf32, #tpu.memory_space<vmem_shared>> -> memref<640x128xf32, #tpu.memory_space<vmem_shared>>
      tpu.wait_dma2 semaphore(%run_scoped3A : memref<!tpu.dma_semaphore, #tpu.memory_space<semaphore_mem>>) src(%dma_wait3A_50 : memref<640x128xf32, #tpu.memory_space<vmem_shared>>) dst(%dma_wait3A_48 : memref<640x128xf32, #tpu.memory_space<hbm>>)
      tpu.yield
    }) : () -> ()
    return
  }
}

#map = affine_map<(d0, d1) -> (0, 0)>
module attributes {stable_mosaic.version = 14 : i64} {
  func.func @_prop_kernel(%arg0: i32, %arg1: i32, %arg2: memref<20480x128xf32, #tpu.memory_space<hbm>>, %arg3: memref<1280x128xi32, #tpu.memory_space<hbm>>, %arg4: memref<1280x128xi32, #tpu.memory_space<hbm>>, %arg5: memref<20480x128xf32, #tpu.memory_space<hbm>>, %arg6: memref<40x128xi32, #tpu.memory_space<vmem>>, %arg7: memref<40x128xi32, #tpu.memory_space<vmem>>, %arg8: memref<128x128xf32, #tpu.memory_space<vmem>>, %arg9: memref<128x128xf32, #tpu.memory_space<vmem>>, %arg10: memref<10240x128xf32, #tpu.memory_space<vmem_shared>>, %arg11: memref<!tpu.dma_semaphore, #tpu.memory_space<semaphore_mem>>, %arg12: memref<!tpu.dma_semaphore, #tpu.memory_space<semaphore_mem>>, %arg13: memref<!tpu.dma_semaphore, #tpu.memory_space<semaphore_mem>>, %arg14: memref<!tpu.dma_semaphore, #tpu.memory_space<semaphore_mem>>) attributes {dimension_semantics = [#tpu.dimension_semantics<core_parallel>, #tpu.dimension_semantics<subcore_parallel>], iteration_bounds = array<i64: 2, 16>, scalar_prefetch = 0 : i64, scratch_operands = 9 : i64, tpu.core_type = #tpu.core_type<sc_vector_subcore>, window_params = [{transform_indices = #map}, {transform_indices = #map}, {transform_indices = #map}, {transform_indices = #map}]} {
    %mul3A = arith.constant 10240 : i32
    %mul3A_0 = arith.muli %arg0, %mul3A : i32
    %broadcast_in_dim3A = arith.constant 0.000000e+00 : f32
    %broadcast_in_dim3A_1 = vector.broadcast %broadcast_in_dim3A : f32 to vector<16xf32>
    %scan3A = arith.constant 0 : i32
    %scan3A_2 = arith.constant 0 : i32
    %scan3A_3 = arith.constant 128 : i32
    %scan3A_4 = arith.addi %scan3A_2, %scan3A_3 : i32
    %scan3A_5 = arith.constant 1 : i32
    scf.for %scan3A_92 = %scan3A_2 to %scan3A_4 step %scan3A_5  : i32 {
      %swap3A = arith.index_cast %scan3A_92 : i32 to index
      %swap3A_93 = arith.constant 0 : index
      %swap3A_94 = tpu.vector_load %arg8[%swap3A, %swap3A_93] {strides = array<i32>} : memref<128x128xf32, #tpu.memory_space<vmem>>, vector<1x16xf32>,
      %swap3A_95 = vector.shape_cast %swap3A_94 : vector<1x16xf32> to vector<16xf32>
      %swap3A_96 = vector.shape_cast %broadcast_in_dim3A_1 : vector<16xf32> to vector<1x16xf32>
      tpu.vector_store %arg8[%swap3A, %swap3A_93], %swap3A_96 {strides = array<i32>} : memref<128x128xf32, #tpu.memory_space<vmem>>, vector<1x16xf32>,
      %swap3A_97 = arith.index_cast %scan3A_92 : i32 to index
      %swap3A_98 = arith.constant 16 : index
      %swap3A_99 = tpu.vector_load %arg8[%swap3A_97, %swap3A_98] {strides = array<i32>} : memref<128x128xf32, #tpu.memory_space<vmem>>, vector<1x16xf32>,
      %swap3A_100 = vector.shape_cast %swap3A_99 : vector<1x16xf32> to vector<16xf32>
      %swap3A_101 = vector.shape_cast %broadcast_in_dim3A_1 : vector<16xf32> to vector<1x16xf32>
      tpu.vector_store %arg8[%swap3A_97, %swap3A_98], %swap3A_101 {strides = array<i32>} : memref<128x128xf32, #tpu.memory_space<vmem>>, vector<1x16xf32>,
      %swap3A_102 = arith.index_cast %scan3A_92 : i32 to index
      %swap3A_103 = arith.constant 32 : index
      %swap3A_104 = tpu.vector_load %arg8[%swap3A_102, %swap3A_103] {strides = array<i32>} : memref<128x128xf32, #tpu.memory_space<vmem>>, vector<1x16xf32>,
      %swap3A_105 = vector.shape_cast %swap3A_104 : vector<1x16xf32> to vector<16xf32>
      %swap3A_106 = vector.shape_cast %broadcast_in_dim3A_1 : vector<16xf32> to vector<1x16xf32>
      tpu.vector_store %arg8[%swap3A_102, %swap3A_103], %swap3A_106 {strides = array<i32>} : memref<128x128xf32, #tpu.memory_space<vmem>>, vector<1x16xf32>,
      %swap3A_107 = arith.index_cast %scan3A_92 : i32 to index
      %swap3A_108 = arith.constant 48 : index
      %swap3A_109 = tpu.vector_load %arg8[%swap3A_107, %swap3A_108] {strides = array<i32>} : memref<128x128xf32, #tpu.memory_space<vmem>>, vector<1x16xf32>,
      %swap3A_110 = vector.shape_cast %swap3A_109 : vector<1x16xf32> to vector<16xf32>
      %swap3A_111 = vector.shape_cast %broadcast_in_dim3A_1 : vector<16xf32> to vector<1x16xf32>
      tpu.vector_store %arg8[%swap3A_107, %swap3A_108], %swap3A_111 {strides = array<i32>} : memref<128x128xf32, #tpu.memory_space<vmem>>, vector<1x16xf32>,
      %swap3A_112 = arith.index_cast %scan3A_92 : i32 to index
      %swap3A_113 = arith.constant 64 : index
      %swap3A_114 = tpu.vector_load %arg8[%swap3A_112, %swap3A_113] {strides = array<i32>} : memref<128x128xf32, #tpu.memory_space<vmem>>, vector<1x16xf32>,
      %swap3A_115 = vector.shape_cast %swap3A_114 : vector<1x16xf32> to vector<16xf32>
      %swap3A_116 = vector.shape_cast %broadcast_in_dim3A_1 : vector<16xf32> to vector<1x16xf32>
      tpu.vector_store %arg8[%swap3A_112, %swap3A_113], %swap3A_116 {strides = array<i32>} : memref<128x128xf32, #tpu.memory_space<vmem>>, vector<1x16xf32>,
      %swap3A_117 = arith.index_cast %scan3A_92 : i32 to index
      %swap3A_118 = arith.constant 80 : index
      %swap3A_119 = tpu.vector_load %arg8[%swap3A_117, %swap3A_118] {strides = array<i32>} : memref<128x128xf32, #tpu.memory_space<vmem>>, vector<1x16xf32>,
      %swap3A_120 = vector.shape_cast %swap3A_119 : vector<1x16xf32> to vector<16xf32>
      %swap3A_121 = vector.shape_cast %broadcast_in_dim3A_1 : vector<16xf32> to vector<1x16xf32>
      tpu.vector_store %arg8[%swap3A_117, %swap3A_118], %swap3A_121 {strides = array<i32>} : memref<128x128xf32, #tpu.memory_space<vmem>>, vector<1x16xf32>,
      %swap3A_122 = arith.index_cast %scan3A_92 : i32 to index
      %swap3A_123 = arith.constant 96 : index
      %swap3A_124 = tpu.vector_load %arg8[%swap3A_122, %swap3A_123] {strides = array<i32>} : memref<128x128xf32, #tpu.memory_space<vmem>>, vector<1x16xf32>,
      %swap3A_125 = vector.shape_cast %swap3A_124 : vector<1x16xf32> to vector<16xf32>
      %swap3A_126 = vector.shape_cast %broadcast_in_dim3A_1 : vector<16xf32> to vector<1x16xf32>
      tpu.vector_store %arg8[%swap3A_122, %swap3A_123], %swap3A_126 {strides = array<i32>} : memref<128x128xf32, #tpu.memory_space<vmem>>, vector<1x16xf32>,
      %swap3A_127 = arith.index_cast %scan3A_92 : i32 to index
      %swap3A_128 = arith.constant 112 : index
      %swap3A_129 = tpu.vector_load %arg8[%swap3A_127, %swap3A_128] {strides = array<i32>} : memref<128x128xf32, #tpu.memory_space<vmem>>, vector<1x16xf32>,
      %swap3A_130 = vector.shape_cast %swap3A_129 : vector<1x16xf32> to vector<16xf32>
      %swap3A_131 = vector.shape_cast %broadcast_in_dim3A_1 : vector<16xf32> to vector<1x16xf32>
      tpu.vector_store %arg8[%swap3A_127, %swap3A_128], %swap3A_131 {strides = array<i32>} : memref<128x128xf32, #tpu.memory_space<vmem>>, vector<1x16xf32>,
    }
    %scan3A_6 = arith.constant 128 : i32
    %mul3A_7 = arith.constant 640 : i32
    %mul3A_8 = arith.muli %arg1, %mul3A_7 : i32
    %add3A = arith.constant 0 : i32
    %add3A_9 = arith.addi %mul3A_8, %add3A : i32
    "tpu.region"() ({
      %run_scoped3A = tpu.sem_alloc : memref<!tpu.dma_semaphore, #tpu.memory_space<semaphore_mem>>
      %dma_start3A_92 = arith.constant 0 : i32
      %dma_start3A_93 = tpu.memref_slice %arg10[%add3A_9, %dma_start3A_92] : memref<10240x128xf32, #tpu.memory_space<vmem_shared>> -> memref<128x128xf32, #tpu.memory_space<vmem_shared>>
      %dma_start3A_94 = arith.constant 0 : i32
      %dma_start3A_95 = tpu.memref_slice %arg10[%add3A_9, %dma_start3A_94] : memref<10240x128xf32, #tpu.memory_space<vmem_shared>> -> memref<128x128xf32, #tpu.memory_space<vmem_shared>>
      tpu.enqueue_dma source(%arg8 : memref<128x128xf32, #tpu.memory_space<vmem>>) target(%dma_start3A_95 : memref<128x128xf32, #tpu.memory_space<vmem_shared>>) target_semaphore(%run_scoped3A : memref<!tpu.dma_semaphore, #tpu.memory_space<semaphore_mem>>)
      %dma_wait3A_96 = arith.constant 0 : i32
      %dma_wait3A_97 = tpu.memref_slice %arg10[%add3A_9, %dma_wait3A_96] : memref<10240x128xf32, #tpu.memory_space<vmem_shared>> -> memref<128x128xf32, #tpu.memory_space<vmem_shared>>
      %dma_wait3A_98 = arith.constant 0 : i32
      %dma_wait3A_99 = tpu.memref_slice %arg10[%add3A_9, %dma_wait3A_98] : memref<10240x128xf32, #tpu.memory_space<vmem_shared>> -> memref<128x128xf32, #tpu.memory_space<vmem_shared>>
      tpu.wait_dma2 semaphore(%run_scoped3A : memref<!tpu.dma_semaphore, #tpu.memory_space<semaphore_mem>>) src(%arg8 : memref<128x128xf32, #tpu.memory_space<vmem>>) dst(%dma_wait3A_99 : memref<128x128xf32, #tpu.memory_space<vmem_shared>>)
      tpu.yield
    }) : () -> ()
    %mul3A_10 = arith.constant 640 : i32
    %mul3A_11 = arith.muli %arg1, %mul3A_10 : i32
    %add3A_12 = arith.constant 128 : i32
    %add3A_13 = arith.addi %mul3A_11, %add3A_12 : i32
    "tpu.region"() ({
      %run_scoped3A = tpu.sem_alloc : memref<!tpu.dma_semaphore, #tpu.memory_space<semaphore_mem>>
      %dma_start3A_92 = arith.constant 0 : i32
      %dma_start3A_93 = tpu.memref_slice %arg10[%add3A_13, %dma_start3A_92] : memref<10240x128xf32, #tpu.memory_space<vmem_shared>> -> memref<128x128xf32, #tpu.memory_space<vmem_shared>>
      %dma_start3A_94 = arith.constant 0 : i32
      %dma_start3A_95 = tpu.memref_slice %arg10[%add3A_13, %dma_start3A_94] : memref<10240x128xf32, #tpu.memory_space<vmem_shared>> -> memref<128x128xf32, #tpu.memory_space<vmem_shared>>
      tpu.enqueue_dma source(%arg8 : memref<128x128xf32, #tpu.memory_space<vmem>>) target(%dma_start3A_95 : memref<128x128xf32, #tpu.memory_space<vmem_shared>>) target_semaphore(%run_scoped3A : memref<!tpu.dma_semaphore, #tpu.memory_space<semaphore_mem>>)
      %dma_wait3A_96 = arith.constant 0 : i32
      %dma_wait3A_97 = tpu.memref_slice %arg10[%add3A_13, %dma_wait3A_96] : memref<10240x128xf32, #tpu.memory_space<vmem_shared>> -> memref<128x128xf32, #tpu.memory_space<vmem_shared>>
      %dma_wait3A_98 = arith.constant 0 : i32
      %dma_wait3A_99 = tpu.memref_slice %arg10[%add3A_13, %dma_wait3A_98] : memref<10240x128xf32, #tpu.memory_space<vmem_shared>> -> memref<128x128xf32, #tpu.memory_space<vmem_shared>>
      tpu.wait_dma2 semaphore(%run_scoped3A : memref<!tpu.dma_semaphore, #tpu.memory_space<semaphore_mem>>) src(%arg8 : memref<128x128xf32, #tpu.memory_space<vmem>>) dst(%dma_wait3A_99 : memref<128x128xf32, #tpu.memory_space<vmem_shared>>)
      tpu.yield
    }) : () -> ()
    %mul3A_14 = arith.constant 640 : i32
    %mul3A_15 = arith.muli %arg1, %mul3A_14 : i32
    %add3A_16 = arith.constant 256 : i32
    %add3A_17 = arith.addi %mul3A_15, %add3A_16 : i32
    "tpu.region"() ({
      %run_scoped3A = tpu.sem_alloc : memref<!tpu.dma_semaphore, #tpu.memory_space<semaphore_mem>>
      %dma_start3A_92 = arith.constant 0 : i32
      %dma_start3A_93 = tpu.memref_slice %arg10[%add3A_17, %dma_start3A_92] : memref<10240x128xf32, #tpu.memory_space<vmem_shared>> -> memref<128x128xf32, #tpu.memory_space<vmem_shared>>
      %dma_start3A_94 = arith.constant 0 : i32
      %dma_start3A_95 = tpu.memref_slice %arg10[%add3A_17, %dma_start3A_94] : memref<10240x128xf32, #tpu.memory_space<vmem_shared>> -> memref<128x128xf32, #tpu.memory_space<vmem_shared>>
      tpu.enqueue_dma source(%arg8 : memref<128x128xf32, #tpu.memory_space<vmem>>) target(%dma_start3A_95 : memref<128x128xf32, #tpu.memory_space<vmem_shared>>) target_semaphore(%run_scoped3A : memref<!tpu.dma_semaphore, #tpu.memory_space<semaphore_mem>>)
      %dma_wait3A_96 = arith.constant 0 : i32
      %dma_wait3A_97 = tpu.memref_slice %arg10[%add3A_17, %dma_wait3A_96] : memref<10240x128xf32, #tpu.memory_space<vmem_shared>> -> memref<128x128xf32, #tpu.memory_space<vmem_shared>>
      %dma_wait3A_98 = arith.constant 0 : i32
      %dma_wait3A_99 = tpu.memref_slice %arg10[%add3A_17, %dma_wait3A_98] : memref<10240x128xf32, #tpu.memory_space<vmem_shared>> -> memref<128x128xf32, #tpu.memory_space<vmem_shared>>
      tpu.wait_dma2 semaphore(%run_scoped3A : memref<!tpu.dma_semaphore, #tpu.memory_space<semaphore_mem>>) src(%arg8 : memref<128x128xf32, #tpu.memory_space<vmem>>) dst(%dma_wait3A_99 : memref<128x128xf32, #tpu.memory_space<vmem_shared>>)
      tpu.yield
    }) : () -> ()
    %mul3A_18 = arith.constant 640 : i32
    %mul3A_19 = arith.muli %arg1, %mul3A_18 : i32
    %add3A_20 = arith.constant 384 : i32
    %add3A_21 = arith.addi %mul3A_19, %add3A_20 : i32
    "tpu.region"() ({
      %run_scoped3A = tpu.sem_alloc : memref<!tpu.dma_semaphore, #tpu.memory_space<semaphore_mem>>
      %dma_start3A_92 = arith.constant 0 : i32
      %dma_start3A_93 = tpu.memref_slice %arg10[%add3A_21, %dma_start3A_92] : memref<10240x128xf32, #tpu.memory_space<vmem_shared>> -> memref<128x128xf32, #tpu.memory_space<vmem_shared>>
      %dma_start3A_94 = arith.constant 0 : i32
      %dma_start3A_95 = tpu.memref_slice %arg10[%add3A_21, %dma_start3A_94] : memref<10240x128xf32, #tpu.memory_space<vmem_shared>> -> memref<128x128xf32, #tpu.memory_space<vmem_shared>>
      tpu.enqueue_dma source(%arg8 : memref<128x128xf32, #tpu.memory_space<vmem>>) target(%dma_start3A_95 : memref<128x128xf32, #tpu.memory_space<vmem_shared>>) target_semaphore(%run_scoped3A : memref<!tpu.dma_semaphore, #tpu.memory_space<semaphore_mem>>)
      %dma_wait3A_96 = arith.constant 0 : i32
      %dma_wait3A_97 = tpu.memref_slice %arg10[%add3A_21, %dma_wait3A_96] : memref<10240x128xf32, #tpu.memory_space<vmem_shared>> -> memref<128x128xf32, #tpu.memory_space<vmem_shared>>
      %dma_wait3A_98 = arith.constant 0 : i32
      %dma_wait3A_99 = tpu.memref_slice %arg10[%add3A_21, %dma_wait3A_98] : memref<10240x128xf32, #tpu.memory_space<vmem_shared>> -> memref<128x128xf32, #tpu.memory_space<vmem_shared>>
      tpu.wait_dma2 semaphore(%run_scoped3A : memref<!tpu.dma_semaphore, #tpu.memory_space<semaphore_mem>>) src(%arg8 : memref<128x128xf32, #tpu.memory_space<vmem>>) dst(%dma_wait3A_99 : memref<128x128xf32, #tpu.memory_space<vmem_shared>>)
      tpu.yield
    }) : () -> ()
    %mul3A_22 = arith.constant 640 : i32
    %mul3A_23 = arith.muli %arg1, %mul3A_22 : i32
    %add3A_24 = arith.constant 512 : i32
    %add3A_25 = arith.addi %mul3A_23, %add3A_24 : i32
    "tpu.region"() ({
      %run_scoped3A = tpu.sem_alloc : memref<!tpu.dma_semaphore, #tpu.memory_space<semaphore_mem>>
      %dma_start3A_92 = arith.constant 0 : i32
      %dma_start3A_93 = tpu.memref_slice %arg10[%add3A_25, %dma_start3A_92] : memref<10240x128xf32, #tpu.memory_space<vmem_shared>> -> memref<128x128xf32, #tpu.memory_space<vmem_shared>>
      %dma_start3A_94 = arith.constant 0 : i32
      %dma_start3A_95 = tpu.memref_slice %arg10[%add3A_25, %dma_start3A_94] : memref<10240x128xf32, #tpu.memory_space<vmem_shared>> -> memref<128x128xf32, #tpu.memory_space<vmem_shared>>
      tpu.enqueue_dma source(%arg8 : memref<128x128xf32, #tpu.memory_space<vmem>>) target(%dma_start3A_95 : memref<128x128xf32, #tpu.memory_space<vmem_shared>>) target_semaphore(%run_scoped3A : memref<!tpu.dma_semaphore, #tpu.memory_space<semaphore_mem>>)
      %dma_wait3A_96 = arith.constant 0 : i32
      %dma_wait3A_97 = tpu.memref_slice %arg10[%add3A_25, %dma_wait3A_96] : memref<10240x128xf32, #tpu.memory_space<vmem_shared>> -> memref<128x128xf32, #tpu.memory_space<vmem_shared>>
      %dma_wait3A_98 = arith.constant 0 : i32
      %dma_wait3A_99 = tpu.memref_slice %arg10[%add3A_25, %dma_wait3A_98] : memref<10240x128xf32, #tpu.memory_space<vmem_shared>> -> memref<128x128xf32, #tpu.memory_space<vmem_shared>>
      tpu.wait_dma2 semaphore(%run_scoped3A : memref<!tpu.dma_semaphore, #tpu.memory_space<semaphore_mem>>) src(%arg8 : memref<128x128xf32, #tpu.memory_space<vmem>>) dst(%dma_wait3A_99 : memref<128x128xf32, #tpu.memory_space<vmem_shared>>)
      tpu.yield
    }) : () -> ()
    %barrier3A = arith.constant 0 : index
    tpu.barrier barrier_id(%barrier3A)
    %mul3A_26 = arith.constant 80 : i32
    %mul3A_27 = arith.muli %arg1, %mul3A_26 : i32
    %add3A_28 = arith.constant 0 : i32
    %add3A_29 = arith.addi %mul3A_27, %add3A_28 : i32
    "tpu.region"() ({
      %run_scoped3A = tpu.sem_alloc : memref<!tpu.dma_semaphore, #tpu.memory_space<semaphore_mem>>
      %dma_start3A_92 = arith.constant 0 : i32
      %dma_start3A_93 = tpu.memref_slice %arg3[%add3A_29, %dma_start3A_92] : memref<1280x128xi32, #tpu.memory_space<hbm>> -> memref<40x128xi32, #tpu.memory_space<hbm>>
      %dma_start3A_94 = arith.constant 0 : i32
      %dma_start3A_95 = tpu.memref_slice %arg3[%add3A_29, %dma_start3A_94] : memref<1280x128xi32, #tpu.memory_space<hbm>> -> memref<40x128xi32, #tpu.memory_space<hbm>>
      tpu.enqueue_dma source(%dma_start3A_95 : memref<40x128xi32, #tpu.memory_space<hbm>>) target(%arg6 : memref<40x128xi32, #tpu.memory_space<vmem>>) target_semaphore(%run_scoped3A : memref<!tpu.dma_semaphore, #tpu.memory_space<semaphore_mem>>)
      %dma_wait3A_96 = arith.constant 0 : i32
      %dma_wait3A_97 = tpu.memref_slice %arg3[%add3A_29, %dma_wait3A_96] : memref<1280x128xi32, #tpu.memory_space<hbm>> -> memref<40x128xi32, #tpu.memory_space<hbm>>
      %dma_wait3A_98 = arith.constant 0 : i32
      %dma_wait3A_99 = tpu.memref_slice %arg3[%add3A_29, %dma_wait3A_98] : memref<1280x128xi32, #tpu.memory_space<hbm>> -> memref<40x128xi32, #tpu.memory_space<hbm>>
      tpu.wait_dma2 semaphore(%run_scoped3A : memref<!tpu.dma_semaphore, #tpu.memory_space<semaphore_mem>>) src(%dma_wait3A_99 : memref<40x128xi32, #tpu.memory_space<hbm>>) dst(%arg6 : memref<40x128xi32, #tpu.memory_space<vmem>>)
      tpu.yield
    }) : () -> ()
    %mul3A_30 = arith.constant 80 : i32
    %mul3A_31 = arith.muli %arg1, %mul3A_30 : i32
    %add3A_32 = arith.constant 0 : i32
    %add3A_33 = arith.addi %mul3A_31, %add3A_32 : i32
    "tpu.region"() ({
      %run_scoped3A = tpu.sem_alloc : memref<!tpu.dma_semaphore, #tpu.memory_space<semaphore_mem>>
      %dma_start3A_92 = arith.constant 0 : i32
      %dma_start3A_93 = tpu.memref_slice %arg4[%add3A_33, %dma_start3A_92] : memref<1280x128xi32, #tpu.memory_space<hbm>> -> memref<40x128xi32, #tpu.memory_space<hbm>>
      %dma_start3A_94 = arith.constant 0 : i32
      %dma_start3A_95 = tpu.memref_slice %arg4[%add3A_33, %dma_start3A_94] : memref<1280x128xi32, #tpu.memory_space<hbm>> -> memref<40x128xi32, #tpu.memory_space<hbm>>
      tpu.enqueue_dma source(%dma_start3A_95 : memref<40x128xi32, #tpu.memory_space<hbm>>) target(%arg7 : memref<40x128xi32, #tpu.memory_space<vmem>>) target_semaphore(%run_scoped3A : memref<!tpu.dma_semaphore, #tpu.memory_space<semaphore_mem>>)
      %dma_wait3A_96 = arith.constant 0 : i32
      %dma_wait3A_97 = tpu.memref_slice %arg4[%add3A_33, %dma_wait3A_96] : memref<1280x128xi32, #tpu.memory_space<hbm>> -> memref<40x128xi32, #tpu.memory_space<hbm>>
      %dma_wait3A_98 = arith.constant 0 : i32
      %dma_wait3A_99 = tpu.memref_slice %arg4[%add3A_33, %dma_wait3A_98] : memref<1280x128xi32, #tpu.memory_space<hbm>> -> memref<40x128xi32, #tpu.memory_space<hbm>>
      tpu.wait_dma2 semaphore(%run_scoped3A : memref<!tpu.dma_semaphore, #tpu.memory_space<semaphore_mem>>) src(%dma_wait3A_99 : memref<40x128xi32, #tpu.memory_space<hbm>>) dst(%arg7 : memref<40x128xi32, #tpu.memory_space<vmem>>)
      tpu.yield
    }) : () -> ()
    %dma_start3A = arith.constant 0 : i32
    %dma_start3A_34 = arith.constant 0 : i32
    %dma_start3A_35 = tpu.memref_slice %arg6[%dma_start3A, %dma_start3A_34] : memref<40x128xi32, #tpu.memory_space<vmem>> -> memref<1x128xi32, #tpu.memory_space<vmem>>
    %dma_start3A_36 = tpu.memref_squeeze %dma_start3A_35 : memref<1x128xi32, #tpu.memory_space<vmem>> -> memref<128xi32, #tpu.memory_space<vmem>>
    %dma_start3A_37 = arith.constant 0 : i32
    %dma_start3A_38 = tpu.memref_slice %arg2[%mul3A_0, %dma_start3A_37] : memref<20480x128xf32, #tpu.memory_space<hbm>> -> memref<10240x128xf32, #tpu.memory_space<hbm>>
    %dma_start3A_39 = arith.constant 0 : i32
    %dma_start3A_40 = arith.constant 0 : i32
    %dma_start3A_41 = tpu.memref_slice %dma_start3A_38[%dma_start3A_39, %dma_start3A_40] : memref<10240x128xf32, #tpu.memory_space<hbm>> -> memref<10240x128xf32, #tpu.memory_space<hbm>>
    tpu.enqueue_indirect_dma source(%dma_start3A_41 : memref<10240x128xf32, #tpu.memory_space<hbm>>) target(%arg8 : memref<128x128xf32, #tpu.memory_space<vmem>>) offsets(%dma_start3A_36 : memref<128xi32, #tpu.memory_space<vmem>>) semaphore(%arg11 : memref<!tpu.dma_semaphore, #tpu.memory_space<semaphore_mem>>)
    %scan3A_42 = arith.constant 0 : i32
    %scan3A_43 = arith.constant 0 : i32
    %scan3A_44 = arith.constant 20 : i32
    %scan3A_45 = arith.addi %scan3A_43, %scan3A_44 : i32
    %scan3A_46 = arith.constant 1 : i32
    scf.for %scan3A_92 = %scan3A_43 to %scan3A_45 step %scan3A_46  : i32 {
      %mul3A_93 = arith.constant 2 : i32
      %mul3A_94 = arith.muli %mul3A_93, %scan3A_92 : i32
      %gt3A = arith.constant 0 : i32
      %gt3A_95 = arith.cmpi sgt, %mul3A_94, %gt3A : i32
      %convert_element_type3A = arith.extui %gt3A_95 : i1 to i32
      %cond3A = arith.constant 0 : i32
      %cond3A_96 = arith.cmpi ne, %convert_element_type3A, %cond3A : i32
      scf.if %cond3A_96 {
        %sub3A = arith.constant 1 : i32
        %sub3A_147 = arith.subi %mul3A_94, %sub3A : i32
        %dma_wait3A_148 = arith.constant 0 : i32
        %dma_wait3A_149 = tpu.memref_slice %arg7[%sub3A_147, %dma_wait3A_148] : memref<40x128xi32, #tpu.memory_space<vmem>> -> memref<1x128xi32, #tpu.memory_space<vmem>>
        %dma_wait3A_150 = tpu.memref_squeeze %dma_wait3A_149 : memref<1x128xi32, #tpu.memory_space<vmem>> -> memref<128xi32, #tpu.memory_space<vmem>>
        %dma_wait3A_151 = arith.constant 0 : i32
        %dma_wait3A_152 = arith.constant 0 : i32
        %dma_wait3A_153 = tpu.memref_slice %arg10[%dma_wait3A_151, %dma_wait3A_152] : memref<10240x128xf32, #tpu.memory_space<vmem_shared>> -> memref<10240x128xf32, #tpu.memory_space<vmem_shared>>
        tpu.wait_indirect_dma semaphore(%arg14 : memref<!tpu.dma_semaphore, #tpu.memory_space<semaphore_mem>>) src(%arg9 : memref<128x128xf32, #tpu.memory_space<vmem>>) dst(%dma_wait3A_153 : memref<10240x128xf32, #tpu.memory_space<vmem_shared>>)
      } else {
      }
      %add3A_97 = arith.constant 1 : i32
      %add3A_98 = arith.addi %mul3A_94, %add3A_97 : i32
      %lt3A = arith.constant 40 : i32
      %lt3A_99 = arith.cmpi slt, %add3A_98, %lt3A : i32
      %convert_element_type3A_100 = arith.extui %lt3A_99 : i1 to i32
      %cond3A_101 = arith.constant 0 : i32
      %cond3A_102 = arith.cmpi ne, %convert_element_type3A_100, %cond3A_101 : i32
      scf.if %cond3A_102 {
        %add3A_147 = arith.constant 1 : i32
        %add3A_148 = arith.addi %mul3A_94, %add3A_147 : i32
        %dma_start3A_149 = arith.constant 0 : i32
        %dma_start3A_150 = tpu.memref_slice %arg6[%add3A_148, %dma_start3A_149] : memref<40x128xi32, #tpu.memory_space<vmem>> -> memref<1x128xi32, #tpu.memory_space<vmem>>
        %dma_start3A_151 = tpu.memref_squeeze %dma_start3A_150 : memref<1x128xi32, #tpu.memory_space<vmem>> -> memref<128xi32, #tpu.memory_space<vmem>>
        %dma_start3A_152 = arith.constant 0 : i32
        %dma_start3A_153 = tpu.memref_slice %arg2[%mul3A_0, %dma_start3A_152] : memref<20480x128xf32, #tpu.memory_space<hbm>> -> memref<10240x128xf32, #tpu.memory_space<hbm>>
        %dma_start3A_154 = arith.constant 0 : i32
        %dma_start3A_155 = arith.constant 0 : i32
        %dma_start3A_156 = tpu.memref_slice %dma_start3A_153[%dma_start3A_154, %dma_start3A_155] : memref<10240x128xf32, #tpu.memory_space<hbm>> -> memref<10240x128xf32, #tpu.memory_space<hbm>>
        tpu.enqueue_indirect_dma source(%dma_start3A_156 : memref<10240x128xf32, #tpu.memory_space<hbm>>) target(%arg9 : memref<128x128xf32, #tpu.memory_space<vmem>>) offsets(%dma_start3A_151 : memref<128xi32, #tpu.memory_space<vmem>>) semaphore(%arg12 : memref<!tpu.dma_semaphore, #tpu.memory_space<semaphore_mem>>)
      } else {
      }
      %dma_wait3A_103 = arith.constant 0 : i32
      %dma_wait3A_104 = tpu.memref_slice %arg6[%mul3A_94, %dma_wait3A_103] : memref<40x128xi32, #tpu.memory_space<vmem>> -> memref<1x128xi32, #tpu.memory_space<vmem>>
      %dma_wait3A_105 = tpu.memref_squeeze %dma_wait3A_104 : memref<1x128xi32, #tpu.memory_space<vmem>> -> memref<128xi32, #tpu.memory_space<vmem>>
      %dma_wait3A_106 = arith.constant 0 : i32
      %dma_wait3A_107 = tpu.memref_slice %arg2[%mul3A_0, %dma_wait3A_106] : memref<20480x128xf32, #tpu.memory_space<hbm>> -> memref<10240x128xf32, #tpu.memory_space<hbm>>
      %dma_wait3A_108 = arith.constant 0 : i32
      %dma_wait3A_109 = arith.constant 0 : i32
      %dma_wait3A_110 = tpu.memref_slice %dma_wait3A_107[%dma_wait3A_108, %dma_wait3A_109] : memref<10240x128xf32, #tpu.memory_space<hbm>> -> memref<10240x128xf32, #tpu.memory_space<hbm>>
      tpu.wait_indirect_dma semaphore(%arg11 : memref<!tpu.dma_semaphore, #tpu.memory_space<semaphore_mem>>) src(%dma_wait3A_110 : memref<10240x128xf32, #tpu.memory_space<hbm>>) dst(%arg8 : memref<128x128xf32, #tpu.memory_space<vmem>>)
      %dma_start3A_111 = arith.constant 0 : i32
      %dma_start3A_112 = tpu.memref_slice %arg7[%mul3A_94, %dma_start3A_111] : memref<40x128xi32, #tpu.memory_space<vmem>> -> memref<1x128xi32, #tpu.memory_space<vmem>>
      %dma_start3A_113 = tpu.memref_squeeze %dma_start3A_112 : memref<1x128xi32, #tpu.memory_space<vmem>> -> memref<128xi32, #tpu.memory_space<vmem>>
      %dma_start3A_114 = arith.constant 0 : i32
      %dma_start3A_115 = arith.constant 0 : i32
      %dma_start3A_116 = tpu.memref_slice %arg10[%dma_start3A_114, %dma_start3A_115] : memref<10240x128xf32, #tpu.memory_space<vmem_shared>> -> memref<10240x128xf32, #tpu.memory_space<vmem_shared>>
      tpu.enqueue_indirect_dma source(%arg8 : memref<128x128xf32, #tpu.memory_space<vmem>>) target(%dma_start3A_116 : memref<10240x128xf32, #tpu.memory_space<vmem_shared>>) offsets(%dma_start3A_113 : memref<128xi32, #tpu.memory_space<vmem>>) semaphore(%arg13 : memref<!tpu.dma_semaphore, #tpu.memory_space<semaphore_mem>>) {add = true}
      %mul3A_117 = arith.constant 2 : i32
      %mul3A_118 = arith.muli %mul3A_117, %scan3A_92 : i32
      %add3A_119 = arith.constant 1 : i32
      %add3A_120 = arith.addi %mul3A_118, %add3A_119 : i32
      %gt3A_121 = arith.constant 0 : i32
      %gt3A_122 = arith.cmpi sgt, %add3A_120, %gt3A_121 : i32
      %convert_element_type3A_123 = arith.extui %gt3A_122 : i1 to i32
      %cond3A_124 = arith.constant 0 : i32
      %cond3A_125 = arith.cmpi ne, %convert_element_type3A_123, %cond3A_124 : i32
      scf.if %cond3A_125 {
        %sub3A = arith.constant 1 : i32
        %sub3A_147 = arith.subi %add3A_120, %sub3A : i32
        %dma_wait3A_148 = arith.constant 0 : i32
        %dma_wait3A_149 = tpu.memref_slice %arg7[%sub3A_147, %dma_wait3A_148] : memref<40x128xi32, #tpu.memory_space<vmem>> -> memref<1x128xi32, #tpu.memory_space<vmem>>
        %dma_wait3A_150 = tpu.memref_squeeze %dma_wait3A_149 : memref<1x128xi32, #tpu.memory_space<vmem>> -> memref<128xi32, #tpu.memory_space<vmem>>
        %dma_wait3A_151 = arith.constant 0 : i32
        %dma_wait3A_152 = arith.constant 0 : i32
        %dma_wait3A_153 = tpu.memref_slice %arg10[%dma_wait3A_151, %dma_wait3A_152] : memref<10240x128xf32, #tpu.memory_space<vmem_shared>> -> memref<10240x128xf32, #tpu.memory_space<vmem_shared>>
        tpu.wait_indirect_dma semaphore(%arg13 : memref<!tpu.dma_semaphore, #tpu.memory_space<semaphore_mem>>) src(%arg8 : memref<128x128xf32, #tpu.memory_space<vmem>>) dst(%dma_wait3A_153 : memref<10240x128xf32, #tpu.memory_space<vmem_shared>>)
      } else {
      }
      %add3A_126 = arith.constant 1 : i32
      %add3A_127 = arith.addi %add3A_120, %add3A_126 : i32
      %lt3A_128 = arith.constant 40 : i32
      %lt3A_129 = arith.cmpi slt, %add3A_127, %lt3A_128 : i32
      %convert_element_type3A_130 = arith.extui %lt3A_129 : i1 to i32
      %cond3A_131 = arith.constant 0 : i32
      %cond3A_132 = arith.cmpi ne, %convert_element_type3A_130, %cond3A_131 : i32
      scf.if %cond3A_132 {
        %add3A_147 = arith.constant 1 : i32
        %add3A_148 = arith.addi %add3A_120, %add3A_147 : i32
        %dma_start3A_149 = arith.constant 0 : i32
        %dma_start3A_150 = tpu.memref_slice %arg6[%add3A_148, %dma_start3A_149] : memref<40x128xi32, #tpu.memory_space<vmem>> -> memref<1x128xi32, #tpu.memory_space<vmem>>
        %dma_start3A_151 = tpu.memref_squeeze %dma_start3A_150 : memref<1x128xi32, #tpu.memory_space<vmem>> -> memref<128xi32, #tpu.memory_space<vmem>>
        %dma_start3A_152 = arith.constant 0 : i32
        %dma_start3A_153 = tpu.memref_slice %arg2[%mul3A_0, %dma_start3A_152] : memref<20480x128xf32, #tpu.memory_space<hbm>> -> memref<10240x128xf32, #tpu.memory_space<hbm>>
        %dma_start3A_154 = arith.constant 0 : i32
        %dma_start3A_155 = arith.constant 0 : i32
        %dma_start3A_156 = tpu.memref_slice %dma_start3A_153[%dma_start3A_154, %dma_start3A_155] : memref<10240x128xf32, #tpu.memory_space<hbm>> -> memref<10240x128xf32, #tpu.memory_space<hbm>>
        tpu.enqueue_indirect_dma source(%dma_start3A_156 : memref<10240x128xf32, #tpu.memory_space<hbm>>) target(%arg8 : memref<128x128xf32, #tpu.memory_space<vmem>>) offsets(%dma_start3A_151 : memref<128xi32, #tpu.memory_space<vmem>>) semaphore(%arg11 : memref<!tpu.dma_semaphore, #tpu.memory_space<semaphore_mem>>)
      } else {
      }
      %dma_wait3A_133 = arith.constant 0 : i32
      %dma_wait3A_134 = tpu.memref_slice %arg6[%add3A_120, %dma_wait3A_133] : memref<40x128xi32, #tpu.memory_space<vmem>> -> memref<1x128xi32, #tpu.memory_space<vmem>>
      %dma_wait3A_135 = tpu.memref_squeeze %dma_wait3A_134 : memref<1x128xi32, #tpu.memory_space<vmem>> -> memref<128xi32, #tpu.memory_space<vmem>>
      %dma_wait3A_136 = arith.constant 0 : i32
      %dma_wait3A_137 = tpu.memref_slice %arg2[%mul3A_0, %dma_wait3A_136] : memref<20480x128xf32, #tpu.memory_space<hbm>> -> memref<10240x128xf32, #tpu.memory_space<hbm>>
      %dma_wait3A_138 = arith.constant 0 : i32
      %dma_wait3A_139 = arith.constant 0 : i32
      %dma_wait3A_140 = tpu.memref_slice %dma_wait3A_137[%dma_wait3A_138, %dma_wait3A_139] : memref<10240x128xf32, #tpu.memory_space<hbm>> -> memref<10240x128xf32, #tpu.memory_space<hbm>>
      tpu.wait_indirect_dma semaphore(%arg12 : memref<!tpu.dma_semaphore, #tpu.memory_space<semaphore_mem>>) src(%dma_wait3A_140 : memref<10240x128xf32, #tpu.memory_space<hbm>>) dst(%arg9 : memref<128x128xf32, #tpu.memory_space<vmem>>)
      %dma_start3A_141 = arith.constant 0 : i32
      %dma_start3A_142 = tpu.memref_slice %arg7[%add3A_120, %dma_start3A_141] : memref<40x128xi32, #tpu.memory_space<vmem>> -> memref<1x128xi32, #tpu.memory_space<vmem>>
      %dma_start3A_143 = tpu.memref_squeeze %dma_start3A_142 : memref<1x128xi32, #tpu.memory_space<vmem>> -> memref<128xi32, #tpu.memory_space<vmem>>
      %dma_start3A_144 = arith.constant 0 : i32
      %dma_start3A_145 = arith.constant 0 : i32
      %dma_start3A_146 = tpu.memref_slice %arg10[%dma_start3A_144, %dma_start3A_145] : memref<10240x128xf32, #tpu.memory_space<vmem_shared>> -> memref<10240x128xf32, #tpu.memory_space<vmem_shared>>
      tpu.enqueue_indirect_dma source(%arg9 : memref<128x128xf32, #tpu.memory_space<vmem>>) target(%dma_start3A_146 : memref<10240x128xf32, #tpu.memory_space<vmem_shared>>) offsets(%dma_start3A_143 : memref<128xi32, #tpu.memory_space<vmem>>) semaphore(%arg14 : memref<!tpu.dma_semaphore, #tpu.memory_space<semaphore_mem>>) {add = true}
    }
    %scan3A_47 = arith.constant 20 : i32
    %dma_wait3A = arith.constant 39 : i32
    %dma_wait3A_48 = arith.constant 0 : i32
    %dma_wait3A_49 = tpu.memref_slice %arg7[%dma_wait3A, %dma_wait3A_48] : memref<40x128xi32, #tpu.memory_space<vmem>> -> memref<1x128xi32, #tpu.memory_space<vmem>>
    %dma_wait3A_50 = tpu.memref_squeeze %dma_wait3A_49 : memref<1x128xi32, #tpu.memory_space<vmem>> -> memref<128xi32, #tpu.memory_space<vmem>>
    %dma_wait3A_51 = arith.constant 0 : i32
    %dma_wait3A_52 = arith.constant 0 : i32
    %dma_wait3A_53 = tpu.memref_slice %arg10[%dma_wait3A_51, %dma_wait3A_52] : memref<10240x128xf32, #tpu.memory_space<vmem_shared>> -> memref<10240x128xf32, #tpu.memory_space<vmem_shared>>
    tpu.wait_indirect_dma semaphore(%arg14 : memref<!tpu.dma_semaphore, #tpu.memory_space<semaphore_mem>>) src(%arg9 : memref<128x128xf32, #tpu.memory_space<vmem>>) dst(%dma_wait3A_53 : memref<10240x128xf32, #tpu.memory_space<vmem_shared>>)
    %mul3A_54 = arith.constant 80 : i32
    %mul3A_55 = arith.muli %arg1, %mul3A_54 : i32
    %add3A_56 = arith.constant 40 : i32
    %add3A_57 = arith.addi %mul3A_55, %add3A_56 : i32
    "tpu.region"() ({
      %run_scoped3A = tpu.sem_alloc : memref<!tpu.dma_semaphore, #tpu.memory_space<semaphore_mem>>
      %dma_start3A_92 = arith.constant 0 : i32
      %dma_start3A_93 = tpu.memref_slice %arg3[%add3A_57, %dma_start3A_92] : memref<1280x128xi32, #tpu.memory_space<hbm>> -> memref<40x128xi32, #tpu.memory_space<hbm>>
      %dma_start3A_94 = arith.constant 0 : i32
      %dma_start3A_95 = tpu.memref_slice %arg3[%add3A_57, %dma_start3A_94] : memref<1280x128xi32, #tpu.memory_space<hbm>> -> memref<40x128xi32, #tpu.memory_space<hbm>>
      tpu.enqueue_dma source(%dma_start3A_95 : memref<40x128xi32, #tpu.memory_space<hbm>>) target(%arg6 : memref<40x128xi32, #tpu.memory_space<vmem>>) target_semaphore(%run_scoped3A : memref<!tpu.dma_semaphore, #tpu.memory_space<semaphore_mem>>)
      %dma_wait3A_96 = arith.constant 0 : i32
      %dma_wait3A_97 = tpu.memref_slice %arg3[%add3A_57, %dma_wait3A_96] : memref<1280x128xi32, #tpu.memory_space<hbm>> -> memref<40x128xi32, #tpu.memory_space<hbm>>
      %dma_wait3A_98 = arith.constant 0 : i32
      %dma_wait3A_99 = tpu.memref_slice %arg3[%add3A_57, %dma_wait3A_98] : memref<1280x128xi32, #tpu.memory_space<hbm>> -> memref<40x128xi32, #tpu.memory_space<hbm>>
      tpu.wait_dma2 semaphore(%run_scoped3A : memref<!tpu.dma_semaphore, #tpu.memory_space<semaphore_mem>>) src(%dma_wait3A_99 : memref<40x128xi32, #tpu.memory_space<hbm>>) dst(%arg6 : memref<40x128xi32, #tpu.memory_space<vmem>>)
      tpu.yield
    }) : () -> ()
    %mul3A_58 = arith.constant 80 : i32
    %mul3A_59 = arith.muli %arg1, %mul3A_58 : i32
    %add3A_60 = arith.constant 40 : i32
    %add3A_61 = arith.addi %mul3A_59, %add3A_60 : i32
    "tpu.region"() ({
      %run_scoped3A = tpu.sem_alloc : memref<!tpu.dma_semaphore, #tpu.memory_space<semaphore_mem>>
      %dma_start3A_92 = arith.constant 0 : i32
      %dma_start3A_93 = tpu.memref_slice %arg4[%add3A_61, %dma_start3A_92] : memref<1280x128xi32, #tpu.memory_space<hbm>> -> memref<40x128xi32, #tpu.memory_space<hbm>>
      %dma_start3A_94 = arith.constant 0 : i32
      %dma_start3A_95 = tpu.memref_slice %arg4[%add3A_61, %dma_start3A_94] : memref<1280x128xi32, #tpu.memory_space<hbm>> -> memref<40x128xi32, #tpu.memory_space<hbm>>
      tpu.enqueue_dma source(%dma_start3A_95 : memref<40x128xi32, #tpu.memory_space<hbm>>) target(%arg7 : memref<40x128xi32, #tpu.memory_space<vmem>>) target_semaphore(%run_scoped3A : memref<!tpu.dma_semaphore, #tpu.memory_space<semaphore_mem>>)
      %dma_wait3A_96 = arith.constant 0 : i32
      %dma_wait3A_97 = tpu.memref_slice %arg4[%add3A_61, %dma_wait3A_96] : memref<1280x128xi32, #tpu.memory_space<hbm>> -> memref<40x128xi32, #tpu.memory_space<hbm>>
      %dma_wait3A_98 = arith.constant 0 : i32
      %dma_wait3A_99 = tpu.memref_slice %arg4[%add3A_61, %dma_wait3A_98] : memref<1280x128xi32, #tpu.memory_space<hbm>> -> memref<40x128xi32, #tpu.memory_space<hbm>>
      tpu.wait_dma2 semaphore(%run_scoped3A : memref<!tpu.dma_semaphore, #tpu.memory_space<semaphore_mem>>) src(%dma_wait3A_99 : memref<40x128xi32, #tpu.memory_space<hbm>>) dst(%arg7 : memref<40x128xi32, #tpu.memory_space<vmem>>)
      tpu.yield
    }) : () -> ()
    %dma_start3A_62 = arith.constant 0 : i32
    %dma_start3A_63 = arith.constant 0 : i32
    %dma_start3A_64 = tpu.memref_slice %arg6[%dma_start3A_62, %dma_start3A_63] : memref<40x128xi32, #tpu.memory_space<vmem>> -> memref<1x128xi32, #tpu.memory_space<vmem>>
    %dma_start3A_65 = tpu.memref_squeeze %dma_start3A_64 : memref<1x128xi32, #tpu.memory_space<vmem>> -> memref<128xi32, #tpu.memory_space<vmem>>
    %dma_start3A_66 = arith.constant 0 : i32
    %dma_start3A_67 = tpu.memref_slice %arg2[%mul3A_0, %dma_start3A_66] : memref<20480x128xf32, #tpu.memory_space<hbm>> -> memref<10240x128xf32, #tpu.memory_space<hbm>>
    %dma_start3A_68 = arith.constant 0 : i32
    %dma_start3A_69 = arith.constant 0 : i32
    %dma_start3A_70 = tpu.memref_slice %dma_start3A_67[%dma_start3A_68, %dma_start3A_69] : memref<10240x128xf32, #tpu.memory_space<hbm>> -> memref<10240x128xf32, #tpu.memory_space<hbm>>
    tpu.enqueue_indirect_dma source(%dma_start3A_70 : memref<10240x128xf32, #tpu.memory_space<hbm>>) target(%arg8 : memref<128x128xf32, #tpu.memory_space<vmem>>) offsets(%dma_start3A_65 : memref<128xi32, #tpu.memory_space<vmem>>) semaphore(%arg11 : memref<!tpu.dma_semaphore, #tpu.memory_space<semaphore_mem>>)
    %scan3A_71 = arith.constant 0 : i32
    %scan3A_72 = arith.constant 0 : i32
    %scan3A_73 = arith.constant 20 : i32
    %scan3A_74 = arith.addi %scan3A_72, %scan3A_73 : i32
    %scan3A_75 = arith.constant 1 : i32
    scf.for %scan3A_92 = %scan3A_72 to %scan3A_74 step %scan3A_75  : i32 {
      %mul3A_93 = arith.constant 2 : i32
      %mul3A_94 = arith.muli %mul3A_93, %scan3A_92 : i32
      %gt3A = arith.constant 0 : i32
      %gt3A_95 = arith.cmpi sgt, %mul3A_94, %gt3A : i32
      %convert_element_type3A = arith.extui %gt3A_95 : i1 to i32
      %cond3A = arith.constant 0 : i32
      %cond3A_96 = arith.cmpi ne, %convert_element_type3A, %cond3A : i32
      scf.if %cond3A_96 {
        %sub3A = arith.constant 1 : i32
        %sub3A_147 = arith.subi %mul3A_94, %sub3A : i32
        %dma_wait3A_148 = arith.constant 0 : i32
        %dma_wait3A_149 = tpu.memref_slice %arg7[%sub3A_147, %dma_wait3A_148] : memref<40x128xi32, #tpu.memory_space<vmem>> -> memref<1x128xi32, #tpu.memory_space<vmem>>
        %dma_wait3A_150 = tpu.memref_squeeze %dma_wait3A_149 : memref<1x128xi32, #tpu.memory_space<vmem>> -> memref<128xi32, #tpu.memory_space<vmem>>
        %dma_wait3A_151 = arith.constant 0 : i32
        %dma_wait3A_152 = arith.constant 0 : i32
        %dma_wait3A_153 = tpu.memref_slice %arg10[%dma_wait3A_151, %dma_wait3A_152] : memref<10240x128xf32, #tpu.memory_space<vmem_shared>> -> memref<10240x128xf32, #tpu.memory_space<vmem_shared>>
        tpu.wait_indirect_dma semaphore(%arg14 : memref<!tpu.dma_semaphore, #tpu.memory_space<semaphore_mem>>) src(%arg9 : memref<128x128xf32, #tpu.memory_space<vmem>>) dst(%dma_wait3A_153 : memref<10240x128xf32, #tpu.memory_space<vmem_shared>>)
      } else {
      }
      %add3A_97 = arith.constant 1 : i32
      %add3A_98 = arith.addi %mul3A_94, %add3A_97 : i32
      %lt3A = arith.constant 40 : i32
      %lt3A_99 = arith.cmpi slt, %add3A_98, %lt3A : i32
      %convert_element_type3A_100 = arith.extui %lt3A_99 : i1 to i32
      %cond3A_101 = arith.constant 0 : i32
      %cond3A_102 = arith.cmpi ne, %convert_element_type3A_100, %cond3A_101 : i32
      scf.if %cond3A_102 {
        %add3A_147 = arith.constant 1 : i32
        %add3A_148 = arith.addi %mul3A_94, %add3A_147 : i32
        %dma_start3A_149 = arith.constant 0 : i32
        %dma_start3A_150 = tpu.memref_slice %arg6[%add3A_148, %dma_start3A_149] : memref<40x128xi32, #tpu.memory_space<vmem>> -> memref<1x128xi32, #tpu.memory_space<vmem>>
        %dma_start3A_151 = tpu.memref_squeeze %dma_start3A_150 : memref<1x128xi32, #tpu.memory_space<vmem>> -> memref<128xi32, #tpu.memory_space<vmem>>
        %dma_start3A_152 = arith.constant 0 : i32
        %dma_start3A_153 = tpu.memref_slice %arg2[%mul3A_0, %dma_start3A_152] : memref<20480x128xf32, #tpu.memory_space<hbm>> -> memref<10240x128xf32, #tpu.memory_space<hbm>>
        %dma_start3A_154 = arith.constant 0 : i32
        %dma_start3A_155 = arith.constant 0 : i32
        %dma_start3A_156 = tpu.memref_slice %dma_start3A_153[%dma_start3A_154, %dma_start3A_155] : memref<10240x128xf32, #tpu.memory_space<hbm>> -> memref<10240x128xf32, #tpu.memory_space<hbm>>
        tpu.enqueue_indirect_dma source(%dma_start3A_156 : memref<10240x128xf32, #tpu.memory_space<hbm>>) target(%arg9 : memref<128x128xf32, #tpu.memory_space<vmem>>) offsets(%dma_start3A_151 : memref<128xi32, #tpu.memory_space<vmem>>) semaphore(%arg12 : memref<!tpu.dma_semaphore, #tpu.memory_space<semaphore_mem>>)
      } else {
      }
      %dma_wait3A_103 = arith.constant 0 : i32
      %dma_wait3A_104 = tpu.memref_slice %arg6[%mul3A_94, %dma_wait3A_103] : memref<40x128xi32, #tpu.memory_space<vmem>> -> memref<1x128xi32, #tpu.memory_space<vmem>>
      %dma_wait3A_105 = tpu.memref_squeeze %dma_wait3A_104 : memref<1x128xi32, #tpu.memory_space<vmem>> -> memref<128xi32, #tpu.memory_space<vmem>>
      %dma_wait3A_106 = arith.constant 0 : i32
      %dma_wait3A_107 = tpu.memref_slice %arg2[%mul3A_0, %dma_wait3A_106] : memref<20480x128xf32, #tpu.memory_space<hbm>> -> memref<10240x128xf32, #tpu.memory_space<hbm>>
      %dma_wait3A_108 = arith.constant 0 : i32
      %dma_wait3A_109 = arith.constant 0 : i32
      %dma_wait3A_110 = tpu.memref_slice %dma_wait3A_107[%dma_wait3A_108, %dma_wait3A_109] : memref<10240x128xf32, #tpu.memory_space<hbm>> -> memref<10240x128xf32, #tpu.memory_space<hbm>>
      tpu.wait_indirect_dma semaphore(%arg11 : memref<!tpu.dma_semaphore, #tpu.memory_space<semaphore_mem>>) src(%dma_wait3A_110 : memref<10240x128xf32, #tpu.memory_space<hbm>>) dst(%arg8 : memref<128x128xf32, #tpu.memory_space<vmem>>)
      %dma_start3A_111 = arith.constant 0 : i32
      %dma_start3A_112 = tpu.memref_slice %arg7[%mul3A_94, %dma_start3A_111] : memref<40x128xi32, #tpu.memory_space<vmem>> -> memref<1x128xi32, #tpu.memory_space<vmem>>
      %dma_start3A_113 = tpu.memref_squeeze %dma_start3A_112 : memref<1x128xi32, #tpu.memory_space<vmem>> -> memref<128xi32, #tpu.memory_space<vmem>>
      %dma_start3A_114 = arith.constant 0 : i32
      %dma_start3A_115 = arith.constant 0 : i32
      %dma_start3A_116 = tpu.memref_slice %arg10[%dma_start3A_114, %dma_start3A_115] : memref<10240x128xf32, #tpu.memory_space<vmem_shared>> -> memref<10240x128xf32, #tpu.memory_space<vmem_shared>>
      tpu.enqueue_indirect_dma source(%arg8 : memref<128x128xf32, #tpu.memory_space<vmem>>) target(%dma_start3A_116 : memref<10240x128xf32, #tpu.memory_space<vmem_shared>>) offsets(%dma_start3A_113 : memref<128xi32, #tpu.memory_space<vmem>>) semaphore(%arg13 : memref<!tpu.dma_semaphore, #tpu.memory_space<semaphore_mem>>) {add = true}
      %mul3A_117 = arith.constant 2 : i32
      %mul3A_118 = arith.muli %mul3A_117, %scan3A_92 : i32
      %add3A_119 = arith.constant 1 : i32
      %add3A_120 = arith.addi %mul3A_118, %add3A_119 : i32
      %gt3A_121 = arith.constant 0 : i32
      %gt3A_122 = arith.cmpi sgt, %add3A_120, %gt3A_121 : i32
      %convert_element_type3A_123 = arith.extui %gt3A_122 : i1 to i32
      %cond3A_124 = arith.constant 0 : i32
      %cond3A_125 = arith.cmpi ne, %convert_element_type3A_123, %cond3A_124 : i32
      scf.if %cond3A_125 {
        %sub3A = arith.constant 1 : i32
        %sub3A_147 = arith.subi %add3A_120, %sub3A : i32
        %dma_wait3A_148 = arith.constant 0 : i32
        %dma_wait3A_149 = tpu.memref_slice %arg7[%sub3A_147, %dma_wait3A_148] : memref<40x128xi32, #tpu.memory_space<vmem>> -> memref<1x128xi32, #tpu.memory_space<vmem>>
        %dma_wait3A_150 = tpu.memref_squeeze %dma_wait3A_149 : memref<1x128xi32, #tpu.memory_space<vmem>> -> memref<128xi32, #tpu.memory_space<vmem>>
        %dma_wait3A_151 = arith.constant 0 : i32
        %dma_wait3A_152 = arith.constant 0 : i32
        %dma_wait3A_153 = tpu.memref_slice %arg10[%dma_wait3A_151, %dma_wait3A_152] : memref<10240x128xf32, #tpu.memory_space<vmem_shared>> -> memref<10240x128xf32, #tpu.memory_space<vmem_shared>>
        tpu.wait_indirect_dma semaphore(%arg13 : memref<!tpu.dma_semaphore, #tpu.memory_space<semaphore_mem>>) src(%arg8 : memref<128x128xf32, #tpu.memory_space<vmem>>) dst(%dma_wait3A_153 : memref<10240x128xf32, #tpu.memory_space<vmem_shared>>)
      } else {
      }
      %add3A_126 = arith.constant 1 : i32
      %add3A_127 = arith.addi %add3A_120, %add3A_126 : i32
      %lt3A_128 = arith.constant 40 : i32
      %lt3A_129 = arith.cmpi slt, %add3A_127, %lt3A_128 : i32
      %convert_element_type3A_130 = arith.extui %lt3A_129 : i1 to i32
      %cond3A_131 = arith.constant 0 : i32
      %cond3A_132 = arith.cmpi ne, %convert_element_type3A_130, %cond3A_131 : i32
      scf.if %cond3A_132 {
        %add3A_147 = arith.constant 1 : i32
        %add3A_148 = arith.addi %add3A_120, %add3A_147 : i32
        %dma_start3A_149 = arith.constant 0 : i32
        %dma_start3A_150 = tpu.memref_slice %arg6[%add3A_148, %dma_start3A_149] : memref<40x128xi32, #tpu.memory_space<vmem>> -> memref<1x128xi32, #tpu.memory_space<vmem>>
        %dma_start3A_151 = tpu.memref_squeeze %dma_start3A_150 : memref<1x128xi32, #tpu.memory_space<vmem>> -> memref<128xi32, #tpu.memory_space<vmem>>
        %dma_start3A_152 = arith.constant 0 : i32
        %dma_start3A_153 = tpu.memref_slice %arg2[%mul3A_0, %dma_start3A_152] : memref<20480x128xf32, #tpu.memory_space<hbm>> -> memref<10240x128xf32, #tpu.memory_space<hbm>>
        %dma_start3A_154 = arith.constant 0 : i32
        %dma_start3A_155 = arith.constant 0 : i32
        %dma_start3A_156 = tpu.memref_slice %dma_start3A_153[%dma_start3A_154, %dma_start3A_155] : memref<10240x128xf32, #tpu.memory_space<hbm>> -> memref<10240x128xf32, #tpu.memory_space<hbm>>
        tpu.enqueue_indirect_dma source(%dma_start3A_156 : memref<10240x128xf32, #tpu.memory_space<hbm>>) target(%arg8 : memref<128x128xf32, #tpu.memory_space<vmem>>) offsets(%dma_start3A_151 : memref<128xi32, #tpu.memory_space<vmem>>) semaphore(%arg11 : memref<!tpu.dma_semaphore, #tpu.memory_space<semaphore_mem>>)
      } else {
      }
      %dma_wait3A_133 = arith.constant 0 : i32
      %dma_wait3A_134 = tpu.memref_slice %arg6[%add3A_120, %dma_wait3A_133] : memref<40x128xi32, #tpu.memory_space<vmem>> -> memref<1x128xi32, #tpu.memory_space<vmem>>
      %dma_wait3A_135 = tpu.memref_squeeze %dma_wait3A_134 : memref<1x128xi32, #tpu.memory_space<vmem>> -> memref<128xi32, #tpu.memory_space<vmem>>
      %dma_wait3A_136 = arith.constant 0 : i32
      %dma_wait3A_137 = tpu.memref_slice %arg2[%mul3A_0, %dma_wait3A_136] : memref<20480x128xf32, #tpu.memory_space<hbm>> -> memref<10240x128xf32, #tpu.memory_space<hbm>>
      %dma_wait3A_138 = arith.constant 0 : i32
      %dma_wait3A_139 = arith.constant 0 : i32
      %dma_wait3A_140 = tpu.memref_slice %dma_wait3A_137[%dma_wait3A_138, %dma_wait3A_139] : memref<10240x128xf32, #tpu.memory_space<hbm>> -> memref<10240x128xf32, #tpu.memory_space<hbm>>
      tpu.wait_indirect_dma semaphore(%arg12 : memref<!tpu.dma_semaphore, #tpu.memory_space<semaphore_mem>>) src(%dma_wait3A_140 : memref<10240x128xf32, #tpu.memory_space<hbm>>) dst(%arg9 : memref<128x128xf32, #tpu.memory_space<vmem>>)
      %dma_start3A_141 = arith.constant 0 : i32
      %dma_start3A_142 = tpu.memref_slice %arg7[%add3A_120, %dma_start3A_141] : memref<40x128xi32, #tpu.memory_space<vmem>> -> memref<1x128xi32, #tpu.memory_space<vmem>>
      %dma_start3A_143 = tpu.memref_squeeze %dma_start3A_142 : memref<1x128xi32, #tpu.memory_space<vmem>> -> memref<128xi32, #tpu.memory_space<vmem>>
      %dma_start3A_144 = arith.constant 0 : i32
      %dma_start3A_145 = arith.constant 0 : i32
      %dma_start3A_146 = tpu.memref_slice %arg10[%dma_start3A_144, %dma_start3A_145] : memref<10240x128xf32, #tpu.memory_space<vmem_shared>> -> memref<10240x128xf32, #tpu.memory_space<vmem_shared>>
      tpu.enqueue_indirect_dma source(%arg9 : memref<128x128xf32, #tpu.memory_space<vmem>>) target(%dma_start3A_146 : memref<10240x128xf32, #tpu.memory_space<vmem_shared>>) offsets(%dma_start3A_143 : memref<128xi32, #tpu.memory_space<vmem>>) semaphore(%arg14 : memref<!tpu.dma_semaphore, #tpu.memory_space<semaphore_mem>>) {add = true}
    }
    %scan3A_76 = arith.constant 20 : i32
    %dma_wait3A_77 = arith.constant 39 : i32
    %dma_wait3A_78 = arith.constant 0 : i32
    %dma_wait3A_79 = tpu.memref_slice %arg7[%dma_wait3A_77, %dma_wait3A_78] : memref<40x128xi32, #tpu.memory_space<vmem>> -> memref<1x128xi32, #tpu.memory_space<vmem>>
    %dma_wait3A_80 = tpu.memref_squeeze %dma_wait3A_79 : memref<1x128xi32, #tpu.memory_space<vmem>> -> memref<128xi32, #tpu.memory_space<vmem>>
    %dma_wait3A_81 = arith.constant 0 : i32
    %dma_wait3A_82 = arith.constant 0 : i32
    %dma_wait3A_83 = tpu.memref_slice %arg10[%dma_wait3A_81, %dma_wait3A_82] : memref<10240x128xf32, #tpu.memory_space<vmem_shared>> -> memref<10240x128xf32, #tpu.memory_space<vmem_shared>>
    tpu.wait_indirect_dma semaphore(%arg14 : memref<!tpu.dma_semaphore, #tpu.memory_space<semaphore_mem>>) src(%arg9 : memref<128x128xf32, #tpu.memory_space<vmem>>) dst(%dma_wait3A_83 : memref<10240x128xf32, #tpu.memory_space<vmem_shared>>)
    %barrier3A_84 = arith.constant 0 : index
    tpu.barrier barrier_id(%barrier3A_84)
    %mul3A_85 = arith.constant 640 : i32
    %mul3A_86 = arith.muli %arg1, %mul3A_85 : i32
    %mul3A_87 = arith.constant 10240 : i32
    %mul3A_88 = arith.muli %arg0, %mul3A_87 : i32
    %mul3A_89 = arith.constant 640 : i32
    %mul3A_90 = arith.muli %arg1, %mul3A_89 : i32
    %add3A_91 = arith.addi %mul3A_88, %mul3A_90 : i32
    "tpu.region"() ({
      %run_scoped3A = tpu.sem_alloc : memref<!tpu.dma_semaphore, #tpu.memory_space<semaphore_mem>>
      %dma_start3A_92 = arith.constant 0 : i32
      %dma_start3A_93 = tpu.memref_slice %arg5[%add3A_91, %dma_start3A_92] : memref<20480x128xf32, #tpu.memory_space<hbm>> -> memref<640x128xf32, #tpu.memory_space<hbm>>
      %dma_start3A_94 = arith.constant 0 : i32
      %dma_start3A_95 = tpu.memref_slice %arg10[%mul3A_86, %dma_start3A_94] : memref<10240x128xf32, #tpu.memory_space<vmem_shared>> -> memref<640x128xf32, #tpu.memory_space<vmem_shared>>
      tpu.enqueue_dma source(%dma_start3A_95 : memref<640x128xf32, #tpu.memory_space<vmem_shared>>) target(%dma_start3A_93 : memref<640x128xf32, #tpu.memory_space<hbm>>) target_semaphore(%run_scoped3A : memref<!tpu.dma_semaphore, #tpu.memory_space<semaphore_mem>>)
      %dma_wait3A_96 = arith.constant 0 : i32
      %dma_wait3A_97 = tpu.memref_slice %arg5[%add3A_91, %dma_wait3A_96] : memref<20480x128xf32, #tpu.memory_space<hbm>> -> memref<640x128xf32, #tpu.memory_space<hbm>>
      %dma_wait3A_98 = arith.constant 0 : i32
      %dma_wait3A_99 = tpu.memref_slice %arg10[%mul3A_86, %dma_wait3A_98] : memref<10240x128xf32, #tpu.memory_space<vmem_shared>> -> memref<640x128xf32, #tpu.memory_space<vmem_shared>>
      tpu.wait_dma2 semaphore(%run_scoped3A : memref<!tpu.dma_semaphore, #tpu.memory_space<semaphore_mem>>) src(%dma_wait3A_99 : memref<640x128xf32, #tpu.memory_space<vmem_shared>>) dst(%dma_wait3A_97 : memref<640x128xf32, #tpu.memory_space<hbm>>)
      tpu.yield
    }) : () -> ()
    return
  }
}

#map = affine_map<(d0, d1) -> (0, 0)>
module attributes {stable_mosaic.version = 14 : i64} {
  func.func @_prop3_kernel(%arg0: i32, %arg1: i32, %arg2: memref<10240x128xf32, #tpu.memory_space<hbm>>, %arg3: memref<1280x128xi32, #tpu.memory_space<hbm>>, %arg4: memref<1280x128xi32, #tpu.memory_space<hbm>>, %arg5: memref<20480x128xf32, #tpu.memory_space<hbm>>, %arg6: memref<40x128xi32, #tpu.memory_space<vmem>>, %arg7: memref<40x128xi32, #tpu.memory_space<vmem>>, %arg8: memref<128x128xf32, #tpu.memory_space<vmem>>, %arg9: memref<128x128xf32, #tpu.memory_space<vmem>>, %arg10: memref<10240x128xf32, #tpu.memory_space<vmem_shared>>, %arg11: memref<!tpu.dma_semaphore, #tpu.memory_space<semaphore_mem>>, %arg12: memref<!tpu.dma_semaphore, #tpu.memory_space<semaphore_mem>>, %arg13: memref<!tpu.dma_semaphore, #tpu.memory_space<semaphore_mem>>, %arg14: memref<!tpu.dma_semaphore, #tpu.memory_space<semaphore_mem>>) attributes {dimension_semantics = [#tpu.dimension_semantics<core_parallel>, #tpu.dimension_semantics<subcore_parallel>], iteration_bounds = array<i64: 2, 16>, scalar_prefetch = 0 : i64, scratch_operands = 9 : i64, tpu.core_type = #tpu.core_type<sc_vector_subcore>, window_params = [{transform_indices = #map}, {transform_indices = #map}, {transform_indices = #map}, {transform_indices = #map}]} {
    %mul3A = arith.constant 640 : i32
    %mul3A_0 = arith.muli %arg0, %mul3A : i32
    %mul3A_1 = arith.constant 40 : i32
    %mul3A_2 = arith.muli %arg1, %mul3A_1 : i32
    %add3A = arith.addi %mul3A_0, %mul3A_2 : i32
    "tpu.region"() ({
      %run_scoped3A = tpu.sem_alloc : memref<!tpu.dma_semaphore, #tpu.memory_space<semaphore_mem>>
      %dma_start3A_55 = arith.constant 0 : i32
      %dma_start3A_56 = tpu.memref_slice %arg3[%add3A, %dma_start3A_55] : memref<1280x128xi32, #tpu.memory_space<hbm>> -> memref<40x128xi32, #tpu.memory_space<hbm>>
      %dma_start3A_57 = arith.constant 0 : i32
      %dma_start3A_58 = tpu.memref_slice %arg3[%add3A, %dma_start3A_57] : memref<1280x128xi32, #tpu.memory_space<hbm>> -> memref<40x128xi32, #tpu.memory_space<hbm>>
      tpu.enqueue_dma source(%dma_start3A_58 : memref<40x128xi32, #tpu.memory_space<hbm>>) target(%arg6 : memref<40x128xi32, #tpu.memory_space<vmem>>) target_semaphore(%run_scoped3A : memref<!tpu.dma_semaphore, #tpu.memory_space<semaphore_mem>>)
      %dma_wait3A_59 = arith.constant 0 : i32
      %dma_wait3A_60 = tpu.memref_slice %arg3[%add3A, %dma_wait3A_59] : memref<1280x128xi32, #tpu.memory_space<hbm>> -> memref<40x128xi32, #tpu.memory_space<hbm>>
      %dma_wait3A_61 = arith.constant 0 : i32
      %dma_wait3A_62 = tpu.memref_slice %arg3[%add3A, %dma_wait3A_61] : memref<1280x128xi32, #tpu.memory_space<hbm>> -> memref<40x128xi32, #tpu.memory_space<hbm>>
      tpu.wait_dma2 semaphore(%run_scoped3A : memref<!tpu.dma_semaphore, #tpu.memory_space<semaphore_mem>>) src(%dma_wait3A_62 : memref<40x128xi32, #tpu.memory_space<hbm>>) dst(%arg6 : memref<40x128xi32, #tpu.memory_space<vmem>>)
      tpu.yield
    }) : () -> ()
    "tpu.region"() ({
      %run_scoped3A = tpu.sem_alloc : memref<!tpu.dma_semaphore, #tpu.memory_space<semaphore_mem>>
      %dma_start3A_55 = arith.constant 0 : i32
      %dma_start3A_56 = tpu.memref_slice %arg4[%add3A, %dma_start3A_55] : memref<1280x128xi32, #tpu.memory_space<hbm>> -> memref<40x128xi32, #tpu.memory_space<hbm>>
      %dma_start3A_57 = arith.constant 0 : i32
      %dma_start3A_58 = tpu.memref_slice %arg4[%add3A, %dma_start3A_57] : memref<1280x128xi32, #tpu.memory_space<hbm>> -> memref<40x128xi32, #tpu.memory_space<hbm>>
      tpu.enqueue_dma source(%dma_start3A_58 : memref<40x128xi32, #tpu.memory_space<hbm>>) target(%arg7 : memref<40x128xi32, #tpu.memory_space<vmem>>) target_semaphore(%run_scoped3A : memref<!tpu.dma_semaphore, #tpu.memory_space<semaphore_mem>>)
      %dma_wait3A_59 = arith.constant 0 : i32
      %dma_wait3A_60 = tpu.memref_slice %arg4[%add3A, %dma_wait3A_59] : memref<1280x128xi32, #tpu.memory_space<hbm>> -> memref<40x128xi32, #tpu.memory_space<hbm>>
      %dma_wait3A_61 = arith.constant 0 : i32
      %dma_wait3A_62 = tpu.memref_slice %arg4[%add3A, %dma_wait3A_61] : memref<1280x128xi32, #tpu.memory_space<hbm>> -> memref<40x128xi32, #tpu.memory_space<hbm>>
      tpu.wait_dma2 semaphore(%run_scoped3A : memref<!tpu.dma_semaphore, #tpu.memory_space<semaphore_mem>>) src(%dma_wait3A_62 : memref<40x128xi32, #tpu.memory_space<hbm>>) dst(%arg7 : memref<40x128xi32, #tpu.memory_space<vmem>>)
      tpu.yield
    }) : () -> ()
    %broadcast_in_dim3A = arith.constant 0.000000e+00 : f32
    %broadcast_in_dim3A_3 = vector.broadcast %broadcast_in_dim3A : f32 to vector<16xf32>
    %scan3A = arith.constant 0 : i32
    %scan3A_4 = arith.constant 0 : i32
    %scan3A_5 = arith.constant 128 : i32
    %scan3A_6 = arith.addi %scan3A_4, %scan3A_5 : i32
    %scan3A_7 = arith.constant 1 : i32
    scf.for %scan3A_55 = %scan3A_4 to %scan3A_6 step %scan3A_7  : i32 {
      %swap3A = arith.index_cast %scan3A_55 : i32 to index
      %swap3A_56 = arith.constant 0 : index
      %swap3A_57 = tpu.vector_load %arg8[%swap3A, %swap3A_56] {strides = array<i32>} : memref<128x128xf32, #tpu.memory_space<vmem>>, vector<1x16xf32>,
      %swap3A_58 = vector.shape_cast %swap3A_57 : vector<1x16xf32> to vector<16xf32>
      %swap3A_59 = vector.shape_cast %broadcast_in_dim3A_3 : vector<16xf32> to vector<1x16xf32>
      tpu.vector_store %arg8[%swap3A, %swap3A_56], %swap3A_59 {strides = array<i32>} : memref<128x128xf32, #tpu.memory_space<vmem>>, vector<1x16xf32>,
      %swap3A_60 = arith.index_cast %scan3A_55 : i32 to index
      %swap3A_61 = arith.constant 16 : index
      %swap3A_62 = tpu.vector_load %arg8[%swap3A_60, %swap3A_61] {strides = array<i32>} : memref<128x128xf32, #tpu.memory_space<vmem>>, vector<1x16xf32>,
      %swap3A_63 = vector.shape_cast %swap3A_62 : vector<1x16xf32> to vector<16xf32>
      %swap3A_64 = vector.shape_cast %broadcast_in_dim3A_3 : vector<16xf32> to vector<1x16xf32>
      tpu.vector_store %arg8[%swap3A_60, %swap3A_61], %swap3A_64 {strides = array<i32>} : memref<128x128xf32, #tpu.memory_space<vmem>>, vector<1x16xf32>,
      %swap3A_65 = arith.index_cast %scan3A_55 : i32 to index
      %swap3A_66 = arith.constant 32 : index
      %swap3A_67 = tpu.vector_load %arg8[%swap3A_65, %swap3A_66] {strides = array<i32>} : memref<128x128xf32, #tpu.memory_space<vmem>>, vector<1x16xf32>,
      %swap3A_68 = vector.shape_cast %swap3A_67 : vector<1x16xf32> to vector<16xf32>
      %swap3A_69 = vector.shape_cast %broadcast_in_dim3A_3 : vector<16xf32> to vector<1x16xf32>
      tpu.vector_store %arg8[%swap3A_65, %swap3A_66], %swap3A_69 {strides = array<i32>} : memref<128x128xf32, #tpu.memory_space<vmem>>, vector<1x16xf32>,
      %swap3A_70 = arith.index_cast %scan3A_55 : i32 to index
      %swap3A_71 = arith.constant 48 : index
      %swap3A_72 = tpu.vector_load %arg8[%swap3A_70, %swap3A_71] {strides = array<i32>} : memref<128x128xf32, #tpu.memory_space<vmem>>, vector<1x16xf32>,
      %swap3A_73 = vector.shape_cast %swap3A_72 : vector<1x16xf32> to vector<16xf32>
      %swap3A_74 = vector.shape_cast %broadcast_in_dim3A_3 : vector<16xf32> to vector<1x16xf32>
      tpu.vector_store %arg8[%swap3A_70, %swap3A_71], %swap3A_74 {strides = array<i32>} : memref<128x128xf32, #tpu.memory_space<vmem>>, vector<1x16xf32>,
      %swap3A_75 = arith.index_cast %scan3A_55 : i32 to index
      %swap3A_76 = arith.constant 64 : index
      %swap3A_77 = tpu.vector_load %arg8[%swap3A_75, %swap3A_76] {strides = array<i32>} : memref<128x128xf32, #tpu.memory_space<vmem>>, vector<1x16xf32>,
      %swap3A_78 = vector.shape_cast %swap3A_77 : vector<1x16xf32> to vector<16xf32>
      %swap3A_79 = vector.shape_cast %broadcast_in_dim3A_3 : vector<16xf32> to vector<1x16xf32>
      tpu.vector_store %arg8[%swap3A_75, %swap3A_76], %swap3A_79 {strides = array<i32>} : memref<128x128xf32, #tpu.memory_space<vmem>>, vector<1x16xf32>,
      %swap3A_80 = arith.index_cast %scan3A_55 : i32 to index
      %swap3A_81 = arith.constant 80 : index
      %swap3A_82 = tpu.vector_load %arg8[%swap3A_80, %swap3A_81] {strides = array<i32>} : memref<128x128xf32, #tpu.memory_space<vmem>>, vector<1x16xf32>,
      %swap3A_83 = vector.shape_cast %swap3A_82 : vector<1x16xf32> to vector<16xf32>
      %swap3A_84 = vector.shape_cast %broadcast_in_dim3A_3 : vector<16xf32> to vector<1x16xf32>
      tpu.vector_store %arg8[%swap3A_80, %swap3A_81], %swap3A_84 {strides = array<i32>} : memref<128x128xf32, #tpu.memory_space<vmem>>, vector<1x16xf32>,
      %swap3A_85 = arith.index_cast %scan3A_55 : i32 to index
      %swap3A_86 = arith.constant 96 : index
      %swap3A_87 = tpu.vector_load %arg8[%swap3A_85, %swap3A_86] {strides = array<i32>} : memref<128x128xf32, #tpu.memory_space<vmem>>, vector<1x16xf32>,
      %swap3A_88 = vector.shape_cast %swap3A_87 : vector<1x16xf32> to vector<16xf32>
      %swap3A_89 = vector.shape_cast %broadcast_in_dim3A_3 : vector<16xf32> to vector<1x16xf32>
      tpu.vector_store %arg8[%swap3A_85, %swap3A_86], %swap3A_89 {strides = array<i32>} : memref<128x128xf32, #tpu.memory_space<vmem>>, vector<1x16xf32>,
      %swap3A_90 = arith.index_cast %scan3A_55 : i32 to index
      %swap3A_91 = arith.constant 112 : index
      %swap3A_92 = tpu.vector_load %arg8[%swap3A_90, %swap3A_91] {strides = array<i32>} : memref<128x128xf32, #tpu.memory_space<vmem>>, vector<1x16xf32>,
      %swap3A_93 = vector.shape_cast %swap3A_92 : vector<1x16xf32> to vector<16xf32>
      %swap3A_94 = vector.shape_cast %broadcast_in_dim3A_3 : vector<16xf32> to vector<1x16xf32>
      tpu.vector_store %arg8[%swap3A_90, %swap3A_91], %swap3A_94 {strides = array<i32>} : memref<128x128xf32, #tpu.memory_space<vmem>>, vector<1x16xf32>,
    }
    %scan3A_8 = arith.constant 128 : i32
    %mul3A_9 = arith.constant 640 : i32
    %mul3A_10 = arith.muli %arg1, %mul3A_9 : i32
    %add3A_11 = arith.constant 0 : i32
    %add3A_12 = arith.addi %mul3A_10, %add3A_11 : i32
    "tpu.region"() ({
      %run_scoped3A = tpu.sem_alloc : memref<!tpu.dma_semaphore, #tpu.memory_space<semaphore_mem>>
      %dma_start3A_55 = arith.constant 0 : i32
      %dma_start3A_56 = tpu.memref_slice %arg10[%add3A_12, %dma_start3A_55] : memref<10240x128xf32, #tpu.memory_space<vmem_shared>> -> memref<128x128xf32, #tpu.memory_space<vmem_shared>>
      %dma_start3A_57 = arith.constant 0 : i32
      %dma_start3A_58 = tpu.memref_slice %arg10[%add3A_12, %dma_start3A_57] : memref<10240x128xf32, #tpu.memory_space<vmem_shared>> -> memref<128x128xf32, #tpu.memory_space<vmem_shared>>
      tpu.enqueue_dma source(%arg8 : memref<128x128xf32, #tpu.memory_space<vmem>>) target(%dma_start3A_58 : memref<128x128xf32, #tpu.memory_space<vmem_shared>>) target_semaphore(%run_scoped3A : memref<!tpu.dma_semaphore, #tpu.memory_space<semaphore_mem>>)
      %dma_wait3A_59 = arith.constant 0 : i32
      %dma_wait3A_60 = tpu.memref_slice %arg10[%add3A_12, %dma_wait3A_59] : memref<10240x128xf32, #tpu.memory_space<vmem_shared>> -> memref<128x128xf32, #tpu.memory_space<vmem_shared>>
      %dma_wait3A_61 = arith.constant 0 : i32
      %dma_wait3A_62 = tpu.memref_slice %arg10[%add3A_12, %dma_wait3A_61] : memref<10240x128xf32, #tpu.memory_space<vmem_shared>> -> memref<128x128xf32, #tpu.memory_space<vmem_shared>>
      tpu.wait_dma2 semaphore(%run_scoped3A : memref<!tpu.dma_semaphore, #tpu.memory_space<semaphore_mem>>) src(%arg8 : memref<128x128xf32, #tpu.memory_space<vmem>>) dst(%dma_wait3A_62 : memref<128x128xf32, #tpu.memory_space<vmem_shared>>)
      tpu.yield
    }) : () -> ()
    %mul3A_13 = arith.constant 640 : i32
    %mul3A_14 = arith.muli %arg1, %mul3A_13 : i32
    %add3A_15 = arith.constant 128 : i32
    %add3A_16 = arith.addi %mul3A_14, %add3A_15 : i32
    "tpu.region"() ({
      %run_scoped3A = tpu.sem_alloc : memref<!tpu.dma_semaphore, #tpu.memory_space<semaphore_mem>>
      %dma_start3A_55 = arith.constant 0 : i32
      %dma_start3A_56 = tpu.memref_slice %arg10[%add3A_16, %dma_start3A_55] : memref<10240x128xf32, #tpu.memory_space<vmem_shared>> -> memref<128x128xf32, #tpu.memory_space<vmem_shared>>
      %dma_start3A_57 = arith.constant 0 : i32
      %dma_start3A_58 = tpu.memref_slice %arg10[%add3A_16, %dma_start3A_57] : memref<10240x128xf32, #tpu.memory_space<vmem_shared>> -> memref<128x128xf32, #tpu.memory_space<vmem_shared>>
      tpu.enqueue_dma source(%arg8 : memref<128x128xf32, #tpu.memory_space<vmem>>) target(%dma_start3A_58 : memref<128x128xf32, #tpu.memory_space<vmem_shared>>) target_semaphore(%run_scoped3A : memref<!tpu.dma_semaphore, #tpu.memory_space<semaphore_mem>>)
      %dma_wait3A_59 = arith.constant 0 : i32
      %dma_wait3A_60 = tpu.memref_slice %arg10[%add3A_16, %dma_wait3A_59] : memref<10240x128xf32, #tpu.memory_space<vmem_shared>> -> memref<128x128xf32, #tpu.memory_space<vmem_shared>>
      %dma_wait3A_61 = arith.constant 0 : i32
      %dma_wait3A_62 = tpu.memref_slice %arg10[%add3A_16, %dma_wait3A_61] : memref<10240x128xf32, #tpu.memory_space<vmem_shared>> -> memref<128x128xf32, #tpu.memory_space<vmem_shared>>
      tpu.wait_dma2 semaphore(%run_scoped3A : memref<!tpu.dma_semaphore, #tpu.memory_space<semaphore_mem>>) src(%arg8 : memref<128x128xf32, #tpu.memory_space<vmem>>) dst(%dma_wait3A_62 : memref<128x128xf32, #tpu.memory_space<vmem_shared>>)
      tpu.yield
    }) : () -> ()
    %mul3A_17 = arith.constant 640 : i32
    %mul3A_18 = arith.muli %arg1, %mul3A_17 : i32
    %add3A_19 = arith.constant 256 : i32
    %add3A_20 = arith.addi %mul3A_18, %add3A_19 : i32
    "tpu.region"() ({
      %run_scoped3A = tpu.sem_alloc : memref<!tpu.dma_semaphore, #tpu.memory_space<semaphore_mem>>
      %dma_start3A_55 = arith.constant 0 : i32
      %dma_start3A_56 = tpu.memref_slice %arg10[%add3A_20, %dma_start3A_55] : memref<10240x128xf32, #tpu.memory_space<vmem_shared>> -> memref<128x128xf32, #tpu.memory_space<vmem_shared>>
      %dma_start3A_57 = arith.constant 0 : i32
      %dma_start3A_58 = tpu.memref_slice %arg10[%add3A_20, %dma_start3A_57] : memref<10240x128xf32, #tpu.memory_space<vmem_shared>> -> memref<128x128xf32, #tpu.memory_space<vmem_shared>>
      tpu.enqueue_dma source(%arg8 : memref<128x128xf32, #tpu.memory_space<vmem>>) target(%dma_start3A_58 : memref<128x128xf32, #tpu.memory_space<vmem_shared>>) target_semaphore(%run_scoped3A : memref<!tpu.dma_semaphore, #tpu.memory_space<semaphore_mem>>)
      %dma_wait3A_59 = arith.constant 0 : i32
      %dma_wait3A_60 = tpu.memref_slice %arg10[%add3A_20, %dma_wait3A_59] : memref<10240x128xf32, #tpu.memory_space<vmem_shared>> -> memref<128x128xf32, #tpu.memory_space<vmem_shared>>
      %dma_wait3A_61 = arith.constant 0 : i32
      %dma_wait3A_62 = tpu.memref_slice %arg10[%add3A_20, %dma_wait3A_61] : memref<10240x128xf32, #tpu.memory_space<vmem_shared>> -> memref<128x128xf32, #tpu.memory_space<vmem_shared>>
      tpu.wait_dma2 semaphore(%run_scoped3A : memref<!tpu.dma_semaphore, #tpu.memory_space<semaphore_mem>>) src(%arg8 : memref<128x128xf32, #tpu.memory_space<vmem>>) dst(%dma_wait3A_62 : memref<128x128xf32, #tpu.memory_space<vmem_shared>>)
      tpu.yield
    }) : () -> ()
    %mul3A_21 = arith.constant 640 : i32
    %mul3A_22 = arith.muli %arg1, %mul3A_21 : i32
    %add3A_23 = arith.constant 384 : i32
    %add3A_24 = arith.addi %mul3A_22, %add3A_23 : i32
    "tpu.region"() ({
      %run_scoped3A = tpu.sem_alloc : memref<!tpu.dma_semaphore, #tpu.memory_space<semaphore_mem>>
      %dma_start3A_55 = arith.constant 0 : i32
      %dma_start3A_56 = tpu.memref_slice %arg10[%add3A_24, %dma_start3A_55] : memref<10240x128xf32, #tpu.memory_space<vmem_shared>> -> memref<128x128xf32, #tpu.memory_space<vmem_shared>>
      %dma_start3A_57 = arith.constant 0 : i32
      %dma_start3A_58 = tpu.memref_slice %arg10[%add3A_24, %dma_start3A_57] : memref<10240x128xf32, #tpu.memory_space<vmem_shared>> -> memref<128x128xf32, #tpu.memory_space<vmem_shared>>
      tpu.enqueue_dma source(%arg8 : memref<128x128xf32, #tpu.memory_space<vmem>>) target(%dma_start3A_58 : memref<128x128xf32, #tpu.memory_space<vmem_shared>>) target_semaphore(%run_scoped3A : memref<!tpu.dma_semaphore, #tpu.memory_space<semaphore_mem>>)
      %dma_wait3A_59 = arith.constant 0 : i32
      %dma_wait3A_60 = tpu.memref_slice %arg10[%add3A_24, %dma_wait3A_59] : memref<10240x128xf32, #tpu.memory_space<vmem_shared>> -> memref<128x128xf32, #tpu.memory_space<vmem_shared>>
      %dma_wait3A_61 = arith.constant 0 : i32
      %dma_wait3A_62 = tpu.memref_slice %arg10[%add3A_24, %dma_wait3A_61] : memref<10240x128xf32, #tpu.memory_space<vmem_shared>> -> memref<128x128xf32, #tpu.memory_space<vmem_shared>>
      tpu.wait_dma2 semaphore(%run_scoped3A : memref<!tpu.dma_semaphore, #tpu.memory_space<semaphore_mem>>) src(%arg8 : memref<128x128xf32, #tpu.memory_space<vmem>>) dst(%dma_wait3A_62 : memref<128x128xf32, #tpu.memory_space<vmem_shared>>)
      tpu.yield
    }) : () -> ()
    %mul3A_25 = arith.constant 640 : i32
    %mul3A_26 = arith.muli %arg1, %mul3A_25 : i32
    %add3A_27 = arith.constant 512 : i32
    %add3A_28 = arith.addi %mul3A_26, %add3A_27 : i32
    "tpu.region"() ({
      %run_scoped3A = tpu.sem_alloc : memref<!tpu.dma_semaphore, #tpu.memory_space<semaphore_mem>>
      %dma_start3A_55 = arith.constant 0 : i32
      %dma_start3A_56 = tpu.memref_slice %arg10[%add3A_28, %dma_start3A_55] : memref<10240x128xf32, #tpu.memory_space<vmem_shared>> -> memref<128x128xf32, #tpu.memory_space<vmem_shared>>
      %dma_start3A_57 = arith.constant 0 : i32
      %dma_start3A_58 = tpu.memref_slice %arg10[%add3A_28, %dma_start3A_57] : memref<10240x128xf32, #tpu.memory_space<vmem_shared>> -> memref<128x128xf32, #tpu.memory_space<vmem_shared>>
      tpu.enqueue_dma source(%arg8 : memref<128x128xf32, #tpu.memory_space<vmem>>) target(%dma_start3A_58 : memref<128x128xf32, #tpu.memory_space<vmem_shared>>) target_semaphore(%run_scoped3A : memref<!tpu.dma_semaphore, #tpu.memory_space<semaphore_mem>>)
      %dma_wait3A_59 = arith.constant 0 : i32
      %dma_wait3A_60 = tpu.memref_slice %arg10[%add3A_28, %dma_wait3A_59] : memref<10240x128xf32, #tpu.memory_space<vmem_shared>> -> memref<128x128xf32, #tpu.memory_space<vmem_shared>>
      %dma_wait3A_61 = arith.constant 0 : i32
      %dma_wait3A_62 = tpu.memref_slice %arg10[%add3A_28, %dma_wait3A_61] : memref<10240x128xf32, #tpu.memory_space<vmem_shared>> -> memref<128x128xf32, #tpu.memory_space<vmem_shared>>
      tpu.wait_dma2 semaphore(%run_scoped3A : memref<!tpu.dma_semaphore, #tpu.memory_space<semaphore_mem>>) src(%arg8 : memref<128x128xf32, #tpu.memory_space<vmem>>) dst(%dma_wait3A_62 : memref<128x128xf32, #tpu.memory_space<vmem_shared>>)
      tpu.yield
    }) : () -> ()
    %barrier3A = arith.constant 0 : index
    tpu.barrier barrier_id(%barrier3A)
    %dma_start3A = arith.constant 0 : i32
    %dma_start3A_29 = arith.constant 0 : i32
    %dma_start3A_30 = tpu.memref_slice %arg6[%dma_start3A, %dma_start3A_29] : memref<40x128xi32, #tpu.memory_space<vmem>> -> memref<1x128xi32, #tpu.memory_space<vmem>>
    %dma_start3A_31 = tpu.memref_squeeze %dma_start3A_30 : memref<1x128xi32, #tpu.memory_space<vmem>> -> memref<128xi32, #tpu.memory_space<vmem>>
    %dma_start3A_32 = arith.constant 0 : i32
    %dma_start3A_33 = arith.constant 0 : i32
    %dma_start3A_34 = tpu.memref_slice %arg2[%dma_start3A_32, %dma_start3A_33] : memref<10240x128xf32, #tpu.memory_space<hbm>> -> memref<10240x128xf32, #tpu.memory_space<hbm>>
    tpu.enqueue_indirect_dma source(%dma_start3A_34 : memref<10240x128xf32, #tpu.memory_space<hbm>>) target(%arg8 : memref<128x128xf32, #tpu.memory_space<vmem>>) offsets(%dma_start3A_31 : memref<128xi32, #tpu.memory_space<vmem>>) semaphore(%arg11 : memref<!tpu.dma_semaphore, #tpu.memory_space<semaphore_mem>>)
    %scan3A_35 = arith.constant 0 : i32
    %scan3A_36 = arith.constant 0 : i32
    %scan3A_37 = arith.constant 20 : i32
    %scan3A_38 = arith.addi %scan3A_36, %scan3A_37 : i32
    %scan3A_39 = arith.constant 1 : i32
    scf.for %scan3A_55 = %scan3A_36 to %scan3A_38 step %scan3A_39  : i32 {
      %mul3A_56 = arith.constant 2 : i32
      %mul3A_57 = arith.muli %mul3A_56, %scan3A_55 : i32
      %gt3A = arith.constant 0 : i32
      %gt3A_58 = arith.cmpi sgt, %mul3A_57, %gt3A : i32
      %convert_element_type3A = arith.extui %gt3A_58 : i1 to i32
      %cond3A = arith.constant 0 : i32
      %cond3A_59 = arith.cmpi ne, %convert_element_type3A, %cond3A : i32
      scf.if %cond3A_59 {
        %sub3A = arith.constant 1 : i32
        %sub3A_106 = arith.subi %mul3A_57, %sub3A : i32
        %dma_wait3A_107 = arith.constant 0 : i32
        %dma_wait3A_108 = tpu.memref_slice %arg7[%sub3A_106, %dma_wait3A_107] : memref<40x128xi32, #tpu.memory_space<vmem>> -> memref<1x128xi32, #tpu.memory_space<vmem>>
        %dma_wait3A_109 = tpu.memref_squeeze %dma_wait3A_108 : memref<1x128xi32, #tpu.memory_space<vmem>> -> memref<128xi32, #tpu.memory_space<vmem>>
        %dma_wait3A_110 = arith.constant 0 : i32
        %dma_wait3A_111 = arith.constant 0 : i32
        %dma_wait3A_112 = tpu.memref_slice %arg10[%dma_wait3A_110, %dma_wait3A_111] : memref<10240x128xf32, #tpu.memory_space<vmem_shared>> -> memref<10240x128xf32, #tpu.memory_space<vmem_shared>>
        tpu.wait_indirect_dma semaphore(%arg14 : memref<!tpu.dma_semaphore, #tpu.memory_space<semaphore_mem>>) src(%arg9 : memref<128x128xf32, #tpu.memory_space<vmem>>) dst(%dma_wait3A_112 : memref<10240x128xf32, #tpu.memory_space<vmem_shared>>)
      } else {
      }
      %add3A_60 = arith.constant 1 : i32
      %add3A_61 = arith.addi %mul3A_57, %add3A_60 : i32
      %lt3A = arith.constant 40 : i32
      %lt3A_62 = arith.cmpi slt, %add3A_61, %lt3A : i32
      %convert_element_type3A_63 = arith.extui %lt3A_62 : i1 to i32
      %cond3A_64 = arith.constant 0 : i32
      %cond3A_65 = arith.cmpi ne, %convert_element_type3A_63, %cond3A_64 : i32
      scf.if %cond3A_65 {
        %add3A_106 = arith.constant 1 : i32
        %add3A_107 = arith.addi %mul3A_57, %add3A_106 : i32
        %dma_start3A_108 = arith.constant 0 : i32
        %dma_start3A_109 = tpu.memref_slice %arg6[%add3A_107, %dma_start3A_108] : memref<40x128xi32, #tpu.memory_space<vmem>> -> memref<1x128xi32, #tpu.memory_space<vmem>>
        %dma_start3A_110 = tpu.memref_squeeze %dma_start3A_109 : memref<1x128xi32, #tpu.memory_space<vmem>> -> memref<128xi32, #tpu.memory_space<vmem>>
        %dma_start3A_111 = arith.constant 0 : i32
        %dma_start3A_112 = arith.constant 0 : i32
        %dma_start3A_113 = tpu.memref_slice %arg2[%dma_start3A_111, %dma_start3A_112] : memref<10240x128xf32, #tpu.memory_space<hbm>> -> memref<10240x128xf32, #tpu.memory_space<hbm>>
        tpu.enqueue_indirect_dma source(%dma_start3A_113 : memref<10240x128xf32, #tpu.memory_space<hbm>>) target(%arg9 : memref<128x128xf32, #tpu.memory_space<vmem>>) offsets(%dma_start3A_110 : memref<128xi32, #tpu.memory_space<vmem>>) semaphore(%arg12 : memref<!tpu.dma_semaphore, #tpu.memory_space<semaphore_mem>>)
      } else {
      }
      %dma_wait3A_66 = arith.constant 0 : i32
      %dma_wait3A_67 = tpu.memref_slice %arg6[%mul3A_57, %dma_wait3A_66] : memref<40x128xi32, #tpu.memory_space<vmem>> -> memref<1x128xi32, #tpu.memory_space<vmem>>
      %dma_wait3A_68 = tpu.memref_squeeze %dma_wait3A_67 : memref<1x128xi32, #tpu.memory_space<vmem>> -> memref<128xi32, #tpu.memory_space<vmem>>
      %dma_wait3A_69 = arith.constant 0 : i32
      %dma_wait3A_70 = arith.constant 0 : i32
      %dma_wait3A_71 = tpu.memref_slice %arg2[%dma_wait3A_69, %dma_wait3A_70] : memref<10240x128xf32, #tpu.memory_space<hbm>> -> memref<10240x128xf32, #tpu.memory_space<hbm>>
      tpu.wait_indirect_dma semaphore(%arg11 : memref<!tpu.dma_semaphore, #tpu.memory_space<semaphore_mem>>) src(%dma_wait3A_71 : memref<10240x128xf32, #tpu.memory_space<hbm>>) dst(%arg8 : memref<128x128xf32, #tpu.memory_space<vmem>>)
      %dma_start3A_72 = arith.constant 0 : i32
      %dma_start3A_73 = tpu.memref_slice %arg7[%mul3A_57, %dma_start3A_72] : memref<40x128xi32, #tpu.memory_space<vmem>> -> memref<1x128xi32, #tpu.memory_space<vmem>>
      %dma_start3A_74 = tpu.memref_squeeze %dma_start3A_73 : memref<1x128xi32, #tpu.memory_space<vmem>> -> memref<128xi32, #tpu.memory_space<vmem>>
      %dma_start3A_75 = arith.constant 0 : i32
      %dma_start3A_76 = arith.constant 0 : i32
      %dma_start3A_77 = tpu.memref_slice %arg10[%dma_start3A_75, %dma_start3A_76] : memref<10240x128xf32, #tpu.memory_space<vmem_shared>> -> memref<10240x128xf32, #tpu.memory_space<vmem_shared>>
      tpu.enqueue_indirect_dma source(%arg8 : memref<128x128xf32, #tpu.memory_space<vmem>>) target(%dma_start3A_77 : memref<10240x128xf32, #tpu.memory_space<vmem_shared>>) offsets(%dma_start3A_74 : memref<128xi32, #tpu.memory_space<vmem>>) semaphore(%arg13 : memref<!tpu.dma_semaphore, #tpu.memory_space<semaphore_mem>>) {add = true}
      %mul3A_78 = arith.constant 2 : i32
      %mul3A_79 = arith.muli %mul3A_78, %scan3A_55 : i32
      %add3A_80 = arith.constant 1 : i32
      %add3A_81 = arith.addi %mul3A_79, %add3A_80 : i32
      %gt3A_82 = arith.constant 0 : i32
      %gt3A_83 = arith.cmpi sgt, %add3A_81, %gt3A_82 : i32
      %convert_element_type3A_84 = arith.extui %gt3A_83 : i1 to i32
      %cond3A_85 = arith.constant 0 : i32
      %cond3A_86 = arith.cmpi ne, %convert_element_type3A_84, %cond3A_85 : i32
      scf.if %cond3A_86 {
        %sub3A = arith.constant 1 : i32
        %sub3A_106 = arith.subi %add3A_81, %sub3A : i32
        %dma_wait3A_107 = arith.constant 0 : i32
        %dma_wait3A_108 = tpu.memref_slice %arg7[%sub3A_106, %dma_wait3A_107] : memref<40x128xi32, #tpu.memory_space<vmem>> -> memref<1x128xi32, #tpu.memory_space<vmem>>
        %dma_wait3A_109 = tpu.memref_squeeze %dma_wait3A_108 : memref<1x128xi32, #tpu.memory_space<vmem>> -> memref<128xi32, #tpu.memory_space<vmem>>
        %dma_wait3A_110 = arith.constant 0 : i32
        %dma_wait3A_111 = arith.constant 0 : i32
        %dma_wait3A_112 = tpu.memref_slice %arg10[%dma_wait3A_110, %dma_wait3A_111] : memref<10240x128xf32, #tpu.memory_space<vmem_shared>> -> memref<10240x128xf32, #tpu.memory_space<vmem_shared>>
        tpu.wait_indirect_dma semaphore(%arg13 : memref<!tpu.dma_semaphore, #tpu.memory_space<semaphore_mem>>) src(%arg8 : memref<128x128xf32, #tpu.memory_space<vmem>>) dst(%dma_wait3A_112 : memref<10240x128xf32, #tpu.memory_space<vmem_shared>>)
      } else {
      }
      %add3A_87 = arith.constant 1 : i32
      %add3A_88 = arith.addi %add3A_81, %add3A_87 : i32
      %lt3A_89 = arith.constant 40 : i32
      %lt3A_90 = arith.cmpi slt, %add3A_88, %lt3A_89 : i32
      %convert_element_type3A_91 = arith.extui %lt3A_90 : i1 to i32
      %cond3A_92 = arith.constant 0 : i32
      %cond3A_93 = arith.cmpi ne, %convert_element_type3A_91, %cond3A_92 : i32
      scf.if %cond3A_93 {
        %add3A_106 = arith.constant 1 : i32
        %add3A_107 = arith.addi %add3A_81, %add3A_106 : i32
        %dma_start3A_108 = arith.constant 0 : i32
        %dma_start3A_109 = tpu.memref_slice %arg6[%add3A_107, %dma_start3A_108] : memref<40x128xi32, #tpu.memory_space<vmem>> -> memref<1x128xi32, #tpu.memory_space<vmem>>
        %dma_start3A_110 = tpu.memref_squeeze %dma_start3A_109 : memref<1x128xi32, #tpu.memory_space<vmem>> -> memref<128xi32, #tpu.memory_space<vmem>>
        %dma_start3A_111 = arith.constant 0 : i32
        %dma_start3A_112 = arith.constant 0 : i32
        %dma_start3A_113 = tpu.memref_slice %arg2[%dma_start3A_111, %dma_start3A_112] : memref<10240x128xf32, #tpu.memory_space<hbm>> -> memref<10240x128xf32, #tpu.memory_space<hbm>>
        tpu.enqueue_indirect_dma source(%dma_start3A_113 : memref<10240x128xf32, #tpu.memory_space<hbm>>) target(%arg8 : memref<128x128xf32, #tpu.memory_space<vmem>>) offsets(%dma_start3A_110 : memref<128xi32, #tpu.memory_space<vmem>>) semaphore(%arg11 : memref<!tpu.dma_semaphore, #tpu.memory_space<semaphore_mem>>)
      } else {
      }
      %dma_wait3A_94 = arith.constant 0 : i32
      %dma_wait3A_95 = tpu.memref_slice %arg6[%add3A_81, %dma_wait3A_94] : memref<40x128xi32, #tpu.memory_space<vmem>> -> memref<1x128xi32, #tpu.memory_space<vmem>>
      %dma_wait3A_96 = tpu.memref_squeeze %dma_wait3A_95 : memref<1x128xi32, #tpu.memory_space<vmem>> -> memref<128xi32, #tpu.memory_space<vmem>>
      %dma_wait3A_97 = arith.constant 0 : i32
      %dma_wait3A_98 = arith.constant 0 : i32
      %dma_wait3A_99 = tpu.memref_slice %arg2[%dma_wait3A_97, %dma_wait3A_98] : memref<10240x128xf32, #tpu.memory_space<hbm>> -> memref<10240x128xf32, #tpu.memory_space<hbm>>
      tpu.wait_indirect_dma semaphore(%arg12 : memref<!tpu.dma_semaphore, #tpu.memory_space<semaphore_mem>>) src(%dma_wait3A_99 : memref<10240x128xf32, #tpu.memory_space<hbm>>) dst(%arg9 : memref<128x128xf32, #tpu.memory_space<vmem>>)
      %dma_start3A_100 = arith.constant 0 : i32
      %dma_start3A_101 = tpu.memref_slice %arg7[%add3A_81, %dma_start3A_100] : memref<40x128xi32, #tpu.memory_space<vmem>> -> memref<1x128xi32, #tpu.memory_space<vmem>>
      %dma_start3A_102 = tpu.memref_squeeze %dma_start3A_101 : memref<1x128xi32, #tpu.memory_space<vmem>> -> memref<128xi32, #tpu.memory_space<vmem>>
      %dma_start3A_103 = arith.constant 0 : i32
      %dma_start3A_104 = arith.constant 0 : i32
      %dma_start3A_105 = tpu.memref_slice %arg10[%dma_start3A_103, %dma_start3A_104] : memref<10240x128xf32, #tpu.memory_space<vmem_shared>> -> memref<10240x128xf32, #tpu.memory_space<vmem_shared>>
      tpu.enqueue_indirect_dma source(%arg9 : memref<128x128xf32, #tpu.memory_space<vmem>>) target(%dma_start3A_105 : memref<10240x128xf32, #tpu.memory_space<vmem_shared>>) offsets(%dma_start3A_102 : memref<128xi32, #tpu.memory_space<vmem>>) semaphore(%arg14 : memref<!tpu.dma_semaphore, #tpu.memory_space<semaphore_mem>>) {add = true}
    }
    %scan3A_40 = arith.constant 20 : i32
    %dma_wait3A = arith.constant 39 : i32
    %dma_wait3A_41 = arith.constant 0 : i32
    %dma_wait3A_42 = tpu.memref_slice %arg7[%dma_wait3A, %dma_wait3A_41] : memref<40x128xi32, #tpu.memory_space<vmem>> -> memref<1x128xi32, #tpu.memory_space<vmem>>
    %dma_wait3A_43 = tpu.memref_squeeze %dma_wait3A_42 : memref<1x128xi32, #tpu.memory_space<vmem>> -> memref<128xi32, #tpu.memory_space<vmem>>
    %dma_wait3A_44 = arith.constant 0 : i32
    %dma_wait3A_45 = arith.constant 0 : i32
    %dma_wait3A_46 = tpu.memref_slice %arg10[%dma_wait3A_44, %dma_wait3A_45] : memref<10240x128xf32, #tpu.memory_space<vmem_shared>> -> memref<10240x128xf32, #tpu.memory_space<vmem_shared>>
    tpu.wait_indirect_dma semaphore(%arg14 : memref<!tpu.dma_semaphore, #tpu.memory_space<semaphore_mem>>) src(%arg9 : memref<128x128xf32, #tpu.memory_space<vmem>>) dst(%dma_wait3A_46 : memref<10240x128xf32, #tpu.memory_space<vmem_shared>>)
    %barrier3A_47 = arith.constant 0 : index
    tpu.barrier barrier_id(%barrier3A_47)
    %mul3A_48 = arith.constant 640 : i32
    %mul3A_49 = arith.muli %arg1, %mul3A_48 : i32
    %mul3A_50 = arith.constant 10240 : i32
    %mul3A_51 = arith.muli %arg0, %mul3A_50 : i32
    %mul3A_52 = arith.constant 640 : i32
    %mul3A_53 = arith.muli %arg1, %mul3A_52 : i32
    %add3A_54 = arith.addi %mul3A_51, %mul3A_53 : i32
    "tpu.region"() ({
      %run_scoped3A = tpu.sem_alloc : memref<!tpu.dma_semaphore, #tpu.memory_space<semaphore_mem>>
      %dma_start3A_55 = arith.constant 0 : i32
      %dma_start3A_56 = tpu.memref_slice %arg5[%add3A_54, %dma_start3A_55] : memref<20480x128xf32, #tpu.memory_space<hbm>> -> memref<640x128xf32, #tpu.memory_space<hbm>>
      %dma_start3A_57 = arith.constant 0 : i32
      %dma_start3A_58 = tpu.memref_slice %arg10[%mul3A_49, %dma_start3A_57] : memref<10240x128xf32, #tpu.memory_space<vmem_shared>> -> memref<640x128xf32, #tpu.memory_space<vmem_shared>>
      tpu.enqueue_dma source(%dma_start3A_58 : memref<640x128xf32, #tpu.memory_space<vmem_shared>>) target(%dma_start3A_56 : memref<640x128xf32, #tpu.memory_space<hbm>>) target_semaphore(%run_scoped3A : memref<!tpu.dma_semaphore, #tpu.memory_space<semaphore_mem>>)
      %dma_wait3A_59 = arith.constant 0 : i32
      %dma_wait3A_60 = tpu.memref_slice %arg5[%add3A_54, %dma_wait3A_59] : memref<20480x128xf32, #tpu.memory_space<hbm>> -> memref<640x128xf32, #tpu.memory_space<hbm>>
      %dma_wait3A_61 = arith.constant 0 : i32
      %dma_wait3A_62 = tpu.memref_slice %arg10[%mul3A_49, %dma_wait3A_61] : memref<10240x128xf32, #tpu.memory_space<vmem_shared>> -> memref<640x128xf32, #tpu.memory_space<vmem_shared>>
      tpu.wait_dma2 semaphore(%run_scoped3A : memref<!tpu.dma_semaphore, #tpu.memory_space<semaphore_mem>>) src(%dma_wait3A_62 : memref<640x128xf32, #tpu.memory_space<vmem_shared>>) dst(%dma_wait3A_60 : memref<640x128xf32, #tpu.memory_space<hbm>>)
      tpu.yield
    }) : () -> ()
    return
  }
}

#map = affine_map<(d0, d1) -> (0, 0)>
module attributes {stable_mosaic.version = 14 : i64} {
  func.func @_prop_kernel(%arg0: i32, %arg1: i32, %arg2: memref<20480x128xf32, #tpu.memory_space<hbm>>, %arg3: memref<1280x128xi32, #tpu.memory_space<hbm>>, %arg4: memref<1280x128xi32, #tpu.memory_space<hbm>>, %arg5: memref<20480x128xf32, #tpu.memory_space<hbm>>, %arg6: memref<40x128xi32, #tpu.memory_space<vmem>>, %arg7: memref<40x128xi32, #tpu.memory_space<vmem>>, %arg8: memref<128x128xf32, #tpu.memory_space<vmem>>, %arg9: memref<128x128xf32, #tpu.memory_space<vmem>>, %arg10: memref<10240x128xf32, #tpu.memory_space<vmem_shared>>, %arg11: memref<!tpu.dma_semaphore, #tpu.memory_space<semaphore_mem>>, %arg12: memref<!tpu.dma_semaphore, #tpu.memory_space<semaphore_mem>>, %arg13: memref<!tpu.dma_semaphore, #tpu.memory_space<semaphore_mem>>, %arg14: memref<!tpu.dma_semaphore, #tpu.memory_space<semaphore_mem>>) attributes {dimension_semantics = [#tpu.dimension_semantics<core_parallel>, #tpu.dimension_semantics<subcore_parallel>], iteration_bounds = array<i64: 2, 16>, scalar_prefetch = 0 : i64, scratch_operands = 9 : i64, tpu.core_type = #tpu.core_type<sc_vector_subcore>, window_params = [{transform_indices = #map}, {transform_indices = #map}, {transform_indices = #map}, {transform_indices = #map}]} {
    %mul3A = arith.constant 10240 : i32
    %mul3A_0 = arith.muli %arg0, %mul3A : i32
    %broadcast_in_dim3A = arith.constant 0.000000e+00 : f32
    %broadcast_in_dim3A_1 = vector.broadcast %broadcast_in_dim3A : f32 to vector<16xf32>
    %scan3A = arith.constant 0 : i32
    %scan3A_2 = arith.constant 0 : i32
    %scan3A_3 = arith.constant 128 : i32
    %scan3A_4 = arith.addi %scan3A_2, %scan3A_3 : i32
    %scan3A_5 = arith.constant 1 : i32
    scf.for %scan3A_92 = %scan3A_2 to %scan3A_4 step %scan3A_5  : i32 {
      %swap3A = arith.index_cast %scan3A_92 : i32 to index
      %swap3A_93 = arith.constant 0 : index
      %swap3A_94 = tpu.vector_load %arg8[%swap3A, %swap3A_93] {strides = array<i32>} : memref<128x128xf32, #tpu.memory_space<vmem>>, vector<1x16xf32>,
      %swap3A_95 = vector.shape_cast %swap3A_94 : vector<1x16xf32> to vector<16xf32>
      %swap3A_96 = vector.shape_cast %broadcast_in_dim3A_1 : vector<16xf32> to vector<1x16xf32>
      tpu.vector_store %arg8[%swap3A, %swap3A_93], %swap3A_96 {strides = array<i32>} : memref<128x128xf32, #tpu.memory_space<vmem>>, vector<1x16xf32>,
      %swap3A_97 = arith.index_cast %scan3A_92 : i32 to index
      %swap3A_98 = arith.constant 16 : index
      %swap3A_99 = tpu.vector_load %arg8[%swap3A_97, %swap3A_98] {strides = array<i32>} : memref<128x128xf32, #tpu.memory_space<vmem>>, vector<1x16xf32>,
      %swap3A_100 = vector.shape_cast %swap3A_99 : vector<1x16xf32> to vector<16xf32>
      %swap3A_101 = vector.shape_cast %broadcast_in_dim3A_1 : vector<16xf32> to vector<1x16xf32>
      tpu.vector_store %arg8[%swap3A_97, %swap3A_98], %swap3A_101 {strides = array<i32>} : memref<128x128xf32, #tpu.memory_space<vmem>>, vector<1x16xf32>,
      %swap3A_102 = arith.index_cast %scan3A_92 : i32 to index
      %swap3A_103 = arith.constant 32 : index
      %swap3A_104 = tpu.vector_load %arg8[%swap3A_102, %swap3A_103] {strides = array<i32>} : memref<128x128xf32, #tpu.memory_space<vmem>>, vector<1x16xf32>,
      %swap3A_105 = vector.shape_cast %swap3A_104 : vector<1x16xf32> to vector<16xf32>
      %swap3A_106 = vector.shape_cast %broadcast_in_dim3A_1 : vector<16xf32> to vector<1x16xf32>
      tpu.vector_store %arg8[%swap3A_102, %swap3A_103], %swap3A_106 {strides = array<i32>} : memref<128x128xf32, #tpu.memory_space<vmem>>, vector<1x16xf32>,
      %swap3A_107 = arith.index_cast %scan3A_92 : i32 to index
      %swap3A_108 = arith.constant 48 : index
      %swap3A_109 = tpu.vector_load %arg8[%swap3A_107, %swap3A_108] {strides = array<i32>} : memref<128x128xf32, #tpu.memory_space<vmem>>, vector<1x16xf32>,
      %swap3A_110 = vector.shape_cast %swap3A_109 : vector<1x16xf32> to vector<16xf32>
      %swap3A_111 = vector.shape_cast %broadcast_in_dim3A_1 : vector<16xf32> to vector<1x16xf32>
      tpu.vector_store %arg8[%swap3A_107, %swap3A_108], %swap3A_111 {strides = array<i32>} : memref<128x128xf32, #tpu.memory_space<vmem>>, vector<1x16xf32>,
      %swap3A_112 = arith.index_cast %scan3A_92 : i32 to index
      %swap3A_113 = arith.constant 64 : index
      %swap3A_114 = tpu.vector_load %arg8[%swap3A_112, %swap3A_113] {strides = array<i32>} : memref<128x128xf32, #tpu.memory_space<vmem>>, vector<1x16xf32>,
      %swap3A_115 = vector.shape_cast %swap3A_114 : vector<1x16xf32> to vector<16xf32>
      %swap3A_116 = vector.shape_cast %broadcast_in_dim3A_1 : vector<16xf32> to vector<1x16xf32>
      tpu.vector_store %arg8[%swap3A_112, %swap3A_113], %swap3A_116 {strides = array<i32>} : memref<128x128xf32, #tpu.memory_space<vmem>>, vector<1x16xf32>,
      %swap3A_117 = arith.index_cast %scan3A_92 : i32 to index
      %swap3A_118 = arith.constant 80 : index
      %swap3A_119 = tpu.vector_load %arg8[%swap3A_117, %swap3A_118] {strides = array<i32>} : memref<128x128xf32, #tpu.memory_space<vmem>>, vector<1x16xf32>,
      %swap3A_120 = vector.shape_cast %swap3A_119 : vector<1x16xf32> to vector<16xf32>
      %swap3A_121 = vector.shape_cast %broadcast_in_dim3A_1 : vector<16xf32> to vector<1x16xf32>
      tpu.vector_store %arg8[%swap3A_117, %swap3A_118], %swap3A_121 {strides = array<i32>} : memref<128x128xf32, #tpu.memory_space<vmem>>, vector<1x16xf32>,
      %swap3A_122 = arith.index_cast %scan3A_92 : i32 to index
      %swap3A_123 = arith.constant 96 : index
      %swap3A_124 = tpu.vector_load %arg8[%swap3A_122, %swap3A_123] {strides = array<i32>} : memref<128x128xf32, #tpu.memory_space<vmem>>, vector<1x16xf32>,
      %swap3A_125 = vector.shape_cast %swap3A_124 : vector<1x16xf32> to vector<16xf32>
      %swap3A_126 = vector.shape_cast %broadcast_in_dim3A_1 : vector<16xf32> to vector<1x16xf32>
      tpu.vector_store %arg8[%swap3A_122, %swap3A_123], %swap3A_126 {strides = array<i32>} : memref<128x128xf32, #tpu.memory_space<vmem>>, vector<1x16xf32>,
      %swap3A_127 = arith.index_cast %scan3A_92 : i32 to index
      %swap3A_128 = arith.constant 112 : index
      %swap3A_129 = tpu.vector_load %arg8[%swap3A_127, %swap3A_128] {strides = array<i32>} : memref<128x128xf32, #tpu.memory_space<vmem>>, vector<1x16xf32>,
      %swap3A_130 = vector.shape_cast %swap3A_129 : vector<1x16xf32> to vector<16xf32>
      %swap3A_131 = vector.shape_cast %broadcast_in_dim3A_1 : vector<16xf32> to vector<1x16xf32>
      tpu.vector_store %arg8[%swap3A_127, %swap3A_128], %swap3A_131 {strides = array<i32>} : memref<128x128xf32, #tpu.memory_space<vmem>>, vector<1x16xf32>,
    }
    %scan3A_6 = arith.constant 128 : i32
    %mul3A_7 = arith.constant 640 : i32
    %mul3A_8 = arith.muli %arg1, %mul3A_7 : i32
    %add3A = arith.constant 0 : i32
    %add3A_9 = arith.addi %mul3A_8, %add3A : i32
    "tpu.region"() ({
      %run_scoped3A = tpu.sem_alloc : memref<!tpu.dma_semaphore, #tpu.memory_space<semaphore_mem>>
      %dma_start3A_92 = arith.constant 0 : i32
      %dma_start3A_93 = tpu.memref_slice %arg10[%add3A_9, %dma_start3A_92] : memref<10240x128xf32, #tpu.memory_space<vmem_shared>> -> memref<128x128xf32, #tpu.memory_space<vmem_shared>>
      %dma_start3A_94 = arith.constant 0 : i32
      %dma_start3A_95 = tpu.memref_slice %arg10[%add3A_9, %dma_start3A_94] : memref<10240x128xf32, #tpu.memory_space<vmem_shared>> -> memref<128x128xf32, #tpu.memory_space<vmem_shared>>
      tpu.enqueue_dma source(%arg8 : memref<128x128xf32, #tpu.memory_space<vmem>>) target(%dma_start3A_95 : memref<128x128xf32, #tpu.memory_space<vmem_shared>>) target_semaphore(%run_scoped3A : memref<!tpu.dma_semaphore, #tpu.memory_space<semaphore_mem>>)
      %dma_wait3A_96 = arith.constant 0 : i32
      %dma_wait3A_97 = tpu.memref_slice %arg10[%add3A_9, %dma_wait3A_96] : memref<10240x128xf32, #tpu.memory_space<vmem_shared>> -> memref<128x128xf32, #tpu.memory_space<vmem_shared>>
      %dma_wait3A_98 = arith.constant 0 : i32
      %dma_wait3A_99 = tpu.memref_slice %arg10[%add3A_9, %dma_wait3A_98] : memref<10240x128xf32, #tpu.memory_space<vmem_shared>> -> memref<128x128xf32, #tpu.memory_space<vmem_shared>>
      tpu.wait_dma2 semaphore(%run_scoped3A : memref<!tpu.dma_semaphore, #tpu.memory_space<semaphore_mem>>) src(%arg8 : memref<128x128xf32, #tpu.memory_space<vmem>>) dst(%dma_wait3A_99 : memref<128x128xf32, #tpu.memory_space<vmem_shared>>)
      tpu.yield
    }) : () -> ()
    %mul3A_10 = arith.constant 640 : i32
    %mul3A_11 = arith.muli %arg1, %mul3A_10 : i32
    %add3A_12 = arith.constant 128 : i32
    %add3A_13 = arith.addi %mul3A_11, %add3A_12 : i32
    "tpu.region"() ({
      %run_scoped3A = tpu.sem_alloc : memref<!tpu.dma_semaphore, #tpu.memory_space<semaphore_mem>>
      %dma_start3A_92 = arith.constant 0 : i32
      %dma_start3A_93 = tpu.memref_slice %arg10[%add3A_13, %dma_start3A_92] : memref<10240x128xf32, #tpu.memory_space<vmem_shared>> -> memref<128x128xf32, #tpu.memory_space<vmem_shared>>
      %dma_start3A_94 = arith.constant 0 : i32
      %dma_start3A_95 = tpu.memref_slice %arg10[%add3A_13, %dma_start3A_94] : memref<10240x128xf32, #tpu.memory_space<vmem_shared>> -> memref<128x128xf32, #tpu.memory_space<vmem_shared>>
      tpu.enqueue_dma source(%arg8 : memref<128x128xf32, #tpu.memory_space<vmem>>) target(%dma_start3A_95 : memref<128x128xf32, #tpu.memory_space<vmem_shared>>) target_semaphore(%run_scoped3A : memref<!tpu.dma_semaphore, #tpu.memory_space<semaphore_mem>>)
      %dma_wait3A_96 = arith.constant 0 : i32
      %dma_wait3A_97 = tpu.memref_slice %arg10[%add3A_13, %dma_wait3A_96] : memref<10240x128xf32, #tpu.memory_space<vmem_shared>> -> memref<128x128xf32, #tpu.memory_space<vmem_shared>>
      %dma_wait3A_98 = arith.constant 0 : i32
      %dma_wait3A_99 = tpu.memref_slice %arg10[%add3A_13, %dma_wait3A_98] : memref<10240x128xf32, #tpu.memory_space<vmem_shared>> -> memref<128x128xf32, #tpu.memory_space<vmem_shared>>
      tpu.wait_dma2 semaphore(%run_scoped3A : memref<!tpu.dma_semaphore, #tpu.memory_space<semaphore_mem>>) src(%arg8 : memref<128x128xf32, #tpu.memory_space<vmem>>) dst(%dma_wait3A_99 : memref<128x128xf32, #tpu.memory_space<vmem_shared>>)
      tpu.yield
    }) : () -> ()
    %mul3A_14 = arith.constant 640 : i32
    %mul3A_15 = arith.muli %arg1, %mul3A_14 : i32
    %add3A_16 = arith.constant 256 : i32
    %add3A_17 = arith.addi %mul3A_15, %add3A_16 : i32
    "tpu.region"() ({
      %run_scoped3A = tpu.sem_alloc : memref<!tpu.dma_semaphore, #tpu.memory_space<semaphore_mem>>
      %dma_start3A_92 = arith.constant 0 : i32
      %dma_start3A_93 = tpu.memref_slice %arg10[%add3A_17, %dma_start3A_92] : memref<10240x128xf32, #tpu.memory_space<vmem_shared>> -> memref<128x128xf32, #tpu.memory_space<vmem_shared>>
      %dma_start3A_94 = arith.constant 0 : i32
      %dma_start3A_95 = tpu.memref_slice %arg10[%add3A_17, %dma_start3A_94] : memref<10240x128xf32, #tpu.memory_space<vmem_shared>> -> memref<128x128xf32, #tpu.memory_space<vmem_shared>>
      tpu.enqueue_dma source(%arg8 : memref<128x128xf32, #tpu.memory_space<vmem>>) target(%dma_start3A_95 : memref<128x128xf32, #tpu.memory_space<vmem_shared>>) target_semaphore(%run_scoped3A : memref<!tpu.dma_semaphore, #tpu.memory_space<semaphore_mem>>)
      %dma_wait3A_96 = arith.constant 0 : i32
      %dma_wait3A_97 = tpu.memref_slice %arg10[%add3A_17, %dma_wait3A_96] : memref<10240x128xf32, #tpu.memory_space<vmem_shared>> -> memref<128x128xf32, #tpu.memory_space<vmem_shared>>
      %dma_wait3A_98 = arith.constant 0 : i32
      %dma_wait3A_99 = tpu.memref_slice %arg10[%add3A_17, %dma_wait3A_98] : memref<10240x128xf32, #tpu.memory_space<vmem_shared>> -> memref<128x128xf32, #tpu.memory_space<vmem_shared>>
      tpu.wait_dma2 semaphore(%run_scoped3A : memref<!tpu.dma_semaphore, #tpu.memory_space<semaphore_mem>>) src(%arg8 : memref<128x128xf32, #tpu.memory_space<vmem>>) dst(%dma_wait3A_99 : memref<128x128xf32, #tpu.memory_space<vmem_shared>>)
      tpu.yield
    }) : () -> ()
    %mul3A_18 = arith.constant 640 : i32
    %mul3A_19 = arith.muli %arg1, %mul3A_18 : i32
    %add3A_20 = arith.constant 384 : i32
    %add3A_21 = arith.addi %mul3A_19, %add3A_20 : i32
    "tpu.region"() ({
      %run_scoped3A = tpu.sem_alloc : memref<!tpu.dma_semaphore, #tpu.memory_space<semaphore_mem>>
      %dma_start3A_92 = arith.constant 0 : i32
      %dma_start3A_93 = tpu.memref_slice %arg10[%add3A_21, %dma_start3A_92] : memref<10240x128xf32, #tpu.memory_space<vmem_shared>> -> memref<128x128xf32, #tpu.memory_space<vmem_shared>>
      %dma_start3A_94 = arith.constant 0 : i32
      %dma_start3A_95 = tpu.memref_slice %arg10[%add3A_21, %dma_start3A_94] : memref<10240x128xf32, #tpu.memory_space<vmem_shared>> -> memref<128x128xf32, #tpu.memory_space<vmem_shared>>
      tpu.enqueue_dma source(%arg8 : memref<128x128xf32, #tpu.memory_space<vmem>>) target(%dma_start3A_95 : memref<128x128xf32, #tpu.memory_space<vmem_shared>>) target_semaphore(%run_scoped3A : memref<!tpu.dma_semaphore, #tpu.memory_space<semaphore_mem>>)
      %dma_wait3A_96 = arith.constant 0 : i32
      %dma_wait3A_97 = tpu.memref_slice %arg10[%add3A_21, %dma_wait3A_96] : memref<10240x128xf32, #tpu.memory_space<vmem_shared>> -> memref<128x128xf32, #tpu.memory_space<vmem_shared>>
      %dma_wait3A_98 = arith.constant 0 : i32
      %dma_wait3A_99 = tpu.memref_slice %arg10[%add3A_21, %dma_wait3A_98] : memref<10240x128xf32, #tpu.memory_space<vmem_shared>> -> memref<128x128xf32, #tpu.memory_space<vmem_shared>>
      tpu.wait_dma2 semaphore(%run_scoped3A : memref<!tpu.dma_semaphore, #tpu.memory_space<semaphore_mem>>) src(%arg8 : memref<128x128xf32, #tpu.memory_space<vmem>>) dst(%dma_wait3A_99 : memref<128x128xf32, #tpu.memory_space<vmem_shared>>)
      tpu.yield
    }) : () -> ()
    %mul3A_22 = arith.constant 640 : i32
    %mul3A_23 = arith.muli %arg1, %mul3A_22 : i32
    %add3A_24 = arith.constant 512 : i32
    %add3A_25 = arith.addi %mul3A_23, %add3A_24 : i32
    "tpu.region"() ({
      %run_scoped3A = tpu.sem_alloc : memref<!tpu.dma_semaphore, #tpu.memory_space<semaphore_mem>>
      %dma_start3A_92 = arith.constant 0 : i32
      %dma_start3A_93 = tpu.memref_slice %arg10[%add3A_25, %dma_start3A_92] : memref<10240x128xf32, #tpu.memory_space<vmem_shared>> -> memref<128x128xf32, #tpu.memory_space<vmem_shared>>
      %dma_start3A_94 = arith.constant 0 : i32
      %dma_start3A_95 = tpu.memref_slice %arg10[%add3A_25, %dma_start3A_94] : memref<10240x128xf32, #tpu.memory_space<vmem_shared>> -> memref<128x128xf32, #tpu.memory_space<vmem_shared>>
      tpu.enqueue_dma source(%arg8 : memref<128x128xf32, #tpu.memory_space<vmem>>) target(%dma_start3A_95 : memref<128x128xf32, #tpu.memory_space<vmem_shared>>) target_semaphore(%run_scoped3A : memref<!tpu.dma_semaphore, #tpu.memory_space<semaphore_mem>>)
      %dma_wait3A_96 = arith.constant 0 : i32
      %dma_wait3A_97 = tpu.memref_slice %arg10[%add3A_25, %dma_wait3A_96] : memref<10240x128xf32, #tpu.memory_space<vmem_shared>> -> memref<128x128xf32, #tpu.memory_space<vmem_shared>>
      %dma_wait3A_98 = arith.constant 0 : i32
      %dma_wait3A_99 = tpu.memref_slice %arg10[%add3A_25, %dma_wait3A_98] : memref<10240x128xf32, #tpu.memory_space<vmem_shared>> -> memref<128x128xf32, #tpu.memory_space<vmem_shared>>
      tpu.wait_dma2 semaphore(%run_scoped3A : memref<!tpu.dma_semaphore, #tpu.memory_space<semaphore_mem>>) src(%arg8 : memref<128x128xf32, #tpu.memory_space<vmem>>) dst(%dma_wait3A_99 : memref<128x128xf32, #tpu.memory_space<vmem_shared>>)
      tpu.yield
    }) : () -> ()
    %barrier3A = arith.constant 0 : index
    tpu.barrier barrier_id(%barrier3A)
    %mul3A_26 = arith.constant 80 : i32
    %mul3A_27 = arith.muli %arg1, %mul3A_26 : i32
    %add3A_28 = arith.constant 0 : i32
    %add3A_29 = arith.addi %mul3A_27, %add3A_28 : i32
    "tpu.region"() ({
      %run_scoped3A = tpu.sem_alloc : memref<!tpu.dma_semaphore, #tpu.memory_space<semaphore_mem>>
      %dma_start3A_92 = arith.constant 0 : i32
      %dma_start3A_93 = tpu.memref_slice %arg3[%add3A_29, %dma_start3A_92] : memref<1280x128xi32, #tpu.memory_space<hbm>> -> memref<40x128xi32, #tpu.memory_space<hbm>>
      %dma_start3A_94 = arith.constant 0 : i32
      %dma_start3A_95 = tpu.memref_slice %arg3[%add3A_29, %dma_start3A_94] : memref<1280x128xi32, #tpu.memory_space<hbm>> -> memref<40x128xi32, #tpu.memory_space<hbm>>
      tpu.enqueue_dma source(%dma_start3A_95 : memref<40x128xi32, #tpu.memory_space<hbm>>) target(%arg6 : memref<40x128xi32, #tpu.memory_space<vmem>>) target_semaphore(%run_scoped3A : memref<!tpu.dma_semaphore, #tpu.memory_space<semaphore_mem>>)
      %dma_wait3A_96 = arith.constant 0 : i32
      %dma_wait3A_97 = tpu.memref_slice %arg3[%add3A_29, %dma_wait3A_96] : memref<1280x128xi32, #tpu.memory_space<hbm>> -> memref<40x128xi32, #tpu.memory_space<hbm>>
      %dma_wait3A_98 = arith.constant 0 : i32
      %dma_wait3A_99 = tpu.memref_slice %arg3[%add3A_29, %dma_wait3A_98] : memref<1280x128xi32, #tpu.memory_space<hbm>> -> memref<40x128xi32, #tpu.memory_space<hbm>>
      tpu.wait_dma2 semaphore(%run_scoped3A : memref<!tpu.dma_semaphore, #tpu.memory_space<semaphore_mem>>) src(%dma_wait3A_99 : memref<40x128xi32, #tpu.memory_space<hbm>>) dst(%arg6 : memref<40x128xi32, #tpu.memory_space<vmem>>)
      tpu.yield
    }) : () -> ()
    %mul3A_30 = arith.constant 80 : i32
    %mul3A_31 = arith.muli %arg1, %mul3A_30 : i32
    %add3A_32 = arith.constant 0 : i32
    %add3A_33 = arith.addi %mul3A_31, %add3A_32 : i32
    "tpu.region"() ({
      %run_scoped3A = tpu.sem_alloc : memref<!tpu.dma_semaphore, #tpu.memory_space<semaphore_mem>>
      %dma_start3A_92 = arith.constant 0 : i32
      %dma_start3A_93 = tpu.memref_slice %arg4[%add3A_33, %dma_start3A_92] : memref<1280x128xi32, #tpu.memory_space<hbm>> -> memref<40x128xi32, #tpu.memory_space<hbm>>
      %dma_start3A_94 = arith.constant 0 : i32
      %dma_start3A_95 = tpu.memref_slice %arg4[%add3A_33, %dma_start3A_94] : memref<1280x128xi32, #tpu.memory_space<hbm>> -> memref<40x128xi32, #tpu.memory_space<hbm>>
      tpu.enqueue_dma source(%dma_start3A_95 : memref<40x128xi32, #tpu.memory_space<hbm>>) target(%arg7 : memref<40x128xi32, #tpu.memory_space<vmem>>) target_semaphore(%run_scoped3A : memref<!tpu.dma_semaphore, #tpu.memory_space<semaphore_mem>>)
      %dma_wait3A_96 = arith.constant 0 : i32
      %dma_wait3A_97 = tpu.memref_slice %arg4[%add3A_33, %dma_wait3A_96] : memref<1280x128xi32, #tpu.memory_space<hbm>> -> memref<40x128xi32, #tpu.memory_space<hbm>>
      %dma_wait3A_98 = arith.constant 0 : i32
      %dma_wait3A_99 = tpu.memref_slice %arg4[%add3A_33, %dma_wait3A_98] : memref<1280x128xi32, #tpu.memory_space<hbm>> -> memref<40x128xi32, #tpu.memory_space<hbm>>
      tpu.wait_dma2 semaphore(%run_scoped3A : memref<!tpu.dma_semaphore, #tpu.memory_space<semaphore_mem>>) src(%dma_wait3A_99 : memref<40x128xi32, #tpu.memory_space<hbm>>) dst(%arg7 : memref<40x128xi32, #tpu.memory_space<vmem>>)
      tpu.yield
    }) : () -> ()
    %dma_start3A = arith.constant 0 : i32
    %dma_start3A_34 = arith.constant 0 : i32
    %dma_start3A_35 = tpu.memref_slice %arg6[%dma_start3A, %dma_start3A_34] : memref<40x128xi32, #tpu.memory_space<vmem>> -> memref<1x128xi32, #tpu.memory_space<vmem>>
    %dma_start3A_36 = tpu.memref_squeeze %dma_start3A_35 : memref<1x128xi32, #tpu.memory_space<vmem>> -> memref<128xi32, #tpu.memory_space<vmem>>
    %dma_start3A_37 = arith.constant 0 : i32
    %dma_start3A_38 = tpu.memref_slice %arg2[%mul3A_0, %dma_start3A_37] : memref<20480x128xf32, #tpu.memory_space<hbm>> -> memref<10240x128xf32, #tpu.memory_space<hbm>>
    %dma_start3A_39 = arith.constant 0 : i32
    %dma_start3A_40 = arith.constant 0 : i32
    %dma_start3A_41 = tpu.memref_slice %dma_start3A_38[%dma_start3A_39, %dma_start3A_40] : memref<10240x128xf32, #tpu.memory_space<hbm>> -> memref<10240x128xf32, #tpu.memory_space<hbm>>
    tpu.enqueue_indirect_dma source(%dma_start3A_41 : memref<10240x128xf32, #tpu.memory_space<hbm>>) target(%arg8 : memref<128x128xf32, #tpu.memory_space<vmem>>) offsets(%dma_start3A_36 : memref<128xi32, #tpu.memory_space<vmem>>) semaphore(%arg11 : memref<!tpu.dma_semaphore, #tpu.memory_space<semaphore_mem>>)
    %scan3A_42 = arith.constant 0 : i32
    %scan3A_43 = arith.constant 0 : i32
    %scan3A_44 = arith.constant 20 : i32
    %scan3A_45 = arith.addi %scan3A_43, %scan3A_44 : i32
    %scan3A_46 = arith.constant 1 : i32
    scf.for %scan3A_92 = %scan3A_43 to %scan3A_45 step %scan3A_46  : i32 {
      %mul3A_93 = arith.constant 2 : i32
      %mul3A_94 = arith.muli %mul3A_93, %scan3A_92 : i32
      %gt3A = arith.constant 0 : i32
      %gt3A_95 = arith.cmpi sgt, %mul3A_94, %gt3A : i32
      %convert_element_type3A = arith.extui %gt3A_95 : i1 to i32
      %cond3A = arith.constant 0 : i32
      %cond3A_96 = arith.cmpi ne, %convert_element_type3A, %cond3A : i32
      scf.if %cond3A_96 {
        %sub3A = arith.constant 1 : i32
        %sub3A_147 = arith.subi %mul3A_94, %sub3A : i32
        %dma_wait3A_148 = arith.constant 0 : i32
        %dma_wait3A_149 = tpu.memref_slice %arg7[%sub3A_147, %dma_wait3A_148] : memref<40x128xi32, #tpu.memory_space<vmem>> -> memref<1x128xi32, #tpu.memory_space<vmem>>
        %dma_wait3A_150 = tpu.memref_squeeze %dma_wait3A_149 : memref<1x128xi32, #tpu.memory_space<vmem>> -> memref<128xi32, #tpu.memory_space<vmem>>
        %dma_wait3A_151 = arith.constant 0 : i32
        %dma_wait3A_152 = arith.constant 0 : i32
        %dma_wait3A_153 = tpu.memref_slice %arg10[%dma_wait3A_151, %dma_wait3A_152] : memref<10240x128xf32, #tpu.memory_space<vmem_shared>> -> memref<10240x128xf32, #tpu.memory_space<vmem_shared>>
        tpu.wait_indirect_dma semaphore(%arg14 : memref<!tpu.dma_semaphore, #tpu.memory_space<semaphore_mem>>) src(%arg9 : memref<128x128xf32, #tpu.memory_space<vmem>>) dst(%dma_wait3A_153 : memref<10240x128xf32, #tpu.memory_space<vmem_shared>>)
      } else {
      }
      %add3A_97 = arith.constant 1 : i32
      %add3A_98 = arith.addi %mul3A_94, %add3A_97 : i32
      %lt3A = arith.constant 40 : i32
      %lt3A_99 = arith.cmpi slt, %add3A_98, %lt3A : i32
      %convert_element_type3A_100 = arith.extui %lt3A_99 : i1 to i32
      %cond3A_101 = arith.constant 0 : i32
      %cond3A_102 = arith.cmpi ne, %convert_element_type3A_100, %cond3A_101 : i32
      scf.if %cond3A_102 {
        %add3A_147 = arith.constant 1 : i32
        %add3A_148 = arith.addi %mul3A_94, %add3A_147 : i32
        %dma_start3A_149 = arith.constant 0 : i32
        %dma_start3A_150 = tpu.memref_slice %arg6[%add3A_148, %dma_start3A_149] : memref<40x128xi32, #tpu.memory_space<vmem>> -> memref<1x128xi32, #tpu.memory_space<vmem>>
        %dma_start3A_151 = tpu.memref_squeeze %dma_start3A_150 : memref<1x128xi32, #tpu.memory_space<vmem>> -> memref<128xi32, #tpu.memory_space<vmem>>
        %dma_start3A_152 = arith.constant 0 : i32
        %dma_start3A_153 = tpu.memref_slice %arg2[%mul3A_0, %dma_start3A_152] : memref<20480x128xf32, #tpu.memory_space<hbm>> -> memref<10240x128xf32, #tpu.memory_space<hbm>>
        %dma_start3A_154 = arith.constant 0 : i32
        %dma_start3A_155 = arith.constant 0 : i32
        %dma_start3A_156 = tpu.memref_slice %dma_start3A_153[%dma_start3A_154, %dma_start3A_155] : memref<10240x128xf32, #tpu.memory_space<hbm>> -> memref<10240x128xf32, #tpu.memory_space<hbm>>
        tpu.enqueue_indirect_dma source(%dma_start3A_156 : memref<10240x128xf32, #tpu.memory_space<hbm>>) target(%arg9 : memref<128x128xf32, #tpu.memory_space<vmem>>) offsets(%dma_start3A_151 : memref<128xi32, #tpu.memory_space<vmem>>) semaphore(%arg12 : memref<!tpu.dma_semaphore, #tpu.memory_space<semaphore_mem>>)
      } else {
      }
      %dma_wait3A_103 = arith.constant 0 : i32
      %dma_wait3A_104 = tpu.memref_slice %arg6[%mul3A_94, %dma_wait3A_103] : memref<40x128xi32, #tpu.memory_space<vmem>> -> memref<1x128xi32, #tpu.memory_space<vmem>>
      %dma_wait3A_105 = tpu.memref_squeeze %dma_wait3A_104 : memref<1x128xi32, #tpu.memory_space<vmem>> -> memref<128xi32, #tpu.memory_space<vmem>>
      %dma_wait3A_106 = arith.constant 0 : i32
      %dma_wait3A_107 = tpu.memref_slice %arg2[%mul3A_0, %dma_wait3A_106] : memref<20480x128xf32, #tpu.memory_space<hbm>> -> memref<10240x128xf32, #tpu.memory_space<hbm>>
      %dma_wait3A_108 = arith.constant 0 : i32
      %dma_wait3A_109 = arith.constant 0 : i32
      %dma_wait3A_110 = tpu.memref_slice %dma_wait3A_107[%dma_wait3A_108, %dma_wait3A_109] : memref<10240x128xf32, #tpu.memory_space<hbm>> -> memref<10240x128xf32, #tpu.memory_space<hbm>>
      tpu.wait_indirect_dma semaphore(%arg11 : memref<!tpu.dma_semaphore, #tpu.memory_space<semaphore_mem>>) src(%dma_wait3A_110 : memref<10240x128xf32, #tpu.memory_space<hbm>>) dst(%arg8 : memref<128x128xf32, #tpu.memory_space<vmem>>)
      %dma_start3A_111 = arith.constant 0 : i32
      %dma_start3A_112 = tpu.memref_slice %arg7[%mul3A_94, %dma_start3A_111] : memref<40x128xi32, #tpu.memory_space<vmem>> -> memref<1x128xi32, #tpu.memory_space<vmem>>
      %dma_start3A_113 = tpu.memref_squeeze %dma_start3A_112 : memref<1x128xi32, #tpu.memory_space<vmem>> -> memref<128xi32, #tpu.memory_space<vmem>>
      %dma_start3A_114 = arith.constant 0 : i32
      %dma_start3A_115 = arith.constant 0 : i32
      %dma_start3A_116 = tpu.memref_slice %arg10[%dma_start3A_114, %dma_start3A_115] : memref<10240x128xf32, #tpu.memory_space<vmem_shared>> -> memref<10240x128xf32, #tpu.memory_space<vmem_shared>>
      tpu.enqueue_indirect_dma source(%arg8 : memref<128x128xf32, #tpu.memory_space<vmem>>) target(%dma_start3A_116 : memref<10240x128xf32, #tpu.memory_space<vmem_shared>>) offsets(%dma_start3A_113 : memref<128xi32, #tpu.memory_space<vmem>>) semaphore(%arg13 : memref<!tpu.dma_semaphore, #tpu.memory_space<semaphore_mem>>) {add = true}
      %mul3A_117 = arith.constant 2 : i32
      %mul3A_118 = arith.muli %mul3A_117, %scan3A_92 : i32
      %add3A_119 = arith.constant 1 : i32
      %add3A_120 = arith.addi %mul3A_118, %add3A_119 : i32
      %gt3A_121 = arith.constant 0 : i32
      %gt3A_122 = arith.cmpi sgt, %add3A_120, %gt3A_121 : i32
      %convert_element_type3A_123 = arith.extui %gt3A_122 : i1 to i32
      %cond3A_124 = arith.constant 0 : i32
      %cond3A_125 = arith.cmpi ne, %convert_element_type3A_123, %cond3A_124 : i32
      scf.if %cond3A_125 {
        %sub3A = arith.constant 1 : i32
        %sub3A_147 = arith.subi %add3A_120, %sub3A : i32
        %dma_wait3A_148 = arith.constant 0 : i32
        %dma_wait3A_149 = tpu.memref_slice %arg7[%sub3A_147, %dma_wait3A_148] : memref<40x128xi32, #tpu.memory_space<vmem>> -> memref<1x128xi32, #tpu.memory_space<vmem>>
        %dma_wait3A_150 = tpu.memref_squeeze %dma_wait3A_149 : memref<1x128xi32, #tpu.memory_space<vmem>> -> memref<128xi32, #tpu.memory_space<vmem>>
        %dma_wait3A_151 = arith.constant 0 : i32
        %dma_wait3A_152 = arith.constant 0 : i32
        %dma_wait3A_153 = tpu.memref_slice %arg10[%dma_wait3A_151, %dma_wait3A_152] : memref<10240x128xf32, #tpu.memory_space<vmem_shared>> -> memref<10240x128xf32, #tpu.memory_space<vmem_shared>>
        tpu.wait_indirect_dma semaphore(%arg13 : memref<!tpu.dma_semaphore, #tpu.memory_space<semaphore_mem>>) src(%arg8 : memref<128x128xf32, #tpu.memory_space<vmem>>) dst(%dma_wait3A_153 : memref<10240x128xf32, #tpu.memory_space<vmem_shared>>)
      } else {
      }
      %add3A_126 = arith.constant 1 : i32
      %add3A_127 = arith.addi %add3A_120, %add3A_126 : i32
      %lt3A_128 = arith.constant 40 : i32
      %lt3A_129 = arith.cmpi slt, %add3A_127, %lt3A_128 : i32
      %convert_element_type3A_130 = arith.extui %lt3A_129 : i1 to i32
      %cond3A_131 = arith.constant 0 : i32
      %cond3A_132 = arith.cmpi ne, %convert_element_type3A_130, %cond3A_131 : i32
      scf.if %cond3A_132 {
        %add3A_147 = arith.constant 1 : i32
        %add3A_148 = arith.addi %add3A_120, %add3A_147 : i32
        %dma_start3A_149 = arith.constant 0 : i32
        %dma_start3A_150 = tpu.memref_slice %arg6[%add3A_148, %dma_start3A_149] : memref<40x128xi32, #tpu.memory_space<vmem>> -> memref<1x128xi32, #tpu.memory_space<vmem>>
        %dma_start3A_151 = tpu.memref_squeeze %dma_start3A_150 : memref<1x128xi32, #tpu.memory_space<vmem>> -> memref<128xi32, #tpu.memory_space<vmem>>
        %dma_start3A_152 = arith.constant 0 : i32
        %dma_start3A_153 = tpu.memref_slice %arg2[%mul3A_0, %dma_start3A_152] : memref<20480x128xf32, #tpu.memory_space<hbm>> -> memref<10240x128xf32, #tpu.memory_space<hbm>>
        %dma_start3A_154 = arith.constant 0 : i32
        %dma_start3A_155 = arith.constant 0 : i32
        %dma_start3A_156 = tpu.memref_slice %dma_start3A_153[%dma_start3A_154, %dma_start3A_155] : memref<10240x128xf32, #tpu.memory_space<hbm>> -> memref<10240x128xf32, #tpu.memory_space<hbm>>
        tpu.enqueue_indirect_dma source(%dma_start3A_156 : memref<10240x128xf32, #tpu.memory_space<hbm>>) target(%arg8 : memref<128x128xf32, #tpu.memory_space<vmem>>) offsets(%dma_start3A_151 : memref<128xi32, #tpu.memory_space<vmem>>) semaphore(%arg11 : memref<!tpu.dma_semaphore, #tpu.memory_space<semaphore_mem>>)
      } else {
      }
      %dma_wait3A_133 = arith.constant 0 : i32
      %dma_wait3A_134 = tpu.memref_slice %arg6[%add3A_120, %dma_wait3A_133] : memref<40x128xi32, #tpu.memory_space<vmem>> -> memref<1x128xi32, #tpu.memory_space<vmem>>
      %dma_wait3A_135 = tpu.memref_squeeze %dma_wait3A_134 : memref<1x128xi32, #tpu.memory_space<vmem>> -> memref<128xi32, #tpu.memory_space<vmem>>
      %dma_wait3A_136 = arith.constant 0 : i32
      %dma_wait3A_137 = tpu.memref_slice %arg2[%mul3A_0, %dma_wait3A_136] : memref<20480x128xf32, #tpu.memory_space<hbm>> -> memref<10240x128xf32, #tpu.memory_space<hbm>>
      %dma_wait3A_138 = arith.constant 0 : i32
      %dma_wait3A_139 = arith.constant 0 : i32
      %dma_wait3A_140 = tpu.memref_slice %dma_wait3A_137[%dma_wait3A_138, %dma_wait3A_139] : memref<10240x128xf32, #tpu.memory_space<hbm>> -> memref<10240x128xf32, #tpu.memory_space<hbm>>
      tpu.wait_indirect_dma semaphore(%arg12 : memref<!tpu.dma_semaphore, #tpu.memory_space<semaphore_mem>>) src(%dma_wait3A_140 : memref<10240x128xf32, #tpu.memory_space<hbm>>) dst(%arg9 : memref<128x128xf32, #tpu.memory_space<vmem>>)
      %dma_start3A_141 = arith.constant 0 : i32
      %dma_start3A_142 = tpu.memref_slice %arg7[%add3A_120, %dma_start3A_141] : memref<40x128xi32, #tpu.memory_space<vmem>> -> memref<1x128xi32, #tpu.memory_space<vmem>>
      %dma_start3A_143 = tpu.memref_squeeze %dma_start3A_142 : memref<1x128xi32, #tpu.memory_space<vmem>> -> memref<128xi32, #tpu.memory_space<vmem>>
      %dma_start3A_144 = arith.constant 0 : i32
      %dma_start3A_145 = arith.constant 0 : i32
      %dma_start3A_146 = tpu.memref_slice %arg10[%dma_start3A_144, %dma_start3A_145] : memref<10240x128xf32, #tpu.memory_space<vmem_shared>> -> memref<10240x128xf32, #tpu.memory_space<vmem_shared>>
      tpu.enqueue_indirect_dma source(%arg9 : memref<128x128xf32, #tpu.memory_space<vmem>>) target(%dma_start3A_146 : memref<10240x128xf32, #tpu.memory_space<vmem_shared>>) offsets(%dma_start3A_143 : memref<128xi32, #tpu.memory_space<vmem>>) semaphore(%arg14 : memref<!tpu.dma_semaphore, #tpu.memory_space<semaphore_mem>>) {add = true}
    }
    %scan3A_47 = arith.constant 20 : i32
    %dma_wait3A = arith.constant 39 : i32
    %dma_wait3A_48 = arith.constant 0 : i32
    %dma_wait3A_49 = tpu.memref_slice %arg7[%dma_wait3A, %dma_wait3A_48] : memref<40x128xi32, #tpu.memory_space<vmem>> -> memref<1x128xi32, #tpu.memory_space<vmem>>
    %dma_wait3A_50 = tpu.memref_squeeze %dma_wait3A_49 : memref<1x128xi32, #tpu.memory_space<vmem>> -> memref<128xi32, #tpu.memory_space<vmem>>
    %dma_wait3A_51 = arith.constant 0 : i32
    %dma_wait3A_52 = arith.constant 0 : i32
    %dma_wait3A_53 = tpu.memref_slice %arg10[%dma_wait3A_51, %dma_wait3A_52] : memref<10240x128xf32, #tpu.memory_space<vmem_shared>> -> memref<10240x128xf32, #tpu.memory_space<vmem_shared>>
    tpu.wait_indirect_dma semaphore(%arg14 : memref<!tpu.dma_semaphore, #tpu.memory_space<semaphore_mem>>) src(%arg9 : memref<128x128xf32, #tpu.memory_space<vmem>>) dst(%dma_wait3A_53 : memref<10240x128xf32, #tpu.memory_space<vmem_shared>>)
    %mul3A_54 = arith.constant 80 : i32
    %mul3A_55 = arith.muli %arg1, %mul3A_54 : i32
    %add3A_56 = arith.constant 40 : i32
    %add3A_57 = arith.addi %mul3A_55, %add3A_56 : i32
    "tpu.region"() ({
      %run_scoped3A = tpu.sem_alloc : memref<!tpu.dma_semaphore, #tpu.memory_space<semaphore_mem>>
      %dma_start3A_92 = arith.constant 0 : i32
      %dma_start3A_93 = tpu.memref_slice %arg3[%add3A_57, %dma_start3A_92] : memref<1280x128xi32, #tpu.memory_space<hbm>> -> memref<40x128xi32, #tpu.memory_space<hbm>>
      %dma_start3A_94 = arith.constant 0 : i32
      %dma_start3A_95 = tpu.memref_slice %arg3[%add3A_57, %dma_start3A_94] : memref<1280x128xi32, #tpu.memory_space<hbm>> -> memref<40x128xi32, #tpu.memory_space<hbm>>
      tpu.enqueue_dma source(%dma_start3A_95 : memref<40x128xi32, #tpu.memory_space<hbm>>) target(%arg6 : memref<40x128xi32, #tpu.memory_space<vmem>>) target_semaphore(%run_scoped3A : memref<!tpu.dma_semaphore, #tpu.memory_space<semaphore_mem>>)
      %dma_wait3A_96 = arith.constant 0 : i32
      %dma_wait3A_97 = tpu.memref_slice %arg3[%add3A_57, %dma_wait3A_96] : memref<1280x128xi32, #tpu.memory_space<hbm>> -> memref<40x128xi32, #tpu.memory_space<hbm>>
      %dma_wait3A_98 = arith.constant 0 : i32
      %dma_wait3A_99 = tpu.memref_slice %arg3[%add3A_57, %dma_wait3A_98] : memref<1280x128xi32, #tpu.memory_space<hbm>> -> memref<40x128xi32, #tpu.memory_space<hbm>>
      tpu.wait_dma2 semaphore(%run_scoped3A : memref<!tpu.dma_semaphore, #tpu.memory_space<semaphore_mem>>) src(%dma_wait3A_99 : memref<40x128xi32, #tpu.memory_space<hbm>>) dst(%arg6 : memref<40x128xi32, #tpu.memory_space<vmem>>)
      tpu.yield
    }) : () -> ()
    %mul3A_58 = arith.constant 80 : i32
    %mul3A_59 = arith.muli %arg1, %mul3A_58 : i32
    %add3A_60 = arith.constant 40 : i32
    %add3A_61 = arith.addi %mul3A_59, %add3A_60 : i32
    "tpu.region"() ({
      %run_scoped3A = tpu.sem_alloc : memref<!tpu.dma_semaphore, #tpu.memory_space<semaphore_mem>>
      %dma_start3A_92 = arith.constant 0 : i32
      %dma_start3A_93 = tpu.memref_slice %arg4[%add3A_61, %dma_start3A_92] : memref<1280x128xi32, #tpu.memory_space<hbm>> -> memref<40x128xi32, #tpu.memory_space<hbm>>
      %dma_start3A_94 = arith.constant 0 : i32
      %dma_start3A_95 = tpu.memref_slice %arg4[%add3A_61, %dma_start3A_94] : memref<1280x128xi32, #tpu.memory_space<hbm>> -> memref<40x128xi32, #tpu.memory_space<hbm>>
      tpu.enqueue_dma source(%dma_start3A_95 : memref<40x128xi32, #tpu.memory_space<hbm>>) target(%arg7 : memref<40x128xi32, #tpu.memory_space<vmem>>) target_semaphore(%run_scoped3A : memref<!tpu.dma_semaphore, #tpu.memory_space<semaphore_mem>>)
      %dma_wait3A_96 = arith.constant 0 : i32
      %dma_wait3A_97 = tpu.memref_slice %arg4[%add3A_61, %dma_wait3A_96] : memref<1280x128xi32, #tpu.memory_space<hbm>> -> memref<40x128xi32, #tpu.memory_space<hbm>>
      %dma_wait3A_98 = arith.constant 0 : i32
      %dma_wait3A_99 = tpu.memref_slice %arg4[%add3A_61, %dma_wait3A_98] : memref<1280x128xi32, #tpu.memory_space<hbm>> -> memref<40x128xi32, #tpu.memory_space<hbm>>
      tpu.wait_dma2 semaphore(%run_scoped3A : memref<!tpu.dma_semaphore, #tpu.memory_space<semaphore_mem>>) src(%dma_wait3A_99 : memref<40x128xi32, #tpu.memory_space<hbm>>) dst(%arg7 : memref<40x128xi32, #tpu.memory_space<vmem>>)
      tpu.yield
    }) : () -> ()
    %dma_start3A_62 = arith.constant 0 : i32
    %dma_start3A_63 = arith.constant 0 : i32
    %dma_start3A_64 = tpu.memref_slice %arg6[%dma_start3A_62, %dma_start3A_63] : memref<40x128xi32, #tpu.memory_space<vmem>> -> memref<1x128xi32, #tpu.memory_space<vmem>>
    %dma_start3A_65 = tpu.memref_squeeze %dma_start3A_64 : memref<1x128xi32, #tpu.memory_space<vmem>> -> memref<128xi32, #tpu.memory_space<vmem>>
    %dma_start3A_66 = arith.constant 0 : i32
    %dma_start3A_67 = tpu.memref_slice %arg2[%mul3A_0, %dma_start3A_66] : memref<20480x128xf32, #tpu.memory_space<hbm>> -> memref<10240x128xf32, #tpu.memory_space<hbm>>
    %dma_start3A_68 = arith.constant 0 : i32
    %dma_start3A_69 = arith.constant 0 : i32
    %dma_start3A_70 = tpu.memref_slice %dma_start3A_67[%dma_start3A_68, %dma_start3A_69] : memref<10240x128xf32, #tpu.memory_space<hbm>> -> memref<10240x128xf32, #tpu.memory_space<hbm>>
    tpu.enqueue_indirect_dma source(%dma_start3A_70 : memref<10240x128xf32, #tpu.memory_space<hbm>>) target(%arg8 : memref<128x128xf32, #tpu.memory_space<vmem>>) offsets(%dma_start3A_65 : memref<128xi32, #tpu.memory_space<vmem>>) semaphore(%arg11 : memref<!tpu.dma_semaphore, #tpu.memory_space<semaphore_mem>>)
    %scan3A_71 = arith.constant 0 : i32
    %scan3A_72 = arith.constant 0 : i32
    %scan3A_73 = arith.constant 20 : i32
    %scan3A_74 = arith.addi %scan3A_72, %scan3A_73 : i32
    %scan3A_75 = arith.constant 1 : i32
    scf.for %scan3A_92 = %scan3A_72 to %scan3A_74 step %scan3A_75  : i32 {
      %mul3A_93 = arith.constant 2 : i32
      %mul3A_94 = arith.muli %mul3A_93, %scan3A_92 : i32
      %gt3A = arith.constant 0 : i32
      %gt3A_95 = arith.cmpi sgt, %mul3A_94, %gt3A : i32
      %convert_element_type3A = arith.extui %gt3A_95 : i1 to i32
      %cond3A = arith.constant 0 : i32
      %cond3A_96 = arith.cmpi ne, %convert_element_type3A, %cond3A : i32
      scf.if %cond3A_96 {
        %sub3A = arith.constant 1 : i32
        %sub3A_147 = arith.subi %mul3A_94, %sub3A : i32
        %dma_wait3A_148 = arith.constant 0 : i32
        %dma_wait3A_149 = tpu.memref_slice %arg7[%sub3A_147, %dma_wait3A_148] : memref<40x128xi32, #tpu.memory_space<vmem>> -> memref<1x128xi32, #tpu.memory_space<vmem>>
        %dma_wait3A_150 = tpu.memref_squeeze %dma_wait3A_149 : memref<1x128xi32, #tpu.memory_space<vmem>> -> memref<128xi32, #tpu.memory_space<vmem>>
        %dma_wait3A_151 = arith.constant 0 : i32
        %dma_wait3A_152 = arith.constant 0 : i32
        %dma_wait3A_153 = tpu.memref_slice %arg10[%dma_wait3A_151, %dma_wait3A_152] : memref<10240x128xf32, #tpu.memory_space<vmem_shared>> -> memref<10240x128xf32, #tpu.memory_space<vmem_shared>>
        tpu.wait_indirect_dma semaphore(%arg14 : memref<!tpu.dma_semaphore, #tpu.memory_space<semaphore_mem>>) src(%arg9 : memref<128x128xf32, #tpu.memory_space<vmem>>) dst(%dma_wait3A_153 : memref<10240x128xf32, #tpu.memory_space<vmem_shared>>)
      } else {
      }
      %add3A_97 = arith.constant 1 : i32
      %add3A_98 = arith.addi %mul3A_94, %add3A_97 : i32
      %lt3A = arith.constant 40 : i32
      %lt3A_99 = arith.cmpi slt, %add3A_98, %lt3A : i32
      %convert_element_type3A_100 = arith.extui %lt3A_99 : i1 to i32
      %cond3A_101 = arith.constant 0 : i32
      %cond3A_102 = arith.cmpi ne, %convert_element_type3A_100, %cond3A_101 : i32
      scf.if %cond3A_102 {
        %add3A_147 = arith.constant 1 : i32
        %add3A_148 = arith.addi %mul3A_94, %add3A_147 : i32
        %dma_start3A_149 = arith.constant 0 : i32
        %dma_start3A_150 = tpu.memref_slice %arg6[%add3A_148, %dma_start3A_149] : memref<40x128xi32, #tpu.memory_space<vmem>> -> memref<1x128xi32, #tpu.memory_space<vmem>>
        %dma_start3A_151 = tpu.memref_squeeze %dma_start3A_150 : memref<1x128xi32, #tpu.memory_space<vmem>> -> memref<128xi32, #tpu.memory_space<vmem>>
        %dma_start3A_152 = arith.constant 0 : i32
        %dma_start3A_153 = tpu.memref_slice %arg2[%mul3A_0, %dma_start3A_152] : memref<20480x128xf32, #tpu.memory_space<hbm>> -> memref<10240x128xf32, #tpu.memory_space<hbm>>
        %dma_start3A_154 = arith.constant 0 : i32
        %dma_start3A_155 = arith.constant 0 : i32
        %dma_start3A_156 = tpu.memref_slice %dma_start3A_153[%dma_start3A_154, %dma_start3A_155] : memref<10240x128xf32, #tpu.memory_space<hbm>> -> memref<10240x128xf32, #tpu.memory_space<hbm>>
        tpu.enqueue_indirect_dma source(%dma_start3A_156 : memref<10240x128xf32, #tpu.memory_space<hbm>>) target(%arg9 : memref<128x128xf32, #tpu.memory_space<vmem>>) offsets(%dma_start3A_151 : memref<128xi32, #tpu.memory_space<vmem>>) semaphore(%arg12 : memref<!tpu.dma_semaphore, #tpu.memory_space<semaphore_mem>>)
      } else {
      }
      %dma_wait3A_103 = arith.constant 0 : i32
      %dma_wait3A_104 = tpu.memref_slice %arg6[%mul3A_94, %dma_wait3A_103] : memref<40x128xi32, #tpu.memory_space<vmem>> -> memref<1x128xi32, #tpu.memory_space<vmem>>
      %dma_wait3A_105 = tpu.memref_squeeze %dma_wait3A_104 : memref<1x128xi32, #tpu.memory_space<vmem>> -> memref<128xi32, #tpu.memory_space<vmem>>
      %dma_wait3A_106 = arith.constant 0 : i32
      %dma_wait3A_107 = tpu.memref_slice %arg2[%mul3A_0, %dma_wait3A_106] : memref<20480x128xf32, #tpu.memory_space<hbm>> -> memref<10240x128xf32, #tpu.memory_space<hbm>>
      %dma_wait3A_108 = arith.constant 0 : i32
      %dma_wait3A_109 = arith.constant 0 : i32
      %dma_wait3A_110 = tpu.memref_slice %dma_wait3A_107[%dma_wait3A_108, %dma_wait3A_109] : memref<10240x128xf32, #tpu.memory_space<hbm>> -> memref<10240x128xf32, #tpu.memory_space<hbm>>
      tpu.wait_indirect_dma semaphore(%arg11 : memref<!tpu.dma_semaphore, #tpu.memory_space<semaphore_mem>>) src(%dma_wait3A_110 : memref<10240x128xf32, #tpu.memory_space<hbm>>) dst(%arg8 : memref<128x128xf32, #tpu.memory_space<vmem>>)
      %dma_start3A_111 = arith.constant 0 : i32
      %dma_start3A_112 = tpu.memref_slice %arg7[%mul3A_94, %dma_start3A_111] : memref<40x128xi32, #tpu.memory_space<vmem>> -> memref<1x128xi32, #tpu.memory_space<vmem>>
      %dma_start3A_113 = tpu.memref_squeeze %dma_start3A_112 : memref<1x128xi32, #tpu.memory_space<vmem>> -> memref<128xi32, #tpu.memory_space<vmem>>
      %dma_start3A_114 = arith.constant 0 : i32
      %dma_start3A_115 = arith.constant 0 : i32
      %dma_start3A_116 = tpu.memref_slice %arg10[%dma_start3A_114, %dma_start3A_115] : memref<10240x128xf32, #tpu.memory_space<vmem_shared>> -> memref<10240x128xf32, #tpu.memory_space<vmem_shared>>
      tpu.enqueue_indirect_dma source(%arg8 : memref<128x128xf32, #tpu.memory_space<vmem>>) target(%dma_start3A_116 : memref<10240x128xf32, #tpu.memory_space<vmem_shared>>) offsets(%dma_start3A_113 : memref<128xi32, #tpu.memory_space<vmem>>) semaphore(%arg13 : memref<!tpu.dma_semaphore, #tpu.memory_space<semaphore_mem>>) {add = true}
      %mul3A_117 = arith.constant 2 : i32
      %mul3A_118 = arith.muli %mul3A_117, %scan3A_92 : i32
      %add3A_119 = arith.constant 1 : i32
      %add3A_120 = arith.addi %mul3A_118, %add3A_119 : i32
      %gt3A_121 = arith.constant 0 : i32
      %gt3A_122 = arith.cmpi sgt, %add3A_120, %gt3A_121 : i32
      %convert_element_type3A_123 = arith.extui %gt3A_122 : i1 to i32
      %cond3A_124 = arith.constant 0 : i32
      %cond3A_125 = arith.cmpi ne, %convert_element_type3A_123, %cond3A_124 : i32
      scf.if %cond3A_125 {
        %sub3A = arith.constant 1 : i32
        %sub3A_147 = arith.subi %add3A_120, %sub3A : i32
        %dma_wait3A_148 = arith.constant 0 : i32
        %dma_wait3A_149 = tpu.memref_slice %arg7[%sub3A_147, %dma_wait3A_148] : memref<40x128xi32, #tpu.memory_space<vmem>> -> memref<1x128xi32, #tpu.memory_space<vmem>>
        %dma_wait3A_150 = tpu.memref_squeeze %dma_wait3A_149 : memref<1x128xi32, #tpu.memory_space<vmem>> -> memref<128xi32, #tpu.memory_space<vmem>>
        %dma_wait3A_151 = arith.constant 0 : i32
        %dma_wait3A_152 = arith.constant 0 : i32
        %dma_wait3A_153 = tpu.memref_slice %arg10[%dma_wait3A_151, %dma_wait3A_152] : memref<10240x128xf32, #tpu.memory_space<vmem_shared>> -> memref<10240x128xf32, #tpu.memory_space<vmem_shared>>
        tpu.wait_indirect_dma semaphore(%arg13 : memref<!tpu.dma_semaphore, #tpu.memory_space<semaphore_mem>>) src(%arg8 : memref<128x128xf32, #tpu.memory_space<vmem>>) dst(%dma_wait3A_153 : memref<10240x128xf32, #tpu.memory_space<vmem_shared>>)
      } else {
      }
      %add3A_126 = arith.constant 1 : i32
      %add3A_127 = arith.addi %add3A_120, %add3A_126 : i32
      %lt3A_128 = arith.constant 40 : i32
      %lt3A_129 = arith.cmpi slt, %add3A_127, %lt3A_128 : i32
      %convert_element_type3A_130 = arith.extui %lt3A_129 : i1 to i32
      %cond3A_131 = arith.constant 0 : i32
      %cond3A_132 = arith.cmpi ne, %convert_element_type3A_130, %cond3A_131 : i32
      scf.if %cond3A_132 {
        %add3A_147 = arith.constant 1 : i32
        %add3A_148 = arith.addi %add3A_120, %add3A_147 : i32
        %dma_start3A_149 = arith.constant 0 : i32
        %dma_start3A_150 = tpu.memref_slice %arg6[%add3A_148, %dma_start3A_149] : memref<40x128xi32, #tpu.memory_space<vmem>> -> memref<1x128xi32, #tpu.memory_space<vmem>>
        %dma_start3A_151 = tpu.memref_squeeze %dma_start3A_150 : memref<1x128xi32, #tpu.memory_space<vmem>> -> memref<128xi32, #tpu.memory_space<vmem>>
        %dma_start3A_152 = arith.constant 0 : i32
        %dma_start3A_153 = tpu.memref_slice %arg2[%mul3A_0, %dma_start3A_152] : memref<20480x128xf32, #tpu.memory_space<hbm>> -> memref<10240x128xf32, #tpu.memory_space<hbm>>
        %dma_start3A_154 = arith.constant 0 : i32
        %dma_start3A_155 = arith.constant 0 : i32
        %dma_start3A_156 = tpu.memref_slice %dma_start3A_153[%dma_start3A_154, %dma_start3A_155] : memref<10240x128xf32, #tpu.memory_space<hbm>> -> memref<10240x128xf32, #tpu.memory_space<hbm>>
        tpu.enqueue_indirect_dma source(%dma_start3A_156 : memref<10240x128xf32, #tpu.memory_space<hbm>>) target(%arg8 : memref<128x128xf32, #tpu.memory_space<vmem>>) offsets(%dma_start3A_151 : memref<128xi32, #tpu.memory_space<vmem>>) semaphore(%arg11 : memref<!tpu.dma_semaphore, #tpu.memory_space<semaphore_mem>>)
      } else {
      }
      %dma_wait3A_133 = arith.constant 0 : i32
      %dma_wait3A_134 = tpu.memref_slice %arg6[%add3A_120, %dma_wait3A_133] : memref<40x128xi32, #tpu.memory_space<vmem>> -> memref<1x128xi32, #tpu.memory_space<vmem>>
      %dma_wait3A_135 = tpu.memref_squeeze %dma_wait3A_134 : memref<1x128xi32, #tpu.memory_space<vmem>> -> memref<128xi32, #tpu.memory_space<vmem>>
      %dma_wait3A_136 = arith.constant 0 : i32
      %dma_wait3A_137 = tpu.memref_slice %arg2[%mul3A_0, %dma_wait3A_136] : memref<20480x128xf32, #tpu.memory_space<hbm>> -> memref<10240x128xf32, #tpu.memory_space<hbm>>
      %dma_wait3A_138 = arith.constant 0 : i32
      %dma_wait3A_139 = arith.constant 0 : i32
      %dma_wait3A_140 = tpu.memref_slice %dma_wait3A_137[%dma_wait3A_138, %dma_wait3A_139] : memref<10240x128xf32, #tpu.memory_space<hbm>> -> memref<10240x128xf32, #tpu.memory_space<hbm>>
      tpu.wait_indirect_dma semaphore(%arg12 : memref<!tpu.dma_semaphore, #tpu.memory_space<semaphore_mem>>) src(%dma_wait3A_140 : memref<10240x128xf32, #tpu.memory_space<hbm>>) dst(%arg9 : memref<128x128xf32, #tpu.memory_space<vmem>>)
      %dma_start3A_141 = arith.constant 0 : i32
      %dma_start3A_142 = tpu.memref_slice %arg7[%add3A_120, %dma_start3A_141] : memref<40x128xi32, #tpu.memory_space<vmem>> -> memref<1x128xi32, #tpu.memory_space<vmem>>
      %dma_start3A_143 = tpu.memref_squeeze %dma_start3A_142 : memref<1x128xi32, #tpu.memory_space<vmem>> -> memref<128xi32, #tpu.memory_space<vmem>>
      %dma_start3A_144 = arith.constant 0 : i32
      %dma_start3A_145 = arith.constant 0 : i32
      %dma_start3A_146 = tpu.memref_slice %arg10[%dma_start3A_144, %dma_start3A_145] : memref<10240x128xf32, #tpu.memory_space<vmem_shared>> -> memref<10240x128xf32, #tpu.memory_space<vmem_shared>>
      tpu.enqueue_indirect_dma source(%arg9 : memref<128x128xf32, #tpu.memory_space<vmem>>) target(%dma_start3A_146 : memref<10240x128xf32, #tpu.memory_space<vmem_shared>>) offsets(%dma_start3A_143 : memref<128xi32, #tpu.memory_space<vmem>>) semaphore(%arg14 : memref<!tpu.dma_semaphore, #tpu.memory_space<semaphore_mem>>) {add = true}
    }
    %scan3A_76 = arith.constant 20 : i32
    %dma_wait3A_77 = arith.constant 39 : i32
    %dma_wait3A_78 = arith.constant 0 : i32
    %dma_wait3A_79 = tpu.memref_slice %arg7[%dma_wait3A_77, %dma_wait3A_78] : memref<40x128xi32, #tpu.memory_space<vmem>> -> memref<1x128xi32, #tpu.memory_space<vmem>>
    %dma_wait3A_80 = tpu.memref_squeeze %dma_wait3A_79 : memref<1x128xi32, #tpu.memory_space<vmem>> -> memref<128xi32, #tpu.memory_space<vmem>>
    %dma_wait3A_81 = arith.constant 0 : i32
    %dma_wait3A_82 = arith.constant 0 : i32
    %dma_wait3A_83 = tpu.memref_slice %arg10[%dma_wait3A_81, %dma_wait3A_82] : memref<10240x128xf32, #tpu.memory_space<vmem_shared>> -> memref<10240x128xf32, #tpu.memory_space<vmem_shared>>
    tpu.wait_indirect_dma semaphore(%arg14 : memref<!tpu.dma_semaphore, #tpu.memory_space<semaphore_mem>>) src(%arg9 : memref<128x128xf32, #tpu.memory_space<vmem>>) dst(%dma_wait3A_83 : memref<10240x128xf32, #tpu.memory_space<vmem_shared>>)
    %barrier3A_84 = arith.constant 0 : index
    tpu.barrier barrier_id(%barrier3A_84)
    %mul3A_85 = arith.constant 640 : i32
    %mul3A_86 = arith.muli %arg1, %mul3A_85 : i32
    %mul3A_87 = arith.constant 10240 : i32
    %mul3A_88 = arith.muli %arg0, %mul3A_87 : i32
    %mul3A_89 = arith.constant 640 : i32
    %mul3A_90 = arith.muli %arg1, %mul3A_89 : i32
    %add3A_91 = arith.addi %mul3A_88, %mul3A_90 : i32
    "tpu.region"() ({
      %run_scoped3A = tpu.sem_alloc : memref<!tpu.dma_semaphore, #tpu.memory_space<semaphore_mem>>
      %dma_start3A_92 = arith.constant 0 : i32
      %dma_start3A_93 = tpu.memref_slice %arg5[%add3A_91, %dma_start3A_92] : memref<20480x128xf32, #tpu.memory_space<hbm>> -> memref<640x128xf32, #tpu.memory_space<hbm>>
      %dma_start3A_94 = arith.constant 0 : i32
      %dma_start3A_95 = tpu.memref_slice %arg10[%mul3A_86, %dma_start3A_94] : memref<10240x128xf32, #tpu.memory_space<vmem_shared>> -> memref<640x128xf32, #tpu.memory_space<vmem_shared>>
      tpu.enqueue_dma source(%dma_start3A_95 : memref<640x128xf32, #tpu.memory_space<vmem_shared>>) target(%dma_start3A_93 : memref<640x128xf32, #tpu.memory_space<hbm>>) target_semaphore(%run_scoped3A : memref<!tpu.dma_semaphore, #tpu.memory_space<semaphore_mem>>)
      %dma_wait3A_96 = arith.constant 0 : i32
      %dma_wait3A_97 = tpu.memref_slice %arg5[%add3A_91, %dma_wait3A_96] : memref<20480x128xf32, #tpu.memory_space<hbm>> -> memref<640x128xf32, #tpu.memory_space<hbm>>
      %dma_wait3A_98 = arith.constant 0 : i32
      %dma_wait3A_99 = tpu.memref_slice %arg10[%mul3A_86, %dma_wait3A_98] : memref<10240x128xf32, #tpu.memory_space<vmem_shared>> -> memref<640x128xf32, #tpu.memory_space<vmem_shared>>
      tpu.wait_dma2 semaphore(%run_scoped3A : memref<!tpu.dma_semaphore, #tpu.memory_space<semaphore_mem>>) src(%dma_wait3A_99 : memref<640x128xf32, #tpu.memory_space<vmem_shared>>) dst(%dma_wait3A_97 : memref<640x128xf32, #tpu.memory_space<hbm>>)
      tpu.yield
    }) : () -> ()
    return
  }
}

module attributes {stable_mosaic.version = 14 : i64} {
  func.func @_t1_body(%arg0: i32, %arg1: memref<2x5120x128xf32, #tpu.memory_space<vmem>>, %arg2: memref<2x5120x128xf32, #tpu.memory_space<vmem>>, %arg3: memref<5120x128xf32, #tpu.memory_space<vmem>>, %arg4: memref<1x256xf32, #tpu.memory_space<vmem>>, %arg5: memref<256x256xbf16, #tpu.memory_space<vmem>>, %arg6: memref<2x5120x128xf32, #tpu.memory_space<vmem>>) attributes {dimension_semantics = [#tpu.dimension_semantics<arbitrary>], iteration_bounds = array<i64: 2>, scalar_prefetch = 0 : i64, scratch_operands = 0 : i64, tpu.core_type = #tpu.core_type<tc>, window_params = [{transform_indices = @transform_0, window_bounds = array<i64: 2, 5120, 128>}, {transform_indices = @transform_1, window_bounds = array<i64: 2, 5120, 128>}, {transform_indices = @transform_2, window_bounds = array<i64: 5120, 128>}, {pipeline_mode = #tpu.pipeline_mode<synchronous>, transform_indices = @transform_3, window_bounds = array<i64: 1, 256>}, {pipeline_mode = #tpu.pipeline_mode<synchronous>, transform_indices = @transform_4, window_bounds = array<i64: 256, 256>}, {transform_indices = @transform_5, window_bounds = array<i64: 2, 5120, 128>}]} {
    %get3A = arith.constant 0 : index
    %get3A_0 = arith.constant 0 : index
    %get3A_1 = vector.load %arg3[%get3A, %get3A_0] : memref<5120x128xf32, #tpu.memory_space<vmem>>, vector<5120x128xf32>
    %get3A_2 = arith.constant 0 : index
    %get3A_3 = arith.constant 0 : index
    %get3A_4 = vector.load %arg4[%get3A_2, %get3A_3] : memref<1x256xf32, #tpu.memory_space<vmem>>, vector<1x256xf32>
    %get3A_5 = arith.constant 0 : index
    %get3A_6 = arith.constant 0 : index
    %get3A_7 = arith.constant 0 : index
    %get3A_8 = vector.load %arg1[%get3A_5, %get3A_6, %get3A_7] : memref<2x5120x128xf32, #tpu.memory_space<vmem>>, vector<1x5120x128xf32>
    %get3A_9 = vector.shape_cast %get3A_8 : vector<1x5120x128xf32> to vector<5120x128xf32>
    %get3A_10 = arith.constant 0 : index
    %get3A_11 = arith.constant 0 : index
    %get3A_12 = arith.constant 0 : index
    %get3A_13 = vector.load %arg2[%get3A_10, %get3A_11, %get3A_12] : memref<2x5120x128xf32, #tpu.memory_space<vmem>>, vector<1x5120x128xf32>
    %get3A_14 = vector.shape_cast %get3A_13 : vector<1x5120x128xf32> to vector<5120x128xf32>
    %add3A = arith.addf %get3A_9, %get3A_14 : vector<5120x128xf32>
    %mul3A = arith.mulf %get3A_1, %add3A : vector<5120x128xf32>
    %slice3A = vector.extract_strided_slice %get3A_4 {offsets = [0, 0], sizes = [1, 128], strides = [1, 1]} : vector<1x256xf32> to vector<1x128xf32>
    %add3A_15 = vector.broadcast %slice3A : vector<1x128xf32> to vector<5120x128xf32>
    %add3A_16 = arith.addf %mul3A, %add3A_15 : vector<5120x128xf32>
    %max3A = arith.constant 0.000000e+00 : f32
    %max3A_17 = vector.broadcast %max3A : f32 to vector<5120x128xf32>
    %max3A_18 = arith.maximumf %add3A_16, %max3A_17 : vector<5120x128xf32>
    %get3A_19 = arith.constant 1 : index
    %get3A_20 = arith.constant 0 : index
    %get3A_21 = arith.constant 0 : index
    %get3A_22 = vector.load %arg1[%get3A_19, %get3A_20, %get3A_21] : memref<2x5120x128xf32, #tpu.memory_space<vmem>>, vector<1x5120x128xf32>
    %get3A_23 = vector.shape_cast %get3A_22 : vector<1x5120x128xf32> to vector<5120x128xf32>
    %get3A_24 = arith.constant 1 : index
    %get3A_25 = arith.constant 0 : index
    %get3A_26 = arith.constant 0 : index
    %get3A_27 = vector.load %arg2[%get3A_24, %get3A_25, %get3A_26] : memref<2x5120x128xf32, #tpu.memory_space<vmem>>, vector<1x5120x128xf32>
    %get3A_28 = vector.shape_cast %get3A_27 : vector<1x5120x128xf32> to vector<5120x128xf32>
    %add3A_29 = arith.addf %get3A_23, %get3A_28 : vector<5120x128xf32>
    %mul3A_30 = arith.mulf %get3A_1, %add3A_29 : vector<5120x128xf32>
    %slice3A_31 = vector.extract_strided_slice %get3A_4 {offsets = [0, 128], sizes = [1, 128], strides = [1, 1]} : vector<1x256xf32> to vector<1x128xf32>
    %add3A_32 = vector.broadcast %slice3A_31 : vector<1x128xf32> to vector<5120x128xf32>
    %add3A_33 = arith.addf %mul3A_30, %add3A_32 : vector<5120x128xf32>
    %max3A_34 = arith.constant 0.000000e+00 : f32
    %max3A_35 = vector.broadcast %max3A_34 : f32 to vector<5120x128xf32>
    %max3A_36 = arith.maximumf %add3A_33, %max3A_35 : vector<5120x128xf32>
    %mul3A_37 = arith.mulf %get3A_1, %max3A_18 : vector<5120x128xf32>
    %mul3A_38 = arith.mulf %get3A_1, %max3A_36 : vector<5120x128xf32>
    %concatenate3A = tpu.concatenate %mul3A_37, %mul3A_38 in 1 : vector<5120x128xf32>, vector<5120x128xf32> -> vector<5120x256xf32>
    %convert_element_type3A = arith.truncf %concatenate3A : vector<5120x256xf32> to vector<5120x256xbf16>
    %get3A_39 = arith.constant 0 : index
    %get3A_40 = arith.constant 0 : index
    %get3A_41 = vector.load %arg5[%get3A_39, %get3A_40] : memref<256x256xbf16, #tpu.memory_space<vmem>>, vector<256x256xbf16>
    %dot_general3A = arith.constant dense<0.000000e+00> : vector<5120x256xf32>
    %dot_general3A_42 = tpu.matmul %convert_element_type3A, %get3A_41, %dot_general3A {dimension_numbers = #tpu.dot_dimension_numbers<[1], [0], [0], [1], [0, 0, 1, 1], [], []>, transpose_lhs_hint = false} : vector<5120x256xbf16>, vector<256x256xbf16>, vector<5120x256xf32> -> vector<5120x256xf32>
    %slice3A_43 = vector.extract_strided_slice %dot_general3A_42 {offsets = [0, 0], sizes = [5120, 128], strides = [1, 1]} : vector<5120x256xf32> to vector<5120x128xf32>
    %swap3A = arith.constant 0 : index
    %swap3A_44 = arith.constant 0 : index
    %swap3A_45 = arith.constant 0 : index
    %swap3A_46 = vector.load %arg6[%swap3A, %swap3A_44, %swap3A_45] : memref<2x5120x128xf32, #tpu.memory_space<vmem>>, vector<1x5120x128xf32>
    %swap3A_47 = vector.shape_cast %swap3A_46 : vector<1x5120x128xf32> to vector<5120x128xf32>
    %swap3A_48 = vector.shape_cast %slice3A_43 : vector<5120x128xf32> to vector<1x5120x128xf32>
    tpu.vector_store %arg6[%swap3A, %swap3A_44, %swap3A_45], %swap3A_48 {strides = array<i32>} : memref<2x5120x128xf32, #tpu.memory_space<vmem>>, vector<1x5120x128xf32>,
    %slice3A_49 = vector.extract_strided_slice %dot_general3A_42 {offsets = [0, 128], sizes = [5120, 128], strides = [1, 1]} : vector<5120x256xf32> to vector<5120x128xf32>
    %swap3A_50 = arith.constant 1 : index
    %swap3A_51 = arith.constant 0 : index
    %swap3A_52 = arith.constant 0 : index
    %swap3A_53 = vector.load %arg6[%swap3A_50, %swap3A_51, %swap3A_52] : memref<2x5120x128xf32, #tpu.memory_space<vmem>>, vector<1x5120x128xf32>
    %swap3A_54 = vector.shape_cast %swap3A_53 : vector<1x5120x128xf32> to vector<5120x128xf32>
    %swap3A_55 = vector.shape_cast %slice3A_49 : vector<5120x128xf32> to vector<1x5120x128xf32>
    tpu.vector_store %arg6[%swap3A_50, %swap3A_51, %swap3A_52], %swap3A_55 {strides = array<i32>} : memref<2x5120x128xf32, #tpu.memory_space<vmem>>, vector<1x5120x128xf32>,
    return
  }
  func.func @transform_0(%arg0: i32) -> (i32, i32, i32) {
    %c0_i32 = arith.constant 0 : i32
    %c0_i32_0 = arith.constant 0 : i32
    %c0_i32_1 = arith.constant 0 : i32
    return %c0_i32, %arg0, %c0_i32_0 : i32, i32, i32
  }
  func.func @transform_1(%arg0: i32) -> (i32, i32, i32) {
    %c0_i32 = arith.constant 0 : i32
    %c0_i32_0 = arith.constant 0 : i32
    %c0_i32_1 = arith.constant 0 : i32
    return %c0_i32, %arg0, %c0_i32_0 : i32, i32, i32
  }
  func.func @transform_2(%arg0: i32) -> (i32, i32) {
    %c0_i32 = arith.constant 0 : i32
    %c0_i32_0 = arith.constant 0 : i32
    return %arg0, %c0_i32 : i32, i32
  }
  func.func @transform_3(%arg0: i32) -> (i32, i32) {
    %c0_i32 = arith.constant 0 : i32
    %c0_i32_0 = arith.constant 0 : i32
    %c0_i32_1 = arith.constant 0 : i32
    return %c0_i32, %c0_i32_0 : i32, i32
  }
  func.func @transform_4(%arg0: i32) -> (i32, i32) {
    %c0_i32 = arith.constant 0 : i32
    %c0_i32_0 = arith.constant 0 : i32
    %c0_i32_1 = arith.constant 0 : i32
    return %c0_i32, %c0_i32_0 : i32, i32
  }
  func.func @transform_5(%arg0: i32) -> (i32, i32, i32) {
    %c0_i32 = arith.constant 0 : i32
    %c0_i32_0 = arith.constant 0 : i32
    %c0_i32_1 = arith.constant 0 : i32
    return %c0_i32, %arg0, %c0_i32_0 : i32, i32, i32
  }
}

module attributes {stable_mosaic.version = 14 : i64} {
  func.func @_t0_body(%arg0: i32, %arg1: memref<5120x256xf32, #tpu.memory_space<vmem>>, %arg2: memref<256x256xbf16, #tpu.memory_space<vmem>>, %arg3: memref<5120x128xf32, #tpu.memory_space<vmem>>, %arg4: memref<5120x128xf32, #tpu.memory_space<vmem>>, %arg5: memref<5120x128xf32, #tpu.memory_space<vmem>>, %arg6: memref<2x5120x128xf32, #tpu.memory_space<vmem>>) attributes {dimension_semantics = [#tpu.dimension_semantics<arbitrary>], iteration_bounds = array<i64: 2>, scalar_prefetch = 0 : i64, scratch_operands = 0 : i64, tpu.core_type = #tpu.core_type<tc>, window_params = [{transform_indices = @transform_0, window_bounds = array<i64: 5120, 256>}, {pipeline_mode = #tpu.pipeline_mode<synchronous>, transform_indices = @transform_1, window_bounds = array<i64: 256, 256>}, {transform_indices = @transform_2, window_bounds = array<i64: 5120, 128>}, {transform_indices = @transform_3, window_bounds = array<i64: 5120, 128>}, {transform_indices = @transform_4, window_bounds = array<i64: 5120, 128>}, {transform_indices = @transform_5, window_bounds = array<i64: 2, 5120, 128>}]} {
    %get3A = arith.constant 0 : index
    %get3A_0 = arith.constant 0 : index
    %get3A_1 = vector.load %arg3[%get3A, %get3A_0] : memref<5120x128xf32, #tpu.memory_space<vmem>>, vector<5120x1xf32>
    %get3A_2 = arith.constant 0 : index
    %get3A_3 = arith.constant 0 : index
    %get3A_4 = vector.load %arg4[%get3A_2, %get3A_3] : memref<5120x128xf32, #tpu.memory_space<vmem>>, vector<5120x1xf32>
    %add3A = arith.addf %get3A_1, %get3A_4 : vector<5120x1xf32>
    %add3A_5 = arith.constant 1.000000e+00 : f32
    %add3A_6 = vector.broadcast %add3A_5 : f32 to vector<5120x1xf32>
    %add3A_7 = arith.addf %add3A, %add3A_6 : vector<5120x1xf32>
    %rsqrt3A = math.rsqrt %add3A_7 : vector<5120x1xf32>
    %broadcast_in_dim3A = vector.shape_cast %rsqrt3A : vector<5120x1xf32> to vector<5120x1xf32>
    %broadcast_in_dim3A_8 = vector.broadcast %broadcast_in_dim3A : vector<5120x1xf32> to vector<5120x128xf32>
    %swap3A = arith.constant 0 : index
    %swap3A_9 = arith.constant 0 : index
    %swap3A_10 = vector.load %arg5[%swap3A, %swap3A_9] : memref<5120x128xf32, #tpu.memory_space<vmem>>, vector<5120x128xf32>
    tpu.vector_store %arg5[%swap3A, %swap3A_9], %broadcast_in_dim3A_8 {strides = array<i32>} : memref<5120x128xf32, #tpu.memory_space<vmem>>, vector<5120x128xf32>,
    %get3A_11 = arith.constant 0 : index
    %get3A_12 = arith.constant 0 : index
    %get3A_13 = vector.load %arg1[%get3A_11, %get3A_12] : memref<5120x256xf32, #tpu.memory_space<vmem>>, vector<5120x256xf32>
    %mul3A = vector.broadcast %rsqrt3A : vector<5120x1xf32> to vector<5120x256xf32>
    %mul3A_14 = arith.mulf %get3A_13, %mul3A : vector<5120x256xf32>
    %convert_element_type3A = arith.truncf %mul3A_14 : vector<5120x256xf32> to vector<5120x256xbf16>
    %get3A_15 = arith.constant 0 : index
    %get3A_16 = arith.constant 0 : index
    %get3A_17 = vector.load %arg2[%get3A_15, %get3A_16] : memref<256x256xbf16, #tpu.memory_space<vmem>>, vector<256x256xbf16>
    %dot_general3A = arith.constant dense<0.000000e+00> : vector<5120x256xf32>
    %dot_general3A_18 = tpu.matmul %convert_element_type3A, %get3A_17, %dot_general3A {dimension_numbers = #tpu.dot_dimension_numbers<[1], [0], [0], [1], [0, 0, 1, 1], [], []>, transpose_lhs_hint = false} : vector<5120x256xbf16>, vector<256x256xbf16>, vector<5120x256xf32> -> vector<5120x256xf32>
    %slice3A = vector.extract_strided_slice %dot_general3A_18 {offsets = [0, 0], sizes = [5120, 128], strides = [1, 1]} : vector<5120x256xf32> to vector<5120x128xf32>
    %swap3A_19 = arith.constant 0 : index
    %swap3A_20 = arith.constant 0 : index
    %swap3A_21 = arith.constant 0 : index
    %swap3A_22 = vector.load %arg6[%swap3A_19, %swap3A_20, %swap3A_21] : memref<2x5120x128xf32, #tpu.memory_space<vmem>>, vector<1x5120x128xf32>
    %swap3A_23 = vector.shape_cast %swap3A_22 : vector<1x5120x128xf32> to vector<5120x128xf32>
    %swap3A_24 = vector.shape_cast %slice3A : vector<5120x128xf32> to vector<1x5120x128xf32>
    tpu.vector_store %arg6[%swap3A_19, %swap3A_20, %swap3A_21], %swap3A_24 {strides = array<i32>} : memref<2x5120x128xf32, #tpu.memory_space<vmem>>, vector<1x5120x128xf32>,
    %slice3A_25 = vector.extract_strided_slice %dot_general3A_18 {offsets = [0, 128], sizes = [5120, 128], strides = [1, 1]} : vector<5120x256xf32> to vector<5120x128xf32>
    %swap3A_26 = arith.constant 1 : index
    %swap3A_27 = arith.constant 0 : index
    %swap3A_28 = arith.constant 0 : index
    %swap3A_29 = vector.load %arg6[%swap3A_26, %swap3A_27, %swap3A_28] : memref<2x5120x128xf32, #tpu.memory_space<vmem>>, vector<1x5120x128xf32>
    %swap3A_30 = vector.shape_cast %swap3A_29 : vector<1x5120x128xf32> to vector<5120x128xf32>
    %swap3A_31 = vector.shape_cast %slice3A_25 : vector<5120x128xf32> to vector<1x5120x128xf32>
    tpu.vector_store %arg6[%swap3A_26, %swap3A_27, %swap3A_28], %swap3A_31 {strides = array<i32>} : memref<2x5120x128xf32, #tpu.memory_space<vmem>>, vector<1x5120x128xf32>,
    return
  }
  func.func @transform_0(%arg0: i32) -> (i32, i32) {
    %c0_i32 = arith.constant 0 : i32
    %c0_i32_0 = arith.constant 0 : i32
    return %arg0, %c0_i32 : i32, i32
  }
  func.func @transform_1(%arg0: i32) -> (i32, i32) {
    %c0_i32 = arith.constant 0 : i32
    %c0_i32_0 = arith.constant 0 : i32
    %c0_i32_1 = arith.constant 0 : i32
    return %c0_i32, %c0_i32_0 : i32, i32
  }
  func.func @transform_2(%arg0: i32) -> (i32, i32) {
    %c0_i32 = arith.constant 0 : i32
    %c0_i32_0 = arith.constant 0 : i32
    return %arg0, %c0_i32 : i32, i32
  }
  func.func @transform_3(%arg0: i32) -> (i32, i32) {
    %add3A = arith.constant 2 : i32
    %add3A_0 = arith.addi %arg0, %add3A : i32
    %c0_i32 = arith.constant 0 : i32
    %c0_i32_1 = arith.constant 0 : i32
    return %add3A_0, %c0_i32 : i32, i32
  }
  func.func @transform_4(%arg0: i32) -> (i32, i32) {
    %c0_i32 = arith.constant 0 : i32
    %c0_i32_0 = arith.constant 0 : i32
    return %arg0, %c0_i32 : i32, i32
  }
  func.func @transform_5(%arg0: i32) -> (i32, i32, i32) {
    %c0_i32 = arith.constant 0 : i32
    %c0_i32_0 = arith.constant 0 : i32
    %c0_i32_1 = arith.constant 0 : i32
    return %c0_i32, %arg0, %c0_i32_0 : i32, i32, i32
  }
}

module attributes {stable_mosaic.version = 14 : i64} {
  func.func @_t2_body(%arg0: i32, %arg1: memref<2x5120x128xf32, #tpu.memory_space<vmem>>, %arg2: memref<2x5120x128xf32, #tpu.memory_space<vmem>>, %arg3: memref<5120x128xf32, #tpu.memory_space<vmem>>, %arg4: memref<1x256xf32, #tpu.memory_space<vmem>>, %arg5: memref<256x128xbf16, #tpu.memory_space<vmem>>, %arg6: memref<5120x128xf32, #tpu.memory_space<vmem>>) attributes {dimension_semantics = [#tpu.dimension_semantics<arbitrary>], iteration_bounds = array<i64: 2>, scalar_prefetch = 0 : i64, scratch_operands = 0 : i64, tpu.core_type = #tpu.core_type<tc>, window_params = [{transform_indices = @transform_0, window_bounds = array<i64: 2, 5120, 128>}, {transform_indices = @transform_1, window_bounds = array<i64: 2, 5120, 128>}, {transform_indices = @transform_2, window_bounds = array<i64: 5120, 128>}, {pipeline_mode = #tpu.pipeline_mode<synchronous>, transform_indices = @transform_3, window_bounds = array<i64: 1, 256>}, {pipeline_mode = #tpu.pipeline_mode<synchronous>, transform_indices = @transform_4, window_bounds = array<i64: 256, 128>}, {transform_indices = @transform_5, window_bounds = array<i64: 5120, 128>}]} {
    %get3A = arith.constant 0 : index
    %get3A_0 = arith.constant 0 : index
    %get3A_1 = vector.load %arg3[%get3A, %get3A_0] : memref<5120x128xf32, #tpu.memory_space<vmem>>, vector<5120x128xf32>
    %get3A_2 = arith.constant 0 : index
    %get3A_3 = arith.constant 0 : index
    %get3A_4 = vector.load %arg4[%get3A_2, %get3A_3] : memref<1x256xf32, #tpu.memory_space<vmem>>, vector<1x256xf32>
    %get3A_5 = arith.constant 0 : index
    %get3A_6 = arith.constant 0 : index
    %get3A_7 = arith.constant 0 : index
    %get3A_8 = vector.load %arg1[%get3A_5, %get3A_6, %get3A_7] : memref<2x5120x128xf32, #tpu.memory_space<vmem>>, vector<1x5120x128xf32>
    %get3A_9 = vector.shape_cast %get3A_8 : vector<1x5120x128xf32> to vector<5120x128xf32>
    %get3A_10 = arith.constant 0 : index
    %get3A_11 = arith.constant 0 : index
    %get3A_12 = arith.constant 0 : index
    %get3A_13 = vector.load %arg2[%get3A_10, %get3A_11, %get3A_12] : memref<2x5120x128xf32, #tpu.memory_space<vmem>>, vector<1x5120x128xf32>
    %get3A_14 = vector.shape_cast %get3A_13 : vector<1x5120x128xf32> to vector<5120x128xf32>
    %add3A = arith.addf %get3A_9, %get3A_14 : vector<5120x128xf32>
    %mul3A = arith.mulf %get3A_1, %add3A : vector<5120x128xf32>
    %slice3A = vector.extract_strided_slice %get3A_4 {offsets = [0, 0], sizes = [1, 128], strides = [1, 1]} : vector<1x256xf32> to vector<1x128xf32>
    %add3A_15 = vector.broadcast %slice3A : vector<1x128xf32> to vector<5120x128xf32>
    %add3A_16 = arith.addf %mul3A, %add3A_15 : vector<5120x128xf32>
    %max3A = arith.constant 0.000000e+00 : f32
    %max3A_17 = vector.broadcast %max3A : f32 to vector<5120x128xf32>
    %max3A_18 = arith.maximumf %add3A_16, %max3A_17 : vector<5120x128xf32>
    %get3A_19 = arith.constant 1 : index
    %get3A_20 = arith.constant 0 : index
    %get3A_21 = arith.constant 0 : index
    %get3A_22 = vector.load %arg1[%get3A_19, %get3A_20, %get3A_21] : memref<2x5120x128xf32, #tpu.memory_space<vmem>>, vector<1x5120x128xf32>
    %get3A_23 = vector.shape_cast %get3A_22 : vector<1x5120x128xf32> to vector<5120x128xf32>
    %get3A_24 = arith.constant 1 : index
    %get3A_25 = arith.constant 0 : index
    %get3A_26 = arith.constant 0 : index
    %get3A_27 = vector.load %arg2[%get3A_24, %get3A_25, %get3A_26] : memref<2x5120x128xf32, #tpu.memory_space<vmem>>, vector<1x5120x128xf32>
    %get3A_28 = vector.shape_cast %get3A_27 : vector<1x5120x128xf32> to vector<5120x128xf32>
    %add3A_29 = arith.addf %get3A_23, %get3A_28 : vector<5120x128xf32>
    %mul3A_30 = arith.mulf %get3A_1, %add3A_29 : vector<5120x128xf32>
    %slice3A_31 = vector.extract_strided_slice %get3A_4 {offsets = [0, 128], sizes = [1, 128], strides = [1, 1]} : vector<1x256xf32> to vector<1x128xf32>
    %add3A_32 = vector.broadcast %slice3A_31 : vector<1x128xf32> to vector<5120x128xf32>
    %add3A_33 = arith.addf %mul3A_30, %add3A_32 : vector<5120x128xf32>
    %max3A_34 = arith.constant 0.000000e+00 : f32
    %max3A_35 = vector.broadcast %max3A_34 : f32 to vector<5120x128xf32>
    %max3A_36 = arith.maximumf %add3A_33, %max3A_35 : vector<5120x128xf32>
    %mul3A_37 = arith.mulf %get3A_1, %max3A_18 : vector<5120x128xf32>
    %mul3A_38 = arith.mulf %get3A_1, %max3A_36 : vector<5120x128xf32>
    %concatenate3A = tpu.concatenate %mul3A_37, %mul3A_38 in 1 : vector<5120x128xf32>, vector<5120x128xf32> -> vector<5120x256xf32>
    %convert_element_type3A = arith.truncf %concatenate3A : vector<5120x256xf32> to vector<5120x256xbf16>
    %get3A_39 = arith.constant 0 : index
    %get3A_40 = arith.constant 0 : index
    %get3A_41 = vector.load %arg5[%get3A_39, %get3A_40] : memref<256x128xbf16, #tpu.memory_space<vmem>>, vector<256x128xbf16>
    %dot_general3A = arith.constant dense<0.000000e+00> : vector<5120x128xf32>
    %dot_general3A_42 = tpu.matmul %convert_element_type3A, %get3A_41, %dot_general3A {dimension_numbers = #tpu.dot_dimension_numbers<[1], [0], [0], [1], [0, 0, 1, 1], [], []>, transpose_lhs_hint = false} : vector<5120x256xbf16>, vector<256x128xbf16>, vector<5120x128xf32> -> vector<5120x128xf32>
    %swap3A = arith.constant 0 : index
    %swap3A_43 = arith.constant 0 : index
    %swap3A_44 = vector.load %arg6[%swap3A, %swap3A_43] : memref<5120x128xf32, #tpu.memory_space<vmem>>, vector<5120x128xf32>
    tpu.vector_store %arg6[%swap3A, %swap3A_43], %dot_general3A_42 {strides = array<i32>} : memref<5120x128xf32, #tpu.memory_space<vmem>>, vector<5120x128xf32>,
    return
  }
  func.func @transform_0(%arg0: i32) -> (i32, i32, i32) {
    %c0_i32 = arith.constant 0 : i32
    %c0_i32_0 = arith.constant 0 : i32
    %c0_i32_1 = arith.constant 0 : i32
    return %c0_i32, %arg0, %c0_i32_0 : i32, i32, i32
  }
  func.func @transform_1(%arg0: i32) -> (i32, i32, i32) {
    %c0_i32 = arith.constant 0 : i32
    %c0_i32_0 = arith.constant 0 : i32
    %c0_i32_1 = arith.constant 0 : i32
    return %c0_i32, %arg0, %c0_i32_0 : i32, i32, i32
  }
  func.func @transform_2(%arg0: i32) -> (i32, i32) {
    %c0_i32 = arith.constant 0 : i32
    %c0_i32_0 = arith.constant 0 : i32
    return %arg0, %c0_i32 : i32, i32
  }
  func.func @transform_3(%arg0: i32) -> (i32, i32) {
    %c0_i32 = arith.constant 0 : i32
    %c0_i32_0 = arith.constant 0 : i32
    %c0_i32_1 = arith.constant 0 : i32
    return %c0_i32, %c0_i32_0 : i32, i32
  }
  func.func @transform_4(%arg0: i32) -> (i32, i32) {
    %c0_i32 = arith.constant 0 : i32
    %c0_i32_0 = arith.constant 0 : i32
    %c0_i32_1 = arith.constant 0 : i32
    return %c0_i32, %c0_i32_0 : i32, i32
  }
  func.func @transform_5(%arg0: i32) -> (i32, i32) {
    %c0_i32 = arith.constant 0 : i32
    %c0_i32_0 = arith.constant 0 : i32
    return %arg0, %c0_i32 : i32, i32
  }
}

module attributes {stable_mosaic.version = 14 : i64} {
  func.func @_t3_body(%arg0: i32, %arg1: memref<2x5120x128xf32, #tpu.memory_space<vmem>>, %arg2: memref<5120x128xf32, #tpu.memory_space<vmem>>, %arg3: memref<5120x128xf32, #tpu.memory_space<vmem>>, %arg4: memref<1x128xf32, #tpu.memory_space<vmem>>, %arg5: memref<5120x128xf32, #tpu.memory_space<vmem>>) attributes {dimension_semantics = [#tpu.dimension_semantics<arbitrary>], iteration_bounds = array<i64: 2>, scalar_prefetch = 0 : i64, scratch_operands = 0 : i64, tpu.core_type = #tpu.core_type<tc>, window_params = [{transform_indices = @transform_0, window_bounds = array<i64: 2, 5120, 128>}, {transform_indices = @transform_1, window_bounds = array<i64: 5120, 128>}, {transform_indices = @transform_2, window_bounds = array<i64: 5120, 128>}, {pipeline_mode = #tpu.pipeline_mode<synchronous>, transform_indices = @transform_3, window_bounds = array<i64: 1, 128>}, {transform_indices = @transform_4, window_bounds = array<i64: 5120, 128>}]} {
    %get3A = arith.constant 0 : index
    %get3A_0 = arith.constant 0 : index
    %get3A_1 = vector.load %arg3[%get3A, %get3A_0] : memref<5120x128xf32, #tpu.memory_space<vmem>>, vector<5120x128xf32>
    %get3A_2 = arith.constant 0 : index
    %get3A_3 = arith.constant 0 : index
    %get3A_4 = arith.constant 0 : index
    %get3A_5 = vector.load %arg1[%get3A_2, %get3A_3, %get3A_4] : memref<2x5120x128xf32, #tpu.memory_space<vmem>>, vector<1x5120x128xf32>
    %get3A_6 = vector.shape_cast %get3A_5 : vector<1x5120x128xf32> to vector<5120x128xf32>
    %get3A_7 = arith.constant 1 : index
    %get3A_8 = arith.constant 0 : index
    %get3A_9 = arith.constant 0 : index
    %get3A_10 = vector.load %arg1[%get3A_7, %get3A_8, %get3A_9] : memref<2x5120x128xf32, #tpu.memory_space<vmem>>, vector<1x5120x128xf32>
    %get3A_11 = vector.shape_cast %get3A_10 : vector<1x5120x128xf32> to vector<5120x128xf32>
    %add3A = arith.addf %get3A_6, %get3A_11 : vector<5120x128xf32>
    %get3A_12 = arith.constant 0 : index
    %get3A_13 = arith.constant 0 : index
    %get3A_14 = vector.load %arg2[%get3A_12, %get3A_13] : memref<5120x128xf32, #tpu.memory_space<vmem>>, vector<5120x128xf32>
    %add3A_15 = arith.addf %add3A, %get3A_14 : vector<5120x128xf32>
    %mul3A = arith.mulf %get3A_1, %add3A_15 : vector<5120x128xf32>
    %get3A_16 = arith.constant 0 : index
    %get3A_17 = arith.constant 0 : index
    %get3A_18 = vector.load %arg4[%get3A_16, %get3A_17] : memref<1x128xf32, #tpu.memory_space<vmem>>, vector<1x128xf32>
    %add3A_19 = vector.broadcast %get3A_18 : vector<1x128xf32> to vector<5120x128xf32>
    %add3A_20 = arith.addf %mul3A, %add3A_19 : vector<5120x128xf32>
    %swap3A = arith.constant 0 : index
    %swap3A_21 = arith.constant 0 : index
    %swap3A_22 = vector.load %arg5[%swap3A, %swap3A_21] : memref<5120x128xf32, #tpu.memory_space<vmem>>, vector<5120x128xf32>
    tpu.vector_store %arg5[%swap3A, %swap3A_21], %add3A_20 {strides = array<i32>} : memref<5120x128xf32, #tpu.memory_space<vmem>>, vector<5120x128xf32>,
    return
  }
  func.func @transform_0(%arg0: i32) -> (i32, i32, i32) {
    %c0_i32 = arith.constant 0 : i32
    %c0_i32_0 = arith.constant 0 : i32
    %c0_i32_1 = arith.constant 0 : i32
    return %c0_i32, %arg0, %c0_i32_0 : i32, i32, i32
  }
  func.func @transform_1(%arg0: i32) -> (i32, i32) {
    %c0_i32 = arith.constant 0 : i32
    %c0_i32_0 = arith.constant 0 : i32
    return %arg0, %c0_i32 : i32, i32
  }
  func.func @transform_2(%arg0: i32) -> (i32, i32) {
    %c0_i32 = arith.constant 0 : i32
    %c0_i32_0 = arith.constant 0 : i32
    return %arg0, %c0_i32 : i32, i32
  }
  func.func @transform_3(%arg0: i32) -> (i32, i32) {
    %c0_i32 = arith.constant 0 : i32
    %c0_i32_0 = arith.constant 0 : i32
    %c0_i32_1 = arith.constant 0 : i32
    return %c0_i32, %c0_i32_0 : i32, i32
  }
  func.func @transform_4(%arg0: i32) -> (i32, i32) {
    %c0_i32 = arith.constant 0 : i32
    %c0_i32_0 = arith.constant 0 : i32
    return %arg0, %c0_i32 : i32, i32
  }
}

</mosaic_0001>

<sc_bundles>
// kernel: kernel.10.cloned.1.call-start
scs
__scs_entry_jumppad:
0x0: {  	(pc) =	sbr.rel $0x88, $3  }
0x1: {  	(tag) =	ssettag $0x0;
	lr =	simm.s32 $0x1  }
0x2: {  	[smem:$0x3F99] =	sst lr;
	_ =	strace $0xD0000000  }
0x3: {  	_ = 	snop  }
0x4: {  	_ = 	snop  }
0x5: {  	_ = 	snop  }
0x6: {  	_ = 	snop  }
0x7: {  	_ = 	snop  }
__scs_overlays_trampoline_lowered:
0x8: {  	[smem:$0x3FA8] =	sst s0  }
0x9: {  	[smem:$0x3FA9] =	sst s1  }
0xa: {  	[smem:$0x3FAA] =	sst s2  }
0xb: {  	[smem:$0x3FAB] =	sst s3  }
0xc: {  	[smem:$0x3FAC] =	sst s4  }
0xd: {  	[smem:$0x3FAD] =	sst s5  }
0xe: {  	[smem:$0x3FAE] =	sst s6  }
0xf: {  	[smem:$0x3FAF] =	sst s7  }
0x10: {  	[smem:$0x3FB0] =	sst s8  }
0x11: {  	[smem:$0x3FB1] =	sst s9;
	s0 =	simm.s32 @!p0 $0x0  }
0x12: {  	s1 =	sld [smem:$0x3F97];
	s0 =	simm.s32 @p0 $0x1  }
0x13: {  	[smem:$0x3FB2] =	sst s0;
	s0 =	simm.s32 @!p1 $0x0  }
0x14: {  	s2 =	sld [smem:$0x3F96];
	s0 =	simm.s32 @p1 $0x1  }
0x15: {  	[smem:$0x3FB3] =	sst s0;
	s0 =	simm.s32 @!p2 $0x0  }
0x16: {  	s3 =	sld [smem:$0x3FDB];
	s0 =	simm.s32 @p2 $0x1  }
0x17: {  	s4 =	simm.s32 $0x1BF5;
	[smem:$0x3FB5] =	sst s0  }
0x18: {  	s0 =	sld [smem:$0x3F98];
	_ =	swait.ge [sflag:s4], $0x0  }
0x19: {  	s7 =	sld [smem:$0x3F99]  }
0x1a: {  	s8 =	sadd.s32 $0xFFFFE003, lr  }
0x1b: {  	s9 =	sadd.s32 $0xFFFFFEF7, lr;
	s5 =	simm.s32 $0xFFFFFFFF;
	p2 =	slt.u32 s8, $0xFFFFF086  }
0x1c: {  	p1 =	slt.u32 s9, $0xF7A;
	s5 =	simm.s32 @!p2 $0x0  }
0x1d: {  	s5 =	simm.s32 @p1 $0x1;
	p0 =	seq.s32 s7, s2  }
0x1e: {  	s7 =	smul.u32 @!p0 $0xF7A, s2;
	p2 =	seq.s32 @!p0 s5, $0x0  }
0x1f: {  	s9 =	smul.u32 $0xF7A, s1;
	s8 =	simm.s32 @!p0 $0x1BF5;
	p2 =	por !p2, p0  }
0x20: {  	[sflag:s8] =	ssyncset.s32 @!p0 $0xFFFFF086;
	s6 =	sadd.s32 @!p0 s3, s7;
	s7 =	simm.s32 @!p0 $0x108  }
0x21: {  	s3 =	sadd.s32 s3, s9;
	s6 =	sadd.s32 @!p0 $0x88, s6;
	s7 =	simm.s32 @p2 $0x1082  }
0x22: {  	[simem:s7], [sflag:s8] =	dma.local @!p0 [hbm:s6], $0xF7A  }
0x23: {  	s9 =	sor.u32 $0xD0000000, s2;
	s6 =	simm.s32 $0x108;
	_ =	swait.ge @!p0 [sflag:s8], $0x0  }
0x24: {  	s3 =	sadd.s32 $0x88, s3;
	s6 =	simm.s32 @!p1 $0x1082;
	[sflag:s4] =	ssyncset.s32 $0xFFFFF086  }
0x25: {  	[simem:s6], [sflag:s4] =	dma.local [hbm:s3], $0xF7A  }
0x26: {  	[smem:$0x3F99] =	sst s1;
	(tag) =	ssettag s2;
	_ =	strace s9  }
0x27: {  	s1 =	sld [smem:$0x3FA9]  }
0x28: {  	s2 =	sld [smem:$0x3FAA]  }
0x29: {  	s4 =	sld [smem:$0x3FAC]  }
0x2a: {  	p0 =	seq.s32 s5, $0x0;
	s5 =	sld [smem:$0x3FAD]  }
0x2b: {  	s6 =	sld [smem:$0x3FAE]  }
0x2c: {  	s7 =	sld [smem:$0x3FAF]  }
0x2d: {  	s3 =	simm.s32 $0x108;
	s8 =	sld [smem:$0x3FB0]  }
0x2e: {  	s3 =	simm.s32 @!p0 $0x1082;
	s9 =	sld [smem:$0x3FB1]  }
0x2f: {  	lr =	sadd.s32 s0, s3;
	s0 =	sld [smem:$0x3FA8]  }
0x30: {  	s3 =	sld [smem:$0x3FAB]  }
0x31: {  	[smem:$0x3FB4] =	sst s10  }
0x32: {  	s10 =	sld [smem:$0x3FB2];
	_ =	sdelay $0x3  }
0x33: {  	p0 =	seq.s32 s10, $0x1;
	s10 =	sld [smem:$0x3FB4];
	_ =	sdelay $0x3  }
0x34: {  	[smem:$0x3FB4] =	sst s10  }
0x35: {  	s10 =	sld [smem:$0x3FB3];
	_ =	sdelay $0x3  }
0x36: {  	p1 =	seq.s32 s10, $0x1;
	s10 =	sld [smem:$0x3FB4];
	_ =	sdelay $0x3  }
0x37: {  	[smem:$0x3FB4] =	sst s10  }
0x38: {  	s10 =	sld [smem:$0x3FB5]  }
0x39: {  	_ = 	snop;
	(pc) =	sbr.ind lr, $3  }
0x3a: {  	_ = 	snop  }
0x3b: {  	_ = 	snop  }
0x3c: {  	p2 =	seq.s32 s10, $0x1;
	s10 =	sld [smem:$0x3FB4]  }
0x3d: {  	_ =	shalt  }
0x3e: {  	_ =	shalt  }
0x3f: {  	_ =	shalt  }
0x40: {  	_ =	shalt  }
0x41: {  	_ =	shalt  }
0x42: {  	_ =	shalt  }
0x43: {  	_ =	shalt  }
0x44: {  	_ =	shalt  }
0x45: {  	_ =	shalt  }
0x46: {  	_ =	shalt  }
0x47: {  	_ =	shalt  }
0x48: {  	_ =	shalt  }
0x49: {  	_ =	shalt  }
0x4a: {  	_ =	shalt  }
0x4b: {  	_ =	shalt  }
0x4c: {  	_ =	shalt  }
0x4d: {  	_ =	shalt  }
0x4e: {  	_ =	shalt  }
0x4f: {  	_ =	shalt  }
0x50: {  	_ =	shalt  }
0x51: {  	_ =	shalt  }
0x52: {  	_ =	shalt  }
0x53: {  	_ =	shalt  }
0x54: {  	_ =	shalt  }
0x55: {  	_ =	shalt  }
0x56: {  	_ =	shalt  }
0x57: {  	_ =	shalt  }
0x58: {  	_ =	shalt  }
0x59: {  	_ =	shalt  }
0x5a: {  	_ =	shalt  }
0x5b: {  	_ =	shalt  }
0x5c: {  	_ =	shalt  }
0x5d: {  	_ =	shalt  }
0x5e: {  	_ =	shalt  }
0x5f: {  	_ =	shalt  }
0x60: {  	_ =	shalt  }
0x61: {  	_ =	shalt  }
0x62: {  	_ =	shalt  }
0x63: {  	_ =	shalt  }
0x64: {  	_ =	shalt  }
0x65: {  	_ =	shalt  }
0x66: {  	_ =	shalt  }
0x67: {  	_ =	shalt  }
0x68: {  	_ =	shalt  }
0x69: {  	_ =	shalt  }
0x6a: {  	_ =	shalt  }
0x6b: {  	_ =	shalt  }
0x6c: {  	_ =	shalt  }
0x6d: {  	_ =	shalt  }
0x6e: {  	_ =	shalt  }
0x6f: {  	_ =	shalt  }
0x70: {  	_ =	shalt  }
0x71: {  	_ =	shalt  }
0x72: {  	_ =	shalt  }
0x73: {  	_ =	shalt  }
0x74: {  	_ =	shalt  }
0x75: {  	_ =	shalt  }
0x76: {  	_ =	shalt  }
0x77: {  	_ =	shalt  }
0x78: {  	_ =	shalt  }
0x79: {  	_ =	shalt  }
0x7a: {  	_ =	shalt  }
0x7b: {  	_ =	shalt  }
0x7c: {  	_ =	shalt  }
0x7d: {  	_ =	shalt  }
0x7e: {  	_ =	shalt  }
0x7f: {  	_ =	shalt  }
0x80: {  	_ =	shalt  }
0x81: {  	_ =	shalt  }
0x82: {  	_ =	shalt  }
0x83: {  	_ =	shalt  }
0x84: {  	_ =	shalt  }
0x85: {  	_ =	shalt  }
0x86: {  	_ =	shalt  }
0x87: {  	_ =	shalt  }
.Lfunc_end0:
.L_simem_size_0:
called_computation_lowered:
.L_overlay_start_0:
0x88: {  	s2 =	sld [smem:$0x3FD9]  }
0x89: {  	s3 =	sld [smem:$0x3FFE];
	_ =	sdelay $0x1  }
0x8a: {  	s1 =	srdreg.scid  }
0x8b: {  	s0 =	sand.u32 $0x1, s1  }
0x8c: {  	s17 =	sshll.u32 s0, $0xA;
	s2 =	sadd.s32 s3, s2  }
0x8d: {  	s2 =	sadd.s32 s2, s17  }
0x8e: {  	[smem:$0x3FC0] =	sst s2  }
0x8f: {  	_ = 	snop  }
0x90: {  	s2 =	sld [smem:$0x3FD0];
	(tm) =	ssettm $0x1  }
0x91: {  	s18 =	sld [smem:$0x3FFB];
	_ =	sdelay $0x3  }
0x92: {  	_ =	strace s18  }
0x93: {  	s3 =	sld [smem:$0x3FFC];
	_ =	sdelay $0x3  }
0x94: {  	_ =	strace s3  }
0x95: {  	s3 =	sld [smem:$0x3FFD];
	_ =	sdelay $0x3  }
0x96: {  	_ =	strace s3  }
0x97: {  	_ =	strace $0x8FFFFFFF  }
0x98: {  	s19 =	sld [smem:$0x3FDB];
	_ =	sdelay $0x1  }
0x99: {  	s4 =	simm.s32 $_scs_section_size  }
0x9a: {  	s5 =	simm.s32 $_size__tile_overlayer_lowered;
	s6 =	simm.s32 $_tile_overlayer_lowered  }
0x9b: {  	s22 =	simm.s32 $0x1BFF;
	s21 =	sshll.u32 s6, $0x1;
	s3 =	sadd.s32 s4, s19  }
0x9c: {  	s7 =	simm.s32 $0x0;
	s20 =	sshll.u32 s5, $0x1;
	s5 =	sadd.s32 s21, s3  }
0x9d: {  	[timem:s7], [sflag:s22] =	dma.local [hbm:s5], s20  }
0x9e: {  	_ =	swait.ge [sflag:s22], s20  }
0x9f: {  	s4 =	ssub.s32 $0x0, s20;
	[sflag:s22] =	ssyncset.done $0x0  }
0xa0: {  	[sflag:s22] =	ssyncadd.s32 s4;
	_ =	sdelay $0x1  }
0xa1: {  	s23 =	simm.s32 $0x1B8B  }
0xa2: {  	_ =	swait.ge [sflag:s23], $0x1  }
0xa3: {  	[sflag:s23] =	ssyncset.done $0x0  }
0xa4: {  	s25 =	simm.s32 $0x1B8E;
	s24 =	sld [smem:$0x3FFE];
	[sflag:s23] =	ssyncadd.s32 $0xFFFFFFFF  }
0xa5: {  	s26 =	simm.s32 $execute0_lowered;
	[smem:$0x3FD2] =	sst s25  }
0xa6: {  	s5 =	sshll.u32 s26, $0x1;
	_ =	strace $0x80000046;
	[dreg:$0x1] =	wrdreg $0xFFFFFFFF  }
0xa7: {  	s28 =	simm.s32 $_size_execute0_lowered;
	s3 =	sadd.s32 s3, s5;
	[dreg:$0x0] =	wrdreg $0x0  }
0xa8: {  	s5 =	sshll.u32 s28, $0x1;
	[dreg:$0x2] =	wrdreg s3  }
0xa9: {  	[dreg:$0x3] =	wrdreg s5  }
0xaa: {  	[dreg:$0x4] =	wrdreg $0xC0  }
0xab: {  	_ =	task [dreg:s7], $0x5FFFF  }
0xac: {  	[dreg:$0x1] =	wrdreg $0xFFFFFFFF  }
0xad: {  	[dreg:$0x0] =	wrdreg $0x60  }
0xae: {  	[dreg:$0x2] =	wrdreg s2  }
0xaf: {  	[dreg:$0x3] =	wrdreg s24  }
0xb0: {  	[dreg:$0x4] =	wrdreg $0x94000  }
0xb1: {  	[dreg:$0x5] =	wrdreg $0x9  }
0xb2: {  	_ =	task.clear_ibuf [dreg:s7], $0x6FFFF;
	_ =	strace $0x90000046  }
0xb3: {  	s29 =	simm.s32 $0x9;
	_ =	strace $0x80000048  }
0xb4: {  	_ =	swait.ge [sflag:s29], $0x1  }
0xb5: {  	[sflag:s29] =	ssyncadd.s32 $0xFFFFFFFF  }
0xb6: {  	_ =	strace $0x90000048  }
0xb7: {  	_ =	sfence  }
0xb8: {  	s30 =	sld [smem:$0x0];
	_ =	sdelay $0x2  }
0xb9: {  	s31 =	sshll.u32 s1, $0xD;
	s1 =	sshrl.u32 s1, $0x2  }
0xba: {  	s3 =	sand.u32 $0x4000, s31;
	s1 =	sadd.s32 s1, s30  }
0xbb: {  	s0 =	sor.u32 s3, s0;
	s1 =	sshll.u32 s1, $0x11  }
0xbc: {  	s0 =	sor.u32 s1, s0  }
0xbd: {  	s0 =	sadd.s32 $0x8F2B, s0  }
0xbe: {  	[sflag:s0] =	ssyncadd.remote.s32 $0x1  }
0xbf: {  	_ =	sfence.sel $0xFFFF  }
0xc0: {  	[dreg:$0x0] =	wrdreg $0xFFFFFFFF;
	(pc) =	sbr.abs _section_cstart, $3  }
0xc1: {  	[dreg:$0x1] =	wrdreg $0xFFFFFFFF  }
0xc2: {  	_ =	task.clear_ibuf [dreg:s7], $0x2FFFF;
	_ =	strace $0x9FFFFFFF  }
0xc3: {  	(tm) =	ssettm $0x7FFFFFFF  }
tec
execute0_lowered:
.L_overlay_start_1:
0x0: {  	(tag) =	ssettag $0x1  }
0x1: {  	s4 =	rddreg [dreg:$0x0]  }
0x2: {  	s5 =	rddreg [dreg:$0x1]  }
0x3: {  	s2 =	rddreg [dreg:$0x2]  }
0x4: {  	s0 =	rddreg [dreg:$0x3]  }
0x5: {  	s6 =	srdreg.scid;
	s1 =	stileid.u32  }
0x6: {  	s3 =	simm.s32 $0x0;
	s13 =	simm.s32 $0x5400;
	s14 =	simm.s32 $0x80  }
0x7: {  	s15 =	simm.s32 $0x1400;
	s16 =	simm.s32 $0x1;
	s19 =	simm.s32 $0x0  }
0x8: {  	s6 =	sand.u32 $0x1, s6;
	s7 =	smul.u32 $0x2800, s1;
	[smem:$0x7FF] =	sst s3  }
0x9: {  	s9 =	sshll.u32 s1, $0x1;
	s10 =	smul.u32 $0x50000, s1;
	s17 =	sshll.u32 s1, $0x6  }
0xa: {  	s8 =	smul.u32 $0x28000, s6;
	_ =	strace $0x80000047;
	s9 =	sor.u32 s6, s9  }
0xb: {  	s6 =	ssub.s32 $0x2, s6;
	s17 =	sor.u32 $0x1C02, s17;
	s29 =	smul.u32 $0x280, s9  }
0xc: {  	s30 =	sshrl.u32 s6, $0x1;
	s31 =	sshrl.u32 s10, $0x2;
	s7 =	sadd.s32 s7, s8  }
0xd: {  	s12 =	ssub.s32 s6, s30;
	s11 =	sadd.s32 s7, s5;
	s5 =	sadd.s32 s31, s2  }
0xe: {  	s4 =	sadd.s32 s4, s29;
	s6 =	sadd.s32 $0x4000, s5;
	s7 =	sadd.s32 $0x8000, s5  }
0xf: {  	s8 =	sadd.s32 $0xC000, s5;
	s9 =	sadd.s32 $0x10000, s5;
	s10 =	sadd.s32 $0x7E00, s11  }
0x10: {  	v0 =	vimm.f32 $1.000000000e+00;
	v1 =	vimm.f32 $0.0e+00;
	s11 =	smax.u32 s12, $0x1;
	s12 =	simm.s32 $0x2;
	s18 =	sshrl.u32 s5, $0x3  }
.LBB2_1:
0x11: {  	[tilespmem:s3], [sflag:$0x2] =	stream.linear.gather [hbm4b:s4+s3], $0x1400, $0x38;
	[tilespmem:$0x1D400] =	vst v63  }
0x12: {  	_ =	swait.ge [sflag:s12], $0x1400  }
0x13: {  	[sflag:s12] =	ssyncset.done $0x0  }
0x14: {  	s20 =	simm.s32 $0x0;
	s21 =	simm.s32 $0x200;
	[sflag:s12] =	ssyncadd.s32 $0xFFFFEC00  }
.LBB2_2:
0x15: {  	p0 =	sne.s32 s21, $0xFE00;
	[tilespmem:s20+$0x5470] =	vst v1  }
0x16: {  	[tilespmem:s20+$0x1400] =	vst v0  }
0x17: {  	[tilespmem:s20+$0x5400] =	vst v1  }
0x18: {  	[tilespmem:s20+$0x1410] =	vst v0  }
0x19: {  	[tilespmem:s20+$0x5410] =	vst v1  }
0x1a: {  	[tilespmem:s20+$0x1420] =	vst v0  }
0x1b: {  	[tilespmem:s20+$0x5420] =	vst v1  }
0x1c: {  	[tilespmem:s20+$0x1430] =	vst v0  }
0x1d: {  	[tilespmem:s20+$0x5430] =	vst v1  }
0x1e: {  	[tilespmem:s20+$0x1440] =	vst v0  }
0x1f: {  	[tilespmem:s20+$0x5440] =	vst v1  }
.Ltmp0:
0x20: {  	[tilespmem:s20+$0x1450] =	vst v0;
	(pc) =	sbr.rel @p0 .LBB2_2-.Ltmp0, $4  }
0x21: {  	[tilespmem:s20+$0x5450] =	vst v1  }
0x22: {  	[tilespmem:s20+$0x1460] =	vst v0  }
0x23: {  	[tilespmem:s20+$0x5460] =	vst v1  }
0x24: {  	[tilespmem:s20+$0x1470] =	vst v0;
	s20 =	sshra.s32 s21, $0x2;
	s21 =	sadd.s32 $0x200, s21  }
0x25: {  	[tilespmem:s20+$0x5470] =	vst v1  }
0x26: {  	[tilespmem:s20+$0x1400] =	vst v0  }
0x27: {  	[tilespmem:s20+$0x5400] =	vst v1  }
0x28: {  	[tilespmem:s20+$0x1410] =	vst v0  }
0x29: {  	[tilespmem:s20+$0x5410] =	vst v1  }
0x2a: {  	[tilespmem:s20+$0x1420] =	vst v0  }
0x2b: {  	[tilespmem:s20+$0x5420] =	vst v1  }
0x2c: {  	[tilespmem:s20+$0x1430] =	vst v0  }
0x2d: {  	[tilespmem:s20+$0x5430] =	vst v1  }
0x2e: {  	[tilespmem:s20+$0x1440] =	vst v0  }
0x2f: {  	[tilespmem:s20+$0x5440] =	vst v1  }
0x30: {  	[tilespmem:s20+$0x1450] =	vst v0  }
0x31: {  	[tilespmem:s20+$0x5450] =	vst v1  }
0x32: {  	[tilespmem:s20+$0x1460] =	vst v0  }
0x33: {  	[tilespmem:s20+$0x5460] =	vst v1  }
0x34: {  	[tilespmem:s20+$0x1470] =	vst v0  }
0x35: {  	[spmem:s5] =	stream.linear.scatter [tilespmem:s13], [sflag:$0x2], $0x4000, $0x38;
	[tilespmem:$0x1D400] =	vst v63  }
0x36: {  	_ =	swait.ge [sflag:s12], $0x4000  }
0x37: {  	[sflag:s12] =	ssyncset.done $0x0  }
0x38: {  	[sflag:s12] =	ssyncadd.s32 $0xFFFFC000  }
0x39: {  	[spmem:s6] =	stream.linear.scatter [tilespmem:s13], [sflag:$0x2], $0x4000, $0x38;
	[tilespmem:$0x1D400] =	vst v63  }
0x3a: {  	_ =	swait.ge [sflag:s12], $0x4000  }
0x3b: {  	[sflag:s12] =	ssyncset.done $0x0  }
0x3c: {  	[sflag:s12] =	ssyncadd.s32 $0xFFFFC000  }
0x3d: {  	[spmem:s7] =	stream.linear.scatter [tilespmem:s13], [sflag:$0x2], $0x4000, $0x38;
	[tilespmem:$0x1D400] =	vst v63  }
0x3e: {  	_ =	swait.ge [sflag:s12], $0x4000  }
0x3f: {  	[sflag:s12] =	ssyncset.done $0x0  }
0x40: {  	[sflag:s12] =	ssyncadd.s32 $0xFFFFC000  }
0x41: {  	[spmem:s8] =	stream.linear.scatter [tilespmem:s13], [sflag:$0x2], $0x4000, $0x38;
	[tilespmem:$0x1D400] =	vst v63  }
0x42: {  	_ =	swait.ge [sflag:s12], $0x4000  }
0x43: {  	[sflag:s12] =	ssyncset.done $0x0  }
0x44: {  	[sflag:s12] =	ssyncadd.s32 $0xFFFFC000  }
0x45: {  	[spmem:s9] =	stream.linear.scatter [tilespmem:s13], [sflag:$0x2], $0x4000, $0x38;
	[tilespmem:$0x1D400] =	vst v63  }
0x46: {  	_ =	swait.ge [sflag:s12], $0x4000  }
0x47: {  	[sflag:s12] =	ssyncset.done $0x0  }
0x48: {  	[sflag:s12] =	ssyncadd.s32 $0xFFFFC000  }
0x49: {  	s20 =	simm.s32 $0x0;
	p0 =	por $0x1, $0x1;
	[bflag:$0x0] =	sbarrier.arrive $0xFFFF  }
.LBB2_4:
0x4a: {  	s20 =	sshra.s32 s20, $0x2  }
0x4b: {  	[spmem:s2] =	stream.indirect.scatter.add.f32 [tilespmem:s15], [sflag:$0x1], $0x80, s20, s14, $0xb8;
	[tilespmem:$0x1D400] =	vst v63  }
0x4c: {  	s21 =	sadd.s32 $0x80, s20  }
0x4d: {  	[spmem:s2] =	stream.indirect.scatter.add.f32 [tilespmem:s15], [sflag:$0x1], $0x80, s21, s14, $0xb8;
	[tilespmem:$0x1D400] =	vst v63  }
0x4e: {  	s23 =	sadd.s32 $0x100, s20  }
0x4f: {  	[spmem:s2] =	stream.indirect.scatter.add.f32 [tilespmem:s15], [sflag:$0x1], $0x80, s23, s14, $0xb8;
	[tilespmem:$0x1D400] =	vst v63  }
0x50: {  	s24 =	sadd.s32 $0x180, s20  }
0x51: {  	[spmem:s2] =	stream.indirect.scatter.add.f32 [tilespmem:s15], [sflag:$0x1], $0x80, s24, s14, $0xb8;
	[tilespmem:$0x1D400] =	vst v63  }
0x52: {  	s25 =	sadd.s32 $0x200, s20  }
0x53: {  	[spmem:s2] =	stream.indirect.scatter.add.f32 [tilespmem:s15], [sflag:$0x1], $0x80, s25, s14, $0xb8;
	[tilespmem:$0x1D400] =	vst v63  }
0x54: {  	s26 =	sadd.s32 $0x280, s20  }
0x55: {  	[spmem:s2] =	stream.indirect.scatter.add.f32 [tilespmem:s15], [sflag:$0x1], $0x80, s26, s14, $0xb8;
	[tilespmem:$0x1D400] =	vst v63  }
0x56: {  	s28 =	sadd.s32 $0x300, s20  }
0x57: {  	[spmem:s2] =	stream.indirect.scatter.add.f32 [tilespmem:s15], [sflag:$0x1], $0x80, s28, s14, $0xb8;
	[tilespmem:$0x1D400] =	vst v63  }
0x58: {  	s29 =	sadd.s32 $0x380, s20  }
0x59: {  	[spmem:s2] =	stream.indirect.scatter.add.f32 [tilespmem:s15], [sflag:$0x1], $0x80, s29, s14, $0xb8;
	[tilespmem:$0x1D400] =	vst v63  }
0x5a: {  	s30 =	sadd.s32 $0x400, s20  }
0x5b: {  	[spmem:s2] =	stream.indirect.scatter.add.f32 [tilespmem:s15], [sflag:$0x1], $0x80, s30, s14, $0xb8;
	[tilespmem:$0x1D400] =	vst v63  }
0x5c: {  	s31 =	sadd.s32 $0x480, s20  }
0x5d: {  	[spmem:s2] =	stream.indirect.scatter.add.f32 [tilespmem:s15], [sflag:$0x1], $0x80, s31, s14, $0xb8;
	[tilespmem:$0x1D400] =	vst v63  }
0x5e: {  	s22 =	sadd.s32 $0x500, s20  }
0x5f: {  	[spmem:s2] =	stream.indirect.scatter.add.f32 [tilespmem:s15], [sflag:$0x1], $0x80, s22, s14, $0xb8;
	[tilespmem:$0x1D400] =	vst v63  }
0x60: {  	s23 =	sadd.s32 $0x580, s20  }
0x61: {  	[spmem:s2] =	stream.indirect.scatter.add.f32 [tilespmem:s15], [sflag:$0x1], $0x80, s23, s14, $0xb8;
	[tilespmem:$0x1D400] =	vst v63  }
0x62: {  	s24 =	sadd.s32 $0x600, s20  }
0x63: {  	[spmem:s2] =	stream.indirect.scatter.add.f32 [tilespmem:s15], [sflag:$0x1], $0x80, s24, s14, $0xb8;
	[tilespmem:$0x1D400] =	vst v63  }
0x64: {  	s25 =	sadd.s32 $0x680, s20  }
0x65: {  	[spmem:s2] =	stream.indirect.scatter.add.f32 [tilespmem:s15], [sflag:$0x1], $0x80, s25, s14, $0xb8;
	[tilespmem:$0x1D400] =	vst v63  }
0x66: {  	s26 =	sadd.s32 $0x700, s20  }
0x67: {  	[spmem:s2] =	stream.indirect.scatter.add.f32 [tilespmem:s15], [sflag:$0x1], $0x80, s26, s14, $0xb8;
	[tilespmem:$0x1D400] =	vst v63  }
0x68: {  	s28 =	sadd.s32 $0x780, s20  }
0x69: {  	[spmem:s2] =	stream.indirect.scatter.add.f32 [tilespmem:s15], [sflag:$0x1], $0x80, s28, s14, $0xb8;
	[tilespmem:$0x1D400] =	vst v63  }
0x6a: {  	s29 =	sadd.s32 $0x800, s20  }
0x6b: {  	[spmem:s2] =	stream.indirect.scatter.add.f32 [tilespmem:s15], [sflag:$0x1], $0x80, s29, s14, $0xb8;
	[tilespmem:$0x1D400] =	vst v63  }
0x6c: {  	s30 =	sadd.s32 $0x880, s20  }
0x6d: {  	[spmem:s2] =	stream.indirect.scatter.add.f32 [tilespmem:s15], [sflag:$0x1], $0x80, s30, s14, $0xb8;
	[tilespmem:$0x1D400] =	vst v63  }
0x6e: {  	s31 =	sadd.s32 $0x900, s20  }
0x6f: {  	[spmem:s2] =	stream.indirect.scatter.add.f32 [tilespmem:s15], [sflag:$0x1], $0x80, s31, s14, $0xb8;
	[tilespmem:$0x1D400] =	vst v63  }
0x70: {  	s20 =	sadd.s32 $0x980, s20  }
0x71: {  	[spmem:s2] =	stream.indirect.scatter.add.f32 [tilespmem:s15], [sflag:$0x1], $0x80, s20, s14, $0xb8;
	[tilespmem:$0x1D400] =	vst v63  }
0x72: {  	_ =	swait.ge [sflag:s16], $0x4000  }
0x73: {  	[sflag:s16] =	ssyncset.done $0x0  }
0x74: {  	[sflag:s16] =	ssyncadd.s32 $0xFFFFC000  }
0x75: {  	_ =	swait.ge [sflag:s16], $0x4000  }
0x76: {  	[sflag:s16] =	ssyncset.done $0x0  }
0x77: {  	[sflag:s16] =	ssyncadd.s32 $0xFFFFC000  }
0x78: {  	_ =	swait.ge [sflag:s16], $0x4000  }
0x79: {  	[sflag:s16] =	ssyncset.done $0x0  }
0x7a: {  	[sflag:s16] =	ssyncadd.s32 $0xFFFFC000  }
0x7b: {  	_ =	swait.ge [sflag:s16], $0x4000  }
0x7c: {  	[sflag:s16] =	ssyncset.done $0x0  }
0x7d: {  	[sflag:s16] =	ssyncadd.s32 $0xFFFFC000  }
0x7e: {  	_ =	swait.ge [sflag:s16], $0x4000  }
0x7f: {  	[sflag:s16] =	ssyncset.done $0x0  }
0x80: {  	[sflag:s16] =	ssyncadd.s32 $0xFFFFC000  }
0x81: {  	_ =	swait.ge [sflag:s16], $0x4000  }
0x82: {  	[sflag:s16] =	ssyncset.done $0x0  }
0x83: {  	[sflag:s16] =	ssyncadd.s32 $0xFFFFC000  }
0x84: {  	_ =	swait.ge [sflag:s16], $0x4000  }
0x85: {  	[sflag:s16] =	ssyncset.done $0x0  }
0x86: {  	[sflag:s16] =	ssyncadd.s32 $0xFFFFC000  }
0x87: {  	_ =	swait.ge [sflag:s16], $0x4000  }
0x88: {  	[sflag:s16] =	ssyncset.done $0x0  }
0x89: {  	[sflag:s16] =	ssyncadd.s32 $0xFFFFC000  }
0x8a: {  	_ =	swait.ge [sflag:s16], $0x4000  }
0x8b: {  	[sflag:s16] =	ssyncset.done $0x0  }
0x8c: {  	[sflag:s16] =	ssyncadd.s32 $0xFFFFC000  }
0x8d: {  	_ =	swait.ge [sflag:s16], $0x4000  }
0x8e: {  	[sflag:s16] =	ssyncset.done $0x0  }
0x8f: {  	[sflag:s16] =	ssyncadd.s32 $0xFFFFC000  }
0x90: {  	_ =	swait.ge [sflag:s16], $0x4000  }
0x91: {  	[sflag:s16] =	ssyncset.done $0x0  }
0x92: {  	[sflag:s16] =	ssyncadd.s32 $0xFFFFC000  }
0x93: {  	_ =	swait.ge [sflag:s16], $0x4000  }
0x94: {  	[sflag:s16] =	ssyncset.done $0x0  }
0x95: {  	[sflag:s16] =	ssyncadd.s32 $0xFFFFC000  }
0x96: {  	_ =	swait.ge [sflag:s16], $0x4000  }
0x97: {  	[sflag:s16] =	ssyncset.done $0x0  }
0x98: {  	[sflag:s16] =	ssyncadd.s32 $0xFFFFC000  }
0x99: {  	_ =	swait.ge [sflag:s16], $0x4000  }
0x9a: {  	[sflag:s16] =	ssyncset.done $0x0  }
0x9b: {  	[sflag:s16] =	ssyncadd.s32 $0xFFFFC000  }
0x9c: {  	_ =	swait.ge [sflag:s16], $0x4000  }
0x9d: {  	[sflag:s16] =	ssyncset.done $0x0  }
0x9e: {  	[sflag:s16] =	ssyncadd.s32 $0xFFFFC000  }
0x9f: {  	_ =	swait.ge [sflag:s16], $0x4000  }
0xa0: {  	[sflag:s16] =	ssyncset.done $0x0  }
0xa1: {  	[sflag:s16] =	ssyncadd.s32 $0xFFFFC000  }
0xa2: {  	_ =	swait.ge [sflag:s16], $0x4000  }
0xa3: {  	[sflag:s16] =	ssyncset.done $0x0  }
0xa4: {  	[sflag:s16] =	ssyncadd.s32 $0xFFFFC000  }
0xa5: {  	_ =	swait.ge [sflag:s16], $0x4000  }
0xa6: {  	[sflag:s16] =	ssyncset.done $0x0  }
0xa7: {  	[sflag:s16] =	ssyncadd.s32 $0xFFFFC000  }
0xa8: {  	p1 =	por p0, p0;
	_ =	swait.ge [sflag:s16], $0x4000  }
.Ltmp1:
0xa9: {  	[sflag:s16] =	ssyncset.done $0x0;
	(pc) =	sbr.rel @p1 .LBB2_4-.Ltmp1, $4  }
0xaa: {  	[sflag:s16] =	ssyncadd.s32 $0xFFFFC000  }
0xab: {  	_ =	swait.ge [sflag:s16], $0x4000  }
0xac: {  	[sflag:s16] =	ssyncset.done $0x0  }
0xad: {  	p0 =	por $0x0, $0x0;
	s20 =	simm.s32 $0x2800;
	[sflag:s16] =	ssyncadd.s32 $0xFFFFC000  }
0xae: {  	s19 =	sadd.s32 $0x1, s19  }
0xaf: {  	p0 =	sne.s32 s19, s11  }
.Ltmp2:
0xb0: {  	[bflag:$0x0] =	sbarrier.arrive $0xFFFF;
	(pc) =	sbr.rel @p0 .LBB2_1-.Ltmp2, $4  }
0xb1: {  	[hbm:s10], [sflag:s17] =	dma.local [spmem:s18], $0x2800  }
0xb2: {  	_ =	swait.ge [sflag:s12], $0x2800  }
0xb3: {  	[sflag:s12] =	ssyncset.done $0x0  }
0xb4: {  	[sflag:s12] =	ssyncadd.s32 $0xFFFFD800  }
0xb5: {  	_ =	sfence.sel $0x180000  }
0xb6: {  	[bflag:$0x0] =	sbarrier.arrive $0xFFFF  }
0xb7: {  	p0 =	sne.s32 s1, $0x0;
	_ =	strace $0x90000047  }
0xb8: {  	s0 =	sadd.s32 @!p0 $0x100000, s0;
	[bflag:$0x2] =	sbarrier.arrive $0xFFFF  }
0xb9: {  	[sflag:s0] =	ssyncadd.tile.s32 @!p0 $0x1;
	_ =	shalt  }
.Lfunc_end2:
_tile_overlayer_lowered:
.L_overlay_start_2:
0xba: {  	(tag) =	ssettag $0x2  }
0xbb: {  	s0 =	rddreg [dreg:$0x0];
	s2 =	stileid.u32  }
0xbc: {  	s1 =	rddreg [dreg:$0x1];
	p0 =	sne.s32 s2, $0x0  }
0xbd: {  	s3 =	rddreg [dreg:$0x2];
	[bflag:$0x3] =	sbarrier.arrive $0xFFFF;
	s2 =	simm.s32 @!p0 $0x1C02  }
0xbe: {  	[timem:s3], [sflag:s2] =	dma.local @!p0 [hbm:s0], s1  }
0xbf: {  	s0 =	simm.s32 @!p0 $0x2  }
0xc0: {  	_ =	swait.ge @!p0 [sflag:s0], s1  }
0xc1: {  	s1 =	ssub.s32 @!p0 $0x0, s1;
	[sflag:s0] =	ssyncset.done @!p0 $0x0  }
0xc2: {  	[sflag:s0] =	ssyncadd.s32 @!p0 s1  }
0xc3: {  	[bflag:$0x3] =	sbarrier.arrive $0xFFFF  }
0xc4: {  	_ =	shalt  }

// kernel: kernel.13.cloned.1.call-start
scs
__scs_entry_jumppad:
0x0: {  	(pc) =	sbr.rel $0x88, $3  }
0x1: {  	(tag) =	ssettag $0x0;
	lr =	simm.s32 $0x1  }
0x2: {  	[smem:$0x3F99] =	sst lr;
	_ =	strace $0xD0000000  }
0x3: {  	_ = 	snop  }
0x4: {  	_ = 	snop  }
0x5: {  	_ = 	snop  }
0x6: {  	_ = 	snop  }
0x7: {  	_ = 	snop  }
__scs_overlays_trampoline_lowered:
0x8: {  	[smem:$0x3FA8] =	sst s0  }
0x9: {  	[smem:$0x3FA9] =	sst s1  }
0xa: {  	[smem:$0x3FAA] =	sst s2  }
0xb: {  	[smem:$0x3FAB] =	sst s3  }
0xc: {  	[smem:$0x3FAC] =	sst s4  }
0xd: {  	[smem:$0x3FAD] =	sst s5  }
0xe: {  	[smem:$0x3FAE] =	sst s6  }
0xf: {  	[smem:$0x3FAF] =	sst s7  }
0x10: {  	[smem:$0x3FB0] =	sst s8  }
0x11: {  	[smem:$0x3FB1] =	sst s9;
	s0 =	simm.s32 @!p0 $0x0  }
0x12: {  	s1 =	sld [smem:$0x3F97];
	s0 =	simm.s32 @p0 $0x1  }
0x13: {  	[smem:$0x3FB2] =	sst s0;
	s0 =	simm.s32 @!p1 $0x0  }
0x14: {  	s2 =	sld [smem:$0x3F96];
	s0 =	simm.s32 @p1 $0x1  }
0x15: {  	[smem:$0x3FB3] =	sst s0;
	s0 =	simm.s32 @!p2 $0x0  }
0x16: {  	s3 =	sld [smem:$0x3FDB];
	s0 =	simm.s32 @p2 $0x1  }
0x17: {  	s4 =	simm.s32 $0x1BF5;
	[smem:$0x3FB5] =	sst s0  }
0x18: {  	s0 =	sld [smem:$0x3F98];
	_ =	swait.ge [sflag:s4], $0x0  }
0x19: {  	s7 =	sld [smem:$0x3F99]  }
0x1a: {  	s8 =	sadd.s32 $0xFFFFE003, lr  }
0x1b: {  	s9 =	sadd.s32 $0xFFFFFEF7, lr;
	s5 =	simm.s32 $0xFFFFFFFF;
	p2 =	slt.u32 s8, $0xFFFFF086  }
0x1c: {  	p1 =	slt.u32 s9, $0xF7A;
	s5 =	simm.s32 @!p2 $0x0  }
0x1d: {  	s5 =	simm.s32 @p1 $0x1;
	p0 =	seq.s32 s7, s2  }
0x1e: {  	s7 =	smul.u32 @!p0 $0xF7A, s2;
	p2 =	seq.s32 @!p0 s5, $0x0  }
0x1f: {  	s9 =	smul.u32 $0xF7A, s1;
	s8 =	simm.s32 @!p0 $0x1BF5;
	p2 =	por !p2, p0  }
0x20: {  	[sflag:s8] =	ssyncset.s32 @!p0 $0xFFFFF086;
	s6 =	sadd.s32 @!p0 s3, s7;
	s7 =	simm.s32 @!p0 $0x108  }
0x21: {  	s3 =	sadd.s32 s3, s9;
	s6 =	sadd.s32 @!p0 $0x88, s6;
	s7 =	simm.s32 @p2 $0x1082  }
0x22: {  	[simem:s7], [sflag:s8] =	dma.local @!p0 [hbm:s6], $0xF7A  }
0x23: {  	s9 =	sor.u32 $0xD0000000, s2;
	s6 =	simm.s32 $0x108;
	_ =	swait.ge @!p0 [sflag:s8], $0x0  }
0x24: {  	s3 =	sadd.s32 $0x88, s3;
	s6 =	simm.s32 @!p1 $0x1082;
	[sflag:s4] =	ssyncset.s32 $0xFFFFF086  }
0x25: {  	[simem:s6], [sflag:s4] =	dma.local [hbm:s3], $0xF7A  }
0x26: {  	[smem:$0x3F99] =	sst s1;
	(tag) =	ssettag s2;
	_ =	strace s9  }
0x27: {  	s1 =	sld [smem:$0x3FA9]  }
0x28: {  	s2 =	sld [smem:$0x3FAA]  }
0x29: {  	s4 =	sld [smem:$0x3FAC]  }
0x2a: {  	p0 =	seq.s32 s5, $0x0;
	s5 =	sld [smem:$0x3FAD]  }
0x2b: {  	s6 =	sld [smem:$0x3FAE]  }
0x2c: {  	s7 =	sld [smem:$0x3FAF]  }
0x2d: {  	s3 =	simm.s32 $0x108;
	s8 =	sld [smem:$0x3FB0]  }
0x2e: {  	s3 =	simm.s32 @!p0 $0x1082;
	s9 =	sld [smem:$0x3FB1]  }
0x2f: {  	lr =	sadd.s32 s0, s3;
	s0 =	sld [smem:$0x3FA8]  }
0x30: {  	s3 =	sld [smem:$0x3FAB]  }
0x31: {  	[smem:$0x3FB4] =	sst s10  }
0x32: {  	s10 =	sld [smem:$0x3FB2];
	_ =	sdelay $0x3  }
0x33: {  	p0 =	seq.s32 s10, $0x1;
	s10 =	sld [smem:$0x3FB4];
	_ =	sdelay $0x3  }
0x34: {  	[smem:$0x3FB4] =	sst s10  }
0x35: {  	s10 =	sld [smem:$0x3FB3];
	_ =	sdelay $0x3  }
0x36: {  	p1 =	seq.s32 s10, $0x1;
	s10 =	sld [smem:$0x3FB4];
	_ =	sdelay $0x3  }
0x37: {  	[smem:$0x3FB4] =	sst s10  }
0x38: {  	s10 =	sld [smem:$0x3FB5]  }
0x39: {  	_ = 	snop;
	(pc) =	sbr.ind lr, $3  }
0x3a: {  	_ = 	snop  }
0x3b: {  	_ = 	snop  }
0x3c: {  	p2 =	seq.s32 s10, $0x1;
	s10 =	sld [smem:$0x3FB4]  }
0x3d: {  	_ =	shalt  }
0x3e: {  	_ =	shalt  }
0x3f: {  	_ =	shalt  }
0x40: {  	_ =	shalt  }
0x41: {  	_ =	shalt  }
0x42: {  	_ =	shalt  }
0x43: {  	_ =	shalt  }
0x44: {  	_ =	shalt  }
0x45: {  	_ =	shalt  }
0x46: {  	_ =	shalt  }
0x47: {  	_ =	shalt  }
0x48: {  	_ =	shalt  }
0x49: {  	_ =	shalt  }
0x4a: {  	_ =	shalt  }
0x4b: {  	_ =	shalt  }
0x4c: {  	_ =	shalt  }
0x4d: {  	_ =	shalt  }
0x4e: {  	_ =	shalt  }
0x4f: {  	_ =	shalt  }
0x50: {  	_ =	shalt  }
0x51: {  	_ =	shalt  }
0x52: {  	_ =	shalt  }
0x53: {  	_ =	shalt  }
0x54: {  	_ =	shalt  }
0x55: {  	_ =	shalt  }
0x56: {  	_ =	shalt  }
0x57: {  	_ =	shalt  }
0x58: {  	_ =	shalt  }
0x59: {  	_ =	shalt  }
0x5a: {  	_ =	shalt  }
0x5b: {  	_ =	shalt  }
0x5c: {  	_ =	shalt  }
0x5d: {  	_ =	shalt  }
0x5e: {  	_ =	shalt  }
0x5f: {  	_ =	shalt  }
0x60: {  	_ =	shalt  }
0x61: {  	_ =	shalt  }
0x62: {  	_ =	shalt  }
0x63: {  	_ =	shalt  }
0x64: {  	_ =	shalt  }
0x65: {  	_ =	shalt  }
0x66: {  	_ =	shalt  }
0x67: {  	_ =	shalt  }
0x68: {  	_ =	shalt  }
0x69: {  	_ =	shalt  }
0x6a: {  	_ =	shalt  }
0x6b: {  	_ =	shalt  }
0x6c: {  	_ =	shalt  }
0x6d: {  	_ =	shalt  }
0x6e: {  	_ =	shalt  }
0x6f: {  	_ =	shalt  }
0x70: {  	_ =	shalt  }
0x71: {  	_ =	shalt  }
0x72: {  	_ =	shalt  }
0x73: {  	_ =	shalt  }
0x74: {  	_ =	shalt  }
0x75: {  	_ =	shalt  }
0x76: {  	_ =	shalt  }
0x77: {  	_ =	shalt  }
0x78: {  	_ =	shalt  }
0x79: {  	_ =	shalt  }
0x7a: {  	_ =	shalt  }
0x7b: {  	_ =	shalt  }
0x7c: {  	_ =	shalt  }
0x7d: {  	_ =	shalt  }
0x7e: {  	_ =	shalt  }
0x7f: {  	_ =	shalt  }
0x80: {  	_ =	shalt  }
0x81: {  	_ =	shalt  }
0x82: {  	_ =	shalt  }
0x83: {  	_ =	shalt  }
0x84: {  	_ =	shalt  }
0x85: {  	_ =	shalt  }
0x86: {  	_ =	shalt  }
0x87: {  	_ =	shalt  }
.Lfunc_end0:
.L_simem_size_0:
called_computation.1_lowered:
.L_overlay_start_0:
0x88: {  	s2 =	sld [smem:$0x3FD9]  }
0x89: {  	s3 =	sld [smem:$0x3FFE];
	_ =	sdelay $0x1  }
0x8a: {  	s1 =	srdreg.scid  }
0x8b: {  	s0 =	sand.u32 $0x1, s1  }
0x8c: {  	s17 =	sshll.u32 s0, $0xA;
	s2 =	sadd.s32 s3, s2  }
0x8d: {  	s2 =	sadd.s32 s2, s17  }
0x8e: {  	[smem:$0x3FC0] =	sst s2  }
0x8f: {  	_ = 	snop  }
0x90: {  	s2 =	sld [smem:$0x3FD0];
	(tm) =	ssettm $0x1  }
0x91: {  	s18 =	sld [smem:$0x3FFB];
	_ =	sdelay $0x3  }
0x92: {  	_ =	strace s18  }
0x93: {  	s3 =	sld [smem:$0x3FFC];
	_ =	sdelay $0x3  }
0x94: {  	_ =	strace s3  }
0x95: {  	s3 =	sld [smem:$0x3FFD];
	_ =	sdelay $0x3  }
0x96: {  	_ =	strace s3  }
0x97: {  	_ =	strace $0x8FFFFFFF  }
0x98: {  	s19 =	sld [smem:$0x3FDB];
	_ =	sdelay $0x1  }
0x99: {  	s4 =	simm.s32 $_scs_section_size  }
0x9a: {  	s5 =	simm.s32 $_size__tile_overlayer_lowered;
	s6 =	simm.s32 $_tile_overlayer_lowered  }
0x9b: {  	s22 =	simm.s32 $0x1BFF;
	s21 =	sshll.u32 s6, $0x1;
	s3 =	sadd.s32 s4, s19  }
0x9c: {  	s7 =	simm.s32 $0x0;
	s20 =	sshll.u32 s5, $0x1;
	s5 =	sadd.s32 s21, s3  }
0x9d: {  	[timem:s7], [sflag:s22] =	dma.local [hbm:s5], s20  }
0x9e: {  	_ =	swait.ge [sflag:s22], s20  }
0x9f: {  	s4 =	ssub.s32 $0x0, s20;
	[sflag:s22] =	ssyncset.done $0x0  }
0xa0: {  	[sflag:s22] =	ssyncadd.s32 s4;
	_ =	sdelay $0x1  }
0xa1: {  	s23 =	simm.s32 $0x1B8B  }
0xa2: {  	_ =	swait.ge [sflag:s23], $0x1  }
0xa3: {  	[sflag:s23] =	ssyncset.done $0x0  }
0xa4: {  	s25 =	simm.s32 $0x1B8E;
	s24 =	sld [smem:$0x3FFE];
	[sflag:s23] =	ssyncadd.s32 $0xFFFFFFFF  }
0xa5: {  	s26 =	simm.s32 $execute0_lowered;
	[smem:$0x3FD2] =	sst s25  }
0xa6: {  	s5 =	sshll.u32 s26, $0x1;
	_ =	strace $0x80000049;
	[dreg:$0x1] =	wrdreg $0xFFFFFFFF  }
0xa7: {  	s28 =	simm.s32 $_size_execute0_lowered;
	s3 =	sadd.s32 s3, s5;
	[dreg:$0x0] =	wrdreg $0x0  }
0xa8: {  	s5 =	sshll.u32 s28, $0x1;
	[dreg:$0x2] =	wrdreg s3  }
0xa9: {  	[dreg:$0x3] =	wrdreg s5  }
0xaa: {  	[dreg:$0x4] =	wrdreg $0xC0  }
0xab: {  	_ =	task [dreg:s7], $0x5FFFF  }
0xac: {  	[dreg:$0x1] =	wrdreg $0xFFFFFFFF  }
0xad: {  	[dreg:$0x0] =	wrdreg $0x60  }
0xae: {  	[dreg:$0x2] =	wrdreg s24  }
0xaf: {  	[dreg:$0x3] =	wrdreg s2  }
0xb0: {  	[dreg:$0x4] =	wrdreg $0xA8000  }
0xb1: {  	[dreg:$0x5] =	wrdreg $0x9  }
0xb2: {  	_ =	task.clear_ibuf [dreg:s7], $0x6FFFF;
	_ =	strace $0x90000049  }
0xb3: {  	s29 =	simm.s32 $0x9;
	_ =	strace $0x8000004B  }
0xb4: {  	_ =	swait.ge [sflag:s29], $0x1  }
0xb5: {  	[sflag:s29] =	ssyncadd.s32 $0xFFFFFFFF  }
0xb6: {  	_ =	strace $0x9000004B  }
0xb7: {  	_ =	sfence  }
0xb8: {  	s30 =	sld [smem:$0x0];
	_ =	sdelay $0x2  }
0xb9: {  	s31 =	sshll.u32 s1, $0xD;
	s1 =	sshrl.u32 s1, $0x2  }
0xba: {  	s3 =	sand.u32 $0x4000, s31;
	s1 =	sadd.s32 s1, s30  }
0xbb: {  	s0 =	sor.u32 s3, s0;
	s1 =	sshll.u32 s1, $0x11  }
0xbc: {  	s0 =	sor.u32 s1, s0  }
0xbd: {  	s0 =	sadd.s32 $0x8F2B, s0  }
0xbe: {  	[sflag:s0] =	ssyncadd.remote.s32 $0x1  }
0xbf: {  	_ =	sfence.sel $0xFFFF  }
0xc0: {  	[dreg:$0x0] =	wrdreg $0xFFFFFFFF;
	(pc) =	sbr.abs _section_cstart, $3  }
0xc1: {  	[dreg:$0x1] =	wrdreg $0xFFFFFFFF  }
0xc2: {  	_ =	task.clear_ibuf [dreg:s7], $0x2FFFF;
	_ =	strace $0x9FFFFFFF  }
0xc3: {  	(tm) =	ssettm $0x7FFFFFFF  }
tec
execute0_lowered:
.L_overlay_start_1:
0x0: {  	(tag) =	ssettag $0x1  }
0x1: {  	s0 =	rddreg [dreg:$0x0]  }
0x2: {  	s1 =	rddreg [dreg:$0x1];
	s3 =	srdreg.scid  }
0x3: {  	s2 =	rddreg [dreg:$0x2];
	s9 =	stileid.u32;
	s16 =	simm.s32 $0x2800  }
0x4: {  	s17 =	simm.s32 $0x5;
	s18 =	simm.s32 $0x1400;
	s19 =	simm.s32 $0x80  }
0x5: {  	s20 =	simm.s32 $0x6800;
	s21 =	simm.s32 $0x1;
	s22 =	simm.s32 $0x3  }
0x6: {  	s23 =	simm.s32 $0x100;
	s28 =	simm.s32 $0x1380;
	s29 =	simm.s32 $0x2700  }
0x7: {  	s30 =	simm.s32 $0x2780;
	s31 =	simm.s32 $0x0;
	s8 =	smul.u32 $0x2800, s9  }
0x8: {  	s4 =	sand.u32 $0x1, s3;
	s3 =	simm.s32 $0x0;
	s6 =	smul.u32 $0x50000, s9  }
0x9: {  	s12 =	sadd.s32 $0x2E00, s0;
	s10 =	smul.u32 $0x500, s9;
	[smem:$0x7FF] =	sst s3  }
0xa: {  	s5 =	smul.u32 $0x28000, s4;
	s7 =	ssub.s32 $0x2, s4;
	_ =	strace $0x8000004A  }
0xb: {  	s24 =	sshrl.u32 s6, $0x2;
	s25 =	sshrl.u32 s7, $0x1;
	s13 =	sshrl.u32 s8, $0x3  }
0xc: {  	s9 =	sadd.s32 s12, s10;
	s10 =	sadd.s32 s1, s10;
	s11 =	sadd.s32 s5, s0  }
0xd: {  	s5 =	sadd.s32 s8, s5;
	s4 =	sadd.s32 s24, s2;
	s15 =	ssub.s32 s7, s25  }
0xe: {  	s13 =	sadd.s32 $0x280, s13;
	s24 =	simm.s32 $0x2;
	s25 =	simm.s32 $0x1480  }
0xf: {  	s0 =	sadd.s32 s5, s0;
	s26 =	sadd.s32 $0x4000, s4;
	s6 =	sadd.s32 $0x8000, s4  }
0x10: {  	s7 =	sadd.s32 $0xC000, s4;
	s8 =	sadd.s32 $0x10000, s4;
	s11 =	sadd.s32 $0x57E00, s11  }
0x11: {  	s12 =	sadd.s32 s12, s13;
	s13 =	sadd.s32 s1, s13;
	s15 =	smax.u32 s15, $0x1  }
0x12: {  	v0 =	vimm.f32 $0.0e+00;
	[dreg:$0x4] =	wrdreg s26;
	s14 =	sadd.s32 $0x7E00, s0;
	s26 =	simm.s32 $0x4  }
.LBB2_1:
0x13: {  	s0 =	simm.s32 $0x0;
	s1 =	simm.s32 $0x200  }
.LBB2_2:
0x14: {  	p0 =	sne.s32 s1, $0xFE00;
	[tilespmem:s0+$0x2870] =	vst v0  }
0x15: {  	[tilespmem:s0+$0x2800] =	vst v0  }
0x16: {  	[tilespmem:s0+$0x2810] =	vst v0  }
.Ltmp0:
0x17: {  	[tilespmem:s0+$0x2820] =	vst v0;
	(pc) =	sbr.rel @p0 .LBB2_2-.Ltmp0, $4  }
0x18: {  	[tilespmem:s0+$0x2830] =	vst v0  }
0x19: {  	[tilespmem:s0+$0x2840] =	vst v0  }
0x1a: {  	[tilespmem:s0+$0x2850] =	vst v0  }
0x1b: {  	[tilespmem:s0+$0x2860] =	vst v0;
	s0 =	sshra.s32 s1, $0x2;
	s1 =	sadd.s32 $0x200, s1  }
0x1c: {  	[tilespmem:s0+$0x2870] =	vst v0  }
0x1d: {  	[tilespmem:s0+$0x2800] =	vst v0  }
0x1e: {  	[tilespmem:s0+$0x2810] =	vst v0  }
0x1f: {  	[tilespmem:s0+$0x2820] =	vst v0  }
0x20: {  	[tilespmem:s0+$0x2830] =	vst v0  }
0x21: {  	[tilespmem:s0+$0x2840] =	vst v0  }
0x22: {  	[tilespmem:s0+$0x2850] =	vst v0  }
0x23: {  	[tilespmem:s0+$0x2860] =	vst v0  }
0x24: {  	[spmem:s4] =	stream.linear.scatter [tilespmem:s16], [sflag:$0x5], $0x4000, $0x38;
	[tilespmem:$0x1E800] =	vst v63  }
0x25: {  	_ =	swait.ge [sflag:s17], $0x4000  }
0x26: {  	[sflag:s17] =	ssyncset.done $0x0  }
0x27: {  	s1 =	rddreg [dreg:$0x4];
	[sflag:s17] =	ssyncadd.s32 $0xFFFFC000  }
0x28: {  	[spmem:s1] =	stream.linear.scatter [tilespmem:s16], [sflag:$0x5], $0x4000, $0x38;
	[tilespmem:$0x1E800] =	vst v63  }
0x29: {  	_ =	swait.ge [sflag:s17], $0x4000  }
0x2a: {  	[sflag:s17] =	ssyncset.done $0x0  }
0x2b: {  	[sflag:s17] =	ssyncadd.s32 $0xFFFFC000  }
0x2c: {  	[spmem:s6] =	stream.linear.scatter [tilespmem:s16], [sflag:$0x5], $0x4000, $0x38;
	[tilespmem:$0x1E800] =	vst v63  }
0x2d: {  	_ =	swait.ge [sflag:s17], $0x4000  }
0x2e: {  	[sflag:s17] =	ssyncset.done $0x0  }
0x2f: {  	[sflag:s17] =	ssyncadd.s32 $0xFFFFC000  }
0x30: {  	[spmem:s7] =	stream.linear.scatter [tilespmem:s16], [sflag:$0x5], $0x4000, $0x38;
	[tilespmem:$0x1E800] =	vst v63  }
0x31: {  	_ =	swait.ge [sflag:s17], $0x4000  }
0x32: {  	[sflag:s17] =	ssyncset.done $0x0  }
0x33: {  	[sflag:s17] =	ssyncadd.s32 $0xFFFFC000  }
0x34: {  	[spmem:s8] =	stream.linear.scatter [tilespmem:s16], [sflag:$0x5], $0x4000, $0x38;
	[tilespmem:$0x1E800] =	vst v63  }
0x35: {  	_ =	swait.ge [sflag:s17], $0x4000  }
0x36: {  	[sflag:s17] =	ssyncset.done $0x0  }
0x37: {  	[sflag:s17] =	ssyncadd.s32 $0xFFFFC000  }
0x38: {  	[bflag:$0x0] =	sbarrier.arrive $0xFFFF  }
0x39: {  	[tilespmem:s3], [sflag:$0x5] =	stream.linear.gather [hbm4b:s9+s3], $0x1400, $0x38;
	[tilespmem:$0x1E800] =	vst v63  }
0x3a: {  	_ =	swait.ge [sflag:s17], $0x1400  }
0x3b: {  	[sflag:s17] =	ssyncset.done $0x0  }
0x3c: {  	[sflag:s17] =	ssyncadd.s32 $0xFFFFEC00  }
0x3d: {  	[tilespmem:s18], [sflag:$0x5] =	stream.linear.gather [hbm4b:s10+s3], $0x1400, $0x38;
	[tilespmem:$0x1E800] =	vst v63  }
0x3e: {  	_ =	swait.ge [sflag:s17], $0x1400  }
0x3f: {  	[sflag:s17] =	ssyncset.done $0x0  }
0x40: {  	[sflag:s17] =	ssyncadd.s32 $0xFFFFEC00  }
0x41: {  	[tilespmem:s16], [sflag:$0x1] =	stream.indirect.gather [hbm4b:s11+s19], $0x80, s3, s19, $0xb8;
	[tilespmem:$0x1E800] =	vst v63  }
0x42: {  	_ = 	snop  }
0x43: {  	[tilespmem:s20], [sflag:$0x2] =	stream.indirect.gather [hbm4b:s11+s19], $0x80, s19, s19, $0xb8;
	[tilespmem:$0x1E800] =	vst v63  }
0x44: {  	_ =	swait.ge [sflag:s21], $0x4000  }
0x45: {  	[sflag:s21] =	ssyncset.done $0x0  }
0x46: {  	[sflag:s21] =	ssyncadd.s32 $0xFFFFC000  }
0x47: {  	[spmem:s2] =	stream.indirect.scatter.add.f32 [tilespmem:s16], [sflag:$0x3], $0x80, s18, s19, $0xb8;
	[tilespmem:$0x1E800] =	vst v63  }
0x48: {  	_ =	swait.ge [sflag:s22], $0x4000  }
0x49: {  	[sflag:s22] =	ssyncset.done $0x0  }
0x4a: {  	[sflag:s22] =	ssyncadd.s32 $0xFFFFC000  }
0x4b: {  	[tilespmem:s16], [sflag:$0x1] =	stream.indirect.gather [hbm4b:s11+s19], $0x80, s23, s19, $0xb8;
	[tilespmem:$0x1E800] =	vst v63  }
0x4c: {  	_ =	swait.ge [sflag:s24], $0x4000  }
0x4d: {  	[sflag:s24] =	ssyncset.done $0x0  }
0x4e: {  	[sflag:s24] =	ssyncadd.s32 $0xFFFFC000  }
0x4f: {  	[spmem:s2] =	stream.indirect.scatter.add.f32 [tilespmem:s20], [sflag:$0x4], $0x80, s25, s19, $0xb8;
	[tilespmem:$0x1E800] =	vst v63  }
0x50: {  	_ =	swait.ge [sflag:s26], $0x4000  }
0x51: {  	[sflag:s26] =	ssyncset.done $0x0  }
0x52: {  	s5 =	simm.s32 $0x180;
	[sflag:s26] =	ssyncadd.s32 $0xFFFFC000  }
0x53: {  	[tilespmem:s20], [sflag:$0x2] =	stream.indirect.gather [hbm4b:s11+s19], $0x80, s5, s19, $0xb8;
	[tilespmem:$0x1E800] =	vst v63  }
0x54: {  	_ =	swait.ge [sflag:s21], $0x4000  }
0x55: {  	[sflag:s21] =	ssyncset.done $0x0  }
0x56: {  	s1 =	simm.s32 $0x1500;
	[sflag:s21] =	ssyncadd.s32 $0xFFFFC000  }
0x57: {  	[spmem:s2] =	stream.indirect.scatter.add.f32 [tilespmem:s16], [sflag:$0x3], $0x80, s1, s19, $0xb8;
	[tilespmem:$0x1E800] =	vst v63  }
0x58: {  	_ =	swait.ge [sflag:s22], $0x4000  }
0x59: {  	[sflag:s22] =	ssyncset.done $0x0  }
0x5a: {  	s5 =	simm.s32 $0x200;
	[sflag:s22] =	ssyncadd.s32 $0xFFFFC000  }
0x5b: {  	[tilespmem:s16], [sflag:$0x1] =	stream.indirect.gather [hbm4b:s11+s19], $0x80, s5, s19, $0xb8;
	[tilespmem:$0x1E800] =	vst v63  }
0x5c: {  	_ =	swait.ge [sflag:s24], $0x4000  }
0x5d: {  	[sflag:s24] =	ssyncset.done $0x0  }
0x5e: {  	s0 =	simm.s32 $0xFFFFBC00;
	s1 =	simm.s32 $0x1580;
	[sflag:s24] =	ssyncadd.s32 $0xFFFFC000  }
.LBB2_4:
0x5f: {  	[spmem:s2] =	stream.indirect.scatter.add.f32 [tilespmem:s20], [sflag:$0x4], $0x80, s1, s19, $0xb8;
	[tilespmem:$0x1E800] =	vst v63  }
0x60: {  	s1 =	smov.u32 s0  }
0x61: {  	p0 =	sne.s32 s0, $0xFFFFFC00;
	s0 =	sadd.s32 $0x400, s0;
	_ =	swait.ge [sflag:s26], $0x4000  }
0x62: {  	s1 =	sshra.s32 s1, $0x2;
	[sflag:s26] =	ssyncset.done $0x0  }
0x63: {  	s5 =	sadd.s32 $0x1380, s1;
	[sflag:s26] =	ssyncadd.s32 $0xFFFFC000  }
0x64: {  	[tilespmem:s20], [sflag:$0x2] =	stream.indirect.gather [hbm4b:s11+s19], $0x80, s5, s19, $0xb8;
	[tilespmem:$0x1E800] =	vst v63  }
0x65: {  	_ =	swait.ge [sflag:s21], $0x4000  }
0x66: {  	[sflag:s21] =	ssyncset.done $0x0  }
0x67: {  	s5 =	sadd.s32 $0x2700, s1;
	[sflag:s21] =	ssyncadd.s32 $0xFFFFC000  }
0x68: {  	[spmem:s2] =	stream.indirect.scatter.add.f32 [tilespmem:s16], [sflag:$0x3], $0x80, s5, s19, $0xb8;
	[tilespmem:$0x1E800] =	vst v63  }
0x69: {  	_ =	swait.ge [sflag:s22], $0x4000  }
0x6a: {  	[sflag:s22] =	ssyncset.done $0x0  }
.Ltmp1:
0x6b: {  	s5 =	sadd.s32 $0x1400, s1;
	[sflag:s22] =	ssyncadd.s32 $0xFFFFC000;
	(pc) =	sbr.rel @p0 .LBB2_4-.Ltmp1, $4  }
0x6c: {  	[tilespmem:s16], [sflag:$0x1] =	stream.indirect.gather [hbm4b:s11+s19], $0x80, s5, s19, $0xb8;
	[tilespmem:$0x1E800] =	vst v63  }
0x6d: {  	_ =	swait.ge [sflag:s24], $0x4000  }
0x6e: {  	[sflag:s24] =	ssyncset.done $0x0  }
0x6f: {  	s1 =	sadd.s32 $0x2780, s1;
	[sflag:s24] =	ssyncadd.s32 $0xFFFFC000  }
0x70: {  	[spmem:s2] =	stream.indirect.scatter.add.f32 [tilespmem:s20], [sflag:$0x4], $0x80, s1, s19, $0xb8;
	[tilespmem:$0x1E800] =	vst v63  }
0x71: {  	_ =	swait.ge [sflag:s26], $0x4000  }
0x72: {  	[sflag:s26] =	ssyncset.done $0x0  }
0x73: {  	[sflag:s26] =	ssyncadd.s32 $0xFFFFC000  }
0x74: {  	[tilespmem:s20], [sflag:$0x2] =	stream.indirect.gather [hbm4b:s11+s19], $0x80, s28, s19, $0xb8;
	[tilespmem:$0x1E800] =	vst v63  }
0x75: {  	_ =	swait.ge [sflag:s21], $0x4000  }
0x76: {  	[sflag:s21] =	ssyncset.done $0x0  }
0x77: {  	[sflag:s21] =	ssyncadd.s32 $0xFFFFC000  }
0x78: {  	[spmem:s2] =	stream.indirect.scatter.add.f32 [tilespmem:s16], [sflag:$0x3], $0x80, s29, s19, $0xb8;
	[tilespmem:$0x1E800] =	vst v63  }
0x79: {  	_ =	swait.ge [sflag:s22], $0x4000  }
0x7a: {  	[sflag:s22] =	ssyncset.done $0x0  }
0x7b: {  	[sflag:s22] =	ssyncadd.s32 $0xFFFFC000  }
0x7c: {  	_ =	swait.ge [sflag:s24], $0x4000  }
0x7d: {  	[sflag:s24] =	ssyncset.done $0x0  }
0x7e: {  	[sflag:s24] =	ssyncadd.s32 $0xFFFFC000  }
0x7f: {  	[spmem:s2] =	stream.indirect.scatter.add.f32 [tilespmem:s20], [sflag:$0x4], $0x80, s30, s19, $0xb8;
	[tilespmem:$0x1E800] =	vst v63  }
0x80: {  	_ =	swait.ge [sflag:s26], $0x4000  }
0x81: {  	[sflag:s26] =	ssyncset.done $0x0  }
0x82: {  	[sflag:s26] =	ssyncadd.s32 $0xFFFFC000  }
0x83: {  	[tilespmem:s3], [sflag:$0x5] =	stream.linear.gather [hbm4b:s12+s3], $0x1400, $0x38;
	[tilespmem:$0x1E800] =	vst v63  }
0x84: {  	_ =	swait.ge [sflag:s17], $0x1400  }
0x85: {  	[sflag:s17] =	ssyncset.done $0x0  }
0x86: {  	[sflag:s17] =	ssyncadd.s32 $0xFFFFEC00  }
0x87: {  	[tilespmem:s18], [sflag:$0x5] =	stream.linear.gather [hbm4b:s13+s3], $0x1400, $0x38;
	[tilespmem:$0x1E800] =	vst v63  }
0x88: {  	_ =	swait.ge [sflag:s17], $0x1400  }
0x89: {  	[sflag:s17] =	ssyncset.done $0x0  }
0x8a: {  	[sflag:s17] =	ssyncadd.s32 $0xFFFFEC00  }
0x8b: {  	[tilespmem:s16], [sflag:$0x1] =	stream.indirect.gather [hbm4b:s11+s19], $0x80, s3, s19, $0xb8;
	[tilespmem:$0x1E800] =	vst v63  }
0x8c: {  	_ = 	snop  }
0x8d: {  	[tilespmem:s20], [sflag:$0x2] =	stream.indirect.gather [hbm4b:s11+s19], $0x80, s19, s19, $0xb8;
	[tilespmem:$0x1E800] =	vst v63  }
0x8e: {  	_ =	swait.ge [sflag:s21], $0x4000  }
0x8f: {  	[sflag:s21] =	ssyncset.done $0x0  }
0x90: {  	[sflag:s21] =	ssyncadd.s32 $0xFFFFC000  }
0x91: {  	[spmem:s2] =	stream.indirect.scatter.add.f32 [tilespmem:s16], [sflag:$0x3], $0x80, s18, s19, $0xb8;
	[tilespmem:$0x1E800] =	vst v63  }
0x92: {  	_ =	swait.ge [sflag:s22], $0x4000  }
0x93: {  	[sflag:s22] =	ssyncset.done $0x0  }
0x94: {  	[sflag:s22] =	ssyncadd.s32 $0xFFFFC000  }
0x95: {  	[tilespmem:s16], [sflag:$0x1] =	stream.indirect.gather [hbm4b:s11+s19], $0x80, s23, s19, $0xb8;
	[tilespmem:$0x1E800] =	vst v63  }
0x96: {  	_ =	swait.ge [sflag:s24], $0x4000  }
0x97: {  	[sflag:s24] =	ssyncset.done $0x0  }
0x98: {  	[sflag:s24] =	ssyncadd.s32 $0xFFFFC000  }
0x99: {  	[spmem:s2] =	stream.indirect.scatter.add.f32 [tilespmem:s20], [sflag:$0x4], $0x80, s25, s19, $0xb8;
	[tilespmem:$0x1E800] =	vst v63  }
0x9a: {  	_ =	swait.ge [sflag:s26], $0x4000  }
0x9b: {  	[sflag:s26] =	ssyncset.done $0x0  }
0x9c: {  	s0 =	simm.s32 $0x180;
	[sflag:s26] =	ssyncadd.s32 $0xFFFFC000  }
0x9d: {  	[tilespmem:s20], [sflag:$0x2] =	stream.indirect.gather [hbm4b:s11+s19], $0x80, s0, s19, $0xb8;
	[tilespmem:$0x1E800] =	vst v63  }
0x9e: {  	_ =	swait.ge [sflag:s21], $0x4000  }
0x9f: {  	[sflag:s21] =	ssyncset.done $0x0  }
0xa0: {  	s1 =	simm.s32 $0x1500;
	[sflag:s21] =	ssyncadd.s32 $0xFFFFC000  }
0xa1: {  	[spmem:s2] =	stream.indirect.scatter.add.f32 [tilespmem:s16], [sflag:$0x3], $0x80, s1, s19, $0xb8;
	[tilespmem:$0x1E800] =	vst v63  }
0xa2: {  	_ =	swait.ge [sflag:s22], $0x4000  }
0xa3: {  	[sflag:s22] =	ssyncset.done $0x0  }
0xa4: {  	s5 =	simm.s32 $0x200;
	[sflag:s22] =	ssyncadd.s32 $0xFFFFC000  }
0xa5: {  	[tilespmem:s16], [sflag:$0x1] =	stream.indirect.gather [hbm4b:s11+s19], $0x80, s5, s19, $0xb8;
	[tilespmem:$0x1E800] =	vst v63  }
0xa6: {  	_ =	swait.ge [sflag:s24], $0x4000  }
0xa7: {  	[sflag:s24] =	ssyncset.done $0x0  }
0xa8: {  	s0 =	simm.s32 $0xFFFFBC00;
	s1 =	simm.s32 $0x1580;
	[sflag:s24] =	ssyncadd.s32 $0xFFFFC000  }
.LBB2_6:
0xa9: {  	[spmem:s2] =	stream.indirect.scatter.add.f32 [tilespmem:s20], [sflag:$0x4], $0x80, s1, s19, $0xb8;
	[tilespmem:$0x1E800] =	vst v63  }
0xaa: {  	s1 =	smov.u32 s0  }
0xab: {  	p0 =	sne.s32 s0, $0xFFFFFC00;
	s0 =	sadd.s32 $0x400, s0;
	_ =	swait.ge [sflag:s26], $0x4000  }
0xac: {  	s1 =	sshra.s32 s1, $0x2;
	[sflag:s26] =	ssyncset.done $0x0  }
0xad: {  	s5 =	sadd.s32 $0x1380, s1;
	[sflag:s26] =	ssyncadd.s32 $0xFFFFC000  }
0xae: {  	[tilespmem:s20], [sflag:$0x2] =	stream.indirect.gather [hbm4b:s11+s19], $0x80, s5, s19, $0xb8;
	[tilespmem:$0x1E800] =	vst v63  }
0xaf: {  	_ =	swait.ge [sflag:s21], $0x4000  }
0xb0: {  	[sflag:s21] =	ssyncset.done $0x0  }
0xb1: {  	s5 =	sadd.s32 $0x2700, s1;
	[sflag:s21] =	ssyncadd.s32 $0xFFFFC000  }
0xb2: {  	[spmem:s2] =	stream.indirect.scatter.add.f32 [tilespmem:s16], [sflag:$0x3], $0x80, s5, s19, $0xb8;
	[tilespmem:$0x1E800] =	vst v63  }
0xb3: {  	_ =	swait.ge [sflag:s22], $0x4000  }
0xb4: {  	[sflag:s22] =	ssyncset.done $0x0  }
.Ltmp2:
0xb5: {  	s5 =	sadd.s32 $0x1400, s1;
	[sflag:s22] =	ssyncadd.s32 $0xFFFFC000;
	(pc) =	sbr.rel @p0 .LBB2_6-.Ltmp2, $4  }
0xb6: {  	[tilespmem:s16], [sflag:$0x1] =	stream.indirect.gather [hbm4b:s11+s19], $0x80, s5, s19, $0xb8;
	[tilespmem:$0x1E800] =	vst v63  }
0xb7: {  	_ =	swait.ge [sflag:s24], $0x4000  }
0xb8: {  	[sflag:s24] =	ssyncset.done $0x0  }
0xb9: {  	s1 =	sadd.s32 $0x2780, s1;
	[sflag:s24] =	ssyncadd.s32 $0xFFFFC000  }
0xba: {  	[spmem:s2] =	stream.indirect.scatter.add.f32 [tilespmem:s20], [sflag:$0x4], $0x80, s1, s19, $0xb8;
	[tilespmem:$0x1E800] =	vst v63  }
0xbb: {  	_ =	swait.ge [sflag:s26], $0x4000  }
0xbc: {  	[sflag:s26] =	ssyncset.done $0x0  }
0xbd: {  	[sflag:s26] =	ssyncadd.s32 $0xFFFFC000  }
0xbe: {  	[tilespmem:s20], [sflag:$0x2] =	stream.indirect.gather [hbm4b:s11+s19], $0x80, s28, s19, $0xb8;
	[tilespmem:$0x1E800] =	vst v63  }
0xbf: {  	_ =	swait.ge [sflag:s21], $0x4000  }
0xc0: {  	[sflag:s21] =	ssyncset.done $0x0  }
0xc1: {  	[sflag:s21] =	ssyncadd.s32 $0xFFFFC000  }
0xc2: {  	[spmem:s2] =	stream.indirect.scatter.add.f32 [tilespmem:s16], [sflag:$0x3], $0x80, s29, s19, $0xb8;
	[tilespmem:$0x1E800] =	vst v63  }
0xc3: {  	_ =	swait.ge [sflag:s22], $0x4000  }
0xc4: {  	[sflag:s22] =	ssyncset.done $0x0  }
0xc5: {  	[sflag:s22] =	ssyncadd.s32 $0xFFFFC000  }
0xc6: {  	_ =	swait.ge [sflag:s24], $0x4000  }
0xc7: {  	[sflag:s24] =	ssyncset.done $0x0  }
0xc8: {  	[sflag:s24] =	ssyncadd.s32 $0xFFFFC000  }
0xc9: {  	[spmem:s2] =	stream.indirect.scatter.add.f32 [tilespmem:s20], [sflag:$0x4], $0x80, s30, s19, $0xb8;
	[tilespmem:$0x1E800] =	vst v63  }
0xca: {  	s0 =	stileid.u32;
	_ =	swait.ge [sflag:s26], $0x4000  }
0xcb: {  	s5 =	sshrl.u32 s4, $0x3;
	s31 =	sadd.s32 $0x1, s31;
	[sflag:s26] =	ssyncset.done $0x0  }
0xcc: {  	s0 =	sshll.u32 s0, $0x6;
	p0 =	sne.s32 s31, s15;
	[sflag:s26] =	ssyncadd.s32 $0xFFFFC000  }
.Ltmp3:
0xcd: {  	s0 =	sor.u32 $0x1C05, s0;
	[bflag:$0x0] =	sbarrier.arrive $0xFFFF;
	(pc) =	sbr.rel @p0 .LBB2_1-.Ltmp3, $4  }
0xce: {  	[hbm:s14], [sflag:s0] =	dma.local [spmem:s5], $0x2800  }
0xcf: {  	_ =	swait.ge [sflag:s17], $0x2800  }
0xd0: {  	[sflag:s17] =	ssyncset.done $0x0  }
0xd1: {  	[sflag:s17] =	ssyncadd.s32 $0xFFFFD800  }
0xd2: {  	_ =	sfence.sel $0x180000  }
0xd3: {  	[bflag:$0x0] =	sbarrier.arrive $0xFFFF  }
0xd4: {  	_ =	strace $0x9000004A  }
0xd5: {  	s0 =	stileid.u32;
	[bflag:$0x2] =	sbarrier.arrive $0xFFFF  }
0xd6: {  	p0 =	sne.s32 s0, $0x0;
	s0 =	rddreg [dreg:$0x3]  }
0xd7: {  	s0 =	sadd.s32 @!p0 $0x100000, s0  }
0xd8: {  	[sflag:s0] =	ssyncadd.tile.s32 @!p0 $0x1;
	_ =	shalt  }
.Lfunc_end2:
_tile_overlayer_lowered:
.L_overlay_start_2:
0xd9: {  	(tag) =	ssettag $0x2  }
0xda: {  	s0 =	rddreg [dreg:$0x0];
	s2 =	stileid.u32  }
0xdb: {  	s1 =	rddreg [dreg:$0x1];
	p0 =	sne.s32 s2, $0x0  }
0xdc: {  	s3 =	rddreg [dreg:$0x2];
	[bflag:$0x3] =	sbarrier.arrive $0xFFFF;
	s2 =	simm.s32 @!p0 $0x1C05  }
0xdd: {  	[timem:s3], [sflag:s2] =	dma.local @!p0 [hbm:s0], s1  }
0xde: {  	s0 =	simm.s32 @!p0 $0x5  }
0xdf: {  	_ =	swait.ge @!p0 [sflag:s0], s1  }
0xe0: {  	s1 =	ssub.s32 @!p0 $0x0, s1;
	[sflag:s0] =	ssyncset.done @!p0 $0x0  }
0xe1: {  	[sflag:s0] =	ssyncadd.s32 @!p0 s1  }
0xe2: {  	[bflag:$0x3] =	sbarrier.arrive $0xFFFF  }
0xe3: {  	_ =	shalt  }

// kernel: kernel.16.cloned.1.call-start
scs
__scs_entry_jumppad:
0x0: {  	(pc) =	sbr.rel $0x88, $3  }
0x1: {  	(tag) =	ssettag $0x0;
	lr =	simm.s32 $0x1  }
0x2: {  	[smem:$0x3F99] =	sst lr;
	_ =	strace $0xD0000000  }
0x3: {  	_ = 	snop  }
0x4: {  	_ = 	snop  }
0x5: {  	_ = 	snop  }
0x6: {  	_ = 	snop  }
0x7: {  	_ = 	snop  }
__scs_overlays_trampoline_lowered:
0x8: {  	[smem:$0x3FA8] =	sst s0  }
0x9: {  	[smem:$0x3FA9] =	sst s1  }
0xa: {  	[smem:$0x3FAA] =	sst s2  }
0xb: {  	[smem:$0x3FAB] =	sst s3  }
0xc: {  	[smem:$0x3FAC] =	sst s4  }
0xd: {  	[smem:$0x3FAD] =	sst s5  }
0xe: {  	[smem:$0x3FAE] =	sst s6  }
0xf: {  	[smem:$0x3FAF] =	sst s7  }
0x10: {  	[smem:$0x3FB0] =	sst s8  }
0x11: {  	[smem:$0x3FB1] =	sst s9;
	s0 =	simm.s32 @!p0 $0x0  }
0x12: {  	s1 =	sld [smem:$0x3F97];
	s0 =	simm.s32 @p0 $0x1  }
0x13: {  	[smem:$0x3FB2] =	sst s0;
	s0 =	simm.s32 @!p1 $0x0  }
0x14: {  	s2 =	sld [smem:$0x3F96];
	s0 =	simm.s32 @p1 $0x1  }
0x15: {  	[smem:$0x3FB3] =	sst s0;
	s0 =	simm.s32 @!p2 $0x0  }
0x16: {  	s3 =	sld [smem:$0x3FDB];
	s0 =	simm.s32 @p2 $0x1  }
0x17: {  	s4 =	simm.s32 $0x1BF5;
	[smem:$0x3FB5] =	sst s0  }
0x18: {  	s0 =	sld [smem:$0x3F98];
	_ =	swait.ge [sflag:s4], $0x0  }
0x19: {  	s7 =	sld [smem:$0x3F99]  }
0x1a: {  	s8 =	sadd.s32 $0xFFFFE003, lr  }
0x1b: {  	s9 =	sadd.s32 $0xFFFFFEF7, lr;
	s5 =	simm.s32 $0xFFFFFFFF;
	p2 =	slt.u32 s8, $0xFFFFF086  }
0x1c: {  	p1 =	slt.u32 s9, $0xF7A;
	s5 =	simm.s32 @!p2 $0x0  }
0x1d: {  	s5 =	simm.s32 @p1 $0x1;
	p0 =	seq.s32 s7, s2  }
0x1e: {  	s7 =	smul.u32 @!p0 $0xF7A, s2;
	p2 =	seq.s32 @!p0 s5, $0x0  }
0x1f: {  	s9 =	smul.u32 $0xF7A, s1;
	s8 =	simm.s32 @!p0 $0x1BF5;
	p2 =	por !p2, p0  }
0x20: {  	[sflag:s8] =	ssyncset.s32 @!p0 $0xFFFFF086;
	s6 =	sadd.s32 @!p0 s3, s7;
	s7 =	simm.s32 @!p0 $0x108  }
0x21: {  	s3 =	sadd.s32 s3, s9;
	s6 =	sadd.s32 @!p0 $0x88, s6;
	s7 =	simm.s32 @p2 $0x1082  }
0x22: {  	[simem:s7], [sflag:s8] =	dma.local @!p0 [hbm:s6], $0xF7A  }
0x23: {  	s9 =	sor.u32 $0xD0000000, s2;
	s6 =	simm.s32 $0x108;
	_ =	swait.ge @!p0 [sflag:s8], $0x0  }
0x24: {  	s3 =	sadd.s32 $0x88, s3;
	s6 =	simm.s32 @!p1 $0x1082;
	[sflag:s4] =	ssyncset.s32 $0xFFFFF086  }
0x25: {  	[simem:s6], [sflag:s4] =	dma.local [hbm:s3], $0xF7A  }
0x26: {  	[smem:$0x3F99] =	sst s1;
	(tag) =	ssettag s2;
	_ =	strace s9  }
0x27: {  	s1 =	sld [smem:$0x3FA9]  }
0x28: {  	s2 =	sld [smem:$0x3FAA]  }
0x29: {  	s4 =	sld [smem:$0x3FAC]  }
0x2a: {  	p0 =	seq.s32 s5, $0x0;
	s5 =	sld [smem:$0x3FAD]  }
0x2b: {  	s6 =	sld [smem:$0x3FAE]  }
0x2c: {  	s7 =	sld [smem:$0x3FAF]  }
0x2d: {  	s3 =	simm.s32 $0x108;
	s8 =	sld [smem:$0x3FB0]  }
0x2e: {  	s3 =	simm.s32 @!p0 $0x1082;
	s9 =	sld [smem:$0x3FB1]  }
0x2f: {  	lr =	sadd.s32 s0, s3;
	s0 =	sld [smem:$0x3FA8]  }
0x30: {  	s3 =	sld [smem:$0x3FAB]  }
0x31: {  	[smem:$0x3FB4] =	sst s10  }
0x32: {  	s10 =	sld [smem:$0x3FB2];
	_ =	sdelay $0x3  }
0x33: {  	p0 =	seq.s32 s10, $0x1;
	s10 =	sld [smem:$0x3FB4];
	_ =	sdelay $0x3  }
0x34: {  	[smem:$0x3FB4] =	sst s10  }
0x35: {  	s10 =	sld [smem:$0x3FB3];
	_ =	sdelay $0x3  }
0x36: {  	p1 =	seq.s32 s10, $0x1;
	s10 =	sld [smem:$0x3FB4];
	_ =	sdelay $0x3  }
0x37: {  	[smem:$0x3FB4] =	sst s10  }
0x38: {  	s10 =	sld [smem:$0x3FB5]  }
0x39: {  	_ = 	snop;
	(pc) =	sbr.ind lr, $3  }
0x3a: {  	_ = 	snop  }
0x3b: {  	_ = 	snop  }
0x3c: {  	p2 =	seq.s32 s10, $0x1;
	s10 =	sld [smem:$0x3FB4]  }
0x3d: {  	_ =	shalt  }
0x3e: {  	_ =	shalt  }
0x3f: {  	_ =	shalt  }
0x40: {  	_ =	shalt  }
0x41: {  	_ =	shalt  }
0x42: {  	_ =	shalt  }
0x43: {  	_ =	shalt  }
0x44: {  	_ =	shalt  }
0x45: {  	_ =	shalt  }
0x46: {  	_ =	shalt  }
0x47: {  	_ =	shalt  }
0x48: {  	_ =	shalt  }
0x49: {  	_ =	shalt  }
0x4a: {  	_ =	shalt  }
0x4b: {  	_ =	shalt  }
0x4c: {  	_ =	shalt  }
0x4d: {  	_ =	shalt  }
0x4e: {  	_ =	shalt  }
0x4f: {  	_ =	shalt  }
0x50: {  	_ =	shalt  }
0x51: {  	_ =	shalt  }
0x52: {  	_ =	shalt  }
0x53: {  	_ =	shalt  }
0x54: {  	_ =	shalt  }
0x55: {  	_ =	shalt  }
0x56: {  	_ =	shalt  }
0x57: {  	_ =	shalt  }
0x58: {  	_ =	shalt  }
0x59: {  	_ =	shalt  }
0x5a: {  	_ =	shalt  }
0x5b: {  	_ =	shalt  }
0x5c: {  	_ =	shalt  }
0x5d: {  	_ =	shalt  }
0x5e: {  	_ =	shalt  }
0x5f: {  	_ =	shalt  }
0x60: {  	_ =	shalt  }
0x61: {  	_ =	shalt  }
0x62: {  	_ =	shalt  }
0x63: {  	_ =	shalt  }
0x64: {  	_ =	shalt  }
0x65: {  	_ =	shalt  }
0x66: {  	_ =	shalt  }
0x67: {  	_ =	shalt  }
0x68: {  	_ =	shalt  }
0x69: {  	_ =	shalt  }
0x6a: {  	_ =	shalt  }
0x6b: {  	_ =	shalt  }
0x6c: {  	_ =	shalt  }
0x6d: {  	_ =	shalt  }
0x6e: {  	_ =	shalt  }
0x6f: {  	_ =	shalt  }
0x70: {  	_ =	shalt  }
0x71: {  	_ =	shalt  }
0x72: {  	_ =	shalt  }
0x73: {  	_ =	shalt  }
0x74: {  	_ =	shalt  }
0x75: {  	_ =	shalt  }
0x76: {  	_ =	shalt  }
0x77: {  	_ =	shalt  }
0x78: {  	_ =	shalt  }
0x79: {  	_ =	shalt  }
0x7a: {  	_ =	shalt  }
0x7b: {  	_ =	shalt  }
0x7c: {  	_ =	shalt  }
0x7d: {  	_ =	shalt  }
0x7e: {  	_ =	shalt  }
0x7f: {  	_ =	shalt  }
0x80: {  	_ =	shalt  }
0x81: {  	_ =	shalt  }
0x82: {  	_ =	shalt  }
0x83: {  	_ =	shalt  }
0x84: {  	_ =	shalt  }
0x85: {  	_ =	shalt  }
0x86: {  	_ =	shalt  }
0x87: {  	_ =	shalt  }
.Lfunc_end0:
.L_simem_size_0:
called_computation.2_lowered:
.L_overlay_start_0:
0x88: {  	s2 =	sld [smem:$0x3FD9]  }
0x89: {  	s3 =	sld [smem:$0x3FFE];
	_ =	sdelay $0x1  }
0x8a: {  	s1 =	srdreg.scid  }
0x8b: {  	s0 =	sand.u32 $0x1, s1  }
0x8c: {  	s17 =	sshll.u32 s0, $0xA;
	s2 =	sadd.s32 s3, s2  }
0x8d: {  	s2 =	sadd.s32 s2, s17  }
0x8e: {  	[smem:$0x3FC0] =	sst s2  }
0x8f: {  	_ = 	snop  }
0x90: {  	s2 =	sld [smem:$0x3FD0];
	(tm) =	ssettm $0x1  }
0x91: {  	s18 =	sld [smem:$0x3FFB];
	_ =	sdelay $0x3  }
0x92: {  	_ =	strace s18  }
0x93: {  	s3 =	sld [smem:$0x3FFC];
	_ =	sdelay $0x3  }
0x94: {  	_ =	strace s3  }
0x95: {  	s3 =	sld [smem:$0x3FFD];
	_ =	sdelay $0x3  }
0x96: {  	_ =	strace s3  }
0x97: {  	_ =	strace $0x8FFFFFFF  }
0x98: {  	s19 =	sld [smem:$0x3FDB];
	_ =	sdelay $0x1  }
0x99: {  	s4 =	simm.s32 $_scs_section_size  }
0x9a: {  	s5 =	simm.s32 $_size__tile_overlayer_lowered;
	s6 =	simm.s32 $_tile_overlayer_lowered  }
0x9b: {  	s22 =	simm.s32 $0x1BFF;
	s21 =	sshll.u32 s6, $0x1;
	s3 =	sadd.s32 s4, s19  }
0x9c: {  	s7 =	simm.s32 $0x0;
	s20 =	sshll.u32 s5, $0x1;
	s5 =	sadd.s32 s21, s3  }
0x9d: {  	[timem:s7], [sflag:s22] =	dma.local [hbm:s5], s20  }
0x9e: {  	_ =	swait.ge [sflag:s22], s20  }
0x9f: {  	s4 =	ssub.s32 $0x0, s20;
	[sflag:s22] =	ssyncset.done $0x0  }
0xa0: {  	[sflag:s22] =	ssyncadd.s32 s4;
	_ =	sdelay $0x1  }
0xa1: {  	s23 =	simm.s32 $0x1B8B  }
0xa2: {  	_ =	swait.ge [sflag:s23], $0x1  }
0xa3: {  	[sflag:s23] =	ssyncset.done $0x0  }
0xa4: {  	s25 =	simm.s32 $0x1B8E;
	s24 =	sld [smem:$0x3FFE];
	[sflag:s23] =	ssyncadd.s32 $0xFFFFFFFF  }
0xa5: {  	s26 =	simm.s32 $execute0_lowered;
	[smem:$0x3FD2] =	sst s25  }
0xa6: {  	s5 =	sshll.u32 s26, $0x1;
	_ =	strace $0x8000004C;
	[dreg:$0x1] =	wrdreg $0xFFFFFFFF  }
0xa7: {  	s28 =	simm.s32 $_size_execute0_lowered;
	s3 =	sadd.s32 s3, s5;
	[dreg:$0x0] =	wrdreg $0x0  }
0xa8: {  	s5 =	sshll.u32 s28, $0x1;
	[dreg:$0x2] =	wrdreg s3  }
0xa9: {  	[dreg:$0x3] =	wrdreg s5  }
0xaa: {  	[dreg:$0x4] =	wrdreg $0xC0  }
0xab: {  	_ =	task [dreg:s7], $0x5FFFF  }
0xac: {  	[dreg:$0x1] =	wrdreg $0xFFFFFFFF  }
0xad: {  	[dreg:$0x0] =	wrdreg $0x60  }
0xae: {  	[dreg:$0x2] =	wrdreg s24  }
0xaf: {  	[dreg:$0x3] =	wrdreg s2  }
0xb0: {  	[dreg:$0x4] =	wrdreg $0xA8000  }
0xb1: {  	[dreg:$0x5] =	wrdreg $0x9  }
0xb2: {  	_ =	task.clear_ibuf [dreg:s7], $0x6FFFF;
	_ =	strace $0x9000004C  }
0xb3: {  	s29 =	simm.s32 $0x9;
	_ =	strace $0x8000004E  }
0xb4: {  	_ =	swait.ge [sflag:s29], $0x1  }
0xb5: {  	[sflag:s29] =	ssyncadd.s32 $0xFFFFFFFF  }
0xb6: {  	_ =	strace $0x9000004E  }
0xb7: {  	_ =	sfence  }
0xb8: {  	s30 =	sld [smem:$0x0];
	_ =	sdelay $0x2  }
0xb9: {  	s31 =	sshll.u32 s1, $0xD;
	s1 =	sshrl.u32 s1, $0x2  }
0xba: {  	s3 =	sand.u32 $0x4000, s31;
	s1 =	sadd.s32 s1, s30  }
0xbb: {  	s0 =	sor.u32 s3, s0;
	s1 =	sshll.u32 s1, $0x11  }
0xbc: {  	s0 =	sor.u32 s1, s0  }
0xbd: {  	s0 =	sadd.s32 $0x8F2B, s0  }
0xbe: {  	[sflag:s0] =	ssyncadd.remote.s32 $0x1  }
0xbf: {  	_ =	sfence.sel $0xFFFF  }
0xc0: {  	[dreg:$0x0] =	wrdreg $0xFFFFFFFF;
	(pc) =	sbr.abs _section_cstart, $3  }
0xc1: {  	[dreg:$0x1] =	wrdreg $0xFFFFFFFF  }
0xc2: {  	_ =	task.clear_ibuf [dreg:s7], $0x2FFFF;
	_ =	strace $0x9FFFFFFF  }
0xc3: {  	(tm) =	ssettm $0x7FFFFFFF  }
tec
execute0_lowered:
.L_overlay_start_1:
0x0: {  	(tag) =	ssettag $0x1  }
0x1: {  	s0 =	rddreg [dreg:$0x0]  }
0x2: {  	s1 =	rddreg [dreg:$0x1];
	s3 =	srdreg.scid  }
0x3: {  	s2 =	rddreg [dreg:$0x2];
	s9 =	stileid.u32;
	s16 =	simm.s32 $0x2800  }
0x4: {  	s17 =	simm.s32 $0x5;
	s18 =	simm.s32 $0x1400;
	s19 =	simm.s32 $0x80  }
0x5: {  	s20 =	simm.s32 $0x6800;
	s21 =	simm.s32 $0x1;
	s22 =	simm.s32 $0x3  }
0x6: {  	s23 =	simm.s32 $0x100;
	s28 =	simm.s32 $0x1380;
	s29 =	simm.s32 $0x2700  }
0x7: {  	s30 =	simm.s32 $0x2780;
	s31 =	simm.s32 $0x0;
	s8 =	smul.u32 $0x2800, s9  }
0x8: {  	s4 =	sand.u32 $0x1, s3;
	s3 =	simm.s32 $0x0;
	s6 =	smul.u32 $0x50000, s9  }
0x9: {  	s12 =	sadd.s32 $0x2E00, s0;
	s10 =	smul.u32 $0x500, s9;
	[smem:$0x7FF] =	sst s3  }
0xa: {  	s5 =	smul.u32 $0x28000, s4;
	s7 =	ssub.s32 $0x2, s4;
	_ =	strace $0x8000004D  }
0xb: {  	s24 =	sshrl.u32 s6, $0x2;
	s25 =	sshrl.u32 s7, $0x1;
	s13 =	sshrl.u32 s8, $0x3  }
0xc: {  	s9 =	sadd.s32 s12, s10;
	s10 =	sadd.s32 s1, s10;
	s11 =	sadd.s32 s5, s0  }
0xd: {  	s5 =	sadd.s32 s8, s5;
	s4 =	sadd.s32 s24, s2;
	s15 =	ssub.s32 s7, s25  }
0xe: {  	s13 =	sadd.s32 $0x280, s13;
	s24 =	simm.s32 $0x2;
	s25 =	simm.s32 $0x1480  }
0xf: {  	s0 =	sadd.s32 s5, s0;
	s26 =	sadd.s32 $0x4000, s4;
	s6 =	sadd.s32 $0x8000, s4  }
0x10: {  	s7 =	sadd.s32 $0xC000, s4;
	s8 =	sadd.s32 $0x10000, s4;
	s11 =	sadd.s32 $0x7E00, s11  }
0x11: {  	s12 =	sadd.s32 s12, s13;
	s13 =	sadd.s32 s1, s13;
	s15 =	smax.u32 s15, $0x1  }
0x12: {  	v0 =	vimm.f32 $0.0e+00;
	[dreg:$0x4] =	wrdreg s26;
	s14 =	sadd.s32 $0x57E00, s0;
	s26 =	simm.s32 $0x4  }
.LBB2_1:
0x13: {  	s0 =	simm.s32 $0x0;
	s1 =	simm.s32 $0x200  }
.LBB2_2:
0x14: {  	p0 =	sne.s32 s1, $0xFE00;
	[tilespmem:s0+$0x2870] =	vst v0  }
0x15: {  	[tilespmem:s0+$0x2800] =	vst v0  }
0x16: {  	[tilespmem:s0+$0x2810] =	vst v0  }
.Ltmp0:
0x17: {  	[tilespmem:s0+$0x2820] =	vst v0;
	(pc) =	sbr.rel @p0 .LBB2_2-.Ltmp0, $4  }
0x18: {  	[tilespmem:s0+$0x2830] =	vst v0  }
0x19: {  	[tilespmem:s0+$0x2840] =	vst v0  }
0x1a: {  	[tilespmem:s0+$0x2850] =	vst v0  }
0x1b: {  	[tilespmem:s0+$0x2860] =	vst v0;
	s0 =	sshra.s32 s1, $0x2;
	s1 =	sadd.s32 $0x200, s1  }
0x1c: {  	[tilespmem:s0+$0x2870] =	vst v0  }
0x1d: {  	[tilespmem:s0+$0x2800] =	vst v0  }
0x1e: {  	[tilespmem:s0+$0x2810] =	vst v0  }
0x1f: {  	[tilespmem:s0+$0x2820] =	vst v0  }
0x20: {  	[tilespmem:s0+$0x2830] =	vst v0  }
0x21: {  	[tilespmem:s0+$0x2840] =	vst v0  }
0x22: {  	[tilespmem:s0+$0x2850] =	vst v0  }
0x23: {  	[tilespmem:s0+$0x2860] =	vst v0  }
0x24: {  	[spmem:s4] =	stream.linear.scatter [tilespmem:s16], [sflag:$0x5], $0x4000, $0x38;
	[tilespmem:$0x1E800] =	vst v63  }
0x25: {  	_ =	swait.ge [sflag:s17], $0x4000  }
0x26: {  	[sflag:s17] =	ssyncset.done $0x0  }
0x27: {  	s1 =	rddreg [dreg:$0x4];
	[sflag:s17] =	ssyncadd.s32 $0xFFFFC000  }
0x28: {  	[spmem:s1] =	stream.linear.scatter [tilespmem:s16], [sflag:$0x5], $0x4000, $0x38;
	[tilespmem:$0x1E800] =	vst v63  }
0x29: {  	_ =	swait.ge [sflag:s17], $0x4000  }
0x2a: {  	[sflag:s17] =	ssyncset.done $0x0  }
0x2b: {  	[sflag:s17] =	ssyncadd.s32 $0xFFFFC000  }
0x2c: {  	[spmem:s6] =	stream.linear.scatter [tilespmem:s16], [sflag:$0x5], $0x4000, $0x38;
	[tilespmem:$0x1E800] =	vst v63  }
0x2d: {  	_ =	swait.ge [sflag:s17], $0x4000  }
0x2e: {  	[sflag:s17] =	ssyncset.done $0x0  }
0x2f: {  	[sflag:s17] =	ssyncadd.s32 $0xFFFFC000  }
0x30: {  	[spmem:s7] =	stream.linear.scatter [tilespmem:s16], [sflag:$0x5], $0x4000, $0x38;
	[tilespmem:$0x1E800] =	vst v63  }
0x31: {  	_ =	swait.ge [sflag:s17], $0x4000  }
0x32: {  	[sflag:s17] =	ssyncset.done $0x0  }
0x33: {  	[sflag:s17] =	ssyncadd.s32 $0xFFFFC000  }
0x34: {  	[spmem:s8] =	stream.linear.scatter [tilespmem:s16], [sflag:$0x5], $0x4000, $0x38;
	[tilespmem:$0x1E800] =	vst v63  }
0x35: {  	_ =	swait.ge [sflag:s17], $0x4000  }
0x36: {  	[sflag:s17] =	ssyncset.done $0x0  }
0x37: {  	[sflag:s17] =	ssyncadd.s32 $0xFFFFC000  }
0x38: {  	[bflag:$0x0] =	sbarrier.arrive $0xFFFF  }
0x39: {  	[tilespmem:s3], [sflag:$0x5] =	stream.linear.gather [hbm4b:s9+s3], $0x1400, $0x38;
	[tilespmem:$0x1E800] =	vst v63  }
0x3a: {  	_ =	swait.ge [sflag:s17], $0x1400  }
0x3b: {  	[sflag:s17] =	ssyncset.done $0x0  }
0x3c: {  	[sflag:s17] =	ssyncadd.s32 $0xFFFFEC00  }
0x3d: {  	[tilespmem:s18], [sflag:$0x5] =	stream.linear.gather [hbm4b:s10+s3], $0x1400, $0x38;
	[tilespmem:$0x1E800] =	vst v63  }
0x3e: {  	_ =	swait.ge [sflag:s17], $0x1400  }
0x3f: {  	[sflag:s17] =	ssyncset.done $0x0  }
0x40: {  	[sflag:s17] =	ssyncadd.s32 $0xFFFFEC00  }
0x41: {  	[tilespmem:s16], [sflag:$0x1] =	stream.indirect.gather [hbm4b:s11+s19], $0x80, s3, s19, $0xb8;
	[tilespmem:$0x1E800] =	vst v63  }
0x42: {  	_ = 	snop  }
0x43: {  	[tilespmem:s20], [sflag:$0x2] =	stream.indirect.gather [hbm4b:s11+s19], $0x80, s19, s19, $0xb8;
	[tilespmem:$0x1E800] =	vst v63  }
0x44: {  	_ =	swait.ge [sflag:s21], $0x4000  }
0x45: {  	[sflag:s21] =	ssyncset.done $0x0  }
0x46: {  	[sflag:s21] =	ssyncadd.s32 $0xFFFFC000  }
0x47: {  	[spmem:s2] =	stream.indirect.scatter.add.f32 [tilespmem:s16], [sflag:$0x3], $0x80, s18, s19, $0xb8;
	[tilespmem:$0x1E800] =	vst v63  }
0x48: {  	_ =	swait.ge [sflag:s22], $0x4000  }
0x49: {  	[sflag:s22] =	ssyncset.done $0x0  }
0x4a: {  	[sflag:s22] =	ssyncadd.s32 $0xFFFFC000  }
0x4b: {  	[tilespmem:s16], [sflag:$0x1] =	stream.indirect.gather [hbm4b:s11+s19], $0x80, s23, s19, $0xb8;
	[tilespmem:$0x1E800] =	vst v63  }
0x4c: {  	_ =	swait.ge [sflag:s24], $0x4000  }
0x4d: {  	[sflag:s24] =	ssyncset.done $0x0  }
0x4e: {  	[sflag:s24] =	ssyncadd.s32 $0xFFFFC000  }
0x4f: {  	[spmem:s2] =	stream.indirect.scatter.add.f32 [tilespmem:s20], [sflag:$0x4], $0x80, s25, s19, $0xb8;
	[tilespmem:$0x1E800] =	vst v63  }
0x50: {  	_ =	swait.ge [sflag:s26], $0x4000  }
0x51: {  	[sflag:s26] =	ssyncset.done $0x0  }
0x52: {  	s5 =	simm.s32 $0x180;
	[sflag:s26] =	ssyncadd.s32 $0xFFFFC000  }
0x53: {  	[tilespmem:s20], [sflag:$0x2] =	stream.indirect.gather [hbm4b:s11+s19], $0x80, s5, s19, $0xb8;
	[tilespmem:$0x1E800] =	vst v63  }
0x54: {  	_ =	swait.ge [sflag:s21], $0x4000  }
0x55: {  	[sflag:s21] =	ssyncset.done $0x0  }
0x56: {  	s1 =	simm.s32 $0x1500;
	[sflag:s21] =	ssyncadd.s32 $0xFFFFC000  }
0x57: {  	[spmem:s2] =	stream.indirect.scatter.add.f32 [tilespmem:s16], [sflag:$0x3], $0x80, s1, s19, $0xb8;
	[tilespmem:$0x1E800] =	vst v63  }
0x58: {  	_ =	swait.ge [sflag:s22], $0x4000  }
0x59: {  	[sflag:s22] =	ssyncset.done $0x0  }
0x5a: {  	s5 =	simm.s32 $0x200;
	[sflag:s22] =	ssyncadd.s32 $0xFFFFC000  }
0x5b: {  	[tilespmem:s16], [sflag:$0x1] =	stream.indirect.gather [hbm4b:s11+s19], $0x80, s5, s19, $0xb8;
	[tilespmem:$0x1E800] =	vst v63  }
0x5c: {  	_ =	swait.ge [sflag:s24], $0x4000  }
0x5d: {  	[sflag:s24] =	ssyncset.done $0x0  }
0x5e: {  	s0 =	simm.s32 $0xFFFFBC00;
	s1 =	simm.s32 $0x1580;
	[sflag:s24] =	ssyncadd.s32 $0xFFFFC000  }
.LBB2_4:
0x5f: {  	[spmem:s2] =	stream.indirect.scatter.add.f32 [tilespmem:s20], [sflag:$0x4], $0x80, s1, s19, $0xb8;
	[tilespmem:$0x1E800] =	vst v63  }
0x60: {  	s1 =	smov.u32 s0  }
0x61: {  	p0 =	sne.s32 s0, $0xFFFFFC00;
	s0 =	sadd.s32 $0x400, s0;
	_ =	swait.ge [sflag:s26], $0x4000  }
0x62: {  	s1 =	sshra.s32 s1, $0x2;
	[sflag:s26] =	ssyncset.done $0x0  }
0x63: {  	s5 =	sadd.s32 $0x1380, s1;
	[sflag:s26] =	ssyncadd.s32 $0xFFFFC000  }
0x64: {  	[tilespmem:s20], [sflag:$0x2] =	stream.indirect.gather [hbm4b:s11+s19], $0x80, s5, s19, $0xb8;
	[tilespmem:$0x1E800] =	vst v63  }
0x65: {  	_ =	swait.ge [sflag:s21], $0x4000  }
0x66: {  	[sflag:s21] =	ssyncset.done $0x0  }
0x67: {  	s5 =	sadd.s32 $0x2700, s1;
	[sflag:s21] =	ssyncadd.s32 $0xFFFFC000  }
0x68: {  	[spmem:s2] =	stream.indirect.scatter.add.f32 [tilespmem:s16], [sflag:$0x3], $0x80, s5, s19, $0xb8;
	[tilespmem:$0x1E800] =	vst v63  }
0x69: {  	_ =	swait.ge [sflag:s22], $0x4000  }
0x6a: {  	[sflag:s22] =	ssyncset.done $0x0  }
.Ltmp1:
0x6b: {  	s5 =	sadd.s32 $0x1400, s1;
	[sflag:s22] =	ssyncadd.s32 $0xFFFFC000;
	(pc) =	sbr.rel @p0 .LBB2_4-.Ltmp1, $4  }
0x6c: {  	[tilespmem:s16], [sflag:$0x1] =	stream.indirect.gather [hbm4b:s11+s19], $0x80, s5, s19, $0xb8;
	[tilespmem:$0x1E800] =	vst v63  }
0x6d: {  	_ =	swait.ge [sflag:s24], $0x4000  }
0x6e: {  	[sflag:s24] =	ssyncset.done $0x0  }
0x6f: {  	s1 =	sadd.s32 $0x2780, s1;
	[sflag:s24] =	ssyncadd.s32 $0xFFFFC000  }
0x70: {  	[spmem:s2] =	stream.indirect.scatter.add.f32 [tilespmem:s20], [sflag:$0x4], $0x80, s1, s19, $0xb8;
	[tilespmem:$0x1E800] =	vst v63  }
0x71: {  	_ =	swait.ge [sflag:s26], $0x4000  }
0x72: {  	[sflag:s26] =	ssyncset.done $0x0  }
0x73: {  	[sflag:s26] =	ssyncadd.s32 $0xFFFFC000  }
0x74: {  	[tilespmem:s20], [sflag:$0x2] =	stream.indirect.gather [hbm4b:s11+s19], $0x80, s28, s19, $0xb8;
	[tilespmem:$0x1E800] =	vst v63  }
0x75: {  	_ =	swait.ge [sflag:s21], $0x4000  }
0x76: {  	[sflag:s21] =	ssyncset.done $0x0  }
0x77: {  	[sflag:s21] =	ssyncadd.s32 $0xFFFFC000  }
0x78: {  	[spmem:s2] =	stream.indirect.scatter.add.f32 [tilespmem:s16], [sflag:$0x3], $0x80, s29, s19, $0xb8;
	[tilespmem:$0x1E800] =	vst v63  }
0x79: {  	_ =	swait.ge [sflag:s22], $0x4000  }
0x7a: {  	[sflag:s22] =	ssyncset.done $0x0  }
0x7b: {  	[sflag:s22] =	ssyncadd.s32 $0xFFFFC000  }
0x7c: {  	_ =	swait.ge [sflag:s24], $0x4000  }
0x7d: {  	[sflag:s24] =	ssyncset.done $0x0  }
0x7e: {  	[sflag:s24] =	ssyncadd.s32 $0xFFFFC000  }
0x7f: {  	[spmem:s2] =	stream.indirect.scatter.add.f32 [tilespmem:s20], [sflag:$0x4], $0x80, s30, s19, $0xb8;
	[tilespmem:$0x1E800] =	vst v63  }
0x80: {  	_ =	swait.ge [sflag:s26], $0x4000  }
0x81: {  	[sflag:s26] =	ssyncset.done $0x0  }
0x82: {  	[sflag:s26] =	ssyncadd.s32 $0xFFFFC000  }
0x83: {  	[tilespmem:s3], [sflag:$0x5] =	stream.linear.gather [hbm4b:s12+s3], $0x1400, $0x38;
	[tilespmem:$0x1E800] =	vst v63  }
0x84: {  	_ =	swait.ge [sflag:s17], $0x1400  }
0x85: {  	[sflag:s17] =	ssyncset.done $0x0  }
0x86: {  	[sflag:s17] =	ssyncadd.s32 $0xFFFFEC00  }
0x87: {  	[tilespmem:s18], [sflag:$0x5] =	stream.linear.gather [hbm4b:s13+s3], $0x1400, $0x38;
	[tilespmem:$0x1E800] =	vst v63  }
0x88: {  	_ =	swait.ge [sflag:s17], $0x1400  }
0x89: {  	[sflag:s17] =	ssyncset.done $0x0  }
0x8a: {  	[sflag:s17] =	ssyncadd.s32 $0xFFFFEC00  }
0x8b: {  	[tilespmem:s16], [sflag:$0x1] =	stream.indirect.gather [hbm4b:s11+s19], $0x80, s3, s19, $0xb8;
	[tilespmem:$0x1E800] =	vst v63  }
0x8c: {  	_ = 	snop  }
0x8d: {  	[tilespmem:s20], [sflag:$0x2] =	stream.indirect.gather [hbm4b:s11+s19], $0x80, s19, s19, $0xb8;
	[tilespmem:$0x1E800] =	vst v63  }
0x8e: {  	_ =	swait.ge [sflag:s21], $0x4000  }
0x8f: {  	[sflag:s21] =	ssyncset.done $0x0  }
0x90: {  	[sflag:s21] =	ssyncadd.s32 $0xFFFFC000  }
0x91: {  	[spmem:s2] =	stream.indirect.scatter.add.f32 [tilespmem:s16], [sflag:$0x3], $0x80, s18, s19, $0xb8;
	[tilespmem:$0x1E800] =	vst v63  }
0x92: {  	_ =	swait.ge [sflag:s22], $0x4000  }
0x93: {  	[sflag:s22] =	ssyncset.done $0x0  }
0x94: {  	[sflag:s22] =	ssyncadd.s32 $0xFFFFC000  }
0x95: {  	[tilespmem:s16], [sflag:$0x1] =	stream.indirect.gather [hbm4b:s11+s19], $0x80, s23, s19, $0xb8;
	[tilespmem:$0x1E800] =	vst v63  }
0x96: {  	_ =	swait.ge [sflag:s24], $0x4000  }
0x97: {  	[sflag:s24] =	ssyncset.done $0x0  }
0x98: {  	[sflag:s24] =	ssyncadd.s32 $0xFFFFC000  }
0x99: {  	[spmem:s2] =	stream.indirect.scatter.add.f32 [tilespmem:s20], [sflag:$0x4], $0x80, s25, s19, $0xb8;
	[tilespmem:$0x1E800] =	vst v63  }
0x9a: {  	_ =	swait.ge [sflag:s26], $0x4000  }
0x9b: {  	[sflag:s26] =	ssyncset.done $0x0  }
0x9c: {  	s0 =	simm.s32 $0x180;
	[sflag:s26] =	ssyncadd.s32 $0xFFFFC000  }
0x9d: {  	[tilespmem:s20], [sflag:$0x2] =	stream.indirect.gather [hbm4b:s11+s19], $0x80, s0, s19, $0xb8;
	[tilespmem:$0x1E800] =	vst v63  }
0x9e: {  	_ =	swait.ge [sflag:s21], $0x4000  }
0x9f: {  	[sflag:s21] =	ssyncset.done $0x0  }
0xa0: {  	s1 =	simm.s32 $0x1500;
	[sflag:s21] =	ssyncadd.s32 $0xFFFFC000  }
0xa1: {  	[spmem:s2] =	stream.indirect.scatter.add.f32 [tilespmem:s16], [sflag:$0x3], $0x80, s1, s19, $0xb8;
	[tilespmem:$0x1E800] =	vst v63  }
0xa2: {  	_ =	swait.ge [sflag:s22], $0x4000  }
0xa3: {  	[sflag:s22] =	ssyncset.done $0x0  }
0xa4: {  	s5 =	simm.s32 $0x200;
	[sflag:s22] =	ssyncadd.s32 $0xFFFFC000  }
0xa5: {  	[tilespmem:s16], [sflag:$0x1] =	stream.indirect.gather [hbm4b:s11+s19], $0x80, s5, s19, $0xb8;
	[tilespmem:$0x1E800] =	vst v63  }
0xa6: {  	_ =	swait.ge [sflag:s24], $0x4000  }
0xa7: {  	[sflag:s24] =	ssyncset.done $0x0  }
0xa8: {  	s0 =	simm.s32 $0xFFFFBC00;
	s1 =	simm.s32 $0x1580;
	[sflag:s24] =	ssyncadd.s32 $0xFFFFC000  }
.LBB2_6:
0xa9: {  	[spmem:s2] =	stream.indirect.scatter.add.f32 [tilespmem:s20], [sflag:$0x4], $0x80, s1, s19, $0xb8;
	[tilespmem:$0x1E800] =	vst v63  }
0xaa: {  	s1 =	smov.u32 s0  }
0xab: {  	p0 =	sne.s32 s0, $0xFFFFFC00;
	s0 =	sadd.s32 $0x400, s0;
	_ =	swait.ge [sflag:s26], $0x4000  }
0xac: {  	s1 =	sshra.s32 s1, $0x2;
	[sflag:s26] =	ssyncset.done $0x0  }
0xad: {  	s5 =	sadd.s32 $0x1380, s1;
	[sflag:s26] =	ssyncadd.s32 $0xFFFFC000  }
0xae: {  	[tilespmem:s20], [sflag:$0x2] =	stream.indirect.gather [hbm4b:s11+s19], $0x80, s5, s19, $0xb8;
	[tilespmem:$0x1E800] =	vst v63  }
0xaf: {  	_ =	swait.ge [sflag:s21], $0x4000  }
0xb0: {  	[sflag:s21] =	ssyncset.done $0x0  }
0xb1: {  	s5 =	sadd.s32 $0x2700, s1;
	[sflag:s21] =	ssyncadd.s32 $0xFFFFC000  }
0xb2: {  	[spmem:s2] =	stream.indirect.scatter.add.f32 [tilespmem:s16], [sflag:$0x3], $0x80, s5, s19, $0xb8;
	[tilespmem:$0x1E800] =	vst v63  }
0xb3: {  	_ =	swait.ge [sflag:s22], $0x4000  }
0xb4: {  	[sflag:s22] =	ssyncset.done $0x0  }
.Ltmp2:
0xb5: {  	s5 =	sadd.s32 $0x1400, s1;
	[sflag:s22] =	ssyncadd.s32 $0xFFFFC000;
	(pc) =	sbr.rel @p0 .LBB2_6-.Ltmp2, $4  }
0xb6: {  	[tilespmem:s16], [sflag:$0x1] =	stream.indirect.gather [hbm4b:s11+s19], $0x80, s5, s19, $0xb8;
	[tilespmem:$0x1E800] =	vst v63  }
0xb7: {  	_ =	swait.ge [sflag:s24], $0x4000  }
0xb8: {  	[sflag:s24] =	ssyncset.done $0x0  }
0xb9: {  	s1 =	sadd.s32 $0x2780, s1;
	[sflag:s24] =	ssyncadd.s32 $0xFFFFC000  }
0xba: {  	[spmem:s2] =	stream.indirect.scatter.add.f32 [tilespmem:s20], [sflag:$0x4], $0x80, s1, s19, $0xb8;
	[tilespmem:$0x1E800] =	vst v63  }
0xbb: {  	_ =	swait.ge [sflag:s26], $0x4000  }
0xbc: {  	[sflag:s26] =	ssyncset.done $0x0  }
0xbd: {  	[sflag:s26] =	ssyncadd.s32 $0xFFFFC000  }
0xbe: {  	[tilespmem:s20], [sflag:$0x2] =	stream.indirect.gather [hbm4b:s11+s19], $0x80, s28, s19, $0xb8;
	[tilespmem:$0x1E800] =	vst v63  }
0xbf: {  	_ =	swait.ge [sflag:s21], $0x4000  }
0xc0: {  	[sflag:s21] =	ssyncset.done $0x0  }
0xc1: {  	[sflag:s21] =	ssyncadd.s32 $0xFFFFC000  }
0xc2: {  	[spmem:s2] =	stream.indirect.scatter.add.f32 [tilespmem:s16], [sflag:$0x3], $0x80, s29, s19, $0xb8;
	[tilespmem:$0x1E800] =	vst v63  }
0xc3: {  	_ =	swait.ge [sflag:s22], $0x4000  }
0xc4: {  	[sflag:s22] =	ssyncset.done $0x0  }
0xc5: {  	[sflag:s22] =	ssyncadd.s32 $0xFFFFC000  }
0xc6: {  	_ =	swait.ge [sflag:s24], $0x4000  }
0xc7: {  	[sflag:s24] =	ssyncset.done $0x0  }
0xc8: {  	[sflag:s24] =	ssyncadd.s32 $0xFFFFC000  }
0xc9: {  	[spmem:s2] =	stream.indirect.scatter.add.f32 [tilespmem:s20], [sflag:$0x4], $0x80, s30, s19, $0xb8;
	[tilespmem:$0x1E800] =	vst v63  }
0xca: {  	s0 =	stileid.u32;
	_ =	swait.ge [sflag:s26], $0x4000  }
0xcb: {  	s5 =	sshrl.u32 s4, $0x3;
	s31 =	sadd.s32 $0x1, s31;
	[sflag:s26] =	ssyncset.done $0x0  }
0xcc: {  	s0 =	sshll.u32 s0, $0x6;
	p0 =	sne.s32 s31, s15;
	[sflag:s26] =	ssyncadd.s32 $0xFFFFC000  }
.Ltmp3:
0xcd: {  	s0 =	sor.u32 $0x1C05, s0;
	[bflag:$0x0] =	sbarrier.arrive $0xFFFF;
	(pc) =	sbr.rel @p0 .LBB2_1-.Ltmp3, $4  }
0xce: {  	[hbm:s14], [sflag:s0] =	dma.local [spmem:s5], $0x2800  }
0xcf: {  	_ =	swait.ge [sflag:s17], $0x2800  }
0xd0: {  	[sflag:s17] =	ssyncset.done $0x0  }
0xd1: {  	[sflag:s17] =	ssyncadd.s32 $0xFFFFD800  }
0xd2: {  	_ =	sfence.sel $0x180000  }
0xd3: {  	[bflag:$0x0] =	sbarrier.arrive $0xFFFF  }
0xd4: {  	_ =	strace $0x9000004D  }
0xd5: {  	s0 =	stileid.u32;
	[bflag:$0x2] =	sbarrier.arrive $0xFFFF  }
0xd6: {  	p0 =	sne.s32 s0, $0x0;
	s0 =	rddreg [dreg:$0x3]  }
0xd7: {  	s0 =	sadd.s32 @!p0 $0x100000, s0  }
0xd8: {  	[sflag:s0] =	ssyncadd.tile.s32 @!p0 $0x1;
	_ =	shalt  }
.Lfunc_end2:
_tile_overlayer_lowered:
.L_overlay_start_2:
0xd9: {  	(tag) =	ssettag $0x2  }
0xda: {  	s0 =	rddreg [dreg:$0x0];
	s2 =	stileid.u32  }
0xdb: {  	s1 =	rddreg [dreg:$0x1];
	p0 =	sne.s32 s2, $0x0  }
0xdc: {  	s3 =	rddreg [dreg:$0x2];
	[bflag:$0x3] =	sbarrier.arrive $0xFFFF;
	s2 =	simm.s32 @!p0 $0x1C05  }
0xdd: {  	[timem:s3], [sflag:s2] =	dma.local @!p0 [hbm:s0], s1  }
0xde: {  	s0 =	simm.s32 @!p0 $0x5  }
0xdf: {  	_ =	swait.ge @!p0 [sflag:s0], s1  }
0xe0: {  	s1 =	ssub.s32 @!p0 $0x0, s1;
	[sflag:s0] =	ssyncset.done @!p0 $0x0  }
0xe1: {  	[sflag:s0] =	ssyncadd.s32 @!p0 s1  }
0xe2: {  	[bflag:$0x3] =	sbarrier.arrive $0xFFFF  }
0xe3: {  	_ =	shalt  }

// kernel: kernel.19.cloned.1.call-start
scs
__scs_entry_jumppad:
0x0: {  	(pc) =	sbr.rel $0x88, $3  }
0x1: {  	(tag) =	ssettag $0x0;
	lr =	simm.s32 $0x1  }
0x2: {  	[smem:$0x3F99] =	sst lr;
	_ =	strace $0xD0000000  }
0x3: {  	_ = 	snop  }
0x4: {  	_ = 	snop  }
0x5: {  	_ = 	snop  }
0x6: {  	_ = 	snop  }
0x7: {  	_ = 	snop  }
__scs_overlays_trampoline_lowered:
0x8: {  	[smem:$0x3FA8] =	sst s0  }
0x9: {  	[smem:$0x3FA9] =	sst s1  }
0xa: {  	[smem:$0x3FAA] =	sst s2  }
0xb: {  	[smem:$0x3FAB] =	sst s3  }
0xc: {  	[smem:$0x3FAC] =	sst s4  }
0xd: {  	[smem:$0x3FAD] =	sst s5  }
0xe: {  	[smem:$0x3FAE] =	sst s6  }
0xf: {  	[smem:$0x3FAF] =	sst s7  }
0x10: {  	[smem:$0x3FB0] =	sst s8  }
0x11: {  	[smem:$0x3FB1] =	sst s9;
	s0 =	simm.s32 @!p0 $0x0  }
0x12: {  	s1 =	sld [smem:$0x3F97];
	s0 =	simm.s32 @p0 $0x1  }
0x13: {  	[smem:$0x3FB2] =	sst s0;
	s0 =	simm.s32 @!p1 $0x0  }
0x14: {  	s2 =	sld [smem:$0x3F96];
	s0 =	simm.s32 @p1 $0x1  }
0x15: {  	[smem:$0x3FB3] =	sst s0;
	s0 =	simm.s32 @!p2 $0x0  }
0x16: {  	s3 =	sld [smem:$0x3FDB];
	s0 =	simm.s32 @p2 $0x1  }
0x17: {  	s4 =	simm.s32 $0x1BF5;
	[smem:$0x3FB5] =	sst s0  }
0x18: {  	s0 =	sld [smem:$0x3F98];
	_ =	swait.ge [sflag:s4], $0x0  }
0x19: {  	s7 =	sld [smem:$0x3F99]  }
0x1a: {  	s8 =	sadd.s32 $0xFFFFE003, lr  }
0x1b: {  	s9 =	sadd.s32 $0xFFFFFEF7, lr;
	s5 =	simm.s32 $0xFFFFFFFF;
	p2 =	slt.u32 s8, $0xFFFFF086  }
0x1c: {  	p1 =	slt.u32 s9, $0xF7A;
	s5 =	simm.s32 @!p2 $0x0  }
0x1d: {  	s5 =	simm.s32 @p1 $0x1;
	p0 =	seq.s32 s7, s2  }
0x1e: {  	s7 =	smul.u32 @!p0 $0xF7A, s2;
	p2 =	seq.s32 @!p0 s5, $0x0  }
0x1f: {  	s9 =	smul.u32 $0xF7A, s1;
	s8 =	simm.s32 @!p0 $0x1BF5;
	p2 =	por !p2, p0  }
0x20: {  	[sflag:s8] =	ssyncset.s32 @!p0 $0xFFFFF086;
	s6 =	sadd.s32 @!p0 s3, s7;
	s7 =	simm.s32 @!p0 $0x108  }
0x21: {  	s3 =	sadd.s32 s3, s9;
	s6 =	sadd.s32 @!p0 $0x88, s6;
	s7 =	simm.s32 @p2 $0x1082  }
0x22: {  	[simem:s7], [sflag:s8] =	dma.local @!p0 [hbm:s6], $0xF7A  }
0x23: {  	s9 =	sor.u32 $0xD0000000, s2;
	s6 =	simm.s32 $0x108;
	_ =	swait.ge @!p0 [sflag:s8], $0x0  }
0x24: {  	s3 =	sadd.s32 $0x88, s3;
	s6 =	simm.s32 @!p1 $0x1082;
	[sflag:s4] =	ssyncset.s32 $0xFFFFF086  }
0x25: {  	[simem:s6], [sflag:s4] =	dma.local [hbm:s3], $0xF7A  }
0x26: {  	[smem:$0x3F99] =	sst s1;
	(tag) =	ssettag s2;
	_ =	strace s9  }
0x27: {  	s1 =	sld [smem:$0x3FA9]  }
0x28: {  	s2 =	sld [smem:$0x3FAA]  }
0x29: {  	s4 =	sld [smem:$0x3FAC]  }
0x2a: {  	p0 =	seq.s32 s5, $0x0;
	s5 =	sld [smem:$0x3FAD]  }
0x2b: {  	s6 =	sld [smem:$0x3FAE]  }
0x2c: {  	s7 =	sld [smem:$0x3FAF]  }
0x2d: {  	s3 =	simm.s32 $0x108;
	s8 =	sld [smem:$0x3FB0]  }
0x2e: {  	s3 =	simm.s32 @!p0 $0x1082;
	s9 =	sld [smem:$0x3FB1]  }
0x2f: {  	lr =	sadd.s32 s0, s3;
	s0 =	sld [smem:$0x3FA8]  }
0x30: {  	s3 =	sld [smem:$0x3FAB]  }
0x31: {  	[smem:$0x3FB4] =	sst s10  }
0x32: {  	s10 =	sld [smem:$0x3FB2];
	_ =	sdelay $0x3  }
0x33: {  	p0 =	seq.s32 s10, $0x1;
	s10 =	sld [smem:$0x3FB4];
	_ =	sdelay $0x3  }
0x34: {  	[smem:$0x3FB4] =	sst s10  }
0x35: {  	s10 =	sld [smem:$0x3FB3];
	_ =	sdelay $0x3  }
0x36: {  	p1 =	seq.s32 s10, $0x1;
	s10 =	sld [smem:$0x3FB4];
	_ =	sdelay $0x3  }
0x37: {  	[smem:$0x3FB4] =	sst s10  }
0x38: {  	s10 =	sld [smem:$0x3FB5]  }
0x39: {  	_ = 	snop;
	(pc) =	sbr.ind lr, $3  }
0x3a: {  	_ = 	snop  }
0x3b: {  	_ = 	snop  }
0x3c: {  	p2 =	seq.s32 s10, $0x1;
	s10 =	sld [smem:$0x3FB4]  }
0x3d: {  	_ =	shalt  }
0x3e: {  	_ =	shalt  }
0x3f: {  	_ =	shalt  }
0x40: {  	_ =	shalt  }
0x41: {  	_ =	shalt  }
0x42: {  	_ =	shalt  }
0x43: {  	_ =	shalt  }
0x44: {  	_ =	shalt  }
0x45: {  	_ =	shalt  }
0x46: {  	_ =	shalt  }
0x47: {  	_ =	shalt  }
0x48: {  	_ =	shalt  }
0x49: {  	_ =	shalt  }
0x4a: {  	_ =	shalt  }
0x4b: {  	_ =	shalt  }
0x4c: {  	_ =	shalt  }
0x4d: {  	_ =	shalt  }
0x4e: {  	_ =	shalt  }
0x4f: {  	_ =	shalt  }
0x50: {  	_ =	shalt  }
0x51: {  	_ =	shalt  }
0x52: {  	_ =	shalt  }
0x53: {  	_ =	shalt  }
0x54: {  	_ =	shalt  }
0x55: {  	_ =	shalt  }
0x56: {  	_ =	shalt  }
0x57: {  	_ =	shalt  }
0x58: {  	_ =	shalt  }
0x59: {  	_ =	shalt  }
0x5a: {  	_ =	shalt  }
0x5b: {  	_ =	shalt  }
0x5c: {  	_ =	shalt  }
0x5d: {  	_ =	shalt  }
0x5e: {  	_ =	shalt  }
0x5f: {  	_ =	shalt  }
0x60: {  	_ =	shalt  }
0x61: {  	_ =	shalt  }
0x62: {  	_ =	shalt  }
0x63: {  	_ =	shalt  }
0x64: {  	_ =	shalt  }
0x65: {  	_ =	shalt  }
0x66: {  	_ =	shalt  }
0x67: {  	_ =	shalt  }
0x68: {  	_ =	shalt  }
0x69: {  	_ =	shalt  }
0x6a: {  	_ =	shalt  }
0x6b: {  	_ =	shalt  }
0x6c: {  	_ =	shalt  }
0x6d: {  	_ =	shalt  }
0x6e: {  	_ =	shalt  }
0x6f: {  	_ =	shalt  }
0x70: {  	_ =	shalt  }
0x71: {  	_ =	shalt  }
0x72: {  	_ =	shalt  }
0x73: {  	_ =	shalt  }
0x74: {  	_ =	shalt  }
0x75: {  	_ =	shalt  }
0x76: {  	_ =	shalt  }
0x77: {  	_ =	shalt  }
0x78: {  	_ =	shalt  }
0x79: {  	_ =	shalt  }
0x7a: {  	_ =	shalt  }
0x7b: {  	_ =	shalt  }
0x7c: {  	_ =	shalt  }
0x7d: {  	_ =	shalt  }
0x7e: {  	_ =	shalt  }
0x7f: {  	_ =	shalt  }
0x80: {  	_ =	shalt  }
0x81: {  	_ =	shalt  }
0x82: {  	_ =	shalt  }
0x83: {  	_ =	shalt  }
0x84: {  	_ =	shalt  }
0x85: {  	_ =	shalt  }
0x86: {  	_ =	shalt  }
0x87: {  	_ =	shalt  }
.Lfunc_end0:
.L_simem_size_0:
called_computation.3_lowered:
.L_overlay_start_0:
0x88: {  	s2 =	sld [smem:$0x3FD9]  }
0x89: {  	s3 =	sld [smem:$0x3FFE];
	_ =	sdelay $0x1  }
0x8a: {  	s1 =	srdreg.scid  }
0x8b: {  	s0 =	sand.u32 $0x1, s1  }
0x8c: {  	s17 =	sshll.u32 s0, $0xA;
	s2 =	sadd.s32 s3, s2  }
0x8d: {  	s2 =	sadd.s32 s2, s17  }
0x8e: {  	[smem:$0x3FC0] =	sst s2  }
0x8f: {  	_ = 	snop  }
0x90: {  	s2 =	sld [smem:$0x3FD0];
	(tm) =	ssettm $0x1  }
0x91: {  	s18 =	sld [smem:$0x3FFB];
	_ =	sdelay $0x3  }
0x92: {  	_ =	strace s18  }
0x93: {  	s3 =	sld [smem:$0x3FFC];
	_ =	sdelay $0x3  }
0x94: {  	_ =	strace s3  }
0x95: {  	s3 =	sld [smem:$0x3FFD];
	_ =	sdelay $0x3  }
0x96: {  	_ =	strace s3  }
0x97: {  	_ =	strace $0x8FFFFFFF  }
0x98: {  	s19 =	sld [smem:$0x3FDB];
	_ =	sdelay $0x1  }
0x99: {  	s4 =	simm.s32 $_scs_section_size  }
0x9a: {  	s5 =	simm.s32 $_size__tile_overlayer_lowered;
	s6 =	simm.s32 $_tile_overlayer_lowered  }
0x9b: {  	s22 =	simm.s32 $0x1BFF;
	s21 =	sshll.u32 s6, $0x1;
	s3 =	sadd.s32 s4, s19  }
0x9c: {  	s7 =	simm.s32 $0x0;
	s20 =	sshll.u32 s5, $0x1;
	s5 =	sadd.s32 s21, s3  }
0x9d: {  	[timem:s7], [sflag:s22] =	dma.local [hbm:s5], s20  }
0x9e: {  	_ =	swait.ge [sflag:s22], s20  }
0x9f: {  	s4 =	ssub.s32 $0x0, s20;
	[sflag:s22] =	ssyncset.done $0x0  }
0xa0: {  	[sflag:s22] =	ssyncadd.s32 s4;
	_ =	sdelay $0x1  }
0xa1: {  	s23 =	simm.s32 $0x1B8B  }
0xa2: {  	_ =	swait.ge [sflag:s23], $0x1  }
0xa3: {  	[sflag:s23] =	ssyncset.done $0x0  }
0xa4: {  	s25 =	simm.s32 $0x1B8E;
	s24 =	sld [smem:$0x3FFE];
	[sflag:s23] =	ssyncadd.s32 $0xFFFFFFFF  }
0xa5: {  	s26 =	simm.s32 $execute0_lowered;
	[smem:$0x3FD2] =	sst s25  }
0xa6: {  	s5 =	sshll.u32 s26, $0x1;
	_ =	strace $0x8000004F;
	[dreg:$0x1] =	wrdreg $0xFFFFFFFF  }
0xa7: {  	s28 =	simm.s32 $_size_execute0_lowered;
	s3 =	sadd.s32 s3, s5;
	[dreg:$0x0] =	wrdreg $0x0  }
0xa8: {  	s5 =	sshll.u32 s28, $0x1;
	[dreg:$0x2] =	wrdreg s3  }
0xa9: {  	[dreg:$0x3] =	wrdreg s5  }
0xaa: {  	[dreg:$0x4] =	wrdreg $0xC0  }
0xab: {  	_ =	task [dreg:s7], $0x5FFFF  }
0xac: {  	[dreg:$0x1] =	wrdreg $0xFFFFFFFF  }
0xad: {  	[dreg:$0x0] =	wrdreg $0x60  }
0xae: {  	[dreg:$0x2] =	wrdreg s24  }
0xaf: {  	[dreg:$0x3] =	wrdreg s2  }
0xb0: {  	[dreg:$0x4] =	wrdreg $0xA8000  }
0xb1: {  	[dreg:$0x5] =	wrdreg $0x9  }
0xb2: {  	_ =	task.clear_ibuf [dreg:s7], $0x6FFFF;
	_ =	strace $0x9000004F  }
0xb3: {  	s29 =	simm.s32 $0x9;
	_ =	strace $0x80000051  }
0xb4: {  	_ =	swait.ge [sflag:s29], $0x1  }
0xb5: {  	[sflag:s29] =	ssyncadd.s32 $0xFFFFFFFF  }
0xb6: {  	_ =	strace $0x90000051  }
0xb7: {  	_ =	sfence  }
0xb8: {  	s30 =	sld [smem:$0x0];
	_ =	sdelay $0x2  }
0xb9: {  	s31 =	sshll.u32 s1, $0xD;
	s1 =	sshrl.u32 s1, $0x2  }
0xba: {  	s3 =	sand.u32 $0x4000, s31;
	s1 =	sadd.s32 s1, s30  }
0xbb: {  	s0 =	sor.u32 s3, s0;
	s1 =	sshll.u32 s1, $0x11  }
0xbc: {  	s0 =	sor.u32 s1, s0  }
0xbd: {  	s0 =	sadd.s32 $0x8F2B, s0  }
0xbe: {  	[sflag:s0] =	ssyncadd.remote.s32 $0x1  }
0xbf: {  	_ =	sfence.sel $0xFFFF  }
0xc0: {  	[dreg:$0x0] =	wrdreg $0xFFFFFFFF;
	(pc) =	sbr.abs _section_cstart, $3  }
0xc1: {  	[dreg:$0x1] =	wrdreg $0xFFFFFFFF  }
0xc2: {  	_ =	task.clear_ibuf [dreg:s7], $0x2FFFF;
	_ =	strace $0x9FFFFFFF  }
0xc3: {  	(tm) =	ssettm $0x7FFFFFFF  }
tec
execute0_lowered:
.L_overlay_start_1:
0x0: {  	(tag) =	ssettag $0x1  }
0x1: {  	s5 =	rddreg [dreg:$0x0]  }
0x2: {  	s6 =	rddreg [dreg:$0x1]  }
0x3: {  	s1 =	rddreg [dreg:$0x2]  }
0x4: {  	s2 =	srdreg.scid;
	s3 =	simm.s32 $0x0;
	s15 =	simm.s32 $0x1400  }
0x5: {  	s16 =	simm.s32 $0x2800;
	s17 =	simm.s32 $0x80;
	s18 =	simm.s32 $0x6800  }
0x6: {  	s19 =	simm.s32 $0x1;
	s20 =	simm.s32 $0x3;
	s21 =	simm.s32 $0x100  }
0x7: {  	s22 =	simm.s32 $0x2;
	s23 =	simm.s32 $0x1480;
	s7 =	sand.u32 $0x1, s2  }
0x8: {  	s24 =	simm.s32 $0x4;
	s2 =	stileid.u32;
	s8 =	smul.u32 $0x280, s7  }
0x9: {  	s25 =	simm.s32 $0x1380;
	s28 =	simm.s32 $0x2780;
	s9 =	smul.u32 $0x28, s2  }
0xa: {  	s29 =	simm.s32 $0x0;
	[smem:$0x7FF] =	sst s3;
	s10 =	smul.u32 $0x2800, s2  }
0xb: {  	s4 =	sadd.s32 $0x7E00, s5;
	s26 =	smul.u32 $0x28000, s7;
	s7 =	ssub.s32 $0x2, s7  }
0xc: {  	_ =	strace $0x80000050;
	s11 =	smul.u32 $0x50000, s2;
	s30 =	sshrl.u32 s7, $0x1  }
0xd: {  	s8 =	sadd.s32 s9, s8;
	s9 =	sadd.s32 s10, s26;
	s14 =	ssub.s32 s7, s30  }
0xe: {  	s31 =	sshrl.u32 s11, $0x2;
	s26 =	simm.s32 $0x2700;
	s8 =	sshll.u32 s8, $0x4  }
0xf: {  	s13 =	sadd.s32 s9, s5;
	s7 =	sadd.s32 s31, s1;
	s12 =	sadd.s32 s8, s5  }
0x10: {  	s6 =	sadd.s32 s6, s8;
	s8 =	sadd.s32 $0x4000, s7;
	s9 =	sadd.s32 $0x8000, s7  }
0x11: {  	s10 =	sadd.s32 $0xC000, s7;
	s11 =	sadd.s32 $0x10000, s7;
	s5 =	sadd.s32 $0x2E00, s12  }
0x12: {  	v0 =	vimm.f32 $0.0e+00;
	s12 =	sadd.s32 $0x2FE00, s13;
	s13 =	smax.u32 s14, $0x1;
	s14 =	simm.s32 $0x5  }
.LBB2_1:
0x13: {  	[tilespmem:s3], [sflag:$0x5] =	stream.linear.gather [hbm4b:s5+s3], $0x1400, $0x38;
	[tilespmem:$0x1E800] =	vst v63  }
0x14: {  	_ =	swait.ge [sflag:s14], $0x1400  }
0x15: {  	[sflag:s14] =	ssyncset.done $0x0  }
0x16: {  	[sflag:s14] =	ssyncadd.s32 $0xFFFFEC00  }
0x17: {  	[tilespmem:s15], [sflag:$0x5] =	stream.linear.gather [hbm4b:s6+s3], $0x1400, $0x38;
	[tilespmem:$0x1E800] =	vst v63  }
0x18: {  	_ =	swait.ge [sflag:s14], $0x1400  }
0x19: {  	[sflag:s14] =	ssyncset.done $0x0  }
0x1a: {  	s30 =	simm.s32 $0x0;
	s31 =	simm.s32 $0x200;
	[sflag:s14] =	ssyncadd.s32 $0xFFFFEC00  }
.LBB2_2:
0x1b: {  	p0 =	sne.s32 s31, $0xFE00;
	[tilespmem:s30+$0x2870] =	vst v0  }
0x1c: {  	[tilespmem:s30+$0x2800] =	vst v0  }
0x1d: {  	[tilespmem:s30+$0x2810] =	vst v0  }
.Ltmp0:
0x1e: {  	[tilespmem:s30+$0x2820] =	vst v0;
	(pc) =	sbr.rel @p0 .LBB2_2-.Ltmp0, $4  }
0x1f: {  	[tilespmem:s30+$0x2830] =	vst v0  }
0x20: {  	[tilespmem:s30+$0x2840] =	vst v0  }
0x21: {  	[tilespmem:s30+$0x2850] =	vst v0  }
0x22: {  	[tilespmem:s30+$0x2860] =	vst v0;
	s30 =	sshra.s32 s31, $0x2;
	s31 =	sadd.s32 $0x200, s31  }
0x23: {  	[tilespmem:s30+$0x2870] =	vst v0  }
0x24: {  	[tilespmem:s30+$0x2800] =	vst v0  }
0x25: {  	[tilespmem:s30+$0x2810] =	vst v0  }
0x26: {  	[tilespmem:s30+$0x2820] =	vst v0  }
0x27: {  	[tilespmem:s30+$0x2830] =	vst v0  }
0x28: {  	[tilespmem:s30+$0x2840] =	vst v0  }
0x29: {  	[tilespmem:s30+$0x2850] =	vst v0  }
0x2a: {  	[tilespmem:s30+$0x2860] =	vst v0  }
0x2b: {  	[spmem:s7] =	stream.linear.scatter [tilespmem:s16], [sflag:$0x5], $0x4000, $0x38;
	[tilespmem:$0x1E800] =	vst v63  }
0x2c: {  	_ =	swait.ge [sflag:s14], $0x4000  }
0x2d: {  	[sflag:s14] =	ssyncset.done $0x0  }
0x2e: {  	[sflag:s14] =	ssyncadd.s32 $0xFFFFC000  }
0x2f: {  	[spmem:s8] =	stream.linear.scatter [tilespmem:s16], [sflag:$0x5], $0x4000, $0x38;
	[tilespmem:$0x1E800] =	vst v63  }
0x30: {  	_ =	swait.ge [sflag:s14], $0x4000  }
0x31: {  	[sflag:s14] =	ssyncset.done $0x0  }
0x32: {  	[sflag:s14] =	ssyncadd.s32 $0xFFFFC000  }
0x33: {  	[spmem:s9] =	stream.linear.scatter [tilespmem:s16], [sflag:$0x5], $0x4000, $0x38;
	[tilespmem:$0x1E800] =	vst v63  }
0x34: {  	_ =	swait.ge [sflag:s14], $0x4000  }
0x35: {  	[sflag:s14] =	ssyncset.done $0x0  }
0x36: {  	[sflag:s14] =	ssyncadd.s32 $0xFFFFC000  }
0x37: {  	[spmem:s10] =	stream.linear.scatter [tilespmem:s16], [sflag:$0x5], $0x4000, $0x38;
	[tilespmem:$0x1E800] =	vst v63  }
0x38: {  	_ =	swait.ge [sflag:s14], $0x4000  }
0x39: {  	[sflag:s14] =	ssyncset.done $0x0  }
0x3a: {  	[sflag:s14] =	ssyncadd.s32 $0xFFFFC000  }
0x3b: {  	[spmem:s11] =	stream.linear.scatter [tilespmem:s16], [sflag:$0x5], $0x4000, $0x38;
	[tilespmem:$0x1E800] =	vst v63  }
0x3c: {  	_ =	swait.ge [sflag:s14], $0x4000  }
0x3d: {  	[sflag:s14] =	ssyncset.done $0x0  }
0x3e: {  	[sflag:s14] =	ssyncadd.s32 $0xFFFFC000  }
0x3f: {  	[bflag:$0x0] =	sbarrier.arrive $0xFFFF  }
0x40: {  	[tilespmem:s16], [sflag:$0x1] =	stream.indirect.gather [hbm4b:s4+s17], $0x80, s3, s17, $0xb8;
	[tilespmem:$0x1E800] =	vst v63  }
0x41: {  	_ = 	snop  }
0x42: {  	[tilespmem:s18], [sflag:$0x2] =	stream.indirect.gather [hbm4b:s4+s17], $0x80, s17, s17, $0xb8;
	[tilespmem:$0x1E800] =	vst v63  }
0x43: {  	_ =	swait.ge [sflag:s19], $0x4000  }
0x44: {  	[sflag:s19] =	ssyncset.done $0x0  }
0x45: {  	[sflag:s19] =	ssyncadd.s32 $0xFFFFC000  }
0x46: {  	[spmem:s1] =	stream.indirect.scatter.add.f32 [tilespmem:s16], [sflag:$0x3], $0x80, s15, s17, $0xb8;
	[tilespmem:$0x1E800] =	vst v63  }
0x47: {  	_ =	swait.ge [sflag:s20], $0x4000  }
0x48: {  	[sflag:s20] =	ssyncset.done $0x0  }
0x49: {  	[sflag:s20] =	ssyncadd.s32 $0xFFFFC000  }
0x4a: {  	[tilespmem:s16], [sflag:$0x1] =	stream.indirect.gather [hbm4b:s4+s17], $0x80, s21, s17, $0xb8;
	[tilespmem:$0x1E800] =	vst v63  }
0x4b: {  	_ =	swait.ge [sflag:s22], $0x4000  }
0x4c: {  	[sflag:s22] =	ssyncset.done $0x0  }
0x4d: {  	[sflag:s22] =	ssyncadd.s32 $0xFFFFC000  }
0x4e: {  	[spmem:s1] =	stream.indirect.scatter.add.f32 [tilespmem:s18], [sflag:$0x4], $0x80, s23, s17, $0xb8;
	[tilespmem:$0x1E800] =	vst v63  }
0x4f: {  	_ =	swait.ge [sflag:s24], $0x4000  }
0x50: {  	[sflag:s24] =	ssyncset.done $0x0  }
0x51: {  	s30 =	simm.s32 $0x180;
	[sflag:s24] =	ssyncadd.s32 $0xFFFFC000  }
0x52: {  	[tilespmem:s18], [sflag:$0x2] =	stream.indirect.gather [hbm4b:s4+s17], $0x80, s30, s17, $0xb8;
	[tilespmem:$0x1E800] =	vst v63  }
0x53: {  	_ =	swait.ge [sflag:s19], $0x4000  }
0x54: {  	[sflag:s19] =	ssyncset.done $0x0  }
0x55: {  	s30 =	simm.s32 $0x1500;
	[sflag:s19] =	ssyncadd.s32 $0xFFFFC000  }
0x56: {  	[spmem:s1] =	stream.indirect.scatter.add.f32 [tilespmem:s16], [sflag:$0x3], $0x80, s30, s17, $0xb8;
	[tilespmem:$0x1E800] =	vst v63  }
0x57: {  	_ =	swait.ge [sflag:s20], $0x4000  }
0x58: {  	[sflag:s20] =	ssyncset.done $0x0  }
0x59: {  	s30 =	simm.s32 $0x200;
	[sflag:s20] =	ssyncadd.s32 $0xFFFFC000  }
0x5a: {  	[tilespmem:s16], [sflag:$0x1] =	stream.indirect.gather [hbm4b:s4+s17], $0x80, s30, s17, $0xb8;
	[tilespmem:$0x1E800] =	vst v63  }
0x5b: {  	_ =	swait.ge [sflag:s22], $0x4000  }
0x5c: {  	[sflag:s22] =	ssyncset.done $0x0  }
0x5d: {  	s31 =	simm.s32 $0x1580;
	s30 =	simm.s32 $0xFFFFBC00;
	[sflag:s22] =	ssyncadd.s32 $0xFFFFC000  }
.LBB2_4:
0x5e: {  	[spmem:s1] =	stream.indirect.scatter.add.f32 [tilespmem:s18], [sflag:$0x4], $0x80, s31, s17, $0xb8;
	[tilespmem:$0x1E800] =	vst v63  }
0x5f: {  	s31 =	smov.u32 s30  }
0x60: {  	p0 =	sne.s32 s30, $0xFFFFFC00;
	s30 =	sadd.s32 $0x400, s30;
	_ =	swait.ge [sflag:s24], $0x4000  }
0x61: {  	s31 =	sshra.s32 s31, $0x2;
	[sflag:s24] =	ssyncset.done $0x0  }
0x62: {  	s0 =	sadd.s32 $0x1380, s31;
	[sflag:s24] =	ssyncadd.s32 $0xFFFFC000  }
0x63: {  	[tilespmem:s18], [sflag:$0x2] =	stream.indirect.gather [hbm4b:s4+s17], $0x80, s0, s17, $0xb8;
	[tilespmem:$0x1E800] =	vst v63  }
0x64: {  	_ =	swait.ge [sflag:s19], $0x4000  }
0x65: {  	[sflag:s19] =	ssyncset.done $0x0  }
0x66: {  	s0 =	sadd.s32 $0x2700, s31;
	[sflag:s19] =	ssyncadd.s32 $0xFFFFC000  }
0x67: {  	[spmem:s1] =	stream.indirect.scatter.add.f32 [tilespmem:s16], [sflag:$0x3], $0x80, s0, s17, $0xb8;
	[tilespmem:$0x1E800] =	vst v63  }
0x68: {  	_ =	swait.ge [sflag:s20], $0x4000  }
0x69: {  	[sflag:s20] =	ssyncset.done $0x0  }
.Ltmp1:
0x6a: {  	s0 =	sadd.s32 $0x1400, s31;
	[sflag:s20] =	ssyncadd.s32 $0xFFFFC000;
	(pc) =	sbr.rel @p0 .LBB2_4-.Ltmp1, $4  }
0x6b: {  	[tilespmem:s16], [sflag:$0x1] =	stream.indirect.gather [hbm4b:s4+s17], $0x80, s0, s17, $0xb8;
	[tilespmem:$0x1E800] =	vst v63  }
0x6c: {  	_ =	swait.ge [sflag:s22], $0x4000  }
0x6d: {  	[sflag:s22] =	ssyncset.done $0x0  }
0x6e: {  	s31 =	sadd.s32 $0x2780, s31;
	[sflag:s22] =	ssyncadd.s32 $0xFFFFC000  }
0x6f: {  	[spmem:s1] =	stream.indirect.scatter.add.f32 [tilespmem:s18], [sflag:$0x4], $0x80, s31, s17, $0xb8;
	[tilespmem:$0x1E800] =	vst v63  }
0x70: {  	_ =	swait.ge [sflag:s24], $0x4000  }
0x71: {  	[sflag:s24] =	ssyncset.done $0x0  }
0x72: {  	[sflag:s24] =	ssyncadd.s32 $0xFFFFC000  }
0x73: {  	[tilespmem:s18], [sflag:$0x2] =	stream.indirect.gather [hbm4b:s4+s17], $0x80, s25, s17, $0xb8;
	[tilespmem:$0x1E800] =	vst v63  }
0x74: {  	_ =	swait.ge [sflag:s19], $0x4000  }
0x75: {  	[sflag:s19] =	ssyncset.done $0x0  }
0x76: {  	[sflag:s19] =	ssyncadd.s32 $0xFFFFC000  }
0x77: {  	[spmem:s1] =	stream.indirect.scatter.add.f32 [tilespmem:s16], [sflag:$0x3], $0x80, s26, s17, $0xb8;
	[tilespmem:$0x1E800] =	vst v63  }
0x78: {  	_ =	swait.ge [sflag:s20], $0x4000  }
0x79: {  	[sflag:s20] =	ssyncset.done $0x0  }
0x7a: {  	[sflag:s20] =	ssyncadd.s32 $0xFFFFC000  }
0x7b: {  	_ =	swait.ge [sflag:s22], $0x4000  }
0x7c: {  	[sflag:s22] =	ssyncset.done $0x0  }
0x7d: {  	[sflag:s22] =	ssyncadd.s32 $0xFFFFC000  }
0x7e: {  	[spmem:s1] =	stream.indirect.scatter.add.f32 [tilespmem:s18], [sflag:$0x4], $0x80, s28, s17, $0xb8;
	[tilespmem:$0x1E800] =	vst v63  }
0x7f: {  	_ =	swait.ge [sflag:s24], $0x4000  }
0x80: {  	s0 =	sshll.u32 s2, $0x6;
	s29 =	sadd.s32 $0x1, s29;
	[sflag:s24] =	ssyncset.done $0x0  }
0x81: {  	s30 =	sshrl.u32 s7, $0x3;
	p0 =	sne.s32 s29, s13;
	[sflag:s24] =	ssyncadd.s32 $0xFFFFC000  }
.Ltmp2:
0x82: {  	s0 =	sor.u32 $0x1C05, s0;
	[bflag:$0x0] =	sbarrier.arrive $0xFFFF;
	(pc) =	sbr.rel @p0 .LBB2_1-.Ltmp2, $4  }
0x83: {  	[hbm:s12], [sflag:s0] =	dma.local [spmem:s30], $0x2800  }
0x84: {  	_ =	swait.ge [sflag:s14], $0x2800  }
0x85: {  	[sflag:s14] =	ssyncset.done $0x0  }
0x86: {  	[sflag:s14] =	ssyncadd.s32 $0xFFFFD800  }
0x87: {  	_ =	sfence.sel $0x180000  }
0x88: {  	[bflag:$0x0] =	sbarrier.arrive $0xFFFF  }
0x89: {  	_ =	strace $0x90000050  }
0x8a: {  	[bflag:$0x2] =	sbarrier.arrive $0xFFFF  }
0x8b: {  	p0 =	sne.s32 s2, $0x0;
	s0 =	rddreg [dreg:$0x3]  }
0x8c: {  	s0 =	sadd.s32 @!p0 $0x100000, s0  }
0x8d: {  	[sflag:s0] =	ssyncadd.tile.s32 @!p0 $0x1;
	_ =	shalt  }
.Lfunc_end2:
_tile_overlayer_lowered:
.L_overlay_start_2:
0x8e: {  	(tag) =	ssettag $0x2  }
0x8f: {  	s0 =	rddreg [dreg:$0x0];
	s2 =	stileid.u32  }
0x90: {  	s1 =	rddreg [dreg:$0x1];
	p0 =	sne.s32 s2, $0x0  }
0x91: {  	s3 =	rddreg [dreg:$0x2];
	[bflag:$0x3] =	sbarrier.arrive $0xFFFF;
	s2 =	simm.s32 @!p0 $0x1C05  }
0x92: {  	[timem:s3], [sflag:s2] =	dma.local @!p0 [hbm:s0], s1  }
0x93: {  	s0 =	simm.s32 @!p0 $0x5  }
0x94: {  	_ =	swait.ge @!p0 [sflag:s0], s1  }
0x95: {  	s1 =	ssub.s32 @!p0 $0x0, s1;
	[sflag:s0] =	ssyncset.done @!p0 $0x0  }
0x96: {  	[sflag:s0] =	ssyncadd.s32 @!p0 s1  }
0x97: {  	[bflag:$0x3] =	sbarrier.arrive $0xFFFF  }
0x98: {  	_ =	shalt  }

</sc_bundles>
